<compile_context>
chip_gen: v7x
topology: tpu7x:2x2x1
jax: 0.10.2.dev20260603
libtpu: 0.0.44.dev20260713+nightly
codegen_flags: <defaults>
</compile_context>

<pallas_src>
import functools

import jax
import jax.numpy as jnp
from jax import lax
from jax.experimental import pallas as pl
from jax.experimental.pallas import tpu as pltpu
from jax.experimental.pallas import tpu_sc as plsc

N_NODES = 10000
N_EDGES = 320000
D = 128

NC = 2
NS = 16
NW = NC * NS
C = 128
CH_W = 80
NB = 16
NBLK = CH_W // NB
NE_PAD = NW * CH_W * C
NP = 10240
RPS = NP // NS


def _sc_agg_body(with_deg, *refs):
    if with_deg:
        (x_hbm, src_hbm, dst_hbm, agg_out, deg_out,
         idx_src_v, idx_dst_v, rows0_v, rows1_v, zrow_v, ones_v, zdeg_v,
         gs0, gs1, ss0, ss1, ds0, ds1,
         acc_sh, deg_sh) = refs
        dsems = (ds0, ds1)
    else:
        (x_hbm, src_hbm, dst_hbm, agg_out,
         idx_src_v, idx_dst_v, rows0_v, rows1_v, zrow_v,
         gs0, gs1, ss0, ss1, ds0, ds1,
         acc_sh) = refs
    bufs = (rows0_v, rows1_v)
    sems = (gs0, gs1)
    ssems = (ss0, ss1)

    cid = lax.axis_index("c")
    sid = lax.axis_index("s")
    wid = sid * NC + cid

    def zrow_step(i, carry):
        for k in range(D // 16):
            zrow_v[i, pl.ds(k * 16, 16)] = jnp.zeros((16,), jnp.float32)
        return carry
    lax.fori_loop(0, 32, zrow_step, 0)

    if with_deg:
        def zdeg_step(i, carry):
            zdeg_v[pl.ds(i * 16, 16)] = jnp.zeros((16,), jnp.float32)
            return carry
        lax.fori_loop(0, RPS // 16, zdeg_step, 0)
        for k in range(C // 16):
            ones_v[pl.ds(k * 16, 16)] = jnp.ones((16,), jnp.float32)

    r0 = sid * RPS
    zd = []
    for k in range(RPS // 32):
        zd.append(pltpu.async_copy(zrow_v, acc_sh.at[pl.ds(r0 + k * 32, 32)],
                                   gs0))
    if with_deg:
        zd.append(pltpu.async_copy(zdeg_v, deg_sh.at[pl.ds(r0, RPS)], gs0))

    for d in zd:
        d.wait()
    plsc.subcore_barrier()

    lo = wid * CH_W

    def block_step(b, carry):
        c0 = lo + b * NB
        pltpu.sync_copy(src_hbm.at[pl.ds(c0, NB)], idx_src_v)
        pltpu.sync_copy(dst_hbm.at[pl.ds(c0, NB)], idx_dst_v)
        gd = [None, None]
        sd = [None, None]
        dd = [None, None]
        gd[0] = pltpu.async_copy(x_hbm.at[idx_src_v.at[0]], bufs[0], sems[0])
        for j in range(NB):
            if j + 1 < NB:
                if sd[(j + 1) % 2] is not None:
                    sd[(j + 1) % 2].wait()
                gd[(j + 1) % 2] = pltpu.async_copy(
                    x_hbm.at[idx_src_v.at[j + 1]],
                    bufs[(j + 1) % 2], sems[(j + 1) % 2])
            gd[j % 2].wait()
            sd[j % 2] = pltpu.async_copy(
                bufs[j % 2], acc_sh.at[idx_dst_v.at[j]], ssems[j % 2],
                add=True)
            if with_deg:
                if dd[j % 2] is not None:
                    dd[j % 2].wait()
                dd[j % 2] = pltpu.async_copy(
                    ones_v, deg_sh.at[idx_dst_v.at[j]], dsems[j % 2],
                    add=True)
        for d in sd + (dd if with_deg else []):
            if d is not None:
                d.wait()
        return carry
    lax.fori_loop(0, NBLK, block_step, 0)

    plsc.subcore_barrier()

    wdescs = [None, None]
    for k in range(RPS // 128):
        pltpu.sync_copy(acc_sh.at[pl.ds(r0 + k * 128, 128)], bufs[k % 2])
        if wdescs[k % 2] is not None:
            wdescs[k % 2].wait()
        wdescs[k % 2] = pltpu.async_copy(
            bufs[k % 2], agg_out.at[cid, pl.ds(r0 + k * 128, 128)],
            sems[k % 2])
    for d in wdescs:
        if d is not None:
            d.wait()
    if with_deg:
        pltpu.sync_copy(deg_sh.at[pl.ds(r0, RPS)], zdeg_v)
        pltpu.sync_copy(zdeg_v, deg_out.at[pl.ds(cid * NP + r0, RPS)])


def _sc_agg(x_tab, src3d, dst3d, with_deg):
    mesh = plsc.VectorSubcoreMesh(core_axis_name="c", subcore_axis_name="s",
                                  num_cores=NC, num_subcores=NS)
    out_type = [jax.ShapeDtypeStruct((NC, NP, D), jnp.float32)]
    scratch = [
        pltpu.VMEM((NB, C), jnp.int32),
        pltpu.VMEM((NB, C), jnp.int32),
        pltpu.VMEM((128, D), jnp.float32),
        pltpu.VMEM((128, D), jnp.float32),
        pltpu.VMEM((32, D), jnp.float32),
    ]
    if with_deg:
        out_type.append(jax.ShapeDtypeStruct((NC * NP,), jnp.float32))
        scratch.append(pltpu.VMEM((C,), jnp.float32))
        scratch.append(pltpu.VMEM((RPS,), jnp.float32))
    for _ in range(6):
        scratch.append(pltpu.SemaphoreType.DMA)
    scratch.append(pltpu.VMEM_SHARED((NP, D), jnp.float32))
    if with_deg:
        scratch.append(pltpu.VMEM_SHARED((NP,), jnp.float32))

    fn = pl.kernel(
        functools.partial(_sc_agg_body, with_deg),
        out_type=tuple(out_type),
        mesh=mesh,
        scratch_types=scratch,
        name="sage_sc_agg",
    )
    return fn(x_tab, src3d, dst3d)


def _tc_right_body(x, wr, b, o):
    dn = (((1,), (0,)), ((), ()))
    o[...] = b[...] + lax.dot_general(x[...], wr[...], dn,
                                      precision=lax.Precision.HIGHEST)


def _tc_right(x_tab, W_r, b, n_out, blk):
    grid = (n_out // blk,)
    return pl.pallas_call(
        _tc_right_body,
        grid=grid,
        in_specs=[
            pl.BlockSpec((blk, D), lambda i: (i, 0)),
            pl.BlockSpec((D, D), lambda i: (0, 0)),
            pl.BlockSpec((1, D), lambda i: (0, 0)),
        ],
        out_specs=pl.BlockSpec((blk, D), lambda i: (i, 0)),
        out_shape=jax.ShapeDtypeStruct((n_out, D), jnp.float32),
        name="sage_tc_right",
    )(x_tab, W_r, b)


def _tc_mean_body(relu, blk, aggp, degp, yr, wl, o):
    agg = aggp[0] + aggp[1]
    ns = blk // 128
    degsum = jnp.maximum(degp[0] + degp[1], 1.0)
    onehot = (lax.broadcasted_iota(jnp.int32, (blk, ns), 0) // 128 ==
              lax.broadcasted_iota(jnp.int32, (blk, ns), 1))
    dn = (((1,), (0,)), ((), ()))
    brows = lax.dot_general(onehot.astype(jnp.float32), degsum, dn)
    lmask = (lax.broadcasted_iota(jnp.int32, (blk, 128), 0) % 128 ==
             lax.broadcasted_iota(jnp.int32, (blk, 128), 1))
    deg1 = jnp.sum(jnp.where(lmask, brows, 0.0), axis=1, keepdims=True)
    mean = agg / deg1
    dn = (((1,), (0,)), ((), ()))
    y = lax.dot_general(mean, wl[...], dn,
                        precision=lax.Precision.HIGHEST) + yr[...]
    o[...] = jnp.maximum(y, 0.0) if relu else y


def _tc_mean(aggp, deg2, yr, W_l, relu, n_out, blk):
    grid = ((n_out + blk - 1) // blk,)
    return pl.pallas_call(
        functools.partial(_tc_mean_body, relu, blk),
        grid=grid,
        in_specs=[
            pl.BlockSpec((NC, blk, D), lambda i: (0, i, 0)),
            pl.BlockSpec((NC, blk // 128, 128), lambda i: (0, i, 0)),
            pl.BlockSpec((blk, D), lambda i: (i, 0)),
            pl.BlockSpec((D, D), lambda i: (0, 0)),
        ],
        out_specs=pl.BlockSpec((blk, D), lambda i: (i, 0)),
        out_shape=jax.ShapeDtypeStruct((n_out, D), jnp.float32),
        name="sage_tc_mean",
    )(aggp, deg2, yr, W_l)


def kernel(x, edge_index, W1_l, b1, W1_r, W2_l, b2, W2_r):
    npad = NE_PAD - N_EDGES
    cyc = jnp.arange(npad, dtype=jnp.int32) % (NP - N_NODES)
    src2d = jnp.concatenate(
        [edge_index[0].astype(jnp.int32), cyc]).reshape(NW * CH_W, C)
    dst2d = jnp.concatenate(
        [edge_index[1].astype(jnp.int32), N_NODES + cyc]).reshape(NW * CH_W, C)
    b1r = b1.reshape(1, D)
    b2r = b2.reshape(1, D)

    aggx, deg_flat = _sc_agg(x, src2d, dst2d, with_deg=True)
    yr1 = _tc_right(x, W1_r, b1r, n_out=NP, blk=1024)
    deg2 = deg_flat.reshape(NC, NP // 128, 128)
    h = _tc_mean(aggx, deg2, yr1, W1_l, relu=True, n_out=NP, blk=1024)
    aggh, = _sc_agg(h, src2d, dst2d, with_deg=False)
    yr2 = _tc_right(h, W2_r, b2r, n_out=NP, blk=1024)
    out = _tc_mean(aggh, deg2, yr2, W2_l, relu=False,
                   n_out=N_NODES, blk=1024)
    return out

# --- scband reference (transcript-rebuilt; emitter-appended) ---
"""Pipeline reference for scband-graph-sage-65240553226635 (READ-ONLY COPY).

The authoritative reference and input builder live on the scoring server;
editing this copy changes nothing except your own understanding.
"""

import jax, jax.numpy as jnp
import numpy as np

N_NODES = 10000
N_EDGES = 320000
D_IN = 128
D_HID = 128
D_OUT = 128


def _sage_conv(x, edge_index, W_l, b_l, W_r):
    # PyG-style SAGEConv with mean aggregation:
    # out = lin_l(mean_{j in N(i)} x_j) + lin_r(x_i)
    src = edge_index[0]
    dst = edge_index[1]
    msg = x[src]
    agg = jax.ops.segment_sum(msg, dst, num_segments=N_NODES)
    deg = jax.ops.segment_sum(jnp.ones((msg.shape[0],), dtype=x.dtype), dst, num_segments=N_NODES)
    mean_agg = agg / jnp.clip(deg, 1.0, None)[:, None]
    return mean_agg @ W_l + b_l + x @ W_r


def setup_inputs(seed: int = 0) -> dict:
    key = jax.random.key(seed)
    ks = jax.random.split(key, 8)
    x = jax.random.normal(ks[0], (N_NODES, D_IN), dtype=jnp.float32)
    edge_index = jax.random.randint(ks[1], (2, N_EDGES), 0, N_NODES, dtype=jnp.int64)
    s1 = 1.0 / np.sqrt(D_IN)
    s2 = 1.0 / np.sqrt(D_HID)
    W1_l = jax.random.uniform(ks[2], (D_IN, D_HID), dtype=jnp.float32, minval=-s1, maxval=s1)
    b1 = jnp.zeros((D_HID,), dtype=jnp.float32)
    W1_r = jax.random.uniform(ks[3], (D_IN, D_HID), dtype=jnp.float32, minval=-s1, maxval=s1)
    W2_l = jax.random.uniform(ks[4], (D_HID, D_OUT), dtype=jnp.float32, minval=-s2, maxval=s2)
    b2 = jnp.zeros((D_OUT,), dtype=jnp.float32)
    W2_r = jax.random.uniform(ks[5], (D_HID, D_OUT), dtype=jnp.float32, minval=-s2, maxval=s2)
    return {"x": x, "edge_index": edge_index, "W1_l": W1_l, "b1": b1, "W1_r": W1_r, "W2_l": W2_l, "b2": b2, "W2_r": W2_r}


def reference(x, edge_index, W1_l, b1, W1_r, W2_l, b2, W2_r):
    # layer 1 + relu (dropout is identity at inference)
    h = _sage_conv(x, edge_index, W1_l, b1, W1_r)
    h = jax.nn.relu(h)
    # final layer
    out = _sage_conv(h, edge_index, W2_l, b2, W2_r)
    return out

if __name__ == "__main__":
    import jax
    _d = setup_inputs()
    print(jax.jit(kernel)(*tuple(_d.values())))

</pallas_src>

<mosaic_0001>
#map = affine_map<(d0, d1) -> (0, 0)>
#map1 = affine_map<(d0, d1) -> (0, 0, 0)>
module attributes {stable_mosaic.version = 14 : i64} {
  func.func @sage_sc_agg(%arg0: i32, %arg1: i32, %arg2: memref<10240x128xf32, #tpu.memory_space<hbm>>, %arg3: memref<2560x128xi32, #tpu.memory_space<hbm>>, %arg4: memref<2560x128xi32, #tpu.memory_space<hbm>>, %arg5: memref<2x10240x128xf32, #tpu.memory_space<hbm>>, %arg6: memref<16x128xi32, #tpu.memory_space<vmem>>, %arg7: memref<16x128xi32, #tpu.memory_space<vmem>>, %arg8: memref<128x128xf32, #tpu.memory_space<vmem>>, %arg9: memref<128x128xf32, #tpu.memory_space<vmem>>, %arg10: memref<32x128xf32, #tpu.memory_space<vmem>>, %arg11: memref<!tpu.dma_semaphore, #tpu.memory_space<semaphore_mem>>, %arg12: memref<!tpu.dma_semaphore, #tpu.memory_space<semaphore_mem>>, %arg13: memref<!tpu.dma_semaphore, #tpu.memory_space<semaphore_mem>>, %arg14: memref<!tpu.dma_semaphore, #tpu.memory_space<semaphore_mem>>, %arg15: memref<!tpu.dma_semaphore, #tpu.memory_space<semaphore_mem>>, %arg16: memref<!tpu.dma_semaphore, #tpu.memory_space<semaphore_mem>>, %arg17: memref<10240x128xf32, #tpu.memory_space<vmem_shared>>) attributes {dimension_semantics = [#tpu.dimension_semantics<core_parallel>, #tpu.dimension_semantics<subcore_parallel>], iteration_bounds = array<i64: 2, 16>, scalar_prefetch = 0 : i64, scratch_operands = 12 : i64, tpu.core_type = #tpu.core_type<sc_vector_subcore>, window_params = [{transform_indices = #map}, {transform_indices = #map}, {transform_indices = #map}, {transform_indices = #map1}]} {
    %mul3A = arith.constant 2 : i32
    %mul3A_0 = arith.muli %arg1, %mul3A : i32
    %add3A = arith.addi %mul3A_0, %arg0 : i32
    %scan3A = arith.constant 0 : i32
    %scan3A_1 = arith.constant 0 : i32
    %scan3A_2 = arith.constant 32 : i32
    %scan3A_3 = arith.addi %scan3A_1, %scan3A_2 : i32
    %scan3A_4 = arith.constant 1 : i32
    scf.for %scan3A_295 = %scan3A_1 to %scan3A_3 step %scan3A_4  : i32 {
      %broadcast_in_dim3A = arith.constant 0.000000e+00 : f32
      %broadcast_in_dim3A_296 = vector.broadcast %broadcast_in_dim3A : f32 to vector<16xf32>
      %swap3A = arith.index_cast %scan3A_295 : i32 to index
      %swap3A_297 = arith.constant 0 : index
      %swap3A_298 = tpu.vector_load %arg10[%swap3A, %swap3A_297] {strides = array<i32>} : memref<32x128xf32, #tpu.memory_space<vmem>>, vector<1x16xf32>,
      %swap3A_299 = vector.shape_cast %swap3A_298 : vector<1x16xf32> to vector<16xf32>
      %swap3A_300 = vector.shape_cast %broadcast_in_dim3A_296 : vector<16xf32> to vector<1x16xf32>
      tpu.vector_store %arg10[%swap3A, %swap3A_297], %swap3A_300 {strides = array<i32>} : memref<32x128xf32, #tpu.memory_space<vmem>>, vector<1x16xf32>,
      %broadcast_in_dim3A_301 = arith.constant 0.000000e+00 : f32
      %broadcast_in_dim3A_302 = vector.broadcast %broadcast_in_dim3A_301 : f32 to vector<16xf32>
      %swap3A_303 = arith.index_cast %scan3A_295 : i32 to index
      %swap3A_304 = arith.constant 16 : index
      %swap3A_305 = tpu.vector_load %arg10[%swap3A_303, %swap3A_304] {strides = array<i32>} : memref<32x128xf32, #tpu.memory_space<vmem>>, vector<1x16xf32>,
      %swap3A_306 = vector.shape_cast %swap3A_305 : vector<1x16xf32> to vector<16xf32>
      %swap3A_307 = vector.shape_cast %broadcast_in_dim3A_302 : vector<16xf32> to vector<1x16xf32>
      tpu.vector_store %arg10[%swap3A_303, %swap3A_304], %swap3A_307 {strides = array<i32>} : memref<32x128xf32, #tpu.memory_space<vmem>>, vector<1x16xf32>,
      %broadcast_in_dim3A_308 = arith.constant 0.000000e+00 : f32
      %broadcast_in_dim3A_309 = vector.broadcast %broadcast_in_dim3A_308 : f32 to vector<16xf32>
      %swap3A_310 = arith.index_cast %scan3A_295 : i32 to index
      %swap3A_311 = arith.constant 32 : index
      %swap3A_312 = tpu.vector_load %arg10[%swap3A_310, %swap3A_311] {strides = array<i32>} : memref<32x128xf32, #tpu.memory_space<vmem>>, vector<1x16xf32>,
      %swap3A_313 = vector.shape_cast %swap3A_312 : vector<1x16xf32> to vector<16xf32>
      %swap3A_314 = vector.shape_cast %broadcast_in_dim3A_309 : vector<16xf32> to vector<1x16xf32>
      tpu.vector_store %arg10[%swap3A_310, %swap3A_311], %swap3A_314 {strides = array<i32>} : memref<32x128xf32, #tpu.memory_space<vmem>>, vector<1x16xf32>,
      %broadcast_in_dim3A_315 = arith.constant 0.000000e+00 : f32
      %broadcast_in_dim3A_316 = vector.broadcast %broadcast_in_dim3A_315 : f32 to vector<16xf32>
      %swap3A_317 = arith.index_cast %scan3A_295 : i32 to index
      %swap3A_318 = arith.constant 48 : index
      %swap3A_319 = tpu.vector_load %arg10[%swap3A_317, %swap3A_318] {strides = array<i32>} : memref<32x128xf32, #tpu.memory_space<vmem>>, vector<1x16xf32>,
      %swap3A_320 = vector.shape_cast %swap3A_319 : vector<1x16xf32> to vector<16xf32>
      %swap3A_321 = vector.shape_cast %broadcast_in_dim3A_316 : vector<16xf32> to vector<1x16xf32>
      tpu.vector_store %arg10[%swap3A_317, %swap3A_318], %swap3A_321 {strides = array<i32>} : memref<32x128xf32, #tpu.memory_space<vmem>>, vector<1x16xf32>,
      %broadcast_in_dim3A_322 = arith.constant 0.000000e+00 : f32
      %broadcast_in_dim3A_323 = vector.broadcast %broadcast_in_dim3A_322 : f32 to vector<16xf32>
      %swap3A_324 = arith.index_cast %scan3A_295 : i32 to index
      %swap3A_325 = arith.constant 64 : index
      %swap3A_326 = tpu.vector_load %arg10[%swap3A_324, %swap3A_325] {strides = array<i32>} : memref<32x128xf32, #tpu.memory_space<vmem>>, vector<1x16xf32>,
      %swap3A_327 = vector.shape_cast %swap3A_326 : vector<1x16xf32> to vector<16xf32>
      %swap3A_328 = vector.shape_cast %broadcast_in_dim3A_323 : vector<16xf32> to vector<1x16xf32>
      tpu.vector_store %arg10[%swap3A_324, %swap3A_325], %swap3A_328 {strides = array<i32>} : memref<32x128xf32, #tpu.memory_space<vmem>>, vector<1x16xf32>,
      %broadcast_in_dim3A_329 = arith.constant 0.000000e+00 : f32
      %broadcast_in_dim3A_330 = vector.broadcast %broadcast_in_dim3A_329 : f32 to vector<16xf32>
      %swap3A_331 = arith.index_cast %scan3A_295 : i32 to index
      %swap3A_332 = arith.constant 80 : index
      %swap3A_333 = tpu.vector_load %arg10[%swap3A_331, %swap3A_332] {strides = array<i32>} : memref<32x128xf32, #tpu.memory_space<vmem>>, vector<1x16xf32>,
      %swap3A_334 = vector.shape_cast %swap3A_333 : vector<1x16xf32> to vector<16xf32>
      %swap3A_335 = vector.shape_cast %broadcast_in_dim3A_330 : vector<16xf32> to vector<1x16xf32>
      tpu.vector_store %arg10[%swap3A_331, %swap3A_332], %swap3A_335 {strides = array<i32>} : memref<32x128xf32, #tpu.memory_space<vmem>>, vector<1x16xf32>,
      %broadcast_in_dim3A_336 = arith.constant 0.000000e+00 : f32
      %broadcast_in_dim3A_337 = vector.broadcast %broadcast_in_dim3A_336 : f32 to vector<16xf32>
      %swap3A_338 = arith.index_cast %scan3A_295 : i32 to index
      %swap3A_339 = arith.constant 96 : index
      %swap3A_340 = tpu.vector_load %arg10[%swap3A_338, %swap3A_339] {strides = array<i32>} : memref<32x128xf32, #tpu.memory_space<vmem>>, vector<1x16xf32>,
      %swap3A_341 = vector.shape_cast %swap3A_340 : vector<1x16xf32> to vector<16xf32>
      %swap3A_342 = vector.shape_cast %broadcast_in_dim3A_337 : vector<16xf32> to vector<1x16xf32>
      tpu.vector_store %arg10[%swap3A_338, %swap3A_339], %swap3A_342 {strides = array<i32>} : memref<32x128xf32, #tpu.memory_space<vmem>>, vector<1x16xf32>,
      %broadcast_in_dim3A_343 = arith.constant 0.000000e+00 : f32
      %broadcast_in_dim3A_344 = vector.broadcast %broadcast_in_dim3A_343 : f32 to vector<16xf32>
      %swap3A_345 = arith.index_cast %scan3A_295 : i32 to index
      %swap3A_346 = arith.constant 112 : index
      %swap3A_347 = tpu.vector_load %arg10[%swap3A_345, %swap3A_346] {strides = array<i32>} : memref<32x128xf32, #tpu.memory_space<vmem>>, vector<1x16xf32>,
      %swap3A_348 = vector.shape_cast %swap3A_347 : vector<1x16xf32> to vector<16xf32>
      %swap3A_349 = vector.shape_cast %broadcast_in_dim3A_344 : vector<16xf32> to vector<1x16xf32>
      tpu.vector_store %arg10[%swap3A_345, %swap3A_346], %swap3A_349 {strides = array<i32>} : memref<32x128xf32, #tpu.memory_space<vmem>>, vector<1x16xf32>,
    }
    %scan3A_5 = arith.constant 32 : i32
    %mul3A_6 = arith.constant 640 : i32
    %mul3A_7 = arith.muli %arg1, %mul3A_6 : i32
    %add3A_8 = arith.constant 0 : i32
    %add3A_9 = arith.addi %mul3A_7, %add3A_8 : i32
    %dma_start3A = arith.constant 0 : i32
    %dma_start3A_10 = tpu.memref_slice %arg17[%add3A_9, %dma_start3A] : memref<10240x128xf32, #tpu.memory_space<vmem_shared>> -> memref<32x128xf32, #tpu.memory_space<vmem_shared>>
    %dma_start3A_11 = arith.constant 0 : i32
    %dma_start3A_12 = tpu.memref_slice %arg17[%add3A_9, %dma_start3A_11] : memref<10240x128xf32, #tpu.memory_space<vmem_shared>> -> memref<32x128xf32, #tpu.memory_space<vmem_shared>>
    tpu.enqueue_dma source(%arg10 : memref<32x128xf32, #tpu.memory_space<vmem>>) target(%dma_start3A_12 : memref<32x128xf32, #tpu.memory_space<vmem_shared>>) target_semaphore(%arg11 : memref<!tpu.dma_semaphore, #tpu.memory_space<semaphore_mem>>)
    %add3A_13 = arith.constant 32 : i32
    %add3A_14 = arith.addi %mul3A_7, %add3A_13 : i32
    %dma_start3A_15 = arith.constant 0 : i32
    %dma_start3A_16 = tpu.memref_slice %arg17[%add3A_14, %dma_start3A_15] : memref<10240x128xf32, #tpu.memory_space<vmem_shared>> -> memref<32x128xf32, #tpu.memory_space<vmem_shared>>
    %dma_start3A_17 = arith.constant 0 : i32
    %dma_start3A_18 = tpu.memref_slice %arg17[%add3A_14, %dma_start3A_17] : memref<10240x128xf32, #tpu.memory_space<vmem_shared>> -> memref<32x128xf32, #tpu.memory_space<vmem_shared>>
    tpu.enqueue_dma source(%arg10 : memref<32x128xf32, #tpu.memory_space<vmem>>) target(%dma_start3A_18 : memref<32x128xf32, #tpu.memory_space<vmem_shared>>) target_semaphore(%arg11 : memref<!tpu.dma_semaphore, #tpu.memory_space<semaphore_mem>>)
    %add3A_19 = arith.constant 64 : i32
    %add3A_20 = arith.addi %mul3A_7, %add3A_19 : i32
    %dma_start3A_21 = arith.constant 0 : i32
    %dma_start3A_22 = tpu.memref_slice %arg17[%add3A_20, %dma_start3A_21] : memref<10240x128xf32, #tpu.memory_space<vmem_shared>> -> memref<32x128xf32, #tpu.memory_space<vmem_shared>>
    %dma_start3A_23 = arith.constant 0 : i32
    %dma_start3A_24 = tpu.memref_slice %arg17[%add3A_20, %dma_start3A_23] : memref<10240x128xf32, #tpu.memory_space<vmem_shared>> -> memref<32x128xf32, #tpu.memory_space<vmem_shared>>
    tpu.enqueue_dma source(%arg10 : memref<32x128xf32, #tpu.memory_space<vmem>>) target(%dma_start3A_24 : memref<32x128xf32, #tpu.memory_space<vmem_shared>>) target_semaphore(%arg11 : memref<!tpu.dma_semaphore, #tpu.memory_space<semaphore_mem>>)
    %add3A_25 = arith.constant 96 : i32
    %add3A_26 = arith.addi %mul3A_7, %add3A_25 : i32
    %dma_start3A_27 = arith.constant 0 : i32
    %dma_start3A_28 = tpu.memref_slice %arg17[%add3A_26, %dma_start3A_27] : memref<10240x128xf32, #tpu.memory_space<vmem_shared>> -> memref<32x128xf32, #tpu.memory_space<vmem_shared>>
    %dma_start3A_29 = arith.constant 0 : i32
    %dma_start3A_30 = tpu.memref_slice %arg17[%add3A_26, %dma_start3A_29] : memref<10240x128xf32, #tpu.memory_space<vmem_shared>> -> memref<32x128xf32, #tpu.memory_space<vmem_shared>>
    tpu.enqueue_dma source(%arg10 : memref<32x128xf32, #tpu.memory_space<vmem>>) target(%dma_start3A_30 : memref<32x128xf32, #tpu.memory_space<vmem_shared>>) target_semaphore(%arg11 : memref<!tpu.dma_semaphore, #tpu.memory_space<semaphore_mem>>)
    %add3A_31 = arith.constant 128 : i32
    %add3A_32 = arith.addi %mul3A_7, %add3A_31 : i32
    %dma_start3A_33 = arith.constant 0 : i32
    %dma_start3A_34 = tpu.memref_slice %arg17[%add3A_32, %dma_start3A_33] : memref<10240x128xf32, #tpu.memory_space<vmem_shared>> -> memref<32x128xf32, #tpu.memory_space<vmem_shared>>
    %dma_start3A_35 = arith.constant 0 : i32
    %dma_start3A_36 = tpu.memref_slice %arg17[%add3A_32, %dma_start3A_35] : memref<10240x128xf32, #tpu.memory_space<vmem_shared>> -> memref<32x128xf32, #tpu.memory_space<vmem_shared>>
    tpu.enqueue_dma source(%arg10 : memref<32x128xf32, #tpu.memory_space<vmem>>) target(%dma_start3A_36 : memref<32x128xf32, #tpu.memory_space<vmem_shared>>) target_semaphore(%arg11 : memref<!tpu.dma_semaphore, #tpu.memory_space<semaphore_mem>>)
    %add3A_37 = arith.constant 160 : i32
    %add3A_38 = arith.addi %mul3A_7, %add3A_37 : i32
    %dma_start3A_39 = arith.constant 0 : i32
    %dma_start3A_40 = tpu.memref_slice %arg17[%add3A_38, %dma_start3A_39] : memref<10240x128xf32, #tpu.memory_space<vmem_shared>> -> memref<32x128xf32, #tpu.memory_space<vmem_shared>>
    %dma_start3A_41 = arith.constant 0 : i32
    %dma_start3A_42 = tpu.memref_slice %arg17[%add3A_38, %dma_start3A_41] : memref<10240x128xf32, #tpu.memory_space<vmem_shared>> -> memref<32x128xf32, #tpu.memory_space<vmem_shared>>
    tpu.enqueue_dma source(%arg10 : memref<32x128xf32, #tpu.memory_space<vmem>>) target(%dma_start3A_42 : memref<32x128xf32, #tpu.memory_space<vmem_shared>>) target_semaphore(%arg11 : memref<!tpu.dma_semaphore, #tpu.memory_space<semaphore_mem>>)
    %add3A_43 = arith.constant 192 : i32
    %add3A_44 = arith.addi %mul3A_7, %add3A_43 : i32
    %dma_start3A_45 = arith.constant 0 : i32
    %dma_start3A_46 = tpu.memref_slice %arg17[%add3A_44, %dma_start3A_45] : memref<10240x128xf32, #tpu.memory_space<vmem_shared>> -> memref<32x128xf32, #tpu.memory_space<vmem_shared>>
    %dma_start3A_47 = arith.constant 0 : i32
    %dma_start3A_48 = tpu.memref_slice %arg17[%add3A_44, %dma_start3A_47] : memref<10240x128xf32, #tpu.memory_space<vmem_shared>> -> memref<32x128xf32, #tpu.memory_space<vmem_shared>>
    tpu.enqueue_dma source(%arg10 : memref<32x128xf32, #tpu.memory_space<vmem>>) target(%dma_start3A_48 : memref<32x128xf32, #tpu.memory_space<vmem_shared>>) target_semaphore(%arg11 : memref<!tpu.dma_semaphore, #tpu.memory_space<semaphore_mem>>)
    %add3A_49 = arith.constant 224 : i32
    %add3A_50 = arith.addi %mul3A_7, %add3A_49 : i32
    %dma_start3A_51 = arith.constant 0 : i32
    %dma_start3A_52 = tpu.memref_slice %arg17[%add3A_50, %dma_start3A_51] : memref<10240x128xf32, #tpu.memory_space<vmem_shared>> -> memref<32x128xf32, #tpu.memory_space<vmem_shared>>
    %dma_start3A_53 = arith.constant 0 : i32
    %dma_start3A_54 = tpu.memref_slice %arg17[%add3A_50, %dma_start3A_53] : memref<10240x128xf32, #tpu.memory_space<vmem_shared>> -> memref<32x128xf32, #tpu.memory_space<vmem_shared>>
    tpu.enqueue_dma source(%arg10 : memref<32x128xf32, #tpu.memory_space<vmem>>) target(%dma_start3A_54 : memref<32x128xf32, #tpu.memory_space<vmem_shared>>) target_semaphore(%arg11 : memref<!tpu.dma_semaphore, #tpu.memory_space<semaphore_mem>>)
    %add3A_55 = arith.constant 256 : i32
    %add3A_56 = arith.addi %mul3A_7, %add3A_55 : i32
    %dma_start3A_57 = arith.constant 0 : i32
    %dma_start3A_58 = tpu.memref_slice %arg17[%add3A_56, %dma_start3A_57] : memref<10240x128xf32, #tpu.memory_space<vmem_shared>> -> memref<32x128xf32, #tpu.memory_space<vmem_shared>>
    %dma_start3A_59 = arith.constant 0 : i32
    %dma_start3A_60 = tpu.memref_slice %arg17[%add3A_56, %dma_start3A_59] : memref<10240x128xf32, #tpu.memory_space<vmem_shared>> -> memref<32x128xf32, #tpu.memory_space<vmem_shared>>
    tpu.enqueue_dma source(%arg10 : memref<32x128xf32, #tpu.memory_space<vmem>>) target(%dma_start3A_60 : memref<32x128xf32, #tpu.memory_space<vmem_shared>>) target_semaphore(%arg11 : memref<!tpu.dma_semaphore, #tpu.memory_space<semaphore_mem>>)
    %add3A_61 = arith.constant 288 : i32
    %add3A_62 = arith.addi %mul3A_7, %add3A_61 : i32
    %dma_start3A_63 = arith.constant 0 : i32
    %dma_start3A_64 = tpu.memref_slice %arg17[%add3A_62, %dma_start3A_63] : memref<10240x128xf32, #tpu.memory_space<vmem_shared>> -> memref<32x128xf32, #tpu.memory_space<vmem_shared>>
    %dma_start3A_65 = arith.constant 0 : i32
    %dma_start3A_66 = tpu.memref_slice %arg17[%add3A_62, %dma_start3A_65] : memref<10240x128xf32, #tpu.memory_space<vmem_shared>> -> memref<32x128xf32, #tpu.memory_space<vmem_shared>>
    tpu.enqueue_dma source(%arg10 : memref<32x128xf32, #tpu.memory_space<vmem>>) target(%dma_start3A_66 : memref<32x128xf32, #tpu.memory_space<vmem_shared>>) target_semaphore(%arg11 : memref<!tpu.dma_semaphore, #tpu.memory_space<semaphore_mem>>)
    %add3A_67 = arith.constant 320 : i32
    %add3A_68 = arith.addi %mul3A_7, %add3A_67 : i32
    %dma_start3A_69 = arith.constant 0 : i32
    %dma_start3A_70 = tpu.memref_slice %arg17[%add3A_68, %dma_start3A_69] : memref<10240x128xf32, #tpu.memory_space<vmem_shared>> -> memref<32x128xf32, #tpu.memory_space<vmem_shared>>
    %dma_start3A_71 = arith.constant 0 : i32
    %dma_start3A_72 = tpu.memref_slice %arg17[%add3A_68, %dma_start3A_71] : memref<10240x128xf32, #tpu.memory_space<vmem_shared>> -> memref<32x128xf32, #tpu.memory_space<vmem_shared>>
    tpu.enqueue_dma source(%arg10 : memref<32x128xf32, #tpu.memory_space<vmem>>) target(%dma_start3A_72 : memref<32x128xf32, #tpu.memory_space<vmem_shared>>) target_semaphore(%arg11 : memref<!tpu.dma_semaphore, #tpu.memory_space<semaphore_mem>>)
    %add3A_73 = arith.constant 352 : i32
    %add3A_74 = arith.addi %mul3A_7, %add3A_73 : i32
    %dma_start3A_75 = arith.constant 0 : i32
    %dma_start3A_76 = tpu.memref_slice %arg17[%add3A_74, %dma_start3A_75] : memref<10240x128xf32, #tpu.memory_space<vmem_shared>> -> memref<32x128xf32, #tpu.memory_space<vmem_shared>>
    %dma_start3A_77 = arith.constant 0 : i32
    %dma_start3A_78 = tpu.memref_slice %arg17[%add3A_74, %dma_start3A_77] : memref<10240x128xf32, #tpu.memory_space<vmem_shared>> -> memref<32x128xf32, #tpu.memory_space<vmem_shared>>
    tpu.enqueue_dma source(%arg10 : memref<32x128xf32, #tpu.memory_space<vmem>>) target(%dma_start3A_78 : memref<32x128xf32, #tpu.memory_space<vmem_shared>>) target_semaphore(%arg11 : memref<!tpu.dma_semaphore, #tpu.memory_space<semaphore_mem>>)
    %add3A_79 = arith.constant 384 : i32
    %add3A_80 = arith.addi %mul3A_7, %add3A_79 : i32
    %dma_start3A_81 = arith.constant 0 : i32
    %dma_start3A_82 = tpu.memref_slice %arg17[%add3A_80, %dma_start3A_81] : memref<10240x128xf32, #tpu.memory_space<vmem_shared>> -> memref<32x128xf32, #tpu.memory_space<vmem_shared>>
    %dma_start3A_83 = arith.constant 0 : i32
    %dma_start3A_84 = tpu.memref_slice %arg17[%add3A_80, %dma_start3A_83] : memref<10240x128xf32, #tpu.memory_space<vmem_shared>> -> memref<32x128xf32, #tpu.memory_space<vmem_shared>>
    tpu.enqueue_dma source(%arg10 : memref<32x128xf32, #tpu.memory_space<vmem>>) target(%dma_start3A_84 : memref<32x128xf32, #tpu.memory_space<vmem_shared>>) target_semaphore(%arg11 : memref<!tpu.dma_semaphore, #tpu.memory_space<semaphore_mem>>)
    %add3A_85 = arith.constant 416 : i32
    %add3A_86 = arith.addi %mul3A_7, %add3A_85 : i32
    %dma_start3A_87 = arith.constant 0 : i32
    %dma_start3A_88 = tpu.memref_slice %arg17[%add3A_86, %dma_start3A_87] : memref<10240x128xf32, #tpu.memory_space<vmem_shared>> -> memref<32x128xf32, #tpu.memory_space<vmem_shared>>
    %dma_start3A_89 = arith.constant 0 : i32
    %dma_start3A_90 = tpu.memref_slice %arg17[%add3A_86, %dma_start3A_89] : memref<10240x128xf32, #tpu.memory_space<vmem_shared>> -> memref<32x128xf32, #tpu.memory_space<vmem_shared>>
    tpu.enqueue_dma source(%arg10 : memref<32x128xf32, #tpu.memory_space<vmem>>) target(%dma_start3A_90 : memref<32x128xf32, #tpu.memory_space<vmem_shared>>) target_semaphore(%arg11 : memref<!tpu.dma_semaphore, #tpu.memory_space<semaphore_mem>>)
    %add3A_91 = arith.constant 448 : i32
    %add3A_92 = arith.addi %mul3A_7, %add3A_91 : i32
    %dma_start3A_93 = arith.constant 0 : i32
    %dma_start3A_94 = tpu.memref_slice %arg17[%add3A_92, %dma_start3A_93] : memref<10240x128xf32, #tpu.memory_space<vmem_shared>> -> memref<32x128xf32, #tpu.memory_space<vmem_shared>>
    %dma_start3A_95 = arith.constant 0 : i32
    %dma_start3A_96 = tpu.memref_slice %arg17[%add3A_92, %dma_start3A_95] : memref<10240x128xf32, #tpu.memory_space<vmem_shared>> -> memref<32x128xf32, #tpu.memory_space<vmem_shared>>
    tpu.enqueue_dma source(%arg10 : memref<32x128xf32, #tpu.memory_space<vmem>>) target(%dma_start3A_96 : memref<32x128xf32, #tpu.memory_space<vmem_shared>>) target_semaphore(%arg11 : memref<!tpu.dma_semaphore, #tpu.memory_space<semaphore_mem>>)
    %add3A_97 = arith.constant 480 : i32
    %add3A_98 = arith.addi %mul3A_7, %add3A_97 : i32
    %dma_start3A_99 = arith.constant 0 : i32
    %dma_start3A_100 = tpu.memref_slice %arg17[%add3A_98, %dma_start3A_99] : memref<10240x128xf32, #tpu.memory_space<vmem_shared>> -> memref<32x128xf32, #tpu.memory_space<vmem_shared>>
    %dma_start3A_101 = arith.constant 0 : i32
    %dma_start3A_102 = tpu.memref_slice %arg17[%add3A_98, %dma_start3A_101] : memref<10240x128xf32, #tpu.memory_space<vmem_shared>> -> memref<32x128xf32, #tpu.memory_space<vmem_shared>>
    tpu.enqueue_dma source(%arg10 : memref<32x128xf32, #tpu.memory_space<vmem>>) target(%dma_start3A_102 : memref<32x128xf32, #tpu.memory_space<vmem_shared>>) target_semaphore(%arg11 : memref<!tpu.dma_semaphore, #tpu.memory_space<semaphore_mem>>)
    %add3A_103 = arith.constant 512 : i32
    %add3A_104 = arith.addi %mul3A_7, %add3A_103 : i32
    %dma_start3A_105 = arith.constant 0 : i32
    %dma_start3A_106 = tpu.memref_slice %arg17[%add3A_104, %dma_start3A_105] : memref<10240x128xf32, #tpu.memory_space<vmem_shared>> -> memref<32x128xf32, #tpu.memory_space<vmem_shared>>
    %dma_start3A_107 = arith.constant 0 : i32
    %dma_start3A_108 = tpu.memref_slice %arg17[%add3A_104, %dma_start3A_107] : memref<10240x128xf32, #tpu.memory_space<vmem_shared>> -> memref<32x128xf32, #tpu.memory_space<vmem_shared>>
    tpu.enqueue_dma source(%arg10 : memref<32x128xf32, #tpu.memory_space<vmem>>) target(%dma_start3A_108 : memref<32x128xf32, #tpu.memory_space<vmem_shared>>) target_semaphore(%arg11 : memref<!tpu.dma_semaphore, #tpu.memory_space<semaphore_mem>>)
    %add3A_109 = arith.constant 544 : i32
    %add3A_110 = arith.addi %mul3A_7, %add3A_109 : i32
    %dma_start3A_111 = arith.constant 0 : i32
    %dma_start3A_112 = tpu.memref_slice %arg17[%add3A_110, %dma_start3A_111] : memref<10240x128xf32, #tpu.memory_space<vmem_shared>> -> memref<32x128xf32, #tpu.memory_space<vmem_shared>>
    %dma_start3A_113 = arith.constant 0 : i32
    %dma_start3A_114 = tpu.memref_slice %arg17[%add3A_110, %dma_start3A_113] : memref<10240x128xf32, #tpu.memory_space<vmem_shared>> -> memref<32x128xf32, #tpu.memory_space<vmem_shared>>
    tpu.enqueue_dma source(%arg10 : memref<32x128xf32, #tpu.memory_space<vmem>>) target(%dma_start3A_114 : memref<32x128xf32, #tpu.memory_space<vmem_shared>>) target_semaphore(%arg11 : memref<!tpu.dma_semaphore, #tpu.memory_space<semaphore_mem>>)
    %add3A_115 = arith.constant 576 : i32
    %add3A_116 = arith.addi %mul3A_7, %add3A_115 : i32
    %dma_start3A_117 = arith.constant 0 : i32
    %dma_start3A_118 = tpu.memref_slice %arg17[%add3A_116, %dma_start3A_117] : memref<10240x128xf32, #tpu.memory_space<vmem_shared>> -> memref<32x128xf32, #tpu.memory_space<vmem_shared>>
    %dma_start3A_119 = arith.constant 0 : i32
    %dma_start3A_120 = tpu.memref_slice %arg17[%add3A_116, %dma_start3A_119] : memref<10240x128xf32, #tpu.memory_space<vmem_shared>> -> memref<32x128xf32, #tpu.memory_space<vmem_shared>>
    tpu.enqueue_dma source(%arg10 : memref<32x128xf32, #tpu.memory_space<vmem>>) target(%dma_start3A_120 : memref<32x128xf32, #tpu.memory_space<vmem_shared>>) target_semaphore(%arg11 : memref<!tpu.dma_semaphore, #tpu.memory_space<semaphore_mem>>)
    %add3A_121 = arith.constant 608 : i32
    %add3A_122 = arith.addi %mul3A_7, %add3A_121 : i32
    %dma_start3A_123 = arith.constant 0 : i32
    %dma_start3A_124 = tpu.memref_slice %arg17[%add3A_122, %dma_start3A_123] : memref<10240x128xf32, #tpu.memory_space<vmem_shared>> -> memref<32x128xf32, #tpu.memory_space<vmem_shared>>
    %dma_start3A_125 = arith.constant 0 : i32
    %dma_start3A_126 = tpu.memref_slice %arg17[%add3A_122, %dma_start3A_125] : memref<10240x128xf32, #tpu.memory_space<vmem_shared>> -> memref<32x128xf32, #tpu.memory_space<vmem_shared>>
    tpu.enqueue_dma source(%arg10 : memref<32x128xf32, #tpu.memory_space<vmem>>) target(%dma_start3A_126 : memref<32x128xf32, #tpu.memory_space<vmem_shared>>) target_semaphore(%arg11 : memref<!tpu.dma_semaphore, #tpu.memory_space<semaphore_mem>>)
    %dma_wait3A = arith.constant 0 : i32
    %dma_wait3A_127 = tpu.memref_slice %arg17[%add3A_9, %dma_wait3A] : memref<10240x128xf32, #tpu.memory_space<vmem_shared>> -> memref<32x128xf32, #tpu.memory_space<vmem_shared>>
    %dma_wait3A_128 = arith.constant 0 : i32
    %dma_wait3A_129 = tpu.memref_slice %arg17[%add3A_9, %dma_wait3A_128] : memref<10240x128xf32, #tpu.memory_space<vmem_shared>> -> memref<32x128xf32, #tpu.memory_space<vmem_shared>>
    tpu.wait_dma2 semaphore(%arg11 : memref<!tpu.dma_semaphore, #tpu.memory_space<semaphore_mem>>) src(%arg10 : memref<32x128xf32, #tpu.memory_space<vmem>>) dst(%dma_wait3A_129 : memref<32x128xf32, #tpu.memory_space<vmem_shared>>)
    %dma_wait3A_130 = arith.constant 0 : i32
    %dma_wait3A_131 = tpu.memref_slice %arg17[%add3A_14, %dma_wait3A_130] : memref<10240x128xf32, #tpu.memory_space<vmem_shared>> -> memref<32x128xf32, #tpu.memory_space<vmem_shared>>
    %dma_wait3A_132 = arith.constant 0 : i32
    %dma_wait3A_133 = tpu.memref_slice %arg17[%add3A_14, %dma_wait3A_132] : memref<10240x128xf32, #tpu.memory_space<vmem_shared>> -> memref<32x128xf32, #tpu.memory_space<vmem_shared>>
    tpu.wait_dma2 semaphore(%arg11 : memref<!tpu.dma_semaphore, #tpu.memory_space<semaphore_mem>>) src(%arg10 : memref<32x128xf32, #tpu.memory_space<vmem>>) dst(%dma_wait3A_133 : memref<32x128xf32, #tpu.memory_space<vmem_shared>>)
    %dma_wait3A_134 = arith.constant 0 : i32
    %dma_wait3A_135 = tpu.memref_slice %arg17[%add3A_20, %dma_wait3A_134] : memref<10240x128xf32, #tpu.memory_space<vmem_shared>> -> memref<32x128xf32, #tpu.memory_space<vmem_shared>>
    %dma_wait3A_136 = arith.constant 0 : i32
    %dma_wait3A_137 = tpu.memref_slice %arg17[%add3A_20, %dma_wait3A_136] : memref<10240x128xf32, #tpu.memory_space<vmem_shared>> -> memref<32x128xf32, #tpu.memory_space<vmem_shared>>
    tpu.wait_dma2 semaphore(%arg11 : memref<!tpu.dma_semaphore, #tpu.memory_space<semaphore_mem>>) src(%arg10 : memref<32x128xf32, #tpu.memory_space<vmem>>) dst(%dma_wait3A_137 : memref<32x128xf32, #tpu.memory_space<vmem_shared>>)
    %dma_wait3A_138 = arith.constant 0 : i32
    %dma_wait3A_139 = tpu.memref_slice %arg17[%add3A_26, %dma_wait3A_138] : memref<10240x128xf32, #tpu.memory_space<vmem_shared>> -> memref<32x128xf32, #tpu.memory_space<vmem_shared>>
    %dma_wait3A_140 = arith.constant 0 : i32
    %dma_wait3A_141 = tpu.memref_slice %arg17[%add3A_26, %dma_wait3A_140] : memref<10240x128xf32, #tpu.memory_space<vmem_shared>> -> memref<32x128xf32, #tpu.memory_space<vmem_shared>>
    tpu.wait_dma2 semaphore(%arg11 : memref<!tpu.dma_semaphore, #tpu.memory_space<semaphore_mem>>) src(%arg10 : memref<32x128xf32, #tpu.memory_space<vmem>>) dst(%dma_wait3A_141 : memref<32x128xf32, #tpu.memory_space<vmem_shared>>)
    %dma_wait3A_142 = arith.constant 0 : i32
    %dma_wait3A_143 = tpu.memref_slice %arg17[%add3A_32, %dma_wait3A_142] : memref<10240x128xf32, #tpu.memory_space<vmem_shared>> -> memref<32x128xf32, #tpu.memory_space<vmem_shared>>
    %dma_wait3A_144 = arith.constant 0 : i32
    %dma_wait3A_145 = tpu.memref_slice %arg17[%add3A_32, %dma_wait3A_144] : memref<10240x128xf32, #tpu.memory_space<vmem_shared>> -> memref<32x128xf32, #tpu.memory_space<vmem_shared>>
    tpu.wait_dma2 semaphore(%arg11 : memref<!tpu.dma_semaphore, #tpu.memory_space<semaphore_mem>>) src(%arg10 : memref<32x128xf32, #tpu.memory_space<vmem>>) dst(%dma_wait3A_145 : memref<32x128xf32, #tpu.memory_space<vmem_shared>>)
    %dma_wait3A_146 = arith.constant 0 : i32
    %dma_wait3A_147 = tpu.memref_slice %arg17[%add3A_38, %dma_wait3A_146] : memref<10240x128xf32, #tpu.memory_space<vmem_shared>> -> memref<32x128xf32, #tpu.memory_space<vmem_shared>>
    %dma_wait3A_148 = arith.constant 0 : i32
    %dma_wait3A_149 = tpu.memref_slice %arg17[%add3A_38, %dma_wait3A_148] : memref<10240x128xf32, #tpu.memory_space<vmem_shared>> -> memref<32x128xf32, #tpu.memory_space<vmem_shared>>
    tpu.wait_dma2 semaphore(%arg11 : memref<!tpu.dma_semaphore, #tpu.memory_space<semaphore_mem>>) src(%arg10 : memref<32x128xf32, #tpu.memory_space<vmem>>) dst(%dma_wait3A_149 : memref<32x128xf32, #tpu.memory_space<vmem_shared>>)
    %dma_wait3A_150 = arith.constant 0 : i32
    %dma_wait3A_151 = tpu.memref_slice %arg17[%add3A_44, %dma_wait3A_150] : memref<10240x128xf32, #tpu.memory_space<vmem_shared>> -> memref<32x128xf32, #tpu.memory_space<vmem_shared>>
    %dma_wait3A_152 = arith.constant 0 : i32
    %dma_wait3A_153 = tpu.memref_slice %arg17[%add3A_44, %dma_wait3A_152] : memref<10240x128xf32, #tpu.memory_space<vmem_shared>> -> memref<32x128xf32, #tpu.memory_space<vmem_shared>>
    tpu.wait_dma2 semaphore(%arg11 : memref<!tpu.dma_semaphore, #tpu.memory_space<semaphore_mem>>) src(%arg10 : memref<32x128xf32, #tpu.memory_space<vmem>>) dst(%dma_wait3A_153 : memref<32x128xf32, #tpu.memory_space<vmem_shared>>)
    %dma_wait3A_154 = arith.constant 0 : i32
    %dma_wait3A_155 = tpu.memref_slice %arg17[%add3A_50, %dma_wait3A_154] : memref<10240x128xf32, #tpu.memory_space<vmem_shared>> -> memref<32x128xf32, #tpu.memory_space<vmem_shared>>
    %dma_wait3A_156 = arith.constant 0 : i32
    %dma_wait3A_157 = tpu.memref_slice %arg17[%add3A_50, %dma_wait3A_156] : memref<10240x128xf32, #tpu.memory_space<vmem_shared>> -> memref<32x128xf32, #tpu.memory_space<vmem_shared>>
    tpu.wait_dma2 semaphore(%arg11 : memref<!tpu.dma_semaphore, #tpu.memory_space<semaphore_mem>>) src(%arg10 : memref<32x128xf32, #tpu.memory_space<vmem>>) dst(%dma_wait3A_157 : memref<32x128xf32, #tpu.memory_space<vmem_shared>>)
    %dma_wait3A_158 = arith.constant 0 : i32
    %dma_wait3A_159 = tpu.memref_slice %arg17[%add3A_56, %dma_wait3A_158] : memref<10240x128xf32, #tpu.memory_space<vmem_shared>> -> memref<32x128xf32, #tpu.memory_space<vmem_shared>>
    %dma_wait3A_160 = arith.constant 0 : i32
    %dma_wait3A_161 = tpu.memref_slice %arg17[%add3A_56, %dma_wait3A_160] : memref<10240x128xf32, #tpu.memory_space<vmem_shared>> -> memref<32x128xf32, #tpu.memory_space<vmem_shared>>
    tpu.wait_dma2 semaphore(%arg11 : memref<!tpu.dma_semaphore, #tpu.memory_space<semaphore_mem>>) src(%arg10 : memref<32x128xf32, #tpu.memory_space<vmem>>) dst(%dma_wait3A_161 : memref<32x128xf32, #tpu.memory_space<vmem_shared>>)
    %dma_wait3A_162 = arith.constant 0 : i32
    %dma_wait3A_163 = tpu.memref_slice %arg17[%add3A_62, %dma_wait3A_162] : memref<10240x128xf32, #tpu.memory_space<vmem_shared>> -> memref<32x128xf32, #tpu.memory_space<vmem_shared>>
    %dma_wait3A_164 = arith.constant 0 : i32
    %dma_wait3A_165 = tpu.memref_slice %arg17[%add3A_62, %dma_wait3A_164] : memref<10240x128xf32, #tpu.memory_space<vmem_shared>> -> memref<32x128xf32, #tpu.memory_space<vmem_shared>>
    tpu.wait_dma2 semaphore(%arg11 : memref<!tpu.dma_semaphore, #tpu.memory_space<semaphore_mem>>) src(%arg10 : memref<32x128xf32, #tpu.memory_space<vmem>>) dst(%dma_wait3A_165 : memref<32x128xf32, #tpu.memory_space<vmem_shared>>)
    %dma_wait3A_166 = arith.constant 0 : i32
    %dma_wait3A_167 = tpu.memref_slice %arg17[%add3A_68, %dma_wait3A_166] : memref<10240x128xf32, #tpu.memory_space<vmem_shared>> -> memref<32x128xf32, #tpu.memory_space<vmem_shared>>
    %dma_wait3A_168 = arith.constant 0 : i32
    %dma_wait3A_169 = tpu.memref_slice %arg17[%add3A_68, %dma_wait3A_168] : memref<10240x128xf32, #tpu.memory_space<vmem_shared>> -> memref<32x128xf32, #tpu.memory_space<vmem_shared>>
    tpu.wait_dma2 semaphore(%arg11 : memref<!tpu.dma_semaphore, #tpu.memory_space<semaphore_mem>>) src(%arg10 : memref<32x128xf32, #tpu.memory_space<vmem>>) dst(%dma_wait3A_169 : memref<32x128xf32, #tpu.memory_space<vmem_shared>>)
    %dma_wait3A_170 = arith.constant 0 : i32
    %dma_wait3A_171 = tpu.memref_slice %arg17[%add3A_74, %dma_wait3A_170] : memref<10240x128xf32, #tpu.memory_space<vmem_shared>> -> memref<32x128xf32, #tpu.memory_space<vmem_shared>>
    %dma_wait3A_172 = arith.constant 0 : i32
    %dma_wait3A_173 = tpu.memref_slice %arg17[%add3A_74, %dma_wait3A_172] : memref<10240x128xf32, #tpu.memory_space<vmem_shared>> -> memref<32x128xf32, #tpu.memory_space<vmem_shared>>
    tpu.wait_dma2 semaphore(%arg11 : memref<!tpu.dma_semaphore, #tpu.memory_space<semaphore_mem>>) src(%arg10 : memref<32x128xf32, #tpu.memory_space<vmem>>) dst(%dma_wait3A_173 : memref<32x128xf32, #tpu.memory_space<vmem_shared>>)
    %dma_wait3A_174 = arith.constant 0 : i32
    %dma_wait3A_175 = tpu.memref_slice %arg17[%add3A_80, %dma_wait3A_174] : memref<10240x128xf32, #tpu.memory_space<vmem_shared>> -> memref<32x128xf32, #tpu.memory_space<vmem_shared>>
    %dma_wait3A_176 = arith.constant 0 : i32
    %dma_wait3A_177 = tpu.memref_slice %arg17[%add3A_80, %dma_wait3A_176] : memref<10240x128xf32, #tpu.memory_space<vmem_shared>> -> memref<32x128xf32, #tpu.memory_space<vmem_shared>>
    tpu.wait_dma2 semaphore(%arg11 : memref<!tpu.dma_semaphore, #tpu.memory_space<semaphore_mem>>) src(%arg10 : memref<32x128xf32, #tpu.memory_space<vmem>>) dst(%dma_wait3A_177 : memref<32x128xf32, #tpu.memory_space<vmem_shared>>)
    %dma_wait3A_178 = arith.constant 0 : i32
    %dma_wait3A_179 = tpu.memref_slice %arg17[%add3A_86, %dma_wait3A_178] : memref<10240x128xf32, #tpu.memory_space<vmem_shared>> -> memref<32x128xf32, #tpu.memory_space<vmem_shared>>
    %dma_wait3A_180 = arith.constant 0 : i32
    %dma_wait3A_181 = tpu.memref_slice %arg17[%add3A_86, %dma_wait3A_180] : memref<10240x128xf32, #tpu.memory_space<vmem_shared>> -> memref<32x128xf32, #tpu.memory_space<vmem_shared>>
    tpu.wait_dma2 semaphore(%arg11 : memref<!tpu.dma_semaphore, #tpu.memory_space<semaphore_mem>>) src(%arg10 : memref<32x128xf32, #tpu.memory_space<vmem>>) dst(%dma_wait3A_181 : memref<32x128xf32, #tpu.memory_space<vmem_shared>>)
    %dma_wait3A_182 = arith.constant 0 : i32
    %dma_wait3A_183 = tpu.memref_slice %arg17[%add3A_92, %dma_wait3A_182] : memref<10240x128xf32, #tpu.memory_space<vmem_shared>> -> memref<32x128xf32, #tpu.memory_space<vmem_shared>>
    %dma_wait3A_184 = arith.constant 0 : i32
    %dma_wait3A_185 = tpu.memref_slice %arg17[%add3A_92, %dma_wait3A_184] : memref<10240x128xf32, #tpu.memory_space<vmem_shared>> -> memref<32x128xf32, #tpu.memory_space<vmem_shared>>
    tpu.wait_dma2 semaphore(%arg11 : memref<!tpu.dma_semaphore, #tpu.memory_space<semaphore_mem>>) src(%arg10 : memref<32x128xf32, #tpu.memory_space<vmem>>) dst(%dma_wait3A_185 : memref<32x128xf32, #tpu.memory_space<vmem_shared>>)
    %dma_wait3A_186 = arith.constant 0 : i32
    %dma_wait3A_187 = tpu.memref_slice %arg17[%add3A_98, %dma_wait3A_186] : memref<10240x128xf32, #tpu.memory_space<vmem_shared>> -> memref<32x128xf32, #tpu.memory_space<vmem_shared>>
    %dma_wait3A_188 = arith.constant 0 : i32
    %dma_wait3A_189 = tpu.memref_slice %arg17[%add3A_98, %dma_wait3A_188] : memref<10240x128xf32, #tpu.memory_space<vmem_shared>> -> memref<32x128xf32, #tpu.memory_space<vmem_shared>>
    tpu.wait_dma2 semaphore(%arg11 : memref<!tpu.dma_semaphore, #tpu.memory_space<semaphore_mem>>) src(%arg10 : memref<32x128xf32, #tpu.memory_space<vmem>>) dst(%dma_wait3A_189 : memref<32x128xf32, #tpu.memory_space<vmem_shared>>)
    %dma_wait3A_190 = arith.constant 0 : i32
    %dma_wait3A_191 = tpu.memref_slice %arg17[%add3A_104, %dma_wait3A_190] : memref<10240x128xf32, #tpu.memory_space<vmem_shared>> -> memref<32x128xf32, #tpu.memory_space<vmem_shared>>
    %dma_wait3A_192 = arith.constant 0 : i32
    %dma_wait3A_193 = tpu.memref_slice %arg17[%add3A_104, %dma_wait3A_192] : memref<10240x128xf32, #tpu.memory_space<vmem_shared>> -> memref<32x128xf32, #tpu.memory_space<vmem_shared>>
    tpu.wait_dma2 semaphore(%arg11 : memref<!tpu.dma_semaphore, #tpu.memory_space<semaphore_mem>>) src(%arg10 : memref<32x128xf32, #tpu.memory_space<vmem>>) dst(%dma_wait3A_193 : memref<32x128xf32, #tpu.memory_space<vmem_shared>>)
    %dma_wait3A_194 = arith.constant 0 : i32
    %dma_wait3A_195 = tpu.memref_slice %arg17[%add3A_110, %dma_wait3A_194] : memref<10240x128xf32, #tpu.memory_space<vmem_shared>> -> memref<32x128xf32, #tpu.memory_space<vmem_shared>>
    %dma_wait3A_196 = arith.constant 0 : i32
    %dma_wait3A_197 = tpu.memref_slice %arg17[%add3A_110, %dma_wait3A_196] : memref<10240x128xf32, #tpu.memory_space<vmem_shared>> -> memref<32x128xf32, #tpu.memory_space<vmem_shared>>
    tpu.wait_dma2 semaphore(%arg11 : memref<!tpu.dma_semaphore, #tpu.memory_space<semaphore_mem>>) src(%arg10 : memref<32x128xf32, #tpu.memory_space<vmem>>) dst(%dma_wait3A_197 : memref<32x128xf32, #tpu.memory_space<vmem_shared>>)
    %dma_wait3A_198 = arith.constant 0 : i32
    %dma_wait3A_199 = tpu.memref_slice %arg17[%add3A_116, %dma_wait3A_198] : memref<10240x128xf32, #tpu.memory_space<vmem_shared>> -> memref<32x128xf32, #tpu.memory_space<vmem_shared>>
    %dma_wait3A_200 = arith.constant 0 : i32
    %dma_wait3A_201 = tpu.memref_slice %arg17[%add3A_116, %dma_wait3A_200] : memref<10240x128xf32, #tpu.memory_space<vmem_shared>> -> memref<32x128xf32, #tpu.memory_space<vmem_shared>>
    tpu.wait_dma2 semaphore(%arg11 : memref<!tpu.dma_semaphore, #tpu.memory_space<semaphore_mem>>) src(%arg10 : memref<32x128xf32, #tpu.memory_space<vmem>>) dst(%dma_wait3A_201 : memref<32x128xf32, #tpu.memory_space<vmem_shared>>)
    %dma_wait3A_202 = arith.constant 0 : i32
    %dma_wait3A_203 = tpu.memref_slice %arg17[%add3A_122, %dma_wait3A_202] : memref<10240x128xf32, #tpu.memory_space<vmem_shared>> -> memref<32x128xf32, #tpu.memory_space<vmem_shared>>
    %dma_wait3A_204 = arith.constant 0 : i32
    %dma_wait3A_205 = tpu.memref_slice %arg17[%add3A_122, %dma_wait3A_204] : memref<10240x128xf32, #tpu.memory_space<vmem_shared>> -> memref<32x128xf32, #tpu.memory_space<vmem_shared>>
    tpu.wait_dma2 semaphore(%arg11 : memref<!tpu.dma_semaphore, #tpu.memory_space<semaphore_mem>>) src(%arg10 : memref<32x128xf32, #tpu.memory_space<vmem>>) dst(%dma_wait3A_205 : memref<32x128xf32, #tpu.memory_space<vmem_shared>>)
    %barrier3A = arith.constant 0 : index
    tpu.barrier barrier_id(%barrier3A)
    %mul3A_206 = arith.constant 80 : i32
    %mul3A_207 = arith.muli %add3A, %mul3A_206 : i32
    %scan3A_208 = arith.constant 0 : i32
    %scan3A_209 = arith.constant 0 : i32
    %scan3A_210 = arith.constant 5 : i32
    %scan3A_211 = arith.addi %scan3A_209, %scan3A_210 : i32
    %scan3A_212 = arith.constant 1 : i32
    scf.for %scan3A_295 = %scan3A_209 to %scan3A_211 step %scan3A_212  : i32 {
      %mul3A_296 = arith.constant 16 : i32
      %mul3A_297 = arith.muli %scan3A_295, %mul3A_296 : i32
      %add3A_298 = arith.addi %mul3A_207, %mul3A_297 : i32
      "tpu.region"() ({
        %run_scoped3A = tpu.sem_alloc : memref<!tpu.dma_semaphore, #tpu.memory_space<semaphore_mem>>
        %dma_start3A_747 = arith.constant 0 : i32
        %dma_start3A_748 = tpu.memref_slice %arg3[%add3A_298, %dma_start3A_747] : memref<2560x128xi32, #tpu.memory_space<hbm>> -> memref<16x128xi32, #tpu.memory_space<hbm>>
        %dma_start3A_749 = arith.constant 0 : i32
        %dma_start3A_750 = tpu.memref_slice %arg3[%add3A_298, %dma_start3A_749] : memref<2560x128xi32, #tpu.memory_space<hbm>> -> memref<16x128xi32, #tpu.memory_space<hbm>>
        tpu.enqueue_dma source(%dma_start3A_750 : memref<16x128xi32, #tpu.memory_space<hbm>>) target(%arg6 : memref<16x128xi32, #tpu.memory_space<vmem>>) target_semaphore(%run_scoped3A : memref<!tpu.dma_semaphore, #tpu.memory_space<semaphore_mem>>)
        %dma_wait3A_751 = arith.constant 0 : i32
        %dma_wait3A_752 = tpu.memref_slice %arg3[%add3A_298, %dma_wait3A_751] : memref<2560x128xi32, #tpu.memory_space<hbm>> -> memref<16x128xi32, #tpu.memory_space<hbm>>
        %dma_wait3A_753 = arith.constant 0 : i32
        %dma_wait3A_754 = tpu.memref_slice %arg3[%add3A_298, %dma_wait3A_753] : memref<2560x128xi32, #tpu.memory_space<hbm>> -> memref<16x128xi32, #tpu.memory_space<hbm>>
        tpu.wait_dma2 semaphore(%run_scoped3A : memref<!tpu.dma_semaphore, #tpu.memory_space<semaphore_mem>>) src(%dma_wait3A_754 : memref<16x128xi32, #tpu.memory_space<hbm>>) dst(%arg6 : memref<16x128xi32, #tpu.memory_space<vmem>>)
        tpu.yield
      }) : () -> ()
      "tpu.region"() ({
        %run_scoped3A = tpu.sem_alloc : memref<!tpu.dma_semaphore, #tpu.memory_space<semaphore_mem>>
        %dma_start3A_747 = arith.constant 0 : i32
        %dma_start3A_748 = tpu.memref_slice %arg4[%add3A_298, %dma_start3A_747] : memref<2560x128xi32, #tpu.memory_space<hbm>> -> memref<16x128xi32, #tpu.memory_space<hbm>>
        %dma_start3A_749 = arith.constant 0 : i32
        %dma_start3A_750 = tpu.memref_slice %arg4[%add3A_298, %dma_start3A_749] : memref<2560x128xi32, #tpu.memory_space<hbm>> -> memref<16x128xi32, #tpu.memory_space<hbm>>
        tpu.enqueue_dma source(%dma_start3A_750 : memref<16x128xi32, #tpu.memory_space<hbm>>) target(%arg7 : memref<16x128xi32, #tpu.memory_space<vmem>>) target_semaphore(%run_scoped3A : memref<!tpu.dma_semaphore, #tpu.memory_space<semaphore_mem>>)
        %dma_wait3A_751 = arith.constant 0 : i32
        %dma_wait3A_752 = tpu.memref_slice %arg4[%add3A_298, %dma_wait3A_751] : memref<2560x128xi32, #tpu.memory_space<hbm>> -> memref<16x128xi32, #tpu.memory_space<hbm>>
        %dma_wait3A_753 = arith.constant 0 : i32
        %dma_wait3A_754 = tpu.memref_slice %arg4[%add3A_298, %dma_wait3A_753] : memref<2560x128xi32, #tpu.memory_space<hbm>> -> memref<16x128xi32, #tpu.memory_space<hbm>>
        tpu.wait_dma2 semaphore(%run_scoped3A : memref<!tpu.dma_semaphore, #tpu.memory_space<semaphore_mem>>) src(%dma_wait3A_754 : memref<16x128xi32, #tpu.memory_space<hbm>>) dst(%arg7 : memref<16x128xi32, #tpu.memory_space<vmem>>)
        tpu.yield
      }) : () -> ()
      %dma_start3A_299 = arith.constant 0 : i32
      %dma_start3A_300 = arith.constant 0 : i32
      %dma_start3A_301 = tpu.memref_slice %arg6[%dma_start3A_299, %dma_start3A_300] : memref<16x128xi32, #tpu.memory_space<vmem>> -> memref<1x128xi32, #tpu.memory_space<vmem>>
      %dma_start3A_302 = tpu.memref_squeeze %dma_start3A_301 : memref<1x128xi32, #tpu.memory_space<vmem>> -> memref<128xi32, #tpu.memory_space<vmem>>
      %dma_start3A_303 = arith.constant 0 : i32
      %dma_start3A_304 = arith.constant 0 : i32
      %dma_start3A_305 = tpu.memref_slice %arg2[%dma_start3A_303, %dma_start3A_304] : memref<10240x128xf32, #tpu.memory_space<hbm>> -> memref<10240x128xf32, #tpu.memory_space<hbm>>
      tpu.enqueue_indirect_dma source(%dma_start3A_305 : memref<10240x128xf32, #tpu.memory_space<hbm>>) target(%arg8 : memref<128x128xf32, #tpu.memory_space<vmem>>) offsets(%dma_start3A_302 : memref<128xi32, #tpu.memory_space<vmem>>) semaphore(%arg11 : memref<!tpu.dma_semaphore, #tpu.memory_space<semaphore_mem>>)
      %dma_start3A_306 = arith.constant 1 : i32
      %dma_start3A_307 = arith.constant 0 : i32
      %dma_start3A_308 = tpu.memref_slice %arg6[%dma_start3A_306, %dma_start3A_307] : memref<16x128xi32, #tpu.memory_space<vmem>> -> memref<1x128xi32, #tpu.memory_space<vmem>>
      %dma_start3A_309 = tpu.memref_squeeze %dma_start3A_308 : memref<1x128xi32, #tpu.memory_space<vmem>> -> memref<128xi32, #tpu.memory_space<vmem>>
      %dma_start3A_310 = arith.constant 0 : i32
      %dma_start3A_311 = arith.constant 0 : i32
      %dma_start3A_312 = tpu.memref_slice %arg2[%dma_start3A_310, %dma_start3A_311] : memref<10240x128xf32, #tpu.memory_space<hbm>> -> memref<10240x128xf32, #tpu.memory_space<hbm>>
      tpu.enqueue_indirect_dma source(%dma_start3A_312 : memref<10240x128xf32, #tpu.memory_space<hbm>>) target(%arg9 : memref<128x128xf32, #tpu.memory_space<vmem>>) offsets(%dma_start3A_309 : memref<128xi32, #tpu.memory_space<vmem>>) semaphore(%arg12 : memref<!tpu.dma_semaphore, #tpu.memory_space<semaphore_mem>>)
      %dma_wait3A_313 = arith.constant 0 : i32
      %dma_wait3A_314 = arith.constant 0 : i32
      %dma_wait3A_315 = tpu.memref_slice %arg6[%dma_wait3A_313, %dma_wait3A_314] : memref<16x128xi32, #tpu.memory_space<vmem>> -> memref<1x128xi32, #tpu.memory_space<vmem>>
      %dma_wait3A_316 = tpu.memref_squeeze %dma_wait3A_315 : memref<1x128xi32, #tpu.memory_space<vmem>> -> memref<128xi32, #tpu.memory_space<vmem>>
      %dma_wait3A_317 = arith.constant 0 : i32
      %dma_wait3A_318 = arith.constant 0 : i32
      %dma_wait3A_319 = tpu.memref_slice %arg2[%dma_wait3A_317, %dma_wait3A_318] : memref<10240x128xf32, #tpu.memory_space<hbm>> -> memref<10240x128xf32, #tpu.memory_space<hbm>>
      tpu.wait_indirect_dma semaphore(%arg11 : memref<!tpu.dma_semaphore, #tpu.memory_space<semaphore_mem>>) src(%dma_wait3A_319 : memref<10240x128xf32, #tpu.memory_space<hbm>>) dst(%arg8 : memref<128x128xf32, #tpu.memory_space<vmem>>)
      %dma_start3A_320 = arith.constant 0 : i32
      %dma_start3A_321 = arith.constant 0 : i32
      %dma_start3A_322 = tpu.memref_slice %arg7[%dma_start3A_320, %dma_start3A_321] : memref<16x128xi32, #tpu.memory_space<vmem>> -> memref<1x128xi32, #tpu.memory_space<vmem>>
      %dma_start3A_323 = tpu.memref_squeeze %dma_start3A_322 : memref<1x128xi32, #tpu.memory_space<vmem>> -> memref<128xi32, #tpu.memory_space<vmem>>
      %dma_start3A_324 = arith.constant 0 : i32
      %dma_start3A_325 = arith.constant 0 : i32
      %dma_start3A_326 = tpu.memref_slice %arg17[%dma_start3A_324, %dma_start3A_325] : memref<10240x128xf32, #tpu.memory_space<vmem_shared>> -> memref<10240x128xf32, #tpu.memory_space<vmem_shared>>
      tpu.enqueue_indirect_dma source(%arg8 : memref<128x128xf32, #tpu.memory_space<vmem>>) target(%dma_start3A_326 : memref<10240x128xf32, #tpu.memory_space<vmem_shared>>) offsets(%dma_start3A_323 : memref<128xi32, #tpu.memory_space<vmem>>) semaphore(%arg13 : memref<!tpu.dma_semaphore, #tpu.memory_space<semaphore_mem>>) {add = true}
      %dma_wait3A_327 = arith.constant 0 : i32
      %dma_wait3A_328 = arith.constant 0 : i32
      %dma_wait3A_329 = tpu.memref_slice %arg7[%dma_wait3A_327, %dma_wait3A_328] : memref<16x128xi32, #tpu.memory_space<vmem>> -> memref<1x128xi32, #tpu.memory_space<vmem>>
      %dma_wait3A_330 = tpu.memref_squeeze %dma_wait3A_329 : memref<1x128xi32, #tpu.memory_space<vmem>> -> memref<128xi32, #tpu.memory_space<vmem>>
      %dma_wait3A_331 = arith.constant 0 : i32
      %dma_wait3A_332 = arith.constant 0 : i32
      %dma_wait3A_333 = tpu.memref_slice %arg17[%dma_wait3A_331, %dma_wait3A_332] : memref<10240x128xf32, #tpu.memory_space<vmem_shared>> -> memref<10240x128xf32, #tpu.memory_space<vmem_shared>>
      tpu.wait_indirect_dma semaphore(%arg13 : memref<!tpu.dma_semaphore, #tpu.memory_space<semaphore_mem>>) src(%arg8 : memref<128x128xf32, #tpu.memory_space<vmem>>) dst(%dma_wait3A_333 : memref<10240x128xf32, #tpu.memory_space<vmem_shared>>)
      %dma_start3A_334 = arith.constant 2 : i32
      %dma_start3A_335 = arith.constant 0 : i32
      %dma_start3A_336 = tpu.memref_slice %arg6[%dma_start3A_334, %dma_start3A_335] : memref<16x128xi32, #tpu.memory_space<vmem>> -> memref<1x128xi32, #tpu.memory_space<vmem>>
      %dma_start3A_337 = tpu.memref_squeeze %dma_start3A_336 : memref<1x128xi32, #tpu.memory_space<vmem>> -> memref<128xi32, #tpu.memory_space<vmem>>
      %dma_start3A_338 = arith.constant 0 : i32
      %dma_start3A_339 = arith.constant 0 : i32
      %dma_start3A_340 = tpu.memref_slice %arg2[%dma_start3A_338, %dma_start3A_339] : memref<10240x128xf32, #tpu.memory_space<hbm>> -> memref<10240x128xf32, #tpu.memory_space<hbm>>
      tpu.enqueue_indirect_dma source(%dma_start3A_340 : memref<10240x128xf32, #tpu.memory_space<hbm>>) target(%arg8 : memref<128x128xf32, #tpu.memory_space<vmem>>) offsets(%dma_start3A_337 : memref<128xi32, #tpu.memory_space<vmem>>) semaphore(%arg11 : memref<!tpu.dma_semaphore, #tpu.memory_space<semaphore_mem>>)
      %dma_wait3A_341 = arith.constant 1 : i32
      %dma_wait3A_342 = arith.constant 0 : i32
      %dma_wait3A_343 = tpu.memref_slice %arg6[%dma_wait3A_341, %dma_wait3A_342] : memref<16x128xi32, #tpu.memory_space<vmem>> -> memref<1x128xi32, #tpu.memory_space<vmem>>
      %dma_wait3A_344 = tpu.memref_squeeze %dma_wait3A_343 : memref<1x128xi32, #tpu.memory_space<vmem>> -> memref<128xi32, #tpu.memory_space<vmem>>
      %dma_wait3A_345 = arith.constant 0 : i32
      %dma_wait3A_346 = arith.constant 0 : i32
      %dma_wait3A_347 = tpu.memref_slice %arg2[%dma_wait3A_345, %dma_wait3A_346] : memref<10240x128xf32, #tpu.memory_space<hbm>> -> memref<10240x128xf32, #tpu.memory_space<hbm>>
      tpu.wait_indirect_dma semaphore(%arg12 : memref<!tpu.dma_semaphore, #tpu.memory_space<semaphore_mem>>) src(%dma_wait3A_347 : memref<10240x128xf32, #tpu.memory_space<hbm>>) dst(%arg9 : memref<128x128xf32, #tpu.memory_space<vmem>>)
      %dma_start3A_348 = arith.constant 1 : i32
      %dma_start3A_349 = arith.constant 0 : i32
      %dma_start3A_350 = tpu.memref_slice %arg7[%dma_start3A_348, %dma_start3A_349] : memref<16x128xi32, #tpu.memory_space<vmem>> -> memref<1x128xi32, #tpu.memory_space<vmem>>
      %dma_start3A_351 = tpu.memref_squeeze %dma_start3A_350 : memref<1x128xi32, #tpu.memory_space<vmem>> -> memref<128xi32, #tpu.memory_space<vmem>>
      %dma_start3A_352 = arith.constant 0 : i32
      %dma_start3A_353 = arith.constant 0 : i32
      %dma_start3A_354 = tpu.memref_slice %arg17[%dma_start3A_352, %dma_start3A_353] : memref<10240x128xf32, #tpu.memory_space<vmem_shared>> -> memref<10240x128xf32, #tpu.memory_space<vmem_shared>>
      tpu.enqueue_indirect_dma source(%arg9 : memref<128x128xf32, #tpu.memory_space<vmem>>) target(%dma_start3A_354 : memref<10240x128xf32, #tpu.memory_space<vmem_shared>>) offsets(%dma_start3A_351 : memref<128xi32, #tpu.memory_space<vmem>>) semaphore(%arg14 : memref<!tpu.dma_semaphore, #tpu.memory_space<semaphore_mem>>) {add = true}
      %dma_wait3A_355 = arith.constant 1 : i32
      %dma_wait3A_356 = arith.constant 0 : i32
      %dma_wait3A_357 = tpu.memref_slice %arg7[%dma_wait3A_355, %dma_wait3A_356] : memref<16x128xi32, #tpu.memory_space<vmem>> -> memref<1x128xi32, #tpu.memory_space<vmem>>
      %dma_wait3A_358 = tpu.memref_squeeze %dma_wait3A_357 : memref<1x128xi32, #tpu.memory_space<vmem>> -> memref<128xi32, #tpu.memory_space<vmem>>
      %dma_wait3A_359 = arith.constant 0 : i32
      %dma_wait3A_360 = arith.constant 0 : i32
      %dma_wait3A_361 = tpu.memref_slice %arg17[%dma_wait3A_359, %dma_wait3A_360] : memref<10240x128xf32, #tpu.memory_space<vmem_shared>> -> memref<10240x128xf32, #tpu.memory_space<vmem_shared>>
      tpu.wait_indirect_dma semaphore(%arg14 : memref<!tpu.dma_semaphore, #tpu.memory_space<semaphore_mem>>) src(%arg9 : memref<128x128xf32, #tpu.memory_space<vmem>>) dst(%dma_wait3A_361 : memref<10240x128xf32, #tpu.memory_space<vmem_shared>>)
      %dma_start3A_362 = arith.constant 3 : i32
      %dma_start3A_363 = arith.constant 0 : i32
      %dma_start3A_364 = tpu.memref_slice %arg6[%dma_start3A_362, %dma_start3A_363] : memref<16x128xi32, #tpu.memory_space<vmem>> -> memref<1x128xi32, #tpu.memory_space<vmem>>
      %dma_start3A_365 = tpu.memref_squeeze %dma_start3A_364 : memref<1x128xi32, #tpu.memory_space<vmem>> -> memref<128xi32, #tpu.memory_space<vmem>>
      %dma_start3A_366 = arith.constant 0 : i32
      %dma_start3A_367 = arith.constant 0 : i32
      %dma_start3A_368 = tpu.memref_slice %arg2[%dma_start3A_366, %dma_start3A_367] : memref<10240x128xf32, #tpu.memory_space<hbm>> -> memref<10240x128xf32, #tpu.memory_space<hbm>>
      tpu.enqueue_indirect_dma source(%dma_start3A_368 : memref<10240x128xf32, #tpu.memory_space<hbm>>) target(%arg9 : memref<128x128xf32, #tpu.memory_space<vmem>>) offsets(%dma_start3A_365 : memref<128xi32, #tpu.memory_space<vmem>>) semaphore(%arg12 : memref<!tpu.dma_semaphore, #tpu.memory_space<semaphore_mem>>)
      %dma_wait3A_369 = arith.constant 2 : i32
      %dma_wait3A_370 = arith.constant 0 : i32
      %dma_wait3A_371 = tpu.memref_slice %arg6[%dma_wait3A_369, %dma_wait3A_370] : memref<16x128xi32, #tpu.memory_space<vmem>> -> memref<1x128xi32, #tpu.memory_space<vmem>>
      %dma_wait3A_372 = tpu.memref_squeeze %dma_wait3A_371 : memref<1x128xi32, #tpu.memory_space<vmem>> -> memref<128xi32, #tpu.memory_space<vmem>>
      %dma_wait3A_373 = arith.constant 0 : i32
      %dma_wait3A_374 = arith.constant 0 : i32
      %dma_wait3A_375 = tpu.memref_slice %arg2[%dma_wait3A_373, %dma_wait3A_374] : memref<10240x128xf32, #tpu.memory_space<hbm>> -> memref<10240x128xf32, #tpu.memory_space<hbm>>
      tpu.wait_indirect_dma semaphore(%arg11 : memref<!tpu.dma_semaphore, #tpu.memory_space<semaphore_mem>>) src(%dma_wait3A_375 : memref<10240x128xf32, #tpu.memory_space<hbm>>) dst(%arg8 : memref<128x128xf32, #tpu.memory_space<vmem>>)
      %dma_start3A_376 = arith.constant 2 : i32
      %dma_start3A_377 = arith.constant 0 : i32
      %dma_start3A_378 = tpu.memref_slice %arg7[%dma_start3A_376, %dma_start3A_377] : memref<16x128xi32, #tpu.memory_space<vmem>> -> memref<1x128xi32, #tpu.memory_space<vmem>>
      %dma_start3A_379 = tpu.memref_squeeze %dma_start3A_378 : memref<1x128xi32, #tpu.memory_space<vmem>> -> memref<128xi32, #tpu.memory_space<vmem>>
      %dma_start3A_380 = arith.constant 0 : i32
      %dma_start3A_381 = arith.constant 0 : i32
      %dma_start3A_382 = tpu.memref_slice %arg17[%dma_start3A_380, %dma_start3A_381] : memref<10240x128xf32, #tpu.memory_space<vmem_shared>> -> memref<10240x128xf32, #tpu.memory_space<vmem_shared>>
      tpu.enqueue_indirect_dma source(%arg8 : memref<128x128xf32, #tpu.memory_space<vmem>>) target(%dma_start3A_382 : memref<10240x128xf32, #tpu.memory_space<vmem_shared>>) offsets(%dma_start3A_379 : memref<128xi32, #tpu.memory_space<vmem>>) semaphore(%arg13 : memref<!tpu.dma_semaphore, #tpu.memory_space<semaphore_mem>>) {add = true}
      %dma_wait3A_383 = arith.constant 2 : i32
      %dma_wait3A_384 = arith.constant 0 : i32
      %dma_wait3A_385 = tpu.memref_slice %arg7[%dma_wait3A_383, %dma_wait3A_384] : memref<16x128xi32, #tpu.memory_space<vmem>> -> memref<1x128xi32, #tpu.memory_space<vmem>>
      %dma_wait3A_386 = tpu.memref_squeeze %dma_wait3A_385 : memref<1x128xi32, #tpu.memory_space<vmem>> -> memref<128xi32, #tpu.memory_space<vmem>>
      %dma_wait3A_387 = arith.constant 0 : i32
      %dma_wait3A_388 = arith.constant 0 : i32
      %dma_wait3A_389 = tpu.memref_slice %arg17[%dma_wait3A_387, %dma_wait3A_388] : memref<10240x128xf32, #tpu.memory_space<vmem_shared>> -> memref<10240x128xf32, #tpu.memory_space<vmem_shared>>
      tpu.wait_indirect_dma semaphore(%arg13 : memref<!tpu.dma_semaphore, #tpu.memory_space<semaphore_mem>>) src(%arg8 : memref<128x128xf32, #tpu.memory_space<vmem>>) dst(%dma_wait3A_389 : memref<10240x128xf32, #tpu.memory_space<vmem_shared>>)
      %dma_start3A_390 = arith.constant 4 : i32
      %dma_start3A_391 = arith.constant 0 : i32
      %dma_start3A_392 = tpu.memref_slice %arg6[%dma_start3A_390, %dma_start3A_391] : memref<16x128xi32, #tpu.memory_space<vmem>> -> memref<1x128xi32, #tpu.memory_space<vmem>>
      %dma_start3A_393 = tpu.memref_squeeze %dma_start3A_392 : memref<1x128xi32, #tpu.memory_space<vmem>> -> memref<128xi32, #tpu.memory_space<vmem>>
      %dma_start3A_394 = arith.constant 0 : i32
      %dma_start3A_395 = arith.constant 0 : i32
      %dma_start3A_396 = tpu.memref_slice %arg2[%dma_start3A_394, %dma_start3A_395] : memref<10240x128xf32, #tpu.memory_space<hbm>> -> memref<10240x128xf32, #tpu.memory_space<hbm>>
      tpu.enqueue_indirect_dma source(%dma_start3A_396 : memref<10240x128xf32, #tpu.memory_space<hbm>>) target(%arg8 : memref<128x128xf32, #tpu.memory_space<vmem>>) offsets(%dma_start3A_393 : memref<128xi32, #tpu.memory_space<vmem>>) semaphore(%arg11 : memref<!tpu.dma_semaphore, #tpu.memory_space<semaphore_mem>>)
      %dma_wait3A_397 = arith.constant 3 : i32
      %dma_wait3A_398 = arith.constant 0 : i32
      %dma_wait3A_399 = tpu.memref_slice %arg6[%dma_wait3A_397, %dma_wait3A_398] : memref<16x128xi32, #tpu.memory_space<vmem>> -> memref<1x128xi32, #tpu.memory_space<vmem>>
      %dma_wait3A_400 = tpu.memref_squeeze %dma_wait3A_399 : memref<1x128xi32, #tpu.memory_space<vmem>> -> memref<128xi32, #tpu.memory_space<vmem>>
      %dma_wait3A_401 = arith.constant 0 : i32
      %dma_wait3A_402 = arith.constant 0 : i32
      %dma_wait3A_403 = tpu.memref_slice %arg2[%dma_wait3A_401, %dma_wait3A_402] : memref<10240x128xf32, #tpu.memory_space<hbm>> -> memref<10240x128xf32, #tpu.memory_space<hbm>>
      tpu.wait_indirect_dma semaphore(%arg12 : memref<!tpu.dma_semaphore, #tpu.memory_space<semaphore_mem>>) src(%dma_wait3A_403 : memref<10240x128xf32, #tpu.memory_space<hbm>>) dst(%arg9 : memref<128x128xf32, #tpu.memory_space<vmem>>)
      %dma_start3A_404 = arith.constant 3 : i32
      %dma_start3A_405 = arith.constant 0 : i32
      %dma_start3A_406 = tpu.memref_slice %arg7[%dma_start3A_404, %dma_start3A_405] : memref<16x128xi32, #tpu.memory_space<vmem>> -> memref<1x128xi32, #tpu.memory_space<vmem>>
      %dma_start3A_407 = tpu.memref_squeeze %dma_start3A_406 : memref<1x128xi32, #tpu.memory_space<vmem>> -> memref<128xi32, #tpu.memory_space<vmem>>
      %dma_start3A_408 = arith.constant 0 : i32
      %dma_start3A_409 = arith.constant 0 : i32
      %dma_start3A_410 = tpu.memref_slice %arg17[%dma_start3A_408, %dma_start3A_409] : memref<10240x128xf32, #tpu.memory_space<vmem_shared>> -> memref<10240x128xf32, #tpu.memory_space<vmem_shared>>
      tpu.enqueue_indirect_dma source(%arg9 : memref<128x128xf32, #tpu.memory_space<vmem>>) target(%dma_start3A_410 : memref<10240x128xf32, #tpu.memory_space<vmem_shared>>) offsets(%dma_start3A_407 : memref<128xi32, #tpu.memory_space<vmem>>) semaphore(%arg14 : memref<!tpu.dma_semaphore, #tpu.memory_space<semaphore_mem>>) {add = true}
      %dma_wait3A_411 = arith.constant 3 : i32
      %dma_wait3A_412 = arith.constant 0 : i32
      %dma_wait3A_413 = tpu.memref_slice %arg7[%dma_wait3A_411, %dma_wait3A_412] : memref<16x128xi32, #tpu.memory_space<vmem>> -> memref<1x128xi32, #tpu.memory_space<vmem>>
      %dma_wait3A_414 = tpu.memref_squeeze %dma_wait3A_413 : memref<1x128xi32, #tpu.memory_space<vmem>> -> memref<128xi32, #tpu.memory_space<vmem>>
      %dma_wait3A_415 = arith.constant 0 : i32
      %dma_wait3A_416 = arith.constant 0 : i32
      %dma_wait3A_417 = tpu.memref_slice %arg17[%dma_wait3A_415, %dma_wait3A_416] : memref<10240x128xf32, #tpu.memory_space<vmem_shared>> -> memref<10240x128xf32, #tpu.memory_space<vmem_shared>>
      tpu.wait_indirect_dma semaphore(%arg14 : memref<!tpu.dma_semaphore, #tpu.memory_space<semaphore_mem>>) src(%arg9 : memref<128x128xf32, #tpu.memory_space<vmem>>) dst(%dma_wait3A_417 : memref<10240x128xf32, #tpu.memory_space<vmem_shared>>)
      %dma_start3A_418 = arith.constant 5 : i32
      %dma_start3A_419 = arith.constant 0 : i32
      %dma_start3A_420 = tpu.memref_slice %arg6[%dma_start3A_418, %dma_start3A_419] : memref<16x128xi32, #tpu.memory_space<vmem>> -> memref<1x128xi32, #tpu.memory_space<vmem>>
      %dma_start3A_421 = tpu.memref_squeeze %dma_start3A_420 : memref<1x128xi32, #tpu.memory_space<vmem>> -> memref<128xi32, #tpu.memory_space<vmem>>
      %dma_start3A_422 = arith.constant 0 : i32
      %dma_start3A_423 = arith.constant 0 : i32
      %dma_start3A_424 = tpu.memref_slice %arg2[%dma_start3A_422, %dma_start3A_423] : memref<10240x128xf32, #tpu.memory_space<hbm>> -> memref<10240x128xf32, #tpu.memory_space<hbm>>
      tpu.enqueue_indirect_dma source(%dma_start3A_424 : memref<10240x128xf32, #tpu.memory_space<hbm>>) target(%arg9 : memref<128x128xf32, #tpu.memory_space<vmem>>) offsets(%dma_start3A_421 : memref<128xi32, #tpu.memory_space<vmem>>) semaphore(%arg12 : memref<!tpu.dma_semaphore, #tpu.memory_space<semaphore_mem>>)
      %dma_wait3A_425 = arith.constant 4 : i32
      %dma_wait3A_426 = arith.constant 0 : i32
      %dma_wait3A_427 = tpu.memref_slice %arg6[%dma_wait3A_425, %dma_wait3A_426] : memref<16x128xi32, #tpu.memory_space<vmem>> -> memref<1x128xi32, #tpu.memory_space<vmem>>
      %dma_wait3A_428 = tpu.memref_squeeze %dma_wait3A_427 : memref<1x128xi32, #tpu.memory_space<vmem>> -> memref<128xi32, #tpu.memory_space<vmem>>
      %dma_wait3A_429 = arith.constant 0 : i32
      %dma_wait3A_430 = arith.constant 0 : i32
      %dma_wait3A_431 = tpu.memref_slice %arg2[%dma_wait3A_429, %dma_wait3A_430] : memref<10240x128xf32, #tpu.memory_space<hbm>> -> memref<10240x128xf32, #tpu.memory_space<hbm>>
      tpu.wait_indirect_dma semaphore(%arg11 : memref<!tpu.dma_semaphore, #tpu.memory_space<semaphore_mem>>) src(%dma_wait3A_431 : memref<10240x128xf32, #tpu.memory_space<hbm>>) dst(%arg8 : memref<128x128xf32, #tpu.memory_space<vmem>>)
      %dma_start3A_432 = arith.constant 4 : i32
      %dma_start3A_433 = arith.constant 0 : i32
      %dma_start3A_434 = tpu.memref_slice %arg7[%dma_start3A_432, %dma_start3A_433] : memref<16x128xi32, #tpu.memory_space<vmem>> -> memref<1x128xi32, #tpu.memory_space<vmem>>
      %dma_start3A_435 = tpu.memref_squeeze %dma_start3A_434 : memref<1x128xi32, #tpu.memory_space<vmem>> -> memref<128xi32, #tpu.memory_space<vmem>>
      %dma_start3A_436 = arith.constant 0 : i32
      %dma_start3A_437 = arith.constant 0 : i32
      %dma_start3A_438 = tpu.memref_slice %arg17[%dma_start3A_436, %dma_start3A_437] : memref<10240x128xf32, #tpu.memory_space<vmem_shared>> -> memref<10240x128xf32, #tpu.memory_space<vmem_shared>>
      tpu.enqueue_indirect_dma source(%arg8 : memref<128x128xf32, #tpu.memory_space<vmem>>) target(%dma_start3A_438 : memref<10240x128xf32, #tpu.memory_space<vmem_shared>>) offsets(%dma_start3A_435 : memref<128xi32, #tpu.memory_space<vmem>>) semaphore(%arg13 : memref<!tpu.dma_semaphore, #tpu.memory_space<semaphore_mem>>) {add = true}
      %dma_wait3A_439 = arith.constant 4 : i32
      %dma_wait3A_440 = arith.constant 0 : i32
      %dma_wait3A_441 = tpu.memref_slice %arg7[%dma_wait3A_439, %dma_wait3A_440] : memref<16x128xi32, #tpu.memory_space<vmem>> -> memref<1x128xi32, #tpu.memory_space<vmem>>
      %dma_wait3A_442 = tpu.memref_squeeze %dma_wait3A_441 : memref<1x128xi32, #tpu.memory_space<vmem>> -> memref<128xi32, #tpu.memory_space<vmem>>
      %dma_wait3A_443 = arith.constant 0 : i32
      %dma_wait3A_444 = arith.constant 0 : i32
      %dma_wait3A_445 = tpu.memref_slice %arg17[%dma_wait3A_443, %dma_wait3A_444] : memref<10240x128xf32, #tpu.memory_space<vmem_shared>> -> memref<10240x128xf32, #tpu.memory_space<vmem_shared>>
      tpu.wait_indirect_dma semaphore(%arg13 : memref<!tpu.dma_semaphore, #tpu.memory_space<semaphore_mem>>) src(%arg8 : memref<128x128xf32, #tpu.memory_space<vmem>>) dst(%dma_wait3A_445 : memref<10240x128xf32, #tpu.memory_space<vmem_shared>>)
      %dma_start3A_446 = arith.constant 6 : i32
      %dma_start3A_447 = arith.constant 0 : i32
      %dma_start3A_448 = tpu.memref_slice %arg6[%dma_start3A_446, %dma_start3A_447] : memref<16x128xi32, #tpu.memory_space<vmem>> -> memref<1x128xi32, #tpu.memory_space<vmem>>
      %dma_start3A_449 = tpu.memref_squeeze %dma_start3A_448 : memref<1x128xi32, #tpu.memory_space<vmem>> -> memref<128xi32, #tpu.memory_space<vmem>>
      %dma_start3A_450 = arith.constant 0 : i32
      %dma_start3A_451 = arith.constant 0 : i32
      %dma_start3A_452 = tpu.memref_slice %arg2[%dma_start3A_450, %dma_start3A_451] : memref<10240x128xf32, #tpu.memory_space<hbm>> -> memref<10240x128xf32, #tpu.memory_space<hbm>>
      tpu.enqueue_indirect_dma source(%dma_start3A_452 : memref<10240x128xf32, #tpu.memory_space<hbm>>) target(%arg8 : memref<128x128xf32, #tpu.memory_space<vmem>>) offsets(%dma_start3A_449 : memref<128xi32, #tpu.memory_space<vmem>>) semaphore(%arg11 : memref<!tpu.dma_semaphore, #tpu.memory_space<semaphore_mem>>)
      %dma_wait3A_453 = arith.constant 5 : i32
      %dma_wait3A_454 = arith.constant 0 : i32
      %dma_wait3A_455 = tpu.memref_slice %arg6[%dma_wait3A_453, %dma_wait3A_454] : memref<16x128xi32, #tpu.memory_space<vmem>> -> memref<1x128xi32, #tpu.memory_space<vmem>>
      %dma_wait3A_456 = tpu.memref_squeeze %dma_wait3A_455 : memref<1x128xi32, #tpu.memory_space<vmem>> -> memref<128xi32, #tpu.memory_space<vmem>>
      %dma_wait3A_457 = arith.constant 0 : i32
      %dma_wait3A_458 = arith.constant 0 : i32
      %dma_wait3A_459 = tpu.memref_slice %arg2[%dma_wait3A_457, %dma_wait3A_458] : memref<10240x128xf32, #tpu.memory_space<hbm>> -> memref<10240x128xf32, #tpu.memory_space<hbm>>
      tpu.wait_indirect_dma semaphore(%arg12 : memref<!tpu.dma_semaphore, #tpu.memory_space<semaphore_mem>>) src(%dma_wait3A_459 : memref<10240x128xf32, #tpu.memory_space<hbm>>) dst(%arg9 : memref<128x128xf32, #tpu.memory_space<vmem>>)
      %dma_start3A_460 = arith.constant 5 : i32
      %dma_start3A_461 = arith.constant 0 : i32
      %dma_start3A_462 = tpu.memref_slice %arg7[%dma_start3A_460, %dma_start3A_461] : memref<16x128xi32, #tpu.memory_space<vmem>> -> memref<1x128xi32, #tpu.memory_space<vmem>>
      %dma_start3A_463 = tpu.memref_squeeze %dma_start3A_462 : memref<1x128xi32, #tpu.memory_space<vmem>> -> memref<128xi32, #tpu.memory_space<vmem>>
      %dma_start3A_464 = arith.constant 0 : i32
      %dma_start3A_465 = arith.constant 0 : i32
      %dma_start3A_466 = tpu.memref_slice %arg17[%dma_start3A_464, %dma_start3A_465] : memref<10240x128xf32, #tpu.memory_space<vmem_shared>> -> memref<10240x128xf32, #tpu.memory_space<vmem_shared>>
      tpu.enqueue_indirect_dma source(%arg9 : memref<128x128xf32, #tpu.memory_space<vmem>>) target(%dma_start3A_466 : memref<10240x128xf32, #tpu.memory_space<vmem_shared>>) offsets(%dma_start3A_463 : memref<128xi32, #tpu.memory_space<vmem>>) semaphore(%arg14 : memref<!tpu.dma_semaphore, #tpu.memory_space<semaphore_mem>>) {add = true}
      %dma_wait3A_467 = arith.constant 5 : i32
      %dma_wait3A_468 = arith.constant 0 : i32
      %dma_wait3A_469 = tpu.memref_slice %arg7[%dma_wait3A_467, %dma_wait3A_468] : memref<16x128xi32, #tpu.memory_space<vmem>> -> memref<1x128xi32, #tpu.memory_space<vmem>>
      %dma_wait3A_470 = tpu.memref_squeeze %dma_wait3A_469 : memref<1x128xi32, #tpu.memory_space<vmem>> -> memref<128xi32, #tpu.memory_space<vmem>>
      %dma_wait3A_471 = arith.constant 0 : i32
      %dma_wait3A_472 = arith.constant 0 : i32
      %dma_wait3A_473 = tpu.memref_slice %arg17[%dma_wait3A_471, %dma_wait3A_472] : memref<10240x128xf32, #tpu.memory_space<vmem_shared>> -> memref<10240x128xf32, #tpu.memory_space<vmem_shared>>
      tpu.wait_indirect_dma semaphore(%arg14 : memref<!tpu.dma_semaphore, #tpu.memory_space<semaphore_mem>>) src(%arg9 : memref<128x128xf32, #tpu.memory_space<vmem>>) dst(%dma_wait3A_473 : memref<10240x128xf32, #tpu.memory_space<vmem_shared>>)
      %dma_start3A_474 = arith.constant 7 : i32
      %dma_start3A_475 = arith.constant 0 : i32
      %dma_start3A_476 = tpu.memref_slice %arg6[%dma_start3A_474, %dma_start3A_475] : memref<16x128xi32, #tpu.memory_space<vmem>> -> memref<1x128xi32, #tpu.memory_space<vmem>>
      %dma_start3A_477 = tpu.memref_squeeze %dma_start3A_476 : memref<1x128xi32, #tpu.memory_space<vmem>> -> memref<128xi32, #tpu.memory_space<vmem>>
      %dma_start3A_478 = arith.constant 0 : i32
      %dma_start3A_479 = arith.constant 0 : i32
      %dma_start3A_480 = tpu.memref_slice %arg2[%dma_start3A_478, %dma_start3A_479] : memref<10240x128xf32, #tpu.memory_space<hbm>> -> memref<10240x128xf32, #tpu.memory_space<hbm>>
      tpu.enqueue_indirect_dma source(%dma_start3A_480 : memref<10240x128xf32, #tpu.memory_space<hbm>>) target(%arg9 : memref<128x128xf32, #tpu.memory_space<vmem>>) offsets(%dma_start3A_477 : memref<128xi32, #tpu.memory_space<vmem>>) semaphore(%arg12 : memref<!tpu.dma_semaphore, #tpu.memory_space<semaphore_mem>>)
      %dma_wait3A_481 = arith.constant 6 : i32
      %dma_wait3A_482 = arith.constant 0 : i32
      %dma_wait3A_483 = tpu.memref_slice %arg6[%dma_wait3A_481, %dma_wait3A_482] : memref<16x128xi32, #tpu.memory_space<vmem>> -> memref<1x128xi32, #tpu.memory_space<vmem>>
      %dma_wait3A_484 = tpu.memref_squeeze %dma_wait3A_483 : memref<1x128xi32, #tpu.memory_space<vmem>> -> memref<128xi32, #tpu.memory_space<vmem>>
      %dma_wait3A_485 = arith.constant 0 : i32
      %dma_wait3A_486 = arith.constant 0 : i32
      %dma_wait3A_487 = tpu.memref_slice %arg2[%dma_wait3A_485, %dma_wait3A_486] : memref<10240x128xf32, #tpu.memory_space<hbm>> -> memref<10240x128xf32, #tpu.memory_space<hbm>>
      tpu.wait_indirect_dma semaphore(%arg11 : memref<!tpu.dma_semaphore, #tpu.memory_space<semaphore_mem>>) src(%dma_wait3A_487 : memref<10240x128xf32, #tpu.memory_space<hbm>>) dst(%arg8 : memref<128x128xf32, #tpu.memory_space<vmem>>)
      %dma_start3A_488 = arith.constant 6 : i32
      %dma_start3A_489 = arith.constant 0 : i32
      %dma_start3A_490 = tpu.memref_slice %arg7[%dma_start3A_488, %dma_start3A_489] : memref<16x128xi32, #tpu.memory_space<vmem>> -> memref<1x128xi32, #tpu.memory_space<vmem>>
      %dma_start3A_491 = tpu.memref_squeeze %dma_start3A_490 : memref<1x128xi32, #tpu.memory_space<vmem>> -> memref<128xi32, #tpu.memory_space<vmem>>
      %dma_start3A_492 = arith.constant 0 : i32
      %dma_start3A_493 = arith.constant 0 : i32
      %dma_start3A_494 = tpu.memref_slice %arg17[%dma_start3A_492, %dma_start3A_493] : memref<10240x128xf32, #tpu.memory_space<vmem_shared>> -> memref<10240x128xf32, #tpu.memory_space<vmem_shared>>
      tpu.enqueue_indirect_dma source(%arg8 : memref<128x128xf32, #tpu.memory_space<vmem>>) target(%dma_start3A_494 : memref<10240x128xf32, #tpu.memory_space<vmem_shared>>) offsets(%dma_start3A_491 : memref<128xi32, #tpu.memory_space<vmem>>) semaphore(%arg13 : memref<!tpu.dma_semaphore, #tpu.memory_space<semaphore_mem>>) {add = true}
      %dma_wait3A_495 = arith.constant 6 : i32
      %dma_wait3A_496 = arith.constant 0 : i32
      %dma_wait3A_497 = tpu.memref_slice %arg7[%dma_wait3A_495, %dma_wait3A_496] : memref<16x128xi32, #tpu.memory_space<vmem>> -> memref<1x128xi32, #tpu.memory_space<vmem>>
      %dma_wait3A_498 = tpu.memref_squeeze %dma_wait3A_497 : memref<1x128xi32, #tpu.memory_space<vmem>> -> memref<128xi32, #tpu.memory_space<vmem>>
      %dma_wait3A_499 = arith.constant 0 : i32
      %dma_wait3A_500 = arith.constant 0 : i32
      %dma_wait3A_501 = tpu.memref_slice %arg17[%dma_wait3A_499, %dma_wait3A_500] : memref<10240x128xf32, #tpu.memory_space<vmem_shared>> -> memref<10240x128xf32, #tpu.memory_space<vmem_shared>>
      tpu.wait_indirect_dma semaphore(%arg13 : memref<!tpu.dma_semaphore, #tpu.memory_space<semaphore_mem>>) src(%arg8 : memref<128x128xf32, #tpu.memory_space<vmem>>) dst(%dma_wait3A_501 : memref<10240x128xf32, #tpu.memory_space<vmem_shared>>)
      %dma_start3A_502 = arith.constant 8 : i32
      %dma_start3A_503 = arith.constant 0 : i32
      %dma_start3A_504 = tpu.memref_slice %arg6[%dma_start3A_502, %dma_start3A_503] : memref<16x128xi32, #tpu.memory_space<vmem>> -> memref<1x128xi32, #tpu.memory_space<vmem>>
      %dma_start3A_505 = tpu.memref_squeeze %dma_start3A_504 : memref<1x128xi32, #tpu.memory_space<vmem>> -> memref<128xi32, #tpu.memory_space<vmem>>
      %dma_start3A_506 = arith.constant 0 : i32
      %dma_start3A_507 = arith.constant 0 : i32
      %dma_start3A_508 = tpu.memref_slice %arg2[%dma_start3A_506, %dma_start3A_507] : memref<10240x128xf32, #tpu.memory_space<hbm>> -> memref<10240x128xf32, #tpu.memory_space<hbm>>
      tpu.enqueue_indirect_dma source(%dma_start3A_508 : memref<10240x128xf32, #tpu.memory_space<hbm>>) target(%arg8 : memref<128x128xf32, #tpu.memory_space<vmem>>) offsets(%dma_start3A_505 : memref<128xi32, #tpu.memory_space<vmem>>) semaphore(%arg11 : memref<!tpu.dma_semaphore, #tpu.memory_space<semaphore_mem>>)
      %dma_wait3A_509 = arith.constant 7 : i32
      %dma_wait3A_510 = arith.constant 0 : i32
      %dma_wait3A_511 = tpu.memref_slice %arg6[%dma_wait3A_509, %dma_wait3A_510] : memref<16x128xi32, #tpu.memory_space<vmem>> -> memref<1x128xi32, #tpu.memory_space<vmem>>
      %dma_wait3A_512 = tpu.memref_squeeze %dma_wait3A_511 : memref<1x128xi32, #tpu.memory_space<vmem>> -> memref<128xi32, #tpu.memory_space<vmem>>
      %dma_wait3A_513 = arith.constant 0 : i32
      %dma_wait3A_514 = arith.constant 0 : i32
      %dma_wait3A_515 = tpu.memref_slice %arg2[%dma_wait3A_513, %dma_wait3A_514] : memref<10240x128xf32, #tpu.memory_space<hbm>> -> memref<10240x128xf32, #tpu.memory_space<hbm>>
      tpu.wait_indirect_dma semaphore(%arg12 : memref<!tpu.dma_semaphore, #tpu.memory_space<semaphore_mem>>) src(%dma_wait3A_515 : memref<10240x128xf32, #tpu.memory_space<hbm>>) dst(%arg9 : memref<128x128xf32, #tpu.memory_space<vmem>>)
      %dma_start3A_516 = arith.constant 7 : i32
      %dma_start3A_517 = arith.constant 0 : i32
      %dma_start3A_518 = tpu.memref_slice %arg7[%dma_start3A_516, %dma_start3A_517] : memref<16x128xi32, #tpu.memory_space<vmem>> -> memref<1x128xi32, #tpu.memory_space<vmem>>
      %dma_start3A_519 = tpu.memref_squeeze %dma_start3A_518 : memref<1x128xi32, #tpu.memory_space<vmem>> -> memref<128xi32, #tpu.memory_space<vmem>>
      %dma_start3A_520 = arith.constant 0 : i32
      %dma_start3A_521 = arith.constant 0 : i32
      %dma_start3A_522 = tpu.memref_slice %arg17[%dma_start3A_520, %dma_start3A_521] : memref<10240x128xf32, #tpu.memory_space<vmem_shared>> -> memref<10240x128xf32, #tpu.memory_space<vmem_shared>>
      tpu.enqueue_indirect_dma source(%arg9 : memref<128x128xf32, #tpu.memory_space<vmem>>) target(%dma_start3A_522 : memref<10240x128xf32, #tpu.memory_space<vmem_shared>>) offsets(%dma_start3A_519 : memref<128xi32, #tpu.memory_space<vmem>>) semaphore(%arg14 : memref<!tpu.dma_semaphore, #tpu.memory_space<semaphore_mem>>) {add = true}
      %dma_wait3A_523 = arith.constant 7 : i32
      %dma_wait3A_524 = arith.constant 0 : i32
      %dma_wait3A_525 = tpu.memref_slice %arg7[%dma_wait3A_523, %dma_wait3A_524] : memref<16x128xi32, #tpu.memory_space<vmem>> -> memref<1x128xi32, #tpu.memory_space<vmem>>
      %dma_wait3A_526 = tpu.memref_squeeze %dma_wait3A_525 : memref<1x128xi32, #tpu.memory_space<vmem>> -> memref<128xi32, #tpu.memory_space<vmem>>
      %dma_wait3A_527 = arith.constant 0 : i32
      %dma_wait3A_528 = arith.constant 0 : i32
      %dma_wait3A_529 = tpu.memref_slice %arg17[%dma_wait3A_527, %dma_wait3A_528] : memref<10240x128xf32, #tpu.memory_space<vmem_shared>> -> memref<10240x128xf32, #tpu.memory_space<vmem_shared>>
      tpu.wait_indirect_dma semaphore(%arg14 : memref<!tpu.dma_semaphore, #tpu.memory_space<semaphore_mem>>) src(%arg9 : memref<128x128xf32, #tpu.memory_space<vmem>>) dst(%dma_wait3A_529 : memref<10240x128xf32, #tpu.memory_space<vmem_shared>>)
      %dma_start3A_530 = arith.constant 9 : i32
      %dma_start3A_531 = arith.constant 0 : i32
      %dma_start3A_532 = tpu.memref_slice %arg6[%dma_start3A_530, %dma_start3A_531] : memref<16x128xi32, #tpu.memory_space<vmem>> -> memref<1x128xi32, #tpu.memory_space<vmem>>
      %dma_start3A_533 = tpu.memref_squeeze %dma_start3A_532 : memref<1x128xi32, #tpu.memory_space<vmem>> -> memref<128xi32, #tpu.memory_space<vmem>>
      %dma_start3A_534 = arith.constant 0 : i32
      %dma_start3A_535 = arith.constant 0 : i32
      %dma_start3A_536 = tpu.memref_slice %arg2[%dma_start3A_534, %dma_start3A_535] : memref<10240x128xf32, #tpu.memory_space<hbm>> -> memref<10240x128xf32, #tpu.memory_space<hbm>>
      tpu.enqueue_indirect_dma source(%dma_start3A_536 : memref<10240x128xf32, #tpu.memory_space<hbm>>) target(%arg9 : memref<128x128xf32, #tpu.memory_space<vmem>>) offsets(%dma_start3A_533 : memref<128xi32, #tpu.memory_space<vmem>>) semaphore(%arg12 : memref<!tpu.dma_semaphore, #tpu.memory_space<semaphore_mem>>)
      %dma_wait3A_537 = arith.constant 8 : i32
      %dma_wait3A_538 = arith.constant 0 : i32
      %dma_wait3A_539 = tpu.memref_slice %arg6[%dma_wait3A_537, %dma_wait3A_538] : memref<16x128xi32, #tpu.memory_space<vmem>> -> memref<1x128xi32, #tpu.memory_space<vmem>>
      %dma_wait3A_540 = tpu.memref_squeeze %dma_wait3A_539 : memref<1x128xi32, #tpu.memory_space<vmem>> -> memref<128xi32, #tpu.memory_space<vmem>>
      %dma_wait3A_541 = arith.constant 0 : i32
      %dma_wait3A_542 = arith.constant 0 : i32
      %dma_wait3A_543 = tpu.memref_slice %arg2[%dma_wait3A_541, %dma_wait3A_542] : memref<10240x128xf32, #tpu.memory_space<hbm>> -> memref<10240x128xf32, #tpu.memory_space<hbm>>
      tpu.wait_indirect_dma semaphore(%arg11 : memref<!tpu.dma_semaphore, #tpu.memory_space<semaphore_mem>>) src(%dma_wait3A_543 : memref<10240x128xf32, #tpu.memory_space<hbm>>) dst(%arg8 : memref<128x128xf32, #tpu.memory_space<vmem>>)
      %dma_start3A_544 = arith.constant 8 : i32
      %dma_start3A_545 = arith.constant 0 : i32
      %dma_start3A_546 = tpu.memref_slice %arg7[%dma_start3A_544, %dma_start3A_545] : memref<16x128xi32, #tpu.memory_space<vmem>> -> memref<1x128xi32, #tpu.memory_space<vmem>>
      %dma_start3A_547 = tpu.memref_squeeze %dma_start3A_546 : memref<1x128xi32, #tpu.memory_space<vmem>> -> memref<128xi32, #tpu.memory_space<vmem>>
      %dma_start3A_548 = arith.constant 0 : i32
      %dma_start3A_549 = arith.constant 0 : i32
      %dma_start3A_550 = tpu.memref_slice %arg17[%dma_start3A_548, %dma_start3A_549] : memref<10240x128xf32, #tpu.memory_space<vmem_shared>> -> memref<10240x128xf32, #tpu.memory_space<vmem_shared>>
      tpu.enqueue_indirect_dma source(%arg8 : memref<128x128xf32, #tpu.memory_space<vmem>>) target(%dma_start3A_550 : memref<10240x128xf32, #tpu.memory_space<vmem_shared>>) offsets(%dma_start3A_547 : memref<128xi32, #tpu.memory_space<vmem>>) semaphore(%arg13 : memref<!tpu.dma_semaphore, #tpu.memory_space<semaphore_mem>>) {add = true}
      %dma_wait3A_551 = arith.constant 8 : i32
      %dma_wait3A_552 = arith.constant 0 : i32
      %dma_wait3A_553 = tpu.memref_slice %arg7[%dma_wait3A_551, %dma_wait3A_552] : memref<16x128xi32, #tpu.memory_space<vmem>> -> memref<1x128xi32, #tpu.memory_space<vmem>>
      %dma_wait3A_554 = tpu.memref_squeeze %dma_wait3A_553 : memref<1x128xi32, #tpu.memory_space<vmem>> -> memref<128xi32, #tpu.memory_space<vmem>>
      %dma_wait3A_555 = arith.constant 0 : i32
      %dma_wait3A_556 = arith.constant 0 : i32
      %dma_wait3A_557 = tpu.memref_slice %arg17[%dma_wait3A_555, %dma_wait3A_556] : memref<10240x128xf32, #tpu.memory_space<vmem_shared>> -> memref<10240x128xf32, #tpu.memory_space<vmem_shared>>
      tpu.wait_indirect_dma semaphore(%arg13 : memref<!tpu.dma_semaphore, #tpu.memory_space<semaphore_mem>>) src(%arg8 : memref<128x128xf32, #tpu.memory_space<vmem>>) dst(%dma_wait3A_557 : memref<10240x128xf32, #tpu.memory_space<vmem_shared>>)
      %dma_start3A_558 = arith.constant 10 : i32
      %dma_start3A_559 = arith.constant 0 : i32
      %dma_start3A_560 = tpu.memref_slice %arg6[%dma_start3A_558, %dma_start3A_559] : memref<16x128xi32, #tpu.memory_space<vmem>> -> memref<1x128xi32, #tpu.memory_space<vmem>>
      %dma_start3A_561 = tpu.memref_squeeze %dma_start3A_560 : memref<1x128xi32, #tpu.memory_space<vmem>> -> memref<128xi32, #tpu.memory_space<vmem>>
      %dma_start3A_562 = arith.constant 0 : i32
      %dma_start3A_563 = arith.constant 0 : i32
      %dma_start3A_564 = tpu.memref_slice %arg2[%dma_start3A_562, %dma_start3A_563] : memref<10240x128xf32, #tpu.memory_space<hbm>> -> memref<10240x128xf32, #tpu.memory_space<hbm>>
      tpu.enqueue_indirect_dma source(%dma_start3A_564 : memref<10240x128xf32, #tpu.memory_space<hbm>>) target(%arg8 : memref<128x128xf32, #tpu.memory_space<vmem>>) offsets(%dma_start3A_561 : memref<128xi32, #tpu.memory_space<vmem>>) semaphore(%arg11 : memref<!tpu.dma_semaphore, #tpu.memory_space<semaphore_mem>>)
      %dma_wait3A_565 = arith.constant 9 : i32
      %dma_wait3A_566 = arith.constant 0 : i32
      %dma_wait3A_567 = tpu.memref_slice %arg6[%dma_wait3A_565, %dma_wait3A_566] : memref<16x128xi32, #tpu.memory_space<vmem>> -> memref<1x128xi32, #tpu.memory_space<vmem>>
      %dma_wait3A_568 = tpu.memref_squeeze %dma_wait3A_567 : memref<1x128xi32, #tpu.memory_space<vmem>> -> memref<128xi32, #tpu.memory_space<vmem>>
      %dma_wait3A_569 = arith.constant 0 : i32
      %dma_wait3A_570 = arith.constant 0 : i32
      %dma_wait3A_571 = tpu.memref_slice %arg2[%dma_wait3A_569, %dma_wait3A_570] : memref<10240x128xf32, #tpu.memory_space<hbm>> -> memref<10240x128xf32, #tpu.memory_space<hbm>>
      tpu.wait_indirect_dma semaphore(%arg12 : memref<!tpu.dma_semaphore, #tpu.memory_space<semaphore_mem>>) src(%dma_wait3A_571 : memref<10240x128xf32, #tpu.memory_space<hbm>>) dst(%arg9 : memref<128x128xf32, #tpu.memory_space<vmem>>)
      %dma_start3A_572 = arith.constant 9 : i32
      %dma_start3A_573 = arith.constant 0 : i32
      %dma_start3A_574 = tpu.memref_slice %arg7[%dma_start3A_572, %dma_start3A_573] : memref<16x128xi32, #tpu.memory_space<vmem>> -> memref<1x128xi32, #tpu.memory_space<vmem>>
      %dma_start3A_575 = tpu.memref_squeeze %dma_start3A_574 : memref<1x128xi32, #tpu.memory_space<vmem>> -> memref<128xi32, #tpu.memory_space<vmem>>
      %dma_start3A_576 = arith.constant 0 : i32
      %dma_start3A_577 = arith.constant 0 : i32
      %dma_start3A_578 = tpu.memref_slice %arg17[%dma_start3A_576, %dma_start3A_577] : memref<10240x128xf32, #tpu.memory_space<vmem_shared>> -> memref<10240x128xf32, #tpu.memory_space<vmem_shared>>
      tpu.enqueue_indirect_dma source(%arg9 : memref<128x128xf32, #tpu.memory_space<vmem>>) target(%dma_start3A_578 : memref<10240x128xf32, #tpu.memory_space<vmem_shared>>) offsets(%dma_start3A_575 : memref<128xi32, #tpu.memory_space<vmem>>) semaphore(%arg14 : memref<!tpu.dma_semaphore, #tpu.memory_space<semaphore_mem>>) {add = true}
      %dma_wait3A_579 = arith.constant 9 : i32
      %dma_wait3A_580 = arith.constant 0 : i32
      %dma_wait3A_581 = tpu.memref_slice %arg7[%dma_wait3A_579, %dma_wait3A_580] : memref<16x128xi32, #tpu.memory_space<vmem>> -> memref<1x128xi32, #tpu.memory_space<vmem>>
      %dma_wait3A_582 = tpu.memref_squeeze %dma_wait3A_581 : memref<1x128xi32, #tpu.memory_space<vmem>> -> memref<128xi32, #tpu.memory_space<vmem>>
      %dma_wait3A_583 = arith.constant 0 : i32
      %dma_wait3A_584 = arith.constant 0 : i32
      %dma_wait3A_585 = tpu.memref_slice %arg17[%dma_wait3A_583, %dma_wait3A_584] : memref<10240x128xf32, #tpu.memory_space<vmem_shared>> -> memref<10240x128xf32, #tpu.memory_space<vmem_shared>>
      tpu.wait_indirect_dma semaphore(%arg14 : memref<!tpu.dma_semaphore, #tpu.memory_space<semaphore_mem>>) src(%arg9 : memref<128x128xf32, #tpu.memory_space<vmem>>) dst(%dma_wait3A_585 : memref<10240x128xf32, #tpu.memory_space<vmem_shared>>)
      %dma_start3A_586 = arith.constant 11 : i32
      %dma_start3A_587 = arith.constant 0 : i32
      %dma_start3A_588 = tpu.memref_slice %arg6[%dma_start3A_586, %dma_start3A_587] : memref<16x128xi32, #tpu.memory_space<vmem>> -> memref<1x128xi32, #tpu.memory_space<vmem>>
      %dma_start3A_589 = tpu.memref_squeeze %dma_start3A_588 : memref<1x128xi32, #tpu.memory_space<vmem>> -> memref<128xi32, #tpu.memory_space<vmem>>
      %dma_start3A_590 = arith.constant 0 : i32
      %dma_start3A_591 = arith.constant 0 : i32
      %dma_start3A_592 = tpu.memref_slice %arg2[%dma_start3A_590, %dma_start3A_591] : memref<10240x128xf32, #tpu.memory_space<hbm>> -> memref<10240x128xf32, #tpu.memory_space<hbm>>
      tpu.enqueue_indirect_dma source(%dma_start3A_592 : memref<10240x128xf32, #tpu.memory_space<hbm>>) target(%arg9 : memref<128x128xf32, #tpu.memory_space<vmem>>) offsets(%dma_start3A_589 : memref<128xi32, #tpu.memory_space<vmem>>) semaphore(%arg12 : memref<!tpu.dma_semaphore, #tpu.memory_space<semaphore_mem>>)
      %dma_wait3A_593 = arith.constant 10 : i32
      %dma_wait3A_594 = arith.constant 0 : i32
      %dma_wait3A_595 = tpu.memref_slice %arg6[%dma_wait3A_593, %dma_wait3A_594] : memref<16x128xi32, #tpu.memory_space<vmem>> -> memref<1x128xi32, #tpu.memory_space<vmem>>
      %dma_wait3A_596 = tpu.memref_squeeze %dma_wait3A_595 : memref<1x128xi32, #tpu.memory_space<vmem>> -> memref<128xi32, #tpu.memory_space<vmem>>
      %dma_wait3A_597 = arith.constant 0 : i32
      %dma_wait3A_598 = arith.constant 0 : i32
      %dma_wait3A_599 = tpu.memref_slice %arg2[%dma_wait3A_597, %dma_wait3A_598] : memref<10240x128xf32, #tpu.memory_space<hbm>> -> memref<10240x128xf32, #tpu.memory_space<hbm>>
      tpu.wait_indirect_dma semaphore(%arg11 : memref<!tpu.dma_semaphore, #tpu.memory_space<semaphore_mem>>) src(%dma_wait3A_599 : memref<10240x128xf32, #tpu.memory_space<hbm>>) dst(%arg8 : memref<128x128xf32, #tpu.memory_space<vmem>>)
      %dma_start3A_600 = arith.constant 10 : i32
      %dma_start3A_601 = arith.constant 0 : i32
      %dma_start3A_602 = tpu.memref_slice %arg7[%dma_start3A_600, %dma_start3A_601] : memref<16x128xi32, #tpu.memory_space<vmem>> -> memref<1x128xi32, #tpu.memory_space<vmem>>
      %dma_start3A_603 = tpu.memref_squeeze %dma_start3A_602 : memref<1x128xi32, #tpu.memory_space<vmem>> -> memref<128xi32, #tpu.memory_space<vmem>>
      %dma_start3A_604 = arith.constant 0 : i32
      %dma_start3A_605 = arith.constant 0 : i32
      %dma_start3A_606 = tpu.memref_slice %arg17[%dma_start3A_604, %dma_start3A_605] : memref<10240x128xf32, #tpu.memory_space<vmem_shared>> -> memref<10240x128xf32, #tpu.memory_space<vmem_shared>>
      tpu.enqueue_indirect_dma source(%arg8 : memref<128x128xf32, #tpu.memory_space<vmem>>) target(%dma_start3A_606 : memref<10240x128xf32, #tpu.memory_space<vmem_shared>>) offsets(%dma_start3A_603 : memref<128xi32, #tpu.memory_space<vmem>>) semaphore(%arg13 : memref<!tpu.dma_semaphore, #tpu.memory_space<semaphore_mem>>) {add = true}
      %dma_wait3A_607 = arith.constant 10 : i32
      %dma_wait3A_608 = arith.constant 0 : i32
      %dma_wait3A_609 = tpu.memref_slice %arg7[%dma_wait3A_607, %dma_wait3A_608] : memref<16x128xi32, #tpu.memory_space<vmem>> -> memref<1x128xi32, #tpu.memory_space<vmem>>
      %dma_wait3A_610 = tpu.memref_squeeze %dma_wait3A_609 : memref<1x128xi32, #tpu.memory_space<vmem>> -> memref<128xi32, #tpu.memory_space<vmem>>
      %dma_wait3A_611 = arith.constant 0 : i32
      %dma_wait3A_612 = arith.constant 0 : i32
      %dma_wait3A_613 = tpu.memref_slice %arg17[%dma_wait3A_611, %dma_wait3A_612] : memref<10240x128xf32, #tpu.memory_space<vmem_shared>> -> memref<10240x128xf32, #tpu.memory_space<vmem_shared>>
      tpu.wait_indirect_dma semaphore(%arg13 : memref<!tpu.dma_semaphore, #tpu.memory_space<semaphore_mem>>) src(%arg8 : memref<128x128xf32, #tpu.memory_space<vmem>>) dst(%dma_wait3A_613 : memref<10240x128xf32, #tpu.memory_space<vmem_shared>>)
      %dma_start3A_614 = arith.constant 12 : i32
      %dma_start3A_615 = arith.constant 0 : i32
      %dma_start3A_616 = tpu.memref_slice %arg6[%dma_start3A_614, %dma_start3A_615] : memref<16x128xi32, #tpu.memory_space<vmem>> -> memref<1x128xi32, #tpu.memory_space<vmem>>
      %dma_start3A_617 = tpu.memref_squeeze %dma_start3A_616 : memref<1x128xi32, #tpu.memory_space<vmem>> -> memref<128xi32, #tpu.memory_space<vmem>>
      %dma_start3A_618 = arith.constant 0 : i32
      %dma_start3A_619 = arith.constant 0 : i32
      %dma_start3A_620 = tpu.memref_slice %arg2[%dma_start3A_618, %dma_start3A_619] : memref<10240x128xf32, #tpu.memory_space<hbm>> -> memref<10240x128xf32, #tpu.memory_space<hbm>>
      tpu.enqueue_indirect_dma source(%dma_start3A_620 : memref<10240x128xf32, #tpu.memory_space<hbm>>) target(%arg8 : memref<128x128xf32, #tpu.memory_space<vmem>>) offsets(%dma_start3A_617 : memref<128xi32, #tpu.memory_space<vmem>>) semaphore(%arg11 : memref<!tpu.dma_semaphore, #tpu.memory_space<semaphore_mem>>)
      %dma_wait3A_621 = arith.constant 11 : i32
      %dma_wait3A_622 = arith.constant 0 : i32
      %dma_wait3A_623 = tpu.memref_slice %arg6[%dma_wait3A_621, %dma_wait3A_622] : memref<16x128xi32, #tpu.memory_space<vmem>> -> memref<1x128xi32, #tpu.memory_space<vmem>>
      %dma_wait3A_624 = tpu.memref_squeeze %dma_wait3A_623 : memref<1x128xi32, #tpu.memory_space<vmem>> -> memref<128xi32, #tpu.memory_space<vmem>>
      %dma_wait3A_625 = arith.constant 0 : i32
      %dma_wait3A_626 = arith.constant 0 : i32
      %dma_wait3A_627 = tpu.memref_slice %arg2[%dma_wait3A_625, %dma_wait3A_626] : memref<10240x128xf32, #tpu.memory_space<hbm>> -> memref<10240x128xf32, #tpu.memory_space<hbm>>
      tpu.wait_indirect_dma semaphore(%arg12 : memref<!tpu.dma_semaphore, #tpu.memory_space<semaphore_mem>>) src(%dma_wait3A_627 : memref<10240x128xf32, #tpu.memory_space<hbm>>) dst(%arg9 : memref<128x128xf32, #tpu.memory_space<vmem>>)
      %dma_start3A_628 = arith.constant 11 : i32
      %dma_start3A_629 = arith.constant 0 : i32
      %dma_start3A_630 = tpu.memref_slice %arg7[%dma_start3A_628, %dma_start3A_629] : memref<16x128xi32, #tpu.memory_space<vmem>> -> memref<1x128xi32, #tpu.memory_space<vmem>>
      %dma_start3A_631 = tpu.memref_squeeze %dma_start3A_630 : memref<1x128xi32, #tpu.memory_space<vmem>> -> memref<128xi32, #tpu.memory_space<vmem>>
      %dma_start3A_632 = arith.constant 0 : i32
      %dma_start3A_633 = arith.constant 0 : i32
      %dma_start3A_634 = tpu.memref_slice %arg17[%dma_start3A_632, %dma_start3A_633] : memref<10240x128xf32, #tpu.memory_space<vmem_shared>> -> memref<10240x128xf32, #tpu.memory_space<vmem_shared>>
      tpu.enqueue_indirect_dma source(%arg9 : memref<128x128xf32, #tpu.memory_space<vmem>>) target(%dma_start3A_634 : memref<10240x128xf32, #tpu.memory_space<vmem_shared>>) offsets(%dma_start3A_631 : memref<128xi32, #tpu.memory_space<vmem>>) semaphore(%arg14 : memref<!tpu.dma_semaphore, #tpu.memory_space<semaphore_mem>>) {add = true}
      %dma_wait3A_635 = arith.constant 11 : i32
      %dma_wait3A_636 = arith.constant 0 : i32
      %dma_wait3A_637 = tpu.memref_slice %arg7[%dma_wait3A_635, %dma_wait3A_636] : memref<16x128xi32, #tpu.memory_space<vmem>> -> memref<1x128xi32, #tpu.memory_space<vmem>>
      %dma_wait3A_638 = tpu.memref_squeeze %dma_wait3A_637 : memref<1x128xi32, #tpu.memory_space<vmem>> -> memref<128xi32, #tpu.memory_space<vmem>>
      %dma_wait3A_639 = arith.constant 0 : i32
      %dma_wait3A_640 = arith.constant 0 : i32
      %dma_wait3A_641 = tpu.memref_slice %arg17[%dma_wait3A_639, %dma_wait3A_640] : memref<10240x128xf32, #tpu.memory_space<vmem_shared>> -> memref<10240x128xf32, #tpu.memory_space<vmem_shared>>
      tpu.wait_indirect_dma semaphore(%arg14 : memref<!tpu.dma_semaphore, #tpu.memory_space<semaphore_mem>>) src(%arg9 : memref<128x128xf32, #tpu.memory_space<vmem>>) dst(%dma_wait3A_641 : memref<10240x128xf32, #tpu.memory_space<vmem_shared>>)
      %dma_start3A_642 = arith.constant 13 : i32
      %dma_start3A_643 = arith.constant 0 : i32
      %dma_start3A_644 = tpu.memref_slice %arg6[%dma_start3A_642, %dma_start3A_643] : memref<16x128xi32, #tpu.memory_space<vmem>> -> memref<1x128xi32, #tpu.memory_space<vmem>>
      %dma_start3A_645 = tpu.memref_squeeze %dma_start3A_644 : memref<1x128xi32, #tpu.memory_space<vmem>> -> memref<128xi32, #tpu.memory_space<vmem>>
      %dma_start3A_646 = arith.constant 0 : i32
      %dma_start3A_647 = arith.constant 0 : i32
      %dma_start3A_648 = tpu.memref_slice %arg2[%dma_start3A_646, %dma_start3A_647] : memref<10240x128xf32, #tpu.memory_space<hbm>> -> memref<10240x128xf32, #tpu.memory_space<hbm>>
      tpu.enqueue_indirect_dma source(%dma_start3A_648 : memref<10240x128xf32, #tpu.memory_space<hbm>>) target(%arg9 : memref<128x128xf32, #tpu.memory_space<vmem>>) offsets(%dma_start3A_645 : memref<128xi32, #tpu.memory_space<vmem>>) semaphore(%arg12 : memref<!tpu.dma_semaphore, #tpu.memory_space<semaphore_mem>>)
      %dma_wait3A_649 = arith.constant 12 : i32
      %dma_wait3A_650 = arith.constant 0 : i32
      %dma_wait3A_651 = tpu.memref_slice %arg6[%dma_wait3A_649, %dma_wait3A_650] : memref<16x128xi32, #tpu.memory_space<vmem>> -> memref<1x128xi32, #tpu.memory_space<vmem>>
      %dma_wait3A_652 = tpu.memref_squeeze %dma_wait3A_651 : memref<1x128xi32, #tpu.memory_space<vmem>> -> memref<128xi32, #tpu.memory_space<vmem>>
      %dma_wait3A_653 = arith.constant 0 : i32
      %dma_wait3A_654 = arith.constant 0 : i32
      %dma_wait3A_655 = tpu.memref_slice %arg2[%dma_wait3A_653, %dma_wait3A_654] : memref<10240x128xf32, #tpu.memory_space<hbm>> -> memref<10240x128xf32, #tpu.memory_space<hbm>>
      tpu.wait_indirect_dma semaphore(%arg11 : memref<!tpu.dma_semaphore, #tpu.memory_space<semaphore_mem>>) src(%dma_wait3A_655 : memref<10240x128xf32, #tpu.memory_space<hbm>>) dst(%arg8 : memref<128x128xf32, #tpu.memory_space<vmem>>)
      %dma_start3A_656 = arith.constant 12 : i32
      %dma_start3A_657 = arith.constant 0 : i32
      %dma_start3A_658 = tpu.memref_slice %arg7[%dma_start3A_656, %dma_start3A_657] : memref<16x128xi32, #tpu.memory_space<vmem>> -> memref<1x128xi32, #tpu.memory_space<vmem>>
      %dma_start3A_659 = tpu.memref_squeeze %dma_start3A_658 : memref<1x128xi32, #tpu.memory_space<vmem>> -> memref<128xi32, #tpu.memory_space<vmem>>
      %dma_start3A_660 = arith.constant 0 : i32
      %dma_start3A_661 = arith.constant 0 : i32
      %dma_start3A_662 = tpu.memref_slice %arg17[%dma_start3A_660, %dma_start3A_661] : memref<10240x128xf32, #tpu.memory_space<vmem_shared>> -> memref<10240x128xf32, #tpu.memory_space<vmem_shared>>
      tpu.enqueue_indirect_dma source(%arg8 : memref<128x128xf32, #tpu.memory_space<vmem>>) target(%dma_start3A_662 : memref<10240x128xf32, #tpu.memory_space<vmem_shared>>) offsets(%dma_start3A_659 : memref<128xi32, #tpu.memory_space<vmem>>) semaphore(%arg13 : memref<!tpu.dma_semaphore, #tpu.memory_space<semaphore_mem>>) {add = true}
      %dma_wait3A_663 = arith.constant 12 : i32
      %dma_wait3A_664 = arith.constant 0 : i32
      %dma_wait3A_665 = tpu.memref_slice %arg7[%dma_wait3A_663, %dma_wait3A_664] : memref<16x128xi32, #tpu.memory_space<vmem>> -> memref<1x128xi32, #tpu.memory_space<vmem>>
      %dma_wait3A_666 = tpu.memref_squeeze %dma_wait3A_665 : memref<1x128xi32, #tpu.memory_space<vmem>> -> memref<128xi32, #tpu.memory_space<vmem>>
      %dma_wait3A_667 = arith.constant 0 : i32
      %dma_wait3A_668 = arith.constant 0 : i32
      %dma_wait3A_669 = tpu.memref_slice %arg17[%dma_wait3A_667, %dma_wait3A_668] : memref<10240x128xf32, #tpu.memory_space<vmem_shared>> -> memref<10240x128xf32, #tpu.memory_space<vmem_shared>>
      tpu.wait_indirect_dma semaphore(%arg13 : memref<!tpu.dma_semaphore, #tpu.memory_space<semaphore_mem>>) src(%arg8 : memref<128x128xf32, #tpu.memory_space<vmem>>) dst(%dma_wait3A_669 : memref<10240x128xf32, #tpu.memory_space<vmem_shared>>)
      %dma_start3A_670 = arith.constant 14 : i32
      %dma_start3A_671 = arith.constant 0 : i32
      %dma_start3A_672 = tpu.memref_slice %arg6[%dma_start3A_670, %dma_start3A_671] : memref<16x128xi32, #tpu.memory_space<vmem>> -> memref<1x128xi32, #tpu.memory_space<vmem>>
      %dma_start3A_673 = tpu.memref_squeeze %dma_start3A_672 : memref<1x128xi32, #tpu.memory_space<vmem>> -> memref<128xi32, #tpu.memory_space<vmem>>
      %dma_start3A_674 = arith.constant 0 : i32
      %dma_start3A_675 = arith.constant 0 : i32
      %dma_start3A_676 = tpu.memref_slice %arg2[%dma_start3A_674, %dma_start3A_675] : memref<10240x128xf32, #tpu.memory_space<hbm>> -> memref<10240x128xf32, #tpu.memory_space<hbm>>
      tpu.enqueue_indirect_dma source(%dma_start3A_676 : memref<10240x128xf32, #tpu.memory_space<hbm>>) target(%arg8 : memref<128x128xf32, #tpu.memory_space<vmem>>) offsets(%dma_start3A_673 : memref<128xi32, #tpu.memory_space<vmem>>) semaphore(%arg11 : memref<!tpu.dma_semaphore, #tpu.memory_space<semaphore_mem>>)
      %dma_wait3A_677 = arith.constant 13 : i32
      %dma_wait3A_678 = arith.constant 0 : i32
      %dma_wait3A_679 = tpu.memref_slice %arg6[%dma_wait3A_677, %dma_wait3A_678] : memref<16x128xi32, #tpu.memory_space<vmem>> -> memref<1x128xi32, #tpu.memory_space<vmem>>
      %dma_wait3A_680 = tpu.memref_squeeze %dma_wait3A_679 : memref<1x128xi32, #tpu.memory_space<vmem>> -> memref<128xi32, #tpu.memory_space<vmem>>
      %dma_wait3A_681 = arith.constant 0 : i32
      %dma_wait3A_682 = arith.constant 0 : i32
      %dma_wait3A_683 = tpu.memref_slice %arg2[%dma_wait3A_681, %dma_wait3A_682] : memref<10240x128xf32, #tpu.memory_space<hbm>> -> memref<10240x128xf32, #tpu.memory_space<hbm>>
      tpu.wait_indirect_dma semaphore(%arg12 : memref<!tpu.dma_semaphore, #tpu.memory_space<semaphore_mem>>) src(%dma_wait3A_683 : memref<10240x128xf32, #tpu.memory_space<hbm>>) dst(%arg9 : memref<128x128xf32, #tpu.memory_space<vmem>>)
      %dma_start3A_684 = arith.constant 13 : i32
      %dma_start3A_685 = arith.constant 0 : i32
      %dma_start3A_686 = tpu.memref_slice %arg7[%dma_start3A_684, %dma_start3A_685] : memref<16x128xi32, #tpu.memory_space<vmem>> -> memref<1x128xi32, #tpu.memory_space<vmem>>
      %dma_start3A_687 = tpu.memref_squeeze %dma_start3A_686 : memref<1x128xi32, #tpu.memory_space<vmem>> -> memref<128xi32, #tpu.memory_space<vmem>>
      %dma_start3A_688 = arith.constant 0 : i32
      %dma_start3A_689 = arith.constant 0 : i32
      %dma_start3A_690 = tpu.memref_slice %arg17[%dma_start3A_688, %dma_start3A_689] : memref<10240x128xf32, #tpu.memory_space<vmem_shared>> -> memref<10240x128xf32, #tpu.memory_space<vmem_shared>>
      tpu.enqueue_indirect_dma source(%arg9 : memref<128x128xf32, #tpu.memory_space<vmem>>) target(%dma_start3A_690 : memref<10240x128xf32, #tpu.memory_space<vmem_shared>>) offsets(%dma_start3A_687 : memref<128xi32, #tpu.memory_space<vmem>>) semaphore(%arg14 : memref<!tpu.dma_semaphore, #tpu.memory_space<semaphore_mem>>) {add = true}
      %dma_wait3A_691 = arith.constant 13 : i32
      %dma_wait3A_692 = arith.constant 0 : i32
      %dma_wait3A_693 = tpu.memref_slice %arg7[%dma_wait3A_691, %dma_wait3A_692] : memref<16x128xi32, #tpu.memory_space<vmem>> -> memref<1x128xi32, #tpu.memory_space<vmem>>
      %dma_wait3A_694 = tpu.memref_squeeze %dma_wait3A_693 : memref<1x128xi32, #tpu.memory_space<vmem>> -> memref<128xi32, #tpu.memory_space<vmem>>
      %dma_wait3A_695 = arith.constant 0 : i32
      %dma_wait3A_696 = arith.constant 0 : i32
      %dma_wait3A_697 = tpu.memref_slice %arg17[%dma_wait3A_695, %dma_wait3A_696] : memref<10240x128xf32, #tpu.memory_space<vmem_shared>> -> memref<10240x128xf32, #tpu.memory_space<vmem_shared>>
      tpu.wait_indirect_dma semaphore(%arg14 : memref<!tpu.dma_semaphore, #tpu.memory_space<semaphore_mem>>) src(%arg9 : memref<128x128xf32, #tpu.memory_space<vmem>>) dst(%dma_wait3A_697 : memref<10240x128xf32, #tpu.memory_space<vmem_shared>>)
      %dma_start3A_698 = arith.constant 15 : i32
      %dma_start3A_699 = arith.constant 0 : i32
      %dma_start3A_700 = tpu.memref_slice %arg6[%dma_start3A_698, %dma_start3A_699] : memref<16x128xi32, #tpu.memory_space<vmem>> -> memref<1x128xi32, #tpu.memory_space<vmem>>
      %dma_start3A_701 = tpu.memref_squeeze %dma_start3A_700 : memref<1x128xi32, #tpu.memory_space<vmem>> -> memref<128xi32, #tpu.memory_space<vmem>>
      %dma_start3A_702 = arith.constant 0 : i32
      %dma_start3A_703 = arith.constant 0 : i32
      %dma_start3A_704 = tpu.memref_slice %arg2[%dma_start3A_702, %dma_start3A_703] : memref<10240x128xf32, #tpu.memory_space<hbm>> -> memref<10240x128xf32, #tpu.memory_space<hbm>>
      tpu.enqueue_indirect_dma source(%dma_start3A_704 : memref<10240x128xf32, #tpu.memory_space<hbm>>) target(%arg9 : memref<128x128xf32, #tpu.memory_space<vmem>>) offsets(%dma_start3A_701 : memref<128xi32, #tpu.memory_space<vmem>>) semaphore(%arg12 : memref<!tpu.dma_semaphore, #tpu.memory_space<semaphore_mem>>)
      %dma_wait3A_705 = arith.constant 14 : i32
      %dma_wait3A_706 = arith.constant 0 : i32
      %dma_wait3A_707 = tpu.memref_slice %arg6[%dma_wait3A_705, %dma_wait3A_706] : memref<16x128xi32, #tpu.memory_space<vmem>> -> memref<1x128xi32, #tpu.memory_space<vmem>>
      %dma_wait3A_708 = tpu.memref_squeeze %dma_wait3A_707 : memref<1x128xi32, #tpu.memory_space<vmem>> -> memref<128xi32, #tpu.memory_space<vmem>>
      %dma_wait3A_709 = arith.constant 0 : i32
      %dma_wait3A_710 = arith.constant 0 : i32
      %dma_wait3A_711 = tpu.memref_slice %arg2[%dma_wait3A_709, %dma_wait3A_710] : memref<10240x128xf32, #tpu.memory_space<hbm>> -> memref<10240x128xf32, #tpu.memory_space<hbm>>
      tpu.wait_indirect_dma semaphore(%arg11 : memref<!tpu.dma_semaphore, #tpu.memory_space<semaphore_mem>>) src(%dma_wait3A_711 : memref<10240x128xf32, #tpu.memory_space<hbm>>) dst(%arg8 : memref<128x128xf32, #tpu.memory_space<vmem>>)
      %dma_start3A_712 = arith.constant 14 : i32
      %dma_start3A_713 = arith.constant 0 : i32
      %dma_start3A_714 = tpu.memref_slice %arg7[%dma_start3A_712, %dma_start3A_713] : memref<16x128xi32, #tpu.memory_space<vmem>> -> memref<1x128xi32, #tpu.memory_space<vmem>>
      %dma_start3A_715 = tpu.memref_squeeze %dma_start3A_714 : memref<1x128xi32, #tpu.memory_space<vmem>> -> memref<128xi32, #tpu.memory_space<vmem>>
      %dma_start3A_716 = arith.constant 0 : i32
      %dma_start3A_717 = arith.constant 0 : i32
      %dma_start3A_718 = tpu.memref_slice %arg17[%dma_start3A_716, %dma_start3A_717] : memref<10240x128xf32, #tpu.memory_space<vmem_shared>> -> memref<10240x128xf32, #tpu.memory_space<vmem_shared>>
      tpu.enqueue_indirect_dma source(%arg8 : memref<128x128xf32, #tpu.memory_space<vmem>>) target(%dma_start3A_718 : memref<10240x128xf32, #tpu.memory_space<vmem_shared>>) offsets(%dma_start3A_715 : memref<128xi32, #tpu.memory_space<vmem>>) semaphore(%arg13 : memref<!tpu.dma_semaphore, #tpu.memory_space<semaphore_mem>>) {add = true}
      %dma_wait3A_719 = arith.constant 15 : i32
      %dma_wait3A_720 = arith.constant 0 : i32
      %dma_wait3A_721 = tpu.memref_slice %arg6[%dma_wait3A_719, %dma_wait3A_720] : memref<16x128xi32, #tpu.memory_space<vmem>> -> memref<1x128xi32, #tpu.memory_space<vmem>>
      %dma_wait3A_722 = tpu.memref_squeeze %dma_wait3A_721 : memref<1x128xi32, #tpu.memory_space<vmem>> -> memref<128xi32, #tpu.memory_space<vmem>>
      %dma_wait3A_723 = arith.constant 0 : i32
      %dma_wait3A_724 = arith.constant 0 : i32
      %dma_wait3A_725 = tpu.memref_slice %arg2[%dma_wait3A_723, %dma_wait3A_724] : memref<10240x128xf32, #tpu.memory_space<hbm>> -> memref<10240x128xf32, #tpu.memory_space<hbm>>
      tpu.wait_indirect_dma semaphore(%arg12 : memref<!tpu.dma_semaphore, #tpu.memory_space<semaphore_mem>>) src(%dma_wait3A_725 : memref<10240x128xf32, #tpu.memory_space<hbm>>) dst(%arg9 : memref<128x128xf32, #tpu.memory_space<vmem>>)
      %dma_start3A_726 = arith.constant 15 : i32
      %dma_start3A_727 = arith.constant 0 : i32
      %dma_start3A_728 = tpu.memref_slice %arg7[%dma_start3A_726, %dma_start3A_727] : memref<16x128xi32, #tpu.memory_space<vmem>> -> memref<1x128xi32, #tpu.memory_space<vmem>>
      %dma_start3A_729 = tpu.memref_squeeze %dma_start3A_728 : memref<1x128xi32, #tpu.memory_space<vmem>> -> memref<128xi32, #tpu.memory_space<vmem>>
      %dma_start3A_730 = arith.constant 0 : i32
      %dma_start3A_731 = arith.constant 0 : i32
      %dma_start3A_732 = tpu.memref_slice %arg17[%dma_start3A_730, %dma_start3A_731] : memref<10240x128xf32, #tpu.memory_space<vmem_shared>> -> memref<10240x128xf32, #tpu.memory_space<vmem_shared>>
      tpu.enqueue_indirect_dma source(%arg9 : memref<128x128xf32, #tpu.memory_space<vmem>>) target(%dma_start3A_732 : memref<10240x128xf32, #tpu.memory_space<vmem_shared>>) offsets(%dma_start3A_729 : memref<128xi32, #tpu.memory_space<vmem>>) semaphore(%arg14 : memref<!tpu.dma_semaphore, #tpu.memory_space<semaphore_mem>>) {add = true}
      %dma_wait3A_733 = arith.constant 14 : i32
      %dma_wait3A_734 = arith.constant 0 : i32
      %dma_wait3A_735 = tpu.memref_slice %arg7[%dma_wait3A_733, %dma_wait3A_734] : memref<16x128xi32, #tpu.memory_space<vmem>> -> memref<1x128xi32, #tpu.memory_space<vmem>>
      %dma_wait3A_736 = tpu.memref_squeeze %dma_wait3A_735 : memref<1x128xi32, #tpu.memory_space<vmem>> -> memref<128xi32, #tpu.memory_space<vmem>>
      %dma_wait3A_737 = arith.constant 0 : i32
      %dma_wait3A_738 = arith.constant 0 : i32
      %dma_wait3A_739 = tpu.memref_slice %arg17[%dma_wait3A_737, %dma_wait3A_738] : memref<10240x128xf32, #tpu.memory_space<vmem_shared>> -> memref<10240x128xf32, #tpu.memory_space<vmem_shared>>
      tpu.wait_indirect_dma semaphore(%arg13 : memref<!tpu.dma_semaphore, #tpu.memory_space<semaphore_mem>>) src(%arg8 : memref<128x128xf32, #tpu.memory_space<vmem>>) dst(%dma_wait3A_739 : memref<10240x128xf32, #tpu.memory_space<vmem_shared>>)
      %dma_wait3A_740 = arith.constant 15 : i32
      %dma_wait3A_741 = arith.constant 0 : i32
      %dma_wait3A_742 = tpu.memref_slice %arg7[%dma_wait3A_740, %dma_wait3A_741] : memref<16x128xi32, #tpu.memory_space<vmem>> -> memref<1x128xi32, #tpu.memory_space<vmem>>
      %dma_wait3A_743 = tpu.memref_squeeze %dma_wait3A_742 : memref<1x128xi32, #tpu.memory_space<vmem>> -> memref<128xi32, #tpu.memory_space<vmem>>
      %dma_wait3A_744 = arith.constant 0 : i32
      %dma_wait3A_745 = arith.constant 0 : i32
      %dma_wait3A_746 = tpu.memref_slice %arg17[%dma_wait3A_744, %dma_wait3A_745] : memref<10240x128xf32, #tpu.memory_space<vmem_shared>> -> memref<10240x128xf32, #tpu.memory_space<vmem_shared>>
      tpu.wait_indirect_dma semaphore(%arg14 : memref<!tpu.dma_semaphore, #tpu.memory_space<semaphore_mem>>) src(%arg9 : memref<128x128xf32, #tpu.memory_space<vmem>>) dst(%dma_wait3A_746 : memref<10240x128xf32, #tpu.memory_space<vmem_shared>>)
    }
    %scan3A_213 = arith.constant 5 : i32
    %barrier3A_214 = arith.constant 0 : index
    tpu.barrier barrier_id(%barrier3A_214)
    %add3A_215 = arith.constant 0 : i32
    %add3A_216 = arith.addi %mul3A_7, %add3A_215 : i32
    "tpu.region"() ({
      %run_scoped3A = tpu.sem_alloc : memref<!tpu.dma_semaphore, #tpu.memory_space<semaphore_mem>>
      %dma_start3A_295 = arith.constant 0 : i32
      %dma_start3A_296 = tpu.memref_slice %arg17[%add3A_216, %dma_start3A_295] : memref<10240x128xf32, #tpu.memory_space<vmem_shared>> -> memref<128x128xf32, #tpu.memory_space<vmem_shared>>
      %dma_start3A_297 = arith.constant 0 : i32
      %dma_start3A_298 = tpu.memref_slice %arg17[%add3A_216, %dma_start3A_297] : memref<10240x128xf32, #tpu.memory_space<vmem_shared>> -> memref<128x128xf32, #tpu.memory_space<vmem_shared>>
      tpu.enqueue_dma source(%dma_start3A_298 : memref<128x128xf32, #tpu.memory_space<vmem_shared>>) target(%arg8 : memref<128x128xf32, #tpu.memory_space<vmem>>) target_semaphore(%run_scoped3A : memref<!tpu.dma_semaphore, #tpu.memory_space<semaphore_mem>>)
      %dma_wait3A_299 = arith.constant 0 : i32
      %dma_wait3A_300 = tpu.memref_slice %arg17[%add3A_216, %dma_wait3A_299] : memref<10240x128xf32, #tpu.memory_space<vmem_shared>> -> memref<128x128xf32, #tpu.memory_space<vmem_shared>>
      %dma_wait3A_301 = arith.constant 0 : i32
      %dma_wait3A_302 = tpu.memref_slice %arg17[%add3A_216, %dma_wait3A_301] : memref<10240x128xf32, #tpu.memory_space<vmem_shared>> -> memref<128x128xf32, #tpu.memory_space<vmem_shared>>
      tpu.wait_dma2 semaphore(%run_scoped3A : memref<!tpu.dma_semaphore, #tpu.memory_space<semaphore_mem>>) src(%dma_wait3A_302 : memref<128x128xf32, #tpu.memory_space<vmem_shared>>) dst(%arg8 : memref<128x128xf32, #tpu.memory_space<vmem>>)
      tpu.yield
    }) : () -> ()
    %add3A_217 = arith.constant 0 : i32
    %add3A_218 = arith.addi %mul3A_7, %add3A_217 : i32
    %dma_start3A_219 = arith.constant 0 : i32
    %dma_start3A_220 = tpu.memref_slice %arg5[%arg0, %add3A_218, %dma_start3A_219] : memref<2x10240x128xf32, #tpu.memory_space<hbm>> -> memref<1x128x128xf32, #tpu.memory_space<hbm>>
    %dma_start3A_221 = tpu.memref_squeeze %dma_start3A_220 : memref<1x128x128xf32, #tpu.memory_space<hbm>> -> memref<128x128xf32, #tpu.memory_space<hbm>>
    %dma_start3A_222 = arith.constant 0 : i32
    %dma_start3A_223 = tpu.memref_slice %arg5[%arg0, %add3A_218, %dma_start3A_222] : memref<2x10240x128xf32, #tpu.memory_space<hbm>> -> memref<1x128x128xf32, #tpu.memory_space<hbm>>
    %dma_start3A_224 = tpu.memref_squeeze %dma_start3A_223 : memref<1x128x128xf32, #tpu.memory_space<hbm>> -> memref<128x128xf32, #tpu.memory_space<hbm>>
    tpu.enqueue_dma source(%arg8 : memref<128x128xf32, #tpu.memory_space<vmem>>) target(%dma_start3A_224 : memref<128x128xf32, #tpu.memory_space<hbm>>) target_semaphore(%arg11 : memref<!tpu.dma_semaphore, #tpu.memory_space<semaphore_mem>>)
    %add3A_225 = arith.constant 128 : i32
    %add3A_226 = arith.addi %mul3A_7, %add3A_225 : i32
    "tpu.region"() ({
      %run_scoped3A = tpu.sem_alloc : memref<!tpu.dma_semaphore, #tpu.memory_space<semaphore_mem>>
      %dma_start3A_295 = arith.constant 0 : i32
      %dma_start3A_296 = tpu.memref_slice %arg17[%add3A_226, %dma_start3A_295] : memref<10240x128xf32, #tpu.memory_space<vmem_shared>> -> memref<128x128xf32, #tpu.memory_space<vmem_shared>>
      %dma_start3A_297 = arith.constant 0 : i32
      %dma_start3A_298 = tpu.memref_slice %arg17[%add3A_226, %dma_start3A_297] : memref<10240x128xf32, #tpu.memory_space<vmem_shared>> -> memref<128x128xf32, #tpu.memory_space<vmem_shared>>
      tpu.enqueue_dma source(%dma_start3A_298 : memref<128x128xf32, #tpu.memory_space<vmem_shared>>) target(%arg9 : memref<128x128xf32, #tpu.memory_space<vmem>>) target_semaphore(%run_scoped3A : memref<!tpu.dma_semaphore, #tpu.memory_space<semaphore_mem>>)
      %dma_wait3A_299 = arith.constant 0 : i32
      %dma_wait3A_300 = tpu.memref_slice %arg17[%add3A_226, %dma_wait3A_299] : memref<10240x128xf32, #tpu.memory_space<vmem_shared>> -> memref<128x128xf32, #tpu.memory_space<vmem_shared>>
      %dma_wait3A_301 = arith.constant 0 : i32
      %dma_wait3A_302 = tpu.memref_slice %arg17[%add3A_226, %dma_wait3A_301] : memref<10240x128xf32, #tpu.memory_space<vmem_shared>> -> memref<128x128xf32, #tpu.memory_space<vmem_shared>>
      tpu.wait_dma2 semaphore(%run_scoped3A : memref<!tpu.dma_semaphore, #tpu.memory_space<semaphore_mem>>) src(%dma_wait3A_302 : memref<128x128xf32, #tpu.memory_space<vmem_shared>>) dst(%arg9 : memref<128x128xf32, #tpu.memory_space<vmem>>)
      tpu.yield
    }) : () -> ()
    %add3A_227 = arith.constant 128 : i32
    %add3A_228 = arith.addi %mul3A_7, %add3A_227 : i32
    %dma_start3A_229 = arith.constant 0 : i32
    %dma_start3A_230 = tpu.memref_slice %arg5[%arg0, %add3A_228, %dma_start3A_229] : memref<2x10240x128xf32, #tpu.memory_space<hbm>> -> memref<1x128x128xf32, #tpu.memory_space<hbm>>
    %dma_start3A_231 = tpu.memref_squeeze %dma_start3A_230 : memref<1x128x128xf32, #tpu.memory_space<hbm>> -> memref<128x128xf32, #tpu.memory_space<hbm>>
    %dma_start3A_232 = arith.constant 0 : i32
    %dma_start3A_233 = tpu.memref_slice %arg5[%arg0, %add3A_228, %dma_start3A_232] : memref<2x10240x128xf32, #tpu.memory_space<hbm>> -> memref<1x128x128xf32, #tpu.memory_space<hbm>>
    %dma_start3A_234 = tpu.memref_squeeze %dma_start3A_233 : memref<1x128x128xf32, #tpu.memory_space<hbm>> -> memref<128x128xf32, #tpu.memory_space<hbm>>
    tpu.enqueue_dma source(%arg9 : memref<128x128xf32, #tpu.memory_space<vmem>>) target(%dma_start3A_234 : memref<128x128xf32, #tpu.memory_space<hbm>>) target_semaphore(%arg12 : memref<!tpu.dma_semaphore, #tpu.memory_space<semaphore_mem>>)
    %add3A_235 = arith.constant 256 : i32
    %add3A_236 = arith.addi %mul3A_7, %add3A_235 : i32
    "tpu.region"() ({
      %run_scoped3A = tpu.sem_alloc : memref<!tpu.dma_semaphore, #tpu.memory_space<semaphore_mem>>
      %dma_start3A_295 = arith.constant 0 : i32
      %dma_start3A_296 = tpu.memref_slice %arg17[%add3A_236, %dma_start3A_295] : memref<10240x128xf32, #tpu.memory_space<vmem_shared>> -> memref<128x128xf32, #tpu.memory_space<vmem_shared>>
      %dma_start3A_297 = arith.constant 0 : i32
      %dma_start3A_298 = tpu.memref_slice %arg17[%add3A_236, %dma_start3A_297] : memref<10240x128xf32, #tpu.memory_space<vmem_shared>> -> memref<128x128xf32, #tpu.memory_space<vmem_shared>>
      tpu.enqueue_dma source(%dma_start3A_298 : memref<128x128xf32, #tpu.memory_space<vmem_shared>>) target(%arg8 : memref<128x128xf32, #tpu.memory_space<vmem>>) target_semaphore(%run_scoped3A : memref<!tpu.dma_semaphore, #tpu.memory_space<semaphore_mem>>)
      %dma_wait3A_299 = arith.constant 0 : i32
      %dma_wait3A_300 = tpu.memref_slice %arg17[%add3A_236, %dma_wait3A_299] : memref<10240x128xf32, #tpu.memory_space<vmem_shared>> -> memref<128x128xf32, #tpu.memory_space<vmem_shared>>
      %dma_wait3A_301 = arith.constant 0 : i32
      %dma_wait3A_302 = tpu.memref_slice %arg17[%add3A_236, %dma_wait3A_301] : memref<10240x128xf32, #tpu.memory_space<vmem_shared>> -> memref<128x128xf32, #tpu.memory_space<vmem_shared>>
      tpu.wait_dma2 semaphore(%run_scoped3A : memref<!tpu.dma_semaphore, #tpu.memory_space<semaphore_mem>>) src(%dma_wait3A_302 : memref<128x128xf32, #tpu.memory_space<vmem_shared>>) dst(%arg8 : memref<128x128xf32, #tpu.memory_space<vmem>>)
      tpu.yield
    }) : () -> ()
    %dma_wait3A_237 = arith.constant 0 : i32
    %dma_wait3A_238 = tpu.memref_slice %arg5[%arg0, %add3A_218, %dma_wait3A_237] : memref<2x10240x128xf32, #tpu.memory_space<hbm>> -> memref<1x128x128xf32, #tpu.memory_space<hbm>>
    %dma_wait3A_239 = tpu.memref_squeeze %dma_wait3A_238 : memref<1x128x128xf32, #tpu.memory_space<hbm>> -> memref<128x128xf32, #tpu.memory_space<hbm>>
    %dma_wait3A_240 = arith.constant 0 : i32
    %dma_wait3A_241 = tpu.memref_slice %arg5[%arg0, %add3A_218, %dma_wait3A_240] : memref<2x10240x128xf32, #tpu.memory_space<hbm>> -> memref<1x128x128xf32, #tpu.memory_space<hbm>>
    %dma_wait3A_242 = tpu.memref_squeeze %dma_wait3A_241 : memref<1x128x128xf32, #tpu.memory_space<hbm>> -> memref<128x128xf32, #tpu.memory_space<hbm>>
    tpu.wait_dma2 semaphore(%arg11 : memref<!tpu.dma_semaphore, #tpu.memory_space<semaphore_mem>>) src(%arg8 : memref<128x128xf32, #tpu.memory_space<vmem>>) dst(%dma_wait3A_242 : memref<128x128xf32, #tpu.memory_space<hbm>>)
    %add3A_243 = arith.constant 256 : i32
    %add3A_244 = arith.addi %mul3A_7, %add3A_243 : i32
    %dma_start3A_245 = arith.constant 0 : i32
    %dma_start3A_246 = tpu.memref_slice %arg5[%arg0, %add3A_244, %dma_start3A_245] : memref<2x10240x128xf32, #tpu.memory_space<hbm>> -> memref<1x128x128xf32, #tpu.memory_space<hbm>>
    %dma_start3A_247 = tpu.memref_squeeze %dma_start3A_246 : memref<1x128x128xf32, #tpu.memory_space<hbm>> -> memref<128x128xf32, #tpu.memory_space<hbm>>
    %dma_start3A_248 = arith.constant 0 : i32
    %dma_start3A_249 = tpu.memref_slice %arg5[%arg0, %add3A_244, %dma_start3A_248] : memref<2x10240x128xf32, #tpu.memory_space<hbm>> -> memref<1x128x128xf32, #tpu.memory_space<hbm>>
    %dma_start3A_250 = tpu.memref_squeeze %dma_start3A_249 : memref<1x128x128xf32, #tpu.memory_space<hbm>> -> memref<128x128xf32, #tpu.memory_space<hbm>>
    tpu.enqueue_dma source(%arg8 : memref<128x128xf32, #tpu.memory_space<vmem>>) target(%dma_start3A_250 : memref<128x128xf32, #tpu.memory_space<hbm>>) target_semaphore(%arg11 : memref<!tpu.dma_semaphore, #tpu.memory_space<semaphore_mem>>)
    %add3A_251 = arith.constant 384 : i32
    %add3A_252 = arith.addi %mul3A_7, %add3A_251 : i32
    "tpu.region"() ({
      %run_scoped3A = tpu.sem_alloc : memref<!tpu.dma_semaphore, #tpu.memory_space<semaphore_mem>>
      %dma_start3A_295 = arith.constant 0 : i32
      %dma_start3A_296 = tpu.memref_slice %arg17[%add3A_252, %dma_start3A_295] : memref<10240x128xf32, #tpu.memory_space<vmem_shared>> -> memref<128x128xf32, #tpu.memory_space<vmem_shared>>
      %dma_start3A_297 = arith.constant 0 : i32
      %dma_start3A_298 = tpu.memref_slice %arg17[%add3A_252, %dma_start3A_297] : memref<10240x128xf32, #tpu.memory_space<vmem_shared>> -> memref<128x128xf32, #tpu.memory_space<vmem_shared>>
      tpu.enqueue_dma source(%dma_start3A_298 : memref<128x128xf32, #tpu.memory_space<vmem_shared>>) target(%arg9 : memref<128x128xf32, #tpu.memory_space<vmem>>) target_semaphore(%run_scoped3A : memref<!tpu.dma_semaphore, #tpu.memory_space<semaphore_mem>>)
      %dma_wait3A_299 = arith.constant 0 : i32
      %dma_wait3A_300 = tpu.memref_slice %arg17[%add3A_252, %dma_wait3A_299] : memref<10240x128xf32, #tpu.memory_space<vmem_shared>> -> memref<128x128xf32, #tpu.memory_space<vmem_shared>>
      %dma_wait3A_301 = arith.constant 0 : i32
      %dma_wait3A_302 = tpu.memref_slice %arg17[%add3A_252, %dma_wait3A_301] : memref<10240x128xf32, #tpu.memory_space<vmem_shared>> -> memref<128x128xf32, #tpu.memory_space<vmem_shared>>
      tpu.wait_dma2 semaphore(%run_scoped3A : memref<!tpu.dma_semaphore, #tpu.memory_space<semaphore_mem>>) src(%dma_wait3A_302 : memref<128x128xf32, #tpu.memory_space<vmem_shared>>) dst(%arg9 : memref<128x128xf32, #tpu.memory_space<vmem>>)
      tpu.yield
    }) : () -> ()
    %dma_wait3A_253 = arith.constant 0 : i32
    %dma_wait3A_254 = tpu.memref_slice %arg5[%arg0, %add3A_228, %dma_wait3A_253] : memref<2x10240x128xf32, #tpu.memory_space<hbm>> -> memref<1x128x128xf32, #tpu.memory_space<hbm>>
    %dma_wait3A_255 = tpu.memref_squeeze %dma_wait3A_254 : memref<1x128x128xf32, #tpu.memory_space<hbm>> -> memref<128x128xf32, #tpu.memory_space<hbm>>
    %dma_wait3A_256 = arith.constant 0 : i32
    %dma_wait3A_257 = tpu.memref_slice %arg5[%arg0, %add3A_228, %dma_wait3A_256] : memref<2x10240x128xf32, #tpu.memory_space<hbm>> -> memref<1x128x128xf32, #tpu.memory_space<hbm>>
    %dma_wait3A_258 = tpu.memref_squeeze %dma_wait3A_257 : memref<1x128x128xf32, #tpu.memory_space<hbm>> -> memref<128x128xf32, #tpu.memory_space<hbm>>
    tpu.wait_dma2 semaphore(%arg12 : memref<!tpu.dma_semaphore, #tpu.memory_space<semaphore_mem>>) src(%arg9 : memref<128x128xf32, #tpu.memory_space<vmem>>) dst(%dma_wait3A_258 : memref<128x128xf32, #tpu.memory_space<hbm>>)
    %add3A_259 = arith.constant 384 : i32
    %add3A_260 = arith.addi %mul3A_7, %add3A_259 : i32
    %dma_start3A_261 = arith.constant 0 : i32
    %dma_start3A_262 = tpu.memref_slice %arg5[%arg0, %add3A_260, %dma_start3A_261] : memref<2x10240x128xf32, #tpu.memory_space<hbm>> -> memref<1x128x128xf32, #tpu.memory_space<hbm>>
    %dma_start3A_263 = tpu.memref_squeeze %dma_start3A_262 : memref<1x128x128xf32, #tpu.memory_space<hbm>> -> memref<128x128xf32, #tpu.memory_space<hbm>>
    %dma_start3A_264 = arith.constant 0 : i32
    %dma_start3A_265 = tpu.memref_slice %arg5[%arg0, %add3A_260, %dma_start3A_264] : memref<2x10240x128xf32, #tpu.memory_space<hbm>> -> memref<1x128x128xf32, #tpu.memory_space<hbm>>
    %dma_start3A_266 = tpu.memref_squeeze %dma_start3A_265 : memref<1x128x128xf32, #tpu.memory_space<hbm>> -> memref<128x128xf32, #tpu.memory_space<hbm>>
    tpu.enqueue_dma source(%arg9 : memref<128x128xf32, #tpu.memory_space<vmem>>) target(%dma_start3A_266 : memref<128x128xf32, #tpu.memory_space<hbm>>) target_semaphore(%arg12 : memref<!tpu.dma_semaphore, #tpu.memory_space<semaphore_mem>>)
    %add3A_267 = arith.constant 512 : i32
    %add3A_268 = arith.addi %mul3A_7, %add3A_267 : i32
    "tpu.region"() ({
      %run_scoped3A = tpu.sem_alloc : memref<!tpu.dma_semaphore, #tpu.memory_space<semaphore_mem>>
      %dma_start3A_295 = arith.constant 0 : i32
      %dma_start3A_296 = tpu.memref_slice %arg17[%add3A_268, %dma_start3A_295] : memref<10240x128xf32, #tpu.memory_space<vmem_shared>> -> memref<128x128xf32, #tpu.memory_space<vmem_shared>>
      %dma_start3A_297 = arith.constant 0 : i32
      %dma_start3A_298 = tpu.memref_slice %arg17[%add3A_268, %dma_start3A_297] : memref<10240x128xf32, #tpu.memory_space<vmem_shared>> -> memref<128x128xf32, #tpu.memory_space<vmem_shared>>
      tpu.enqueue_dma source(%dma_start3A_298 : memref<128x128xf32, #tpu.memory_space<vmem_shared>>) target(%arg8 : memref<128x128xf32, #tpu.memory_space<vmem>>) target_semaphore(%run_scoped3A : memref<!tpu.dma_semaphore, #tpu.memory_space<semaphore_mem>>)
      %dma_wait3A_299 = arith.constant 0 : i32
      %dma_wait3A_300 = tpu.memref_slice %arg17[%add3A_268, %dma_wait3A_299] : memref<10240x128xf32, #tpu.memory_space<vmem_shared>> -> memref<128x128xf32, #tpu.memory_space<vmem_shared>>
      %dma_wait3A_301 = arith.constant 0 : i32
      %dma_wait3A_302 = tpu.memref_slice %arg17[%add3A_268, %dma_wait3A_301] : memref<10240x128xf32, #tpu.memory_space<vmem_shared>> -> memref<128x128xf32, #tpu.memory_space<vmem_shared>>
      tpu.wait_dma2 semaphore(%run_scoped3A : memref<!tpu.dma_semaphore, #tpu.memory_space<semaphore_mem>>) src(%dma_wait3A_302 : memref<128x128xf32, #tpu.memory_space<vmem_shared>>) dst(%arg8 : memref<128x128xf32, #tpu.memory_space<vmem>>)
      tpu.yield
    }) : () -> ()
    %dma_wait3A_269 = arith.constant 0 : i32
    %dma_wait3A_270 = tpu.memref_slice %arg5[%arg0, %add3A_244, %dma_wait3A_269] : memref<2x10240x128xf32, #tpu.memory_space<hbm>> -> memref<1x128x128xf32, #tpu.memory_space<hbm>>
    %dma_wait3A_271 = tpu.memref_squeeze %dma_wait3A_270 : memref<1x128x128xf32, #tpu.memory_space<hbm>> -> memref<128x128xf32, #tpu.memory_space<hbm>>
    %dma_wait3A_272 = arith.constant 0 : i32
    %dma_wait3A_273 = tpu.memref_slice %arg5[%arg0, %add3A_244, %dma_wait3A_272] : memref<2x10240x128xf32, #tpu.memory_space<hbm>> -> memref<1x128x128xf32, #tpu.memory_space<hbm>>
    %dma_wait3A_274 = tpu.memref_squeeze %dma_wait3A_273 : memref<1x128x128xf32, #tpu.memory_space<hbm>> -> memref<128x128xf32, #tpu.memory_space<hbm>>
    tpu.wait_dma2 semaphore(%arg11 : memref<!tpu.dma_semaphore, #tpu.memory_space<semaphore_mem>>) src(%arg8 : memref<128x128xf32, #tpu.memory_space<vmem>>) dst(%dma_wait3A_274 : memref<128x128xf32, #tpu.memory_space<hbm>>)
    %add3A_275 = arith.constant 512 : i32
    %add3A_276 = arith.addi %mul3A_7, %add3A_275 : i32
    %dma_start3A_277 = arith.constant 0 : i32
    %dma_start3A_278 = tpu.memref_slice %arg5[%arg0, %add3A_276, %dma_start3A_277] : memref<2x10240x128xf32, #tpu.memory_space<hbm>> -> memref<1x128x128xf32, #tpu.memory_space<hbm>>
    %dma_start3A_279 = tpu.memref_squeeze %dma_start3A_278 : memref<1x128x128xf32, #tpu.memory_space<hbm>> -> memref<128x128xf32, #tpu.memory_space<hbm>>
    %dma_start3A_280 = arith.constant 0 : i32
    %dma_start3A_281 = tpu.memref_slice %arg5[%arg0, %add3A_276, %dma_start3A_280] : memref<2x10240x128xf32, #tpu.memory_space<hbm>> -> memref<1x128x128xf32, #tpu.memory_space<hbm>>
    %dma_start3A_282 = tpu.memref_squeeze %dma_start3A_281 : memref<1x128x128xf32, #tpu.memory_space<hbm>> -> memref<128x128xf32, #tpu.memory_space<hbm>>
    tpu.enqueue_dma source(%arg8 : memref<128x128xf32, #tpu.memory_space<vmem>>) target(%dma_start3A_282 : memref<128x128xf32, #tpu.memory_space<hbm>>) target_semaphore(%arg11 : memref<!tpu.dma_semaphore, #tpu.memory_space<semaphore_mem>>)
    %dma_wait3A_283 = arith.constant 0 : i32
    %dma_wait3A_284 = tpu.memref_slice %arg5[%arg0, %add3A_276, %dma_wait3A_283] : memref<2x10240x128xf32, #tpu.memory_space<hbm>> -> memref<1x128x128xf32, #tpu.memory_space<hbm>>
    %dma_wait3A_285 = tpu.memref_squeeze %dma_wait3A_284 : memref<1x128x128xf32, #tpu.memory_space<hbm>> -> memref<128x128xf32, #tpu.memory_space<hbm>>
    %dma_wait3A_286 = arith.constant 0 : i32
    %dma_wait3A_287 = tpu.memref_slice %arg5[%arg0, %add3A_276, %dma_wait3A_286] : memref<2x10240x128xf32, #tpu.memory_space<hbm>> -> memref<1x128x128xf32, #tpu.memory_space<hbm>>
    %dma_wait3A_288 = tpu.memref_squeeze %dma_wait3A_287 : memref<1x128x128xf32, #tpu.memory_space<hbm>> -> memref<128x128xf32, #tpu.memory_space<hbm>>
    tpu.wait_dma2 semaphore(%arg11 : memref<!tpu.dma_semaphore, #tpu.memory_space<semaphore_mem>>) src(%arg8 : memref<128x128xf32, #tpu.memory_space<vmem>>) dst(%dma_wait3A_288 : memref<128x128xf32, #tpu.memory_space<hbm>>)
    %dma_wait3A_289 = arith.constant 0 : i32
    %dma_wait3A_290 = tpu.memref_slice %arg5[%arg0, %add3A_260, %dma_wait3A_289] : memref<2x10240x128xf32, #tpu.memory_space<hbm>> -> memref<1x128x128xf32, #tpu.memory_space<hbm>>
    %dma_wait3A_291 = tpu.memref_squeeze %dma_wait3A_290 : memref<1x128x128xf32, #tpu.memory_space<hbm>> -> memref<128x128xf32, #tpu.memory_space<hbm>>
    %dma_wait3A_292 = arith.constant 0 : i32
    %dma_wait3A_293 = tpu.memref_slice %arg5[%arg0, %add3A_260, %dma_wait3A_292] : memref<2x10240x128xf32, #tpu.memory_space<hbm>> -> memref<1x128x128xf32, #tpu.memory_space<hbm>>
    %dma_wait3A_294 = tpu.memref_squeeze %dma_wait3A_293 : memref<1x128x128xf32, #tpu.memory_space<hbm>> -> memref<128x128xf32, #tpu.memory_space<hbm>>
    tpu.wait_dma2 semaphore(%arg12 : memref<!tpu.dma_semaphore, #tpu.memory_space<semaphore_mem>>) src(%arg9 : memref<128x128xf32, #tpu.memory_space<vmem>>) dst(%dma_wait3A_294 : memref<128x128xf32, #tpu.memory_space<hbm>>)
    return
  }
}

#map = affine_map<(d0, d1) -> (0, 0)>
#map1 = affine_map<(d0, d1) -> (0, 0, 0)>
#map2 = affine_map<(d0, d1) -> (0)>
module attributes {stable_mosaic.version = 14 : i64} {
  func.func @sage_sc_agg(%arg0: i32, %arg1: i32, %arg2: memref<10000x128xf32, #tpu.memory_space<hbm>>, %arg3: memref<2560x128xi32, #tpu.memory_space<hbm>>, %arg4: memref<2560x128xi32, #tpu.memory_space<hbm>>, %arg5: memref<2x10240x128xf32, #tpu.memory_space<hbm>>, %arg6: memref<20480xf32, #tpu.memory_space<hbm>>, %arg7: memref<16x128xi32, #tpu.memory_space<vmem>>, %arg8: memref<16x128xi32, #tpu.memory_space<vmem>>, %arg9: memref<128x128xf32, #tpu.memory_space<vmem>>, %arg10: memref<128x128xf32, #tpu.memory_space<vmem>>, %arg11: memref<32x128xf32, #tpu.memory_space<vmem>>, %arg12: memref<128xf32, #tpu.memory_space<vmem>>, %arg13: memref<640xf32, #tpu.memory_space<vmem>>, %arg14: memref<!tpu.dma_semaphore, #tpu.memory_space<semaphore_mem>>, %arg15: memref<!tpu.dma_semaphore, #tpu.memory_space<semaphore_mem>>, %arg16: memref<!tpu.dma_semaphore, #tpu.memory_space<semaphore_mem>>, %arg17: memref<!tpu.dma_semaphore, #tpu.memory_space<semaphore_mem>>, %arg18: memref<!tpu.dma_semaphore, #tpu.memory_space<semaphore_mem>>, %arg19: memref<!tpu.dma_semaphore, #tpu.memory_space<semaphore_mem>>, %arg20: memref<10240x128xf32, #tpu.memory_space<vmem_shared>>, %arg21: memref<10240xf32, #tpu.memory_space<vmem_shared>>) attributes {dimension_semantics = [#tpu.dimension_semantics<core_parallel>, #tpu.dimension_semantics<subcore_parallel>], iteration_bounds = array<i64: 2, 16>, scalar_prefetch = 0 : i64, scratch_operands = 15 : i64, tpu.core_type = #tpu.core_type<sc_vector_subcore>, window_params = [{transform_indices = #map}, {transform_indices = #map}, {transform_indices = #map}, {transform_indices = #map1}, {transform_indices = #map2}]} {
    %mul3A = arith.constant 2 : i32
    %mul3A_0 = arith.muli %arg1, %mul3A : i32
    %add3A = arith.addi %mul3A_0, %arg0 : i32
    %scan3A = arith.constant 0 : i32
    %scan3A_1 = arith.constant 0 : i32
    %scan3A_2 = arith.constant 32 : i32
    %scan3A_3 = arith.addi %scan3A_1, %scan3A_2 : i32
    %scan3A_4 = arith.constant 1 : i32
    scf.for %scan3A_354 = %scan3A_1 to %scan3A_3 step %scan3A_4  : i32 {
      %broadcast_in_dim3A_355 = arith.constant 0.000000e+00 : f32
      %broadcast_in_dim3A_356 = vector.broadcast %broadcast_in_dim3A_355 : f32 to vector<16xf32>
      %swap3A_357 = arith.index_cast %scan3A_354 : i32 to index
      %swap3A_358 = arith.constant 0 : index
      %swap3A_359 = tpu.vector_load %arg11[%swap3A_357, %swap3A_358] {strides = array<i32>} : memref<32x128xf32, #tpu.memory_space<vmem>>, vector<1x16xf32>,
      %swap3A_360 = vector.shape_cast %swap3A_359 : vector<1x16xf32> to vector<16xf32>
      %swap3A_361 = vector.shape_cast %broadcast_in_dim3A_356 : vector<16xf32> to vector<1x16xf32>
      tpu.vector_store %arg11[%swap3A_357, %swap3A_358], %swap3A_361 {strides = array<i32>} : memref<32x128xf32, #tpu.memory_space<vmem>>, vector<1x16xf32>,
      %broadcast_in_dim3A_362 = arith.constant 0.000000e+00 : f32
      %broadcast_in_dim3A_363 = vector.broadcast %broadcast_in_dim3A_362 : f32 to vector<16xf32>
      %swap3A_364 = arith.index_cast %scan3A_354 : i32 to index
      %swap3A_365 = arith.constant 16 : index
      %swap3A_366 = tpu.vector_load %arg11[%swap3A_364, %swap3A_365] {strides = array<i32>} : memref<32x128xf32, #tpu.memory_space<vmem>>, vector<1x16xf32>,
      %swap3A_367 = vector.shape_cast %swap3A_366 : vector<1x16xf32> to vector<16xf32>
      %swap3A_368 = vector.shape_cast %broadcast_in_dim3A_363 : vector<16xf32> to vector<1x16xf32>
      tpu.vector_store %arg11[%swap3A_364, %swap3A_365], %swap3A_368 {strides = array<i32>} : memref<32x128xf32, #tpu.memory_space<vmem>>, vector<1x16xf32>,
      %broadcast_in_dim3A_369 = arith.constant 0.000000e+00 : f32
      %broadcast_in_dim3A_370 = vector.broadcast %broadcast_in_dim3A_369 : f32 to vector<16xf32>
      %swap3A_371 = arith.index_cast %scan3A_354 : i32 to index
      %swap3A_372 = arith.constant 32 : index
      %swap3A_373 = tpu.vector_load %arg11[%swap3A_371, %swap3A_372] {strides = array<i32>} : memref<32x128xf32, #tpu.memory_space<vmem>>, vector<1x16xf32>,
      %swap3A_374 = vector.shape_cast %swap3A_373 : vector<1x16xf32> to vector<16xf32>
      %swap3A_375 = vector.shape_cast %broadcast_in_dim3A_370 : vector<16xf32> to vector<1x16xf32>
      tpu.vector_store %arg11[%swap3A_371, %swap3A_372], %swap3A_375 {strides = array<i32>} : memref<32x128xf32, #tpu.memory_space<vmem>>, vector<1x16xf32>,
      %broadcast_in_dim3A_376 = arith.constant 0.000000e+00 : f32
      %broadcast_in_dim3A_377 = vector.broadcast %broadcast_in_dim3A_376 : f32 to vector<16xf32>
      %swap3A_378 = arith.index_cast %scan3A_354 : i32 to index
      %swap3A_379 = arith.constant 48 : index
      %swap3A_380 = tpu.vector_load %arg11[%swap3A_378, %swap3A_379] {strides = array<i32>} : memref<32x128xf32, #tpu.memory_space<vmem>>, vector<1x16xf32>,
      %swap3A_381 = vector.shape_cast %swap3A_380 : vector<1x16xf32> to vector<16xf32>
      %swap3A_382 = vector.shape_cast %broadcast_in_dim3A_377 : vector<16xf32> to vector<1x16xf32>
      tpu.vector_store %arg11[%swap3A_378, %swap3A_379], %swap3A_382 {strides = array<i32>} : memref<32x128xf32, #tpu.memory_space<vmem>>, vector<1x16xf32>,
      %broadcast_in_dim3A_383 = arith.constant 0.000000e+00 : f32
      %broadcast_in_dim3A_384 = vector.broadcast %broadcast_in_dim3A_383 : f32 to vector<16xf32>
      %swap3A_385 = arith.index_cast %scan3A_354 : i32 to index
      %swap3A_386 = arith.constant 64 : index
      %swap3A_387 = tpu.vector_load %arg11[%swap3A_385, %swap3A_386] {strides = array<i32>} : memref<32x128xf32, #tpu.memory_space<vmem>>, vector<1x16xf32>,
      %swap3A_388 = vector.shape_cast %swap3A_387 : vector<1x16xf32> to vector<16xf32>
      %swap3A_389 = vector.shape_cast %broadcast_in_dim3A_384 : vector<16xf32> to vector<1x16xf32>
      tpu.vector_store %arg11[%swap3A_385, %swap3A_386], %swap3A_389 {strides = array<i32>} : memref<32x128xf32, #tpu.memory_space<vmem>>, vector<1x16xf32>,
      %broadcast_in_dim3A_390 = arith.constant 0.000000e+00 : f32
      %broadcast_in_dim3A_391 = vector.broadcast %broadcast_in_dim3A_390 : f32 to vector<16xf32>
      %swap3A_392 = arith.index_cast %scan3A_354 : i32 to index
      %swap3A_393 = arith.constant 80 : index
      %swap3A_394 = tpu.vector_load %arg11[%swap3A_392, %swap3A_393] {strides = array<i32>} : memref<32x128xf32, #tpu.memory_space<vmem>>, vector<1x16xf32>,
      %swap3A_395 = vector.shape_cast %swap3A_394 : vector<1x16xf32> to vector<16xf32>
      %swap3A_396 = vector.shape_cast %broadcast_in_dim3A_391 : vector<16xf32> to vector<1x16xf32>
      tpu.vector_store %arg11[%swap3A_392, %swap3A_393], %swap3A_396 {strides = array<i32>} : memref<32x128xf32, #tpu.memory_space<vmem>>, vector<1x16xf32>,
      %broadcast_in_dim3A_397 = arith.constant 0.000000e+00 : f32
      %broadcast_in_dim3A_398 = vector.broadcast %broadcast_in_dim3A_397 : f32 to vector<16xf32>
      %swap3A_399 = arith.index_cast %scan3A_354 : i32 to index
      %swap3A_400 = arith.constant 96 : index
      %swap3A_401 = tpu.vector_load %arg11[%swap3A_399, %swap3A_400] {strides = array<i32>} : memref<32x128xf32, #tpu.memory_space<vmem>>, vector<1x16xf32>,
      %swap3A_402 = vector.shape_cast %swap3A_401 : vector<1x16xf32> to vector<16xf32>
      %swap3A_403 = vector.shape_cast %broadcast_in_dim3A_398 : vector<16xf32> to vector<1x16xf32>
      tpu.vector_store %arg11[%swap3A_399, %swap3A_400], %swap3A_403 {strides = array<i32>} : memref<32x128xf32, #tpu.memory_space<vmem>>, vector<1x16xf32>,
      %broadcast_in_dim3A_404 = arith.constant 0.000000e+00 : f32
      %broadcast_in_dim3A_405 = vector.broadcast %broadcast_in_dim3A_404 : f32 to vector<16xf32>
      %swap3A_406 = arith.index_cast %scan3A_354 : i32 to index
      %swap3A_407 = arith.constant 112 : index
      %swap3A_408 = tpu.vector_load %arg11[%swap3A_406, %swap3A_407] {strides = array<i32>} : memref<32x128xf32, #tpu.memory_space<vmem>>, vector<1x16xf32>,
      %swap3A_409 = vector.shape_cast %swap3A_408 : vector<1x16xf32> to vector<16xf32>
      %swap3A_410 = vector.shape_cast %broadcast_in_dim3A_405 : vector<16xf32> to vector<1x16xf32>
      tpu.vector_store %arg11[%swap3A_406, %swap3A_407], %swap3A_410 {strides = array<i32>} : memref<32x128xf32, #tpu.memory_space<vmem>>, vector<1x16xf32>,
    }
    %scan3A_5 = arith.constant 32 : i32
    %scan3A_6 = arith.constant 0 : i32
    %scan3A_7 = arith.constant 0 : i32
    %scan3A_8 = arith.constant 40 : i32
    %scan3A_9 = arith.addi %scan3A_7, %scan3A_8 : i32
    %scan3A_10 = arith.constant 1 : i32
    scf.for %scan3A_354 = %scan3A_7 to %scan3A_9 step %scan3A_10  : i32 {
      %broadcast_in_dim3A_355 = arith.constant 0.000000e+00 : f32
      %broadcast_in_dim3A_356 = vector.broadcast %broadcast_in_dim3A_355 : f32 to vector<16xf32>
      %mul3A_357 = arith.constant 16 : i32
      %mul3A_358 = arith.muli %scan3A_354, %mul3A_357 : i32
      %swap3A_359 = arith.index_cast %mul3A_358 : i32 to index
      %swap3A_360 = tpu.vector_load %arg13[%swap3A_359] {strides = array<i32>} : memref<640xf32, #tpu.memory_space<vmem>>, vector<16xf32>,
      %swap3A_361 = vector.shape_cast %swap3A_360 : vector<16xf32> to vector<16xf32>
      %swap3A_362 = vector.shape_cast %broadcast_in_dim3A_356 : vector<16xf32> to vector<16xf32>
      tpu.vector_store %arg13[%swap3A_359], %swap3A_362 {strides = array<i32>} : memref<640xf32, #tpu.memory_space<vmem>>, vector<16xf32>,
    }
    %scan3A_11 = arith.constant 40 : i32
    %broadcast_in_dim3A = arith.constant 1.000000e+00 : f32
    %broadcast_in_dim3A_12 = vector.broadcast %broadcast_in_dim3A : f32 to vector<16xf32>
    %swap3A = arith.constant 0 : index
    %swap3A_13 = tpu.vector_load %arg12[%swap3A] {strides = array<i32>} : memref<128xf32, #tpu.memory_space<vmem>>, vector<16xf32>,
    %swap3A_14 = vector.shape_cast %swap3A_13 : vector<16xf32> to vector<16xf32>
    %swap3A_15 = vector.shape_cast %broadcast_in_dim3A_12 : vector<16xf32> to vector<16xf32>
    tpu.vector_store %arg12[%swap3A], %swap3A_15 {strides = array<i32>} : memref<128xf32, #tpu.memory_space<vmem>>, vector<16xf32>,
    %broadcast_in_dim3A_16 = arith.constant 1.000000e+00 : f32
    %broadcast_in_dim3A_17 = vector.broadcast %broadcast_in_dim3A_16 : f32 to vector<16xf32>
    %swap3A_18 = arith.constant 16 : index
    %swap3A_19 = tpu.vector_load %arg12[%swap3A_18] {strides = array<i32>} : memref<128xf32, #tpu.memory_space<vmem>>, vector<16xf32>,
    %swap3A_20 = vector.shape_cast %swap3A_19 : vector<16xf32> to vector<16xf32>
    %swap3A_21 = vector.shape_cast %broadcast_in_dim3A_17 : vector<16xf32> to vector<16xf32>
    tpu.vector_store %arg12[%swap3A_18], %swap3A_21 {strides = array<i32>} : memref<128xf32, #tpu.memory_space<vmem>>, vector<16xf32>,
    %broadcast_in_dim3A_22 = arith.constant 1.000000e+00 : f32
    %broadcast_in_dim3A_23 = vector.broadcast %broadcast_in_dim3A_22 : f32 to vector<16xf32>
    %swap3A_24 = arith.constant 32 : index
    %swap3A_25 = tpu.vector_load %arg12[%swap3A_24] {strides = array<i32>} : memref<128xf32, #tpu.memory_space<vmem>>, vector<16xf32>,
    %swap3A_26 = vector.shape_cast %swap3A_25 : vector<16xf32> to vector<16xf32>
    %swap3A_27 = vector.shape_cast %broadcast_in_dim3A_23 : vector<16xf32> to vector<16xf32>
    tpu.vector_store %arg12[%swap3A_24], %swap3A_27 {strides = array<i32>} : memref<128xf32, #tpu.memory_space<vmem>>, vector<16xf32>,
    %broadcast_in_dim3A_28 = arith.constant 1.000000e+00 : f32
    %broadcast_in_dim3A_29 = vector.broadcast %broadcast_in_dim3A_28 : f32 to vector<16xf32>
    %swap3A_30 = arith.constant 48 : index
    %swap3A_31 = tpu.vector_load %arg12[%swap3A_30] {strides = array<i32>} : memref<128xf32, #tpu.memory_space<vmem>>, vector<16xf32>,
    %swap3A_32 = vector.shape_cast %swap3A_31 : vector<16xf32> to vector<16xf32>
    %swap3A_33 = vector.shape_cast %broadcast_in_dim3A_29 : vector<16xf32> to vector<16xf32>
    tpu.vector_store %arg12[%swap3A_30], %swap3A_33 {strides = array<i32>} : memref<128xf32, #tpu.memory_space<vmem>>, vector<16xf32>,
    %broadcast_in_dim3A_34 = arith.constant 1.000000e+00 : f32
    %broadcast_in_dim3A_35 = vector.broadcast %broadcast_in_dim3A_34 : f32 to vector<16xf32>
    %swap3A_36 = arith.constant 64 : index
    %swap3A_37 = tpu.vector_load %arg12[%swap3A_36] {strides = array<i32>} : memref<128xf32, #tpu.memory_space<vmem>>, vector<16xf32>,
    %swap3A_38 = vector.shape_cast %swap3A_37 : vector<16xf32> to vector<16xf32>
    %swap3A_39 = vector.shape_cast %broadcast_in_dim3A_35 : vector<16xf32> to vector<16xf32>
    tpu.vector_store %arg12[%swap3A_36], %swap3A_39 {strides = array<i32>} : memref<128xf32, #tpu.memory_space<vmem>>, vector<16xf32>,
    %broadcast_in_dim3A_40 = arith.constant 1.000000e+00 : f32
    %broadcast_in_dim3A_41 = vector.broadcast %broadcast_in_dim3A_40 : f32 to vector<16xf32>
    %swap3A_42 = arith.constant 80 : index
    %swap3A_43 = tpu.vector_load %arg12[%swap3A_42] {strides = array<i32>} : memref<128xf32, #tpu.memory_space<vmem>>, vector<16xf32>,
    %swap3A_44 = vector.shape_cast %swap3A_43 : vector<16xf32> to vector<16xf32>
    %swap3A_45 = vector.shape_cast %broadcast_in_dim3A_41 : vector<16xf32> to vector<16xf32>
    tpu.vector_store %arg12[%swap3A_42], %swap3A_45 {strides = array<i32>} : memref<128xf32, #tpu.memory_space<vmem>>, vector<16xf32>,
    %broadcast_in_dim3A_46 = arith.constant 1.000000e+00 : f32
    %broadcast_in_dim3A_47 = vector.broadcast %broadcast_in_dim3A_46 : f32 to vector<16xf32>
    %swap3A_48 = arith.constant 96 : index
    %swap3A_49 = tpu.vector_load %arg12[%swap3A_48] {strides = array<i32>} : memref<128xf32, #tpu.memory_space<vmem>>, vector<16xf32>,
    %swap3A_50 = vector.shape_cast %swap3A_49 : vector<16xf32> to vector<16xf32>
    %swap3A_51 = vector.shape_cast %broadcast_in_dim3A_47 : vector<16xf32> to vector<16xf32>
    tpu.vector_store %arg12[%swap3A_48], %swap3A_51 {strides = array<i32>} : memref<128xf32, #tpu.memory_space<vmem>>, vector<16xf32>,
    %broadcast_in_dim3A_52 = arith.constant 1.000000e+00 : f32
    %broadcast_in_dim3A_53 = vector.broadcast %broadcast_in_dim3A_52 : f32 to vector<16xf32>
    %swap3A_54 = arith.constant 112 : index
    %swap3A_55 = tpu.vector_load %arg12[%swap3A_54] {strides = array<i32>} : memref<128xf32, #tpu.memory_space<vmem>>, vector<16xf32>,
    %swap3A_56 = vector.shape_cast %swap3A_55 : vector<16xf32> to vector<16xf32>
    %swap3A_57 = vector.shape_cast %broadcast_in_dim3A_53 : vector<16xf32> to vector<16xf32>
    tpu.vector_store %arg12[%swap3A_54], %swap3A_57 {strides = array<i32>} : memref<128xf32, #tpu.memory_space<vmem>>, vector<16xf32>,
    %mul3A_58 = arith.constant 640 : i32
    %mul3A_59 = arith.muli %arg1, %mul3A_58 : i32
    %add3A_60 = arith.constant 0 : i32
    %add3A_61 = arith.addi %mul3A_59, %add3A_60 : i32
    %dma_start3A = arith.constant 0 : i32
    %dma_start3A_62 = tpu.memref_slice %arg20[%add3A_61, %dma_start3A] : memref<10240x128xf32, #tpu.memory_space<vmem_shared>> -> memref<32x128xf32, #tpu.memory_space<vmem_shared>>
    %dma_start3A_63 = arith.constant 0 : i32
    %dma_start3A_64 = tpu.memref_slice %arg20[%add3A_61, %dma_start3A_63] : memref<10240x128xf32, #tpu.memory_space<vmem_shared>> -> memref<32x128xf32, #tpu.memory_space<vmem_shared>>
    tpu.enqueue_dma source(%arg11 : memref<32x128xf32, #tpu.memory_space<vmem>>) target(%dma_start3A_64 : memref<32x128xf32, #tpu.memory_space<vmem_shared>>) target_semaphore(%arg14 : memref<!tpu.dma_semaphore, #tpu.memory_space<semaphore_mem>>)
    %add3A_65 = arith.constant 32 : i32
    %add3A_66 = arith.addi %mul3A_59, %add3A_65 : i32
    %dma_start3A_67 = arith.constant 0 : i32
    %dma_start3A_68 = tpu.memref_slice %arg20[%add3A_66, %dma_start3A_67] : memref<10240x128xf32, #tpu.memory_space<vmem_shared>> -> memref<32x128xf32, #tpu.memory_space<vmem_shared>>
    %dma_start3A_69 = arith.constant 0 : i32
    %dma_start3A_70 = tpu.memref_slice %arg20[%add3A_66, %dma_start3A_69] : memref<10240x128xf32, #tpu.memory_space<vmem_shared>> -> memref<32x128xf32, #tpu.memory_space<vmem_shared>>
    tpu.enqueue_dma source(%arg11 : memref<32x128xf32, #tpu.memory_space<vmem>>) target(%dma_start3A_70 : memref<32x128xf32, #tpu.memory_space<vmem_shared>>) target_semaphore(%arg14 : memref<!tpu.dma_semaphore, #tpu.memory_space<semaphore_mem>>)
    %add3A_71 = arith.constant 64 : i32
    %add3A_72 = arith.addi %mul3A_59, %add3A_71 : i32
    %dma_start3A_73 = arith.constant 0 : i32
    %dma_start3A_74 = tpu.memref_slice %arg20[%add3A_72, %dma_start3A_73] : memref<10240x128xf32, #tpu.memory_space<vmem_shared>> -> memref<32x128xf32, #tpu.memory_space<vmem_shared>>
    %dma_start3A_75 = arith.constant 0 : i32
    %dma_start3A_76 = tpu.memref_slice %arg20[%add3A_72, %dma_start3A_75] : memref<10240x128xf32, #tpu.memory_space<vmem_shared>> -> memref<32x128xf32, #tpu.memory_space<vmem_shared>>
    tpu.enqueue_dma source(%arg11 : memref<32x128xf32, #tpu.memory_space<vmem>>) target(%dma_start3A_76 : memref<32x128xf32, #tpu.memory_space<vmem_shared>>) target_semaphore(%arg14 : memref<!tpu.dma_semaphore, #tpu.memory_space<semaphore_mem>>)
    %add3A_77 = arith.constant 96 : i32
    %add3A_78 = arith.addi %mul3A_59, %add3A_77 : i32
    %dma_start3A_79 = arith.constant 0 : i32
    %dma_start3A_80 = tpu.memref_slice %arg20[%add3A_78, %dma_start3A_79] : memref<10240x128xf32, #tpu.memory_space<vmem_shared>> -> memref<32x128xf32, #tpu.memory_space<vmem_shared>>
    %dma_start3A_81 = arith.constant 0 : i32
    %dma_start3A_82 = tpu.memref_slice %arg20[%add3A_78, %dma_start3A_81] : memref<10240x128xf32, #tpu.memory_space<vmem_shared>> -> memref<32x128xf32, #tpu.memory_space<vmem_shared>>
    tpu.enqueue_dma source(%arg11 : memref<32x128xf32, #tpu.memory_space<vmem>>) target(%dma_start3A_82 : memref<32x128xf32, #tpu.memory_space<vmem_shared>>) target_semaphore(%arg14 : memref<!tpu.dma_semaphore, #tpu.memory_space<semaphore_mem>>)
    %add3A_83 = arith.constant 128 : i32
    %add3A_84 = arith.addi %mul3A_59, %add3A_83 : i32
    %dma_start3A_85 = arith.constant 0 : i32
    %dma_start3A_86 = tpu.memref_slice %arg20[%add3A_84, %dma_start3A_85] : memref<10240x128xf32, #tpu.memory_space<vmem_shared>> -> memref<32x128xf32, #tpu.memory_space<vmem_shared>>
    %dma_start3A_87 = arith.constant 0 : i32
    %dma_start3A_88 = tpu.memref_slice %arg20[%add3A_84, %dma_start3A_87] : memref<10240x128xf32, #tpu.memory_space<vmem_shared>> -> memref<32x128xf32, #tpu.memory_space<vmem_shared>>
    tpu.enqueue_dma source(%arg11 : memref<32x128xf32, #tpu.memory_space<vmem>>) target(%dma_start3A_88 : memref<32x128xf32, #tpu.memory_space<vmem_shared>>) target_semaphore(%arg14 : memref<!tpu.dma_semaphore, #tpu.memory_space<semaphore_mem>>)
    %add3A_89 = arith.constant 160 : i32
    %add3A_90 = arith.addi %mul3A_59, %add3A_89 : i32
    %dma_start3A_91 = arith.constant 0 : i32
    %dma_start3A_92 = tpu.memref_slice %arg20[%add3A_90, %dma_start3A_91] : memref<10240x128xf32, #tpu.memory_space<vmem_shared>> -> memref<32x128xf32, #tpu.memory_space<vmem_shared>>
    %dma_start3A_93 = arith.constant 0 : i32
    %dma_start3A_94 = tpu.memref_slice %arg20[%add3A_90, %dma_start3A_93] : memref<10240x128xf32, #tpu.memory_space<vmem_shared>> -> memref<32x128xf32, #tpu.memory_space<vmem_shared>>
    tpu.enqueue_dma source(%arg11 : memref<32x128xf32, #tpu.memory_space<vmem>>) target(%dma_start3A_94 : memref<32x128xf32, #tpu.memory_space<vmem_shared>>) target_semaphore(%arg14 : memref<!tpu.dma_semaphore, #tpu.memory_space<semaphore_mem>>)
    %add3A_95 = arith.constant 192 : i32
    %add3A_96 = arith.addi %mul3A_59, %add3A_95 : i32
    %dma_start3A_97 = arith.constant 0 : i32
    %dma_start3A_98 = tpu.memref_slice %arg20[%add3A_96, %dma_start3A_97] : memref<10240x128xf32, #tpu.memory_space<vmem_shared>> -> memref<32x128xf32, #tpu.memory_space<vmem_shared>>
    %dma_start3A_99 = arith.constant 0 : i32
    %dma_start3A_100 = tpu.memref_slice %arg20[%add3A_96, %dma_start3A_99] : memref<10240x128xf32, #tpu.memory_space<vmem_shared>> -> memref<32x128xf32, #tpu.memory_space<vmem_shared>>
    tpu.enqueue_dma source(%arg11 : memref<32x128xf32, #tpu.memory_space<vmem>>) target(%dma_start3A_100 : memref<32x128xf32, #tpu.memory_space<vmem_shared>>) target_semaphore(%arg14 : memref<!tpu.dma_semaphore, #tpu.memory_space<semaphore_mem>>)
    %add3A_101 = arith.constant 224 : i32
    %add3A_102 = arith.addi %mul3A_59, %add3A_101 : i32
    %dma_start3A_103 = arith.constant 0 : i32
    %dma_start3A_104 = tpu.memref_slice %arg20[%add3A_102, %dma_start3A_103] : memref<10240x128xf32, #tpu.memory_space<vmem_shared>> -> memref<32x128xf32, #tpu.memory_space<vmem_shared>>
    %dma_start3A_105 = arith.constant 0 : i32
    %dma_start3A_106 = tpu.memref_slice %arg20[%add3A_102, %dma_start3A_105] : memref<10240x128xf32, #tpu.memory_space<vmem_shared>> -> memref<32x128xf32, #tpu.memory_space<vmem_shared>>
    tpu.enqueue_dma source(%arg11 : memref<32x128xf32, #tpu.memory_space<vmem>>) target(%dma_start3A_106 : memref<32x128xf32, #tpu.memory_space<vmem_shared>>) target_semaphore(%arg14 : memref<!tpu.dma_semaphore, #tpu.memory_space<semaphore_mem>>)
    %add3A_107 = arith.constant 256 : i32
    %add3A_108 = arith.addi %mul3A_59, %add3A_107 : i32
    %dma_start3A_109 = arith.constant 0 : i32
    %dma_start3A_110 = tpu.memref_slice %arg20[%add3A_108, %dma_start3A_109] : memref<10240x128xf32, #tpu.memory_space<vmem_shared>> -> memref<32x128xf32, #tpu.memory_space<vmem_shared>>
    %dma_start3A_111 = arith.constant 0 : i32
    %dma_start3A_112 = tpu.memref_slice %arg20[%add3A_108, %dma_start3A_111] : memref<10240x128xf32, #tpu.memory_space<vmem_shared>> -> memref<32x128xf32, #tpu.memory_space<vmem_shared>>
    tpu.enqueue_dma source(%arg11 : memref<32x128xf32, #tpu.memory_space<vmem>>) target(%dma_start3A_112 : memref<32x128xf32, #tpu.memory_space<vmem_shared>>) target_semaphore(%arg14 : memref<!tpu.dma_semaphore, #tpu.memory_space<semaphore_mem>>)
    %add3A_113 = arith.constant 288 : i32
    %add3A_114 = arith.addi %mul3A_59, %add3A_113 : i32
    %dma_start3A_115 = arith.constant 0 : i32
    %dma_start3A_116 = tpu.memref_slice %arg20[%add3A_114, %dma_start3A_115] : memref<10240x128xf32, #tpu.memory_space<vmem_shared>> -> memref<32x128xf32, #tpu.memory_space<vmem_shared>>
    %dma_start3A_117 = arith.constant 0 : i32
    %dma_start3A_118 = tpu.memref_slice %arg20[%add3A_114, %dma_start3A_117] : memref<10240x128xf32, #tpu.memory_space<vmem_shared>> -> memref<32x128xf32, #tpu.memory_space<vmem_shared>>
    tpu.enqueue_dma source(%arg11 : memref<32x128xf32, #tpu.memory_space<vmem>>) target(%dma_start3A_118 : memref<32x128xf32, #tpu.memory_space<vmem_shared>>) target_semaphore(%arg14 : memref<!tpu.dma_semaphore, #tpu.memory_space<semaphore_mem>>)
    %add3A_119 = arith.constant 320 : i32
    %add3A_120 = arith.addi %mul3A_59, %add3A_119 : i32
    %dma_start3A_121 = arith.constant 0 : i32
    %dma_start3A_122 = tpu.memref_slice %arg20[%add3A_120, %dma_start3A_121] : memref<10240x128xf32, #tpu.memory_space<vmem_shared>> -> memref<32x128xf32, #tpu.memory_space<vmem_shared>>
    %dma_start3A_123 = arith.constant 0 : i32
    %dma_start3A_124 = tpu.memref_slice %arg20[%add3A_120, %dma_start3A_123] : memref<10240x128xf32, #tpu.memory_space<vmem_shared>> -> memref<32x128xf32, #tpu.memory_space<vmem_shared>>
    tpu.enqueue_dma source(%arg11 : memref<32x128xf32, #tpu.memory_space<vmem>>) target(%dma_start3A_124 : memref<32x128xf32, #tpu.memory_space<vmem_shared>>) target_semaphore(%arg14 : memref<!tpu.dma_semaphore, #tpu.memory_space<semaphore_mem>>)
    %add3A_125 = arith.constant 352 : i32
    %add3A_126 = arith.addi %mul3A_59, %add3A_125 : i32
    %dma_start3A_127 = arith.constant 0 : i32
    %dma_start3A_128 = tpu.memref_slice %arg20[%add3A_126, %dma_start3A_127] : memref<10240x128xf32, #tpu.memory_space<vmem_shared>> -> memref<32x128xf32, #tpu.memory_space<vmem_shared>>
    %dma_start3A_129 = arith.constant 0 : i32
    %dma_start3A_130 = tpu.memref_slice %arg20[%add3A_126, %dma_start3A_129] : memref<10240x128xf32, #tpu.memory_space<vmem_shared>> -> memref<32x128xf32, #tpu.memory_space<vmem_shared>>
    tpu.enqueue_dma source(%arg11 : memref<32x128xf32, #tpu.memory_space<vmem>>) target(%dma_start3A_130 : memref<32x128xf32, #tpu.memory_space<vmem_shared>>) target_semaphore(%arg14 : memref<!tpu.dma_semaphore, #tpu.memory_space<semaphore_mem>>)
    %add3A_131 = arith.constant 384 : i32
    %add3A_132 = arith.addi %mul3A_59, %add3A_131 : i32
    %dma_start3A_133 = arith.constant 0 : i32
    %dma_start3A_134 = tpu.memref_slice %arg20[%add3A_132, %dma_start3A_133] : memref<10240x128xf32, #tpu.memory_space<vmem_shared>> -> memref<32x128xf32, #tpu.memory_space<vmem_shared>>
    %dma_start3A_135 = arith.constant 0 : i32
    %dma_start3A_136 = tpu.memref_slice %arg20[%add3A_132, %dma_start3A_135] : memref<10240x128xf32, #tpu.memory_space<vmem_shared>> -> memref<32x128xf32, #tpu.memory_space<vmem_shared>>
    tpu.enqueue_dma source(%arg11 : memref<32x128xf32, #tpu.memory_space<vmem>>) target(%dma_start3A_136 : memref<32x128xf32, #tpu.memory_space<vmem_shared>>) target_semaphore(%arg14 : memref<!tpu.dma_semaphore, #tpu.memory_space<semaphore_mem>>)
    %add3A_137 = arith.constant 416 : i32
    %add3A_138 = arith.addi %mul3A_59, %add3A_137 : i32
    %dma_start3A_139 = arith.constant 0 : i32
    %dma_start3A_140 = tpu.memref_slice %arg20[%add3A_138, %dma_start3A_139] : memref<10240x128xf32, #tpu.memory_space<vmem_shared>> -> memref<32x128xf32, #tpu.memory_space<vmem_shared>>
    %dma_start3A_141 = arith.constant 0 : i32
    %dma_start3A_142 = tpu.memref_slice %arg20[%add3A_138, %dma_start3A_141] : memref<10240x128xf32, #tpu.memory_space<vmem_shared>> -> memref<32x128xf32, #tpu.memory_space<vmem_shared>>
    tpu.enqueue_dma source(%arg11 : memref<32x128xf32, #tpu.memory_space<vmem>>) target(%dma_start3A_142 : memref<32x128xf32, #tpu.memory_space<vmem_shared>>) target_semaphore(%arg14 : memref<!tpu.dma_semaphore, #tpu.memory_space<semaphore_mem>>)
    %add3A_143 = arith.constant 448 : i32
    %add3A_144 = arith.addi %mul3A_59, %add3A_143 : i32
    %dma_start3A_145 = arith.constant 0 : i32
    %dma_start3A_146 = tpu.memref_slice %arg20[%add3A_144, %dma_start3A_145] : memref<10240x128xf32, #tpu.memory_space<vmem_shared>> -> memref<32x128xf32, #tpu.memory_space<vmem_shared>>
    %dma_start3A_147 = arith.constant 0 : i32
    %dma_start3A_148 = tpu.memref_slice %arg20[%add3A_144, %dma_start3A_147] : memref<10240x128xf32, #tpu.memory_space<vmem_shared>> -> memref<32x128xf32, #tpu.memory_space<vmem_shared>>
    tpu.enqueue_dma source(%arg11 : memref<32x128xf32, #tpu.memory_space<vmem>>) target(%dma_start3A_148 : memref<32x128xf32, #tpu.memory_space<vmem_shared>>) target_semaphore(%arg14 : memref<!tpu.dma_semaphore, #tpu.memory_space<semaphore_mem>>)
    %add3A_149 = arith.constant 480 : i32
    %add3A_150 = arith.addi %mul3A_59, %add3A_149 : i32
    %dma_start3A_151 = arith.constant 0 : i32
    %dma_start3A_152 = tpu.memref_slice %arg20[%add3A_150, %dma_start3A_151] : memref<10240x128xf32, #tpu.memory_space<vmem_shared>> -> memref<32x128xf32, #tpu.memory_space<vmem_shared>>
    %dma_start3A_153 = arith.constant 0 : i32
    %dma_start3A_154 = tpu.memref_slice %arg20[%add3A_150, %dma_start3A_153] : memref<10240x128xf32, #tpu.memory_space<vmem_shared>> -> memref<32x128xf32, #tpu.memory_space<vmem_shared>>
    tpu.enqueue_dma source(%arg11 : memref<32x128xf32, #tpu.memory_space<vmem>>) target(%dma_start3A_154 : memref<32x128xf32, #tpu.memory_space<vmem_shared>>) target_semaphore(%arg14 : memref<!tpu.dma_semaphore, #tpu.memory_space<semaphore_mem>>)
    %add3A_155 = arith.constant 512 : i32
    %add3A_156 = arith.addi %mul3A_59, %add3A_155 : i32
    %dma_start3A_157 = arith.constant 0 : i32
    %dma_start3A_158 = tpu.memref_slice %arg20[%add3A_156, %dma_start3A_157] : memref<10240x128xf32, #tpu.memory_space<vmem_shared>> -> memref<32x128xf32, #tpu.memory_space<vmem_shared>>
    %dma_start3A_159 = arith.constant 0 : i32
    %dma_start3A_160 = tpu.memref_slice %arg20[%add3A_156, %dma_start3A_159] : memref<10240x128xf32, #tpu.memory_space<vmem_shared>> -> memref<32x128xf32, #tpu.memory_space<vmem_shared>>
    tpu.enqueue_dma source(%arg11 : memref<32x128xf32, #tpu.memory_space<vmem>>) target(%dma_start3A_160 : memref<32x128xf32, #tpu.memory_space<vmem_shared>>) target_semaphore(%arg14 : memref<!tpu.dma_semaphore, #tpu.memory_space<semaphore_mem>>)
    %add3A_161 = arith.constant 544 : i32
    %add3A_162 = arith.addi %mul3A_59, %add3A_161 : i32
    %dma_start3A_163 = arith.constant 0 : i32
    %dma_start3A_164 = tpu.memref_slice %arg20[%add3A_162, %dma_start3A_163] : memref<10240x128xf32, #tpu.memory_space<vmem_shared>> -> memref<32x128xf32, #tpu.memory_space<vmem_shared>>
    %dma_start3A_165 = arith.constant 0 : i32
    %dma_start3A_166 = tpu.memref_slice %arg20[%add3A_162, %dma_start3A_165] : memref<10240x128xf32, #tpu.memory_space<vmem_shared>> -> memref<32x128xf32, #tpu.memory_space<vmem_shared>>
    tpu.enqueue_dma source(%arg11 : memref<32x128xf32, #tpu.memory_space<vmem>>) target(%dma_start3A_166 : memref<32x128xf32, #tpu.memory_space<vmem_shared>>) target_semaphore(%arg14 : memref<!tpu.dma_semaphore, #tpu.memory_space<semaphore_mem>>)
    %add3A_167 = arith.constant 576 : i32
    %add3A_168 = arith.addi %mul3A_59, %add3A_167 : i32
    %dma_start3A_169 = arith.constant 0 : i32
    %dma_start3A_170 = tpu.memref_slice %arg20[%add3A_168, %dma_start3A_169] : memref<10240x128xf32, #tpu.memory_space<vmem_shared>> -> memref<32x128xf32, #tpu.memory_space<vmem_shared>>
    %dma_start3A_171 = arith.constant 0 : i32
    %dma_start3A_172 = tpu.memref_slice %arg20[%add3A_168, %dma_start3A_171] : memref<10240x128xf32, #tpu.memory_space<vmem_shared>> -> memref<32x128xf32, #tpu.memory_space<vmem_shared>>
    tpu.enqueue_dma source(%arg11 : memref<32x128xf32, #tpu.memory_space<vmem>>) target(%dma_start3A_172 : memref<32x128xf32, #tpu.memory_space<vmem_shared>>) target_semaphore(%arg14 : memref<!tpu.dma_semaphore, #tpu.memory_space<semaphore_mem>>)
    %add3A_173 = arith.constant 608 : i32
    %add3A_174 = arith.addi %mul3A_59, %add3A_173 : i32
    %dma_start3A_175 = arith.constant 0 : i32
    %dma_start3A_176 = tpu.memref_slice %arg20[%add3A_174, %dma_start3A_175] : memref<10240x128xf32, #tpu.memory_space<vmem_shared>> -> memref<32x128xf32, #tpu.memory_space<vmem_shared>>
    %dma_start3A_177 = arith.constant 0 : i32
    %dma_start3A_178 = tpu.memref_slice %arg20[%add3A_174, %dma_start3A_177] : memref<10240x128xf32, #tpu.memory_space<vmem_shared>> -> memref<32x128xf32, #tpu.memory_space<vmem_shared>>
    tpu.enqueue_dma source(%arg11 : memref<32x128xf32, #tpu.memory_space<vmem>>) target(%dma_start3A_178 : memref<32x128xf32, #tpu.memory_space<vmem_shared>>) target_semaphore(%arg14 : memref<!tpu.dma_semaphore, #tpu.memory_space<semaphore_mem>>)
    %dma_start3A_179 = tpu.memref_slice %arg21[%mul3A_59] : memref<10240xf32, #tpu.memory_space<vmem_shared>> -> memref<640xf32, #tpu.memory_space<vmem_shared>>
    %dma_start3A_180 = tpu.memref_slice %arg21[%mul3A_59] : memref<10240xf32, #tpu.memory_space<vmem_shared>> -> memref<640xf32, #tpu.memory_space<vmem_shared>>
    tpu.enqueue_dma source(%arg13 : memref<640xf32, #tpu.memory_space<vmem>>) target(%dma_start3A_180 : memref<640xf32, #tpu.memory_space<vmem_shared>>) target_semaphore(%arg14 : memref<!tpu.dma_semaphore, #tpu.memory_space<semaphore_mem>>)
    %dma_wait3A = arith.constant 0 : i32
    %dma_wait3A_181 = tpu.memref_slice %arg20[%add3A_61, %dma_wait3A] : memref<10240x128xf32, #tpu.memory_space<vmem_shared>> -> memref<32x128xf32, #tpu.memory_space<vmem_shared>>
    %dma_wait3A_182 = arith.constant 0 : i32
    %dma_wait3A_183 = tpu.memref_slice %arg20[%add3A_61, %dma_wait3A_182] : memref<10240x128xf32, #tpu.memory_space<vmem_shared>> -> memref<32x128xf32, #tpu.memory_space<vmem_shared>>
    tpu.wait_dma2 semaphore(%arg14 : memref<!tpu.dma_semaphore, #tpu.memory_space<semaphore_mem>>) src(%arg11 : memref<32x128xf32, #tpu.memory_space<vmem>>) dst(%dma_wait3A_183 : memref<32x128xf32, #tpu.memory_space<vmem_shared>>)
    %dma_wait3A_184 = arith.constant 0 : i32
    %dma_wait3A_185 = tpu.memref_slice %arg20[%add3A_66, %dma_wait3A_184] : memref<10240x128xf32, #tpu.memory_space<vmem_shared>> -> memref<32x128xf32, #tpu.memory_space<vmem_shared>>
    %dma_wait3A_186 = arith.constant 0 : i32
    %dma_wait3A_187 = tpu.memref_slice %arg20[%add3A_66, %dma_wait3A_186] : memref<10240x128xf32, #tpu.memory_space<vmem_shared>> -> memref<32x128xf32, #tpu.memory_space<vmem_shared>>
    tpu.wait_dma2 semaphore(%arg14 : memref<!tpu.dma_semaphore, #tpu.memory_space<semaphore_mem>>) src(%arg11 : memref<32x128xf32, #tpu.memory_space<vmem>>) dst(%dma_wait3A_187 : memref<32x128xf32, #tpu.memory_space<vmem_shared>>)
    %dma_wait3A_188 = arith.constant 0 : i32
    %dma_wait3A_189 = tpu.memref_slice %arg20[%add3A_72, %dma_wait3A_188] : memref<10240x128xf32, #tpu.memory_space<vmem_shared>> -> memref<32x128xf32, #tpu.memory_space<vmem_shared>>
    %dma_wait3A_190 = arith.constant 0 : i32
    %dma_wait3A_191 = tpu.memref_slice %arg20[%add3A_72, %dma_wait3A_190] : memref<10240x128xf32, #tpu.memory_space<vmem_shared>> -> memref<32x128xf32, #tpu.memory_space<vmem_shared>>
    tpu.wait_dma2 semaphore(%arg14 : memref<!tpu.dma_semaphore, #tpu.memory_space<semaphore_mem>>) src(%arg11 : memref<32x128xf32, #tpu.memory_space<vmem>>) dst(%dma_wait3A_191 : memref<32x128xf32, #tpu.memory_space<vmem_shared>>)
    %dma_wait3A_192 = arith.constant 0 : i32
    %dma_wait3A_193 = tpu.memref_slice %arg20[%add3A_78, %dma_wait3A_192] : memref<10240x128xf32, #tpu.memory_space<vmem_shared>> -> memref<32x128xf32, #tpu.memory_space<vmem_shared>>
    %dma_wait3A_194 = arith.constant 0 : i32
    %dma_wait3A_195 = tpu.memref_slice %arg20[%add3A_78, %dma_wait3A_194] : memref<10240x128xf32, #tpu.memory_space<vmem_shared>> -> memref<32x128xf32, #tpu.memory_space<vmem_shared>>
    tpu.wait_dma2 semaphore(%arg14 : memref<!tpu.dma_semaphore, #tpu.memory_space<semaphore_mem>>) src(%arg11 : memref<32x128xf32, #tpu.memory_space<vmem>>) dst(%dma_wait3A_195 : memref<32x128xf32, #tpu.memory_space<vmem_shared>>)
    %dma_wait3A_196 = arith.constant 0 : i32
    %dma_wait3A_197 = tpu.memref_slice %arg20[%add3A_84, %dma_wait3A_196] : memref<10240x128xf32, #tpu.memory_space<vmem_shared>> -> memref<32x128xf32, #tpu.memory_space<vmem_shared>>
    %dma_wait3A_198 = arith.constant 0 : i32
    %dma_wait3A_199 = tpu.memref_slice %arg20[%add3A_84, %dma_wait3A_198] : memref<10240x128xf32, #tpu.memory_space<vmem_shared>> -> memref<32x128xf32, #tpu.memory_space<vmem_shared>>
    tpu.wait_dma2 semaphore(%arg14 : memref<!tpu.dma_semaphore, #tpu.memory_space<semaphore_mem>>) src(%arg11 : memref<32x128xf32, #tpu.memory_space<vmem>>) dst(%dma_wait3A_199 : memref<32x128xf32, #tpu.memory_space<vmem_shared>>)
    %dma_wait3A_200 = arith.constant 0 : i32
    %dma_wait3A_201 = tpu.memref_slice %arg20[%add3A_90, %dma_wait3A_200] : memref<10240x128xf32, #tpu.memory_space<vmem_shared>> -> memref<32x128xf32, #tpu.memory_space<vmem_shared>>
    %dma_wait3A_202 = arith.constant 0 : i32
    %dma_wait3A_203 = tpu.memref_slice %arg20[%add3A_90, %dma_wait3A_202] : memref<10240x128xf32, #tpu.memory_space<vmem_shared>> -> memref<32x128xf32, #tpu.memory_space<vmem_shared>>
    tpu.wait_dma2 semaphore(%arg14 : memref<!tpu.dma_semaphore, #tpu.memory_space<semaphore_mem>>) src(%arg11 : memref<32x128xf32, #tpu.memory_space<vmem>>) dst(%dma_wait3A_203 : memref<32x128xf32, #tpu.memory_space<vmem_shared>>)
    %dma_wait3A_204 = arith.constant 0 : i32
    %dma_wait3A_205 = tpu.memref_slice %arg20[%add3A_96, %dma_wait3A_204] : memref<10240x128xf32, #tpu.memory_space<vmem_shared>> -> memref<32x128xf32, #tpu.memory_space<vmem_shared>>
    %dma_wait3A_206 = arith.constant 0 : i32
    %dma_wait3A_207 = tpu.memref_slice %arg20[%add3A_96, %dma_wait3A_206] : memref<10240x128xf32, #tpu.memory_space<vmem_shared>> -> memref<32x128xf32, #tpu.memory_space<vmem_shared>>
    tpu.wait_dma2 semaphore(%arg14 : memref<!tpu.dma_semaphore, #tpu.memory_space<semaphore_mem>>) src(%arg11 : memref<32x128xf32, #tpu.memory_space<vmem>>) dst(%dma_wait3A_207 : memref<32x128xf32, #tpu.memory_space<vmem_shared>>)
    %dma_wait3A_208 = arith.constant 0 : i32
    %dma_wait3A_209 = tpu.memref_slice %arg20[%add3A_102, %dma_wait3A_208] : memref<10240x128xf32, #tpu.memory_space<vmem_shared>> -> memref<32x128xf32, #tpu.memory_space<vmem_shared>>
    %dma_wait3A_210 = arith.constant 0 : i32
    %dma_wait3A_211 = tpu.memref_slice %arg20[%add3A_102, %dma_wait3A_210] : memref<10240x128xf32, #tpu.memory_space<vmem_shared>> -> memref<32x128xf32, #tpu.memory_space<vmem_shared>>
    tpu.wait_dma2 semaphore(%arg14 : memref<!tpu.dma_semaphore, #tpu.memory_space<semaphore_mem>>) src(%arg11 : memref<32x128xf32, #tpu.memory_space<vmem>>) dst(%dma_wait3A_211 : memref<32x128xf32, #tpu.memory_space<vmem_shared>>)
    %dma_wait3A_212 = arith.constant 0 : i32
    %dma_wait3A_213 = tpu.memref_slice %arg20[%add3A_108, %dma_wait3A_212] : memref<10240x128xf32, #tpu.memory_space<vmem_shared>> -> memref<32x128xf32, #tpu.memory_space<vmem_shared>>
    %dma_wait3A_214 = arith.constant 0 : i32
    %dma_wait3A_215 = tpu.memref_slice %arg20[%add3A_108, %dma_wait3A_214] : memref<10240x128xf32, #tpu.memory_space<vmem_shared>> -> memref<32x128xf32, #tpu.memory_space<vmem_shared>>
    tpu.wait_dma2 semaphore(%arg14 : memref<!tpu.dma_semaphore, #tpu.memory_space<semaphore_mem>>) src(%arg11 : memref<32x128xf32, #tpu.memory_space<vmem>>) dst(%dma_wait3A_215 : memref<32x128xf32, #tpu.memory_space<vmem_shared>>)
    %dma_wait3A_216 = arith.constant 0 : i32
    %dma_wait3A_217 = tpu.memref_slice %arg20[%add3A_114, %dma_wait3A_216] : memref<10240x128xf32, #tpu.memory_space<vmem_shared>> -> memref<32x128xf32, #tpu.memory_space<vmem_shared>>
    %dma_wait3A_218 = arith.constant 0 : i32
    %dma_wait3A_219 = tpu.memref_slice %arg20[%add3A_114, %dma_wait3A_218] : memref<10240x128xf32, #tpu.memory_space<vmem_shared>> -> memref<32x128xf32, #tpu.memory_space<vmem_shared>>
    tpu.wait_dma2 semaphore(%arg14 : memref<!tpu.dma_semaphore, #tpu.memory_space<semaphore_mem>>) src(%arg11 : memref<32x128xf32, #tpu.memory_space<vmem>>) dst(%dma_wait3A_219 : memref<32x128xf32, #tpu.memory_space<vmem_shared>>)
    %dma_wait3A_220 = arith.constant 0 : i32
    %dma_wait3A_221 = tpu.memref_slice %arg20[%add3A_120, %dma_wait3A_220] : memref<10240x128xf32, #tpu.memory_space<vmem_shared>> -> memref<32x128xf32, #tpu.memory_space<vmem_shared>>
    %dma_wait3A_222 = arith.constant 0 : i32
    %dma_wait3A_223 = tpu.memref_slice %arg20[%add3A_120, %dma_wait3A_222] : memref<10240x128xf32, #tpu.memory_space<vmem_shared>> -> memref<32x128xf32, #tpu.memory_space<vmem_shared>>
    tpu.wait_dma2 semaphore(%arg14 : memref<!tpu.dma_semaphore, #tpu.memory_space<semaphore_mem>>) src(%arg11 : memref<32x128xf32, #tpu.memory_space<vmem>>) dst(%dma_wait3A_223 : memref<32x128xf32, #tpu.memory_space<vmem_shared>>)
    %dma_wait3A_224 = arith.constant 0 : i32
    %dma_wait3A_225 = tpu.memref_slice %arg20[%add3A_126, %dma_wait3A_224] : memref<10240x128xf32, #tpu.memory_space<vmem_shared>> -> memref<32x128xf32, #tpu.memory_space<vmem_shared>>
    %dma_wait3A_226 = arith.constant 0 : i32
    %dma_wait3A_227 = tpu.memref_slice %arg20[%add3A_126, %dma_wait3A_226] : memref<10240x128xf32, #tpu.memory_space<vmem_shared>> -> memref<32x128xf32, #tpu.memory_space<vmem_shared>>
    tpu.wait_dma2 semaphore(%arg14 : memref<!tpu.dma_semaphore, #tpu.memory_space<semaphore_mem>>) src(%arg11 : memref<32x128xf32, #tpu.memory_space<vmem>>) dst(%dma_wait3A_227 : memref<32x128xf32, #tpu.memory_space<vmem_shared>>)
    %dma_wait3A_228 = arith.constant 0 : i32
    %dma_wait3A_229 = tpu.memref_slice %arg20[%add3A_132, %dma_wait3A_228] : memref<10240x128xf32, #tpu.memory_space<vmem_shared>> -> memref<32x128xf32, #tpu.memory_space<vmem_shared>>
    %dma_wait3A_230 = arith.constant 0 : i32
    %dma_wait3A_231 = tpu.memref_slice %arg20[%add3A_132, %dma_wait3A_230] : memref<10240x128xf32, #tpu.memory_space<vmem_shared>> -> memref<32x128xf32, #tpu.memory_space<vmem_shared>>
    tpu.wait_dma2 semaphore(%arg14 : memref<!tpu.dma_semaphore, #tpu.memory_space<semaphore_mem>>) src(%arg11 : memref<32x128xf32, #tpu.memory_space<vmem>>) dst(%dma_wait3A_231 : memref<32x128xf32, #tpu.memory_space<vmem_shared>>)
    %dma_wait3A_232 = arith.constant 0 : i32
    %dma_wait3A_233 = tpu.memref_slice %arg20[%add3A_138, %dma_wait3A_232] : memref<10240x128xf32, #tpu.memory_space<vmem_shared>> -> memref<32x128xf32, #tpu.memory_space<vmem_shared>>
    %dma_wait3A_234 = arith.constant 0 : i32
    %dma_wait3A_235 = tpu.memref_slice %arg20[%add3A_138, %dma_wait3A_234] : memref<10240x128xf32, #tpu.memory_space<vmem_shared>> -> memref<32x128xf32, #tpu.memory_space<vmem_shared>>
    tpu.wait_dma2 semaphore(%arg14 : memref<!tpu.dma_semaphore, #tpu.memory_space<semaphore_mem>>) src(%arg11 : memref<32x128xf32, #tpu.memory_space<vmem>>) dst(%dma_wait3A_235 : memref<32x128xf32, #tpu.memory_space<vmem_shared>>)
    %dma_wait3A_236 = arith.constant 0 : i32
    %dma_wait3A_237 = tpu.memref_slice %arg20[%add3A_144, %dma_wait3A_236] : memref<10240x128xf32, #tpu.memory_space<vmem_shared>> -> memref<32x128xf32, #tpu.memory_space<vmem_shared>>
    %dma_wait3A_238 = arith.constant 0 : i32
    %dma_wait3A_239 = tpu.memref_slice %arg20[%add3A_144, %dma_wait3A_238] : memref<10240x128xf32, #tpu.memory_space<vmem_shared>> -> memref<32x128xf32, #tpu.memory_space<vmem_shared>>
    tpu.wait_dma2 semaphore(%arg14 : memref<!tpu.dma_semaphore, #tpu.memory_space<semaphore_mem>>) src(%arg11 : memref<32x128xf32, #tpu.memory_space<vmem>>) dst(%dma_wait3A_239 : memref<32x128xf32, #tpu.memory_space<vmem_shared>>)
    %dma_wait3A_240 = arith.constant 0 : i32
    %dma_wait3A_241 = tpu.memref_slice %arg20[%add3A_150, %dma_wait3A_240] : memref<10240x128xf32, #tpu.memory_space<vmem_shared>> -> memref<32x128xf32, #tpu.memory_space<vmem_shared>>
    %dma_wait3A_242 = arith.constant 0 : i32
    %dma_wait3A_243 = tpu.memref_slice %arg20[%add3A_150, %dma_wait3A_242] : memref<10240x128xf32, #tpu.memory_space<vmem_shared>> -> memref<32x128xf32, #tpu.memory_space<vmem_shared>>
    tpu.wait_dma2 semaphore(%arg14 : memref<!tpu.dma_semaphore, #tpu.memory_space<semaphore_mem>>) src(%arg11 : memref<32x128xf32, #tpu.memory_space<vmem>>) dst(%dma_wait3A_243 : memref<32x128xf32, #tpu.memory_space<vmem_shared>>)
    %dma_wait3A_244 = arith.constant 0 : i32
    %dma_wait3A_245 = tpu.memref_slice %arg20[%add3A_156, %dma_wait3A_244] : memref<10240x128xf32, #tpu.memory_space<vmem_shared>> -> memref<32x128xf32, #tpu.memory_space<vmem_shared>>
    %dma_wait3A_246 = arith.constant 0 : i32
    %dma_wait3A_247 = tpu.memref_slice %arg20[%add3A_156, %dma_wait3A_246] : memref<10240x128xf32, #tpu.memory_space<vmem_shared>> -> memref<32x128xf32, #tpu.memory_space<vmem_shared>>
    tpu.wait_dma2 semaphore(%arg14 : memref<!tpu.dma_semaphore, #tpu.memory_space<semaphore_mem>>) src(%arg11 : memref<32x128xf32, #tpu.memory_space<vmem>>) dst(%dma_wait3A_247 : memref<32x128xf32, #tpu.memory_space<vmem_shared>>)
    %dma_wait3A_248 = arith.constant 0 : i32
    %dma_wait3A_249 = tpu.memref_slice %arg20[%add3A_162, %dma_wait3A_248] : memref<10240x128xf32, #tpu.memory_space<vmem_shared>> -> memref<32x128xf32, #tpu.memory_space<vmem_shared>>
    %dma_wait3A_250 = arith.constant 0 : i32
    %dma_wait3A_251 = tpu.memref_slice %arg20[%add3A_162, %dma_wait3A_250] : memref<10240x128xf32, #tpu.memory_space<vmem_shared>> -> memref<32x128xf32, #tpu.memory_space<vmem_shared>>
    tpu.wait_dma2 semaphore(%arg14 : memref<!tpu.dma_semaphore, #tpu.memory_space<semaphore_mem>>) src(%arg11 : memref<32x128xf32, #tpu.memory_space<vmem>>) dst(%dma_wait3A_251 : memref<32x128xf32, #tpu.memory_space<vmem_shared>>)
    %dma_wait3A_252 = arith.constant 0 : i32
    %dma_wait3A_253 = tpu.memref_slice %arg20[%add3A_168, %dma_wait3A_252] : memref<10240x128xf32, #tpu.memory_space<vmem_shared>> -> memref<32x128xf32, #tpu.memory_space<vmem_shared>>
    %dma_wait3A_254 = arith.constant 0 : i32
    %dma_wait3A_255 = tpu.memref_slice %arg20[%add3A_168, %dma_wait3A_254] : memref<10240x128xf32, #tpu.memory_space<vmem_shared>> -> memref<32x128xf32, #tpu.memory_space<vmem_shared>>
    tpu.wait_dma2 semaphore(%arg14 : memref<!tpu.dma_semaphore, #tpu.memory_space<semaphore_mem>>) src(%arg11 : memref<32x128xf32, #tpu.memory_space<vmem>>) dst(%dma_wait3A_255 : memref<32x128xf32, #tpu.memory_space<vmem_shared>>)
    %dma_wait3A_256 = arith.constant 0 : i32
    %dma_wait3A_257 = tpu.memref_slice %arg20[%add3A_174, %dma_wait3A_256] : memref<10240x128xf32, #tpu.memory_space<vmem_shared>> -> memref<32x128xf32, #tpu.memory_space<vmem_shared>>
    %dma_wait3A_258 = arith.constant 0 : i32
    %dma_wait3A_259 = tpu.memref_slice %arg20[%add3A_174, %dma_wait3A_258] : memref<10240x128xf32, #tpu.memory_space<vmem_shared>> -> memref<32x128xf32, #tpu.memory_space<vmem_shared>>
    tpu.wait_dma2 semaphore(%arg14 : memref<!tpu.dma_semaphore, #tpu.memory_space<semaphore_mem>>) src(%arg11 : memref<32x128xf32, #tpu.memory_space<vmem>>) dst(%dma_wait3A_259 : memref<32x128xf32, #tpu.memory_space<vmem_shared>>)
    %dma_wait3A_260 = tpu.memref_slice %arg21[%mul3A_59] : memref<10240xf32, #tpu.memory_space<vmem_shared>> -> memref<640xf32, #tpu.memory_space<vmem_shared>>
    %dma_wait3A_261 = tpu.memref_slice %arg21[%mul3A_59] : memref<10240xf32, #tpu.memory_space<vmem_shared>> -> memref<640xf32, #tpu.memory_space<vmem_shared>>
    tpu.wait_dma2 semaphore(%arg14 : memref<!tpu.dma_semaphore, #tpu.memory_space<semaphore_mem>>) src(%arg13 : memref<640xf32, #tpu.memory_space<vmem>>) dst(%dma_wait3A_261 : memref<640xf32, #tpu.memory_space<vmem_shared>>)
    %barrier3A = arith.constant 0 : index
    tpu.barrier barrier_id(%barrier3A)
    %mul3A_262 = arith.constant 80 : i32
    %mul3A_263 = arith.muli %add3A, %mul3A_262 : i32
    %scan3A_264 = arith.constant 0 : i32
    %scan3A_265 = arith.constant 0 : i32
    %scan3A_266 = arith.constant 5 : i32
    %scan3A_267 = arith.addi %scan3A_265, %scan3A_266 : i32
    %scan3A_268 = arith.constant 1 : i32
    scf.for %scan3A_354 = %scan3A_265 to %scan3A_267 step %scan3A_268  : i32 {
      %mul3A_355 = arith.constant 16 : i32
      %mul3A_356 = arith.muli %scan3A_354, %mul3A_355 : i32
      %add3A_357 = arith.addi %mul3A_263, %mul3A_356 : i32
      "tpu.region"() ({
        %run_scoped3A = tpu.sem_alloc : memref<!tpu.dma_semaphore, #tpu.memory_space<semaphore_mem>>
        %dma_start3A_998 = arith.constant 0 : i32
        %dma_start3A_999 = tpu.memref_slice %arg3[%add3A_357, %dma_start3A_998] : memref<2560x128xi32, #tpu.memory_space<hbm>> -> memref<16x128xi32, #tpu.memory_space<hbm>>
        %dma_start3A_1000 = arith.constant 0 : i32
        %dma_start3A_1001 = tpu.memref_slice %arg3[%add3A_357, %dma_start3A_1000] : memref<2560x128xi32, #tpu.memory_space<hbm>> -> memref<16x128xi32, #tpu.memory_space<hbm>>
        tpu.enqueue_dma source(%dma_start3A_1001 : memref<16x128xi32, #tpu.memory_space<hbm>>) target(%arg7 : memref<16x128xi32, #tpu.memory_space<vmem>>) target_semaphore(%run_scoped3A : memref<!tpu.dma_semaphore, #tpu.memory_space<semaphore_mem>>)
        %dma_wait3A_1002 = arith.constant 0 : i32
        %dma_wait3A_1003 = tpu.memref_slice %arg3[%add3A_357, %dma_wait3A_1002] : memref<2560x128xi32, #tpu.memory_space<hbm>> -> memref<16x128xi32, #tpu.memory_space<hbm>>
        %dma_wait3A_1004 = arith.constant 0 : i32
        %dma_wait3A_1005 = tpu.memref_slice %arg3[%add3A_357, %dma_wait3A_1004] : memref<2560x128xi32, #tpu.memory_space<hbm>> -> memref<16x128xi32, #tpu.memory_space<hbm>>
        tpu.wait_dma2 semaphore(%run_scoped3A : memref<!tpu.dma_semaphore, #tpu.memory_space<semaphore_mem>>) src(%dma_wait3A_1005 : memref<16x128xi32, #tpu.memory_space<hbm>>) dst(%arg7 : memref<16x128xi32, #tpu.memory_space<vmem>>)
        tpu.yield
      }) : () -> ()
      "tpu.region"() ({
        %run_scoped3A = tpu.sem_alloc : memref<!tpu.dma_semaphore, #tpu.memory_space<semaphore_mem>>
        %dma_start3A_998 = arith.constant 0 : i32
        %dma_start3A_999 = tpu.memref_slice %arg4[%add3A_357, %dma_start3A_998] : memref<2560x128xi32, #tpu.memory_space<hbm>> -> memref<16x128xi32, #tpu.memory_space<hbm>>
        %dma_start3A_1000 = arith.constant 0 : i32
        %dma_start3A_1001 = tpu.memref_slice %arg4[%add3A_357, %dma_start3A_1000] : memref<2560x128xi32, #tpu.memory_space<hbm>> -> memref<16x128xi32, #tpu.memory_space<hbm>>
        tpu.enqueue_dma source(%dma_start3A_1001 : memref<16x128xi32, #tpu.memory_space<hbm>>) target(%arg8 : memref<16x128xi32, #tpu.memory_space<vmem>>) target_semaphore(%run_scoped3A : memref<!tpu.dma_semaphore, #tpu.memory_space<semaphore_mem>>)
        %dma_wait3A_1002 = arith.constant 0 : i32
        %dma_wait3A_1003 = tpu.memref_slice %arg4[%add3A_357, %dma_wait3A_1002] : memref<2560x128xi32, #tpu.memory_space<hbm>> -> memref<16x128xi32, #tpu.memory_space<hbm>>
        %dma_wait3A_1004 = arith.constant 0 : i32
        %dma_wait3A_1005 = tpu.memref_slice %arg4[%add3A_357, %dma_wait3A_1004] : memref<2560x128xi32, #tpu.memory_space<hbm>> -> memref<16x128xi32, #tpu.memory_space<hbm>>
        tpu.wait_dma2 semaphore(%run_scoped3A : memref<!tpu.dma_semaphore, #tpu.memory_space<semaphore_mem>>) src(%dma_wait3A_1005 : memref<16x128xi32, #tpu.memory_space<hbm>>) dst(%arg8 : memref<16x128xi32, #tpu.memory_space<vmem>>)
        tpu.yield
      }) : () -> ()
      %dma_start3A_358 = arith.constant 0 : i32
      %dma_start3A_359 = arith.constant 0 : i32
      %dma_start3A_360 = tpu.memref_slice %arg7[%dma_start3A_358, %dma_start3A_359] : memref<16x128xi32, #tpu.memory_space<vmem>> -> memref<1x128xi32, #tpu.memory_space<vmem>>
      %dma_start3A_361 = tpu.memref_squeeze %dma_start3A_360 : memref<1x128xi32, #tpu.memory_space<vmem>> -> memref<128xi32, #tpu.memory_space<vmem>>
      %dma_start3A_362 = arith.constant 0 : i32
      %dma_start3A_363 = arith.constant 0 : i32
      %dma_start3A_364 = tpu.memref_slice %arg2[%dma_start3A_362, %dma_start3A_363] : memref<10000x128xf32, #tpu.memory_space<hbm>> -> memref<10000x128xf32, #tpu.memory_space<hbm>>
      tpu.enqueue_indirect_dma source(%dma_start3A_364 : memref<10000x128xf32, #tpu.memory_space<hbm>>) target(%arg9 : memref<128x128xf32, #tpu.memory_space<vmem>>) offsets(%dma_start3A_361 : memref<128xi32, #tpu.memory_space<vmem>>) semaphore(%arg14 : memref<!tpu.dma_semaphore, #tpu.memory_space<semaphore_mem>>)
      %dma_start3A_365 = arith.constant 1 : i32
      %dma_start3A_366 = arith.constant 0 : i32
      %dma_start3A_367 = tpu.memref_slice %arg7[%dma_start3A_365, %dma_start3A_366] : memref<16x128xi32, #tpu.memory_space<vmem>> -> memref<1x128xi32, #tpu.memory_space<vmem>>
      %dma_start3A_368 = tpu.memref_squeeze %dma_start3A_367 : memref<1x128xi32, #tpu.memory_space<vmem>> -> memref<128xi32, #tpu.memory_space<vmem>>
      %dma_start3A_369 = arith.constant 0 : i32
      %dma_start3A_370 = arith.constant 0 : i32
      %dma_start3A_371 = tpu.memref_slice %arg2[%dma_start3A_369, %dma_start3A_370] : memref<10000x128xf32, #tpu.memory_space<hbm>> -> memref<10000x128xf32, #tpu.memory_space<hbm>>
      tpu.enqueue_indirect_dma source(%dma_start3A_371 : memref<10000x128xf32, #tpu.memory_space<hbm>>) target(%arg10 : memref<128x128xf32, #tpu.memory_space<vmem>>) offsets(%dma_start3A_368 : memref<128xi32, #tpu.memory_space<vmem>>) semaphore(%arg15 : memref<!tpu.dma_semaphore, #tpu.memory_space<semaphore_mem>>)
      %dma_wait3A_372 = arith.constant 0 : i32
      %dma_wait3A_373 = arith.constant 0 : i32
      %dma_wait3A_374 = tpu.memref_slice %arg7[%dma_wait3A_372, %dma_wait3A_373] : memref<16x128xi32, #tpu.memory_space<vmem>> -> memref<1x128xi32, #tpu.memory_space<vmem>>
      %dma_wait3A_375 = tpu.memref_squeeze %dma_wait3A_374 : memref<1x128xi32, #tpu.memory_space<vmem>> -> memref<128xi32, #tpu.memory_space<vmem>>
      %dma_wait3A_376 = arith.constant 0 : i32
      %dma_wait3A_377 = arith.constant 0 : i32
      %dma_wait3A_378 = tpu.memref_slice %arg2[%dma_wait3A_376, %dma_wait3A_377] : memref<10000x128xf32, #tpu.memory_space<hbm>> -> memref<10000x128xf32, #tpu.memory_space<hbm>>
      tpu.wait_indirect_dma semaphore(%arg14 : memref<!tpu.dma_semaphore, #tpu.memory_space<semaphore_mem>>) src(%dma_wait3A_378 : memref<10000x128xf32, #tpu.memory_space<hbm>>) dst(%arg9 : memref<128x128xf32, #tpu.memory_space<vmem>>)
      %dma_start3A_379 = arith.constant 0 : i32
      %dma_start3A_380 = arith.constant 0 : i32
      %dma_start3A_381 = tpu.memref_slice %arg8[%dma_start3A_379, %dma_start3A_380] : memref<16x128xi32, #tpu.memory_space<vmem>> -> memref<1x128xi32, #tpu.memory_space<vmem>>
      %dma_start3A_382 = tpu.memref_squeeze %dma_start3A_381 : memref<1x128xi32, #tpu.memory_space<vmem>> -> memref<128xi32, #tpu.memory_space<vmem>>
      %dma_start3A_383 = arith.constant 0 : i32
      %dma_start3A_384 = arith.constant 0 : i32
      %dma_start3A_385 = tpu.memref_slice %arg20[%dma_start3A_383, %dma_start3A_384] : memref<10240x128xf32, #tpu.memory_space<vmem_shared>> -> memref<10240x128xf32, #tpu.memory_space<vmem_shared>>
      tpu.enqueue_indirect_dma source(%arg9 : memref<128x128xf32, #tpu.memory_space<vmem>>) target(%dma_start3A_385 : memref<10240x128xf32, #tpu.memory_space<vmem_shared>>) offsets(%dma_start3A_382 : memref<128xi32, #tpu.memory_space<vmem>>) semaphore(%arg16 : memref<!tpu.dma_semaphore, #tpu.memory_space<semaphore_mem>>) {add = true}
      %dma_start3A_386 = arith.constant 0 : i32
      %dma_start3A_387 = arith.constant 0 : i32
      %dma_start3A_388 = tpu.memref_slice %arg8[%dma_start3A_386, %dma_start3A_387] : memref<16x128xi32, #tpu.memory_space<vmem>> -> memref<1x128xi32, #tpu.memory_space<vmem>>
      %dma_start3A_389 = tpu.memref_squeeze %dma_start3A_388 : memref<1x128xi32, #tpu.memory_space<vmem>> -> memref<128xi32, #tpu.memory_space<vmem>>
      %dma_start3A_390 = arith.constant 0 : i32
      %dma_start3A_391 = tpu.memref_slice %arg21[%dma_start3A_390] : memref<10240xf32, #tpu.memory_space<vmem_shared>> -> memref<10240xf32, #tpu.memory_space<vmem_shared>>
      tpu.enqueue_indirect_dma source(%arg12 : memref<128xf32, #tpu.memory_space<vmem>>) target(%dma_start3A_391 : memref<10240xf32, #tpu.memory_space<vmem_shared>>) offsets(%dma_start3A_389 : memref<128xi32, #tpu.memory_space<vmem>>) semaphore(%arg18 : memref<!tpu.dma_semaphore, #tpu.memory_space<semaphore_mem>>) {add = true}
      %dma_wait3A_392 = arith.constant 0 : i32
      %dma_wait3A_393 = arith.constant 0 : i32
      %dma_wait3A_394 = tpu.memref_slice %arg8[%dma_wait3A_392, %dma_wait3A_393] : memref<16x128xi32, #tpu.memory_space<vmem>> -> memref<1x128xi32, #tpu.memory_space<vmem>>
      %dma_wait3A_395 = tpu.memref_squeeze %dma_wait3A_394 : memref<1x128xi32, #tpu.memory_space<vmem>> -> memref<128xi32, #tpu.memory_space<vmem>>
      %dma_wait3A_396 = arith.constant 0 : i32
      %dma_wait3A_397 = arith.constant 0 : i32
      %dma_wait3A_398 = tpu.memref_slice %arg20[%dma_wait3A_396, %dma_wait3A_397] : memref<10240x128xf32, #tpu.memory_space<vmem_shared>> -> memref<10240x128xf32, #tpu.memory_space<vmem_shared>>
      tpu.wait_indirect_dma semaphore(%arg16 : memref<!tpu.dma_semaphore, #tpu.memory_space<semaphore_mem>>) src(%arg9 : memref<128x128xf32, #tpu.memory_space<vmem>>) dst(%dma_wait3A_398 : memref<10240x128xf32, #tpu.memory_space<vmem_shared>>)
      %dma_start3A_399 = arith.constant 2 : i32
      %dma_start3A_400 = arith.constant 0 : i32
      %dma_start3A_401 = tpu.memref_slice %arg7[%dma_start3A_399, %dma_start3A_400] : memref<16x128xi32, #tpu.memory_space<vmem>> -> memref<1x128xi32, #tpu.memory_space<vmem>>
      %dma_start3A_402 = tpu.memref_squeeze %dma_start3A_401 : memref<1x128xi32, #tpu.memory_space<vmem>> -> memref<128xi32, #tpu.memory_space<vmem>>
      %dma_start3A_403 = arith.constant 0 : i32
      %dma_start3A_404 = arith.constant 0 : i32
      %dma_start3A_405 = tpu.memref_slice %arg2[%dma_start3A_403, %dma_start3A_404] : memref<10000x128xf32, #tpu.memory_space<hbm>> -> memref<10000x128xf32, #tpu.memory_space<hbm>>
      tpu.enqueue_indirect_dma source(%dma_start3A_405 : memref<10000x128xf32, #tpu.memory_space<hbm>>) target(%arg9 : memref<128x128xf32, #tpu.memory_space<vmem>>) offsets(%dma_start3A_402 : memref<128xi32, #tpu.memory_space<vmem>>) semaphore(%arg14 : memref<!tpu.dma_semaphore, #tpu.memory_space<semaphore_mem>>)
      %dma_wait3A_406 = arith.constant 1 : i32
      %dma_wait3A_407 = arith.constant 0 : i32
      %dma_wait3A_408 = tpu.memref_slice %arg7[%dma_wait3A_406, %dma_wait3A_407] : memref<16x128xi32, #tpu.memory_space<vmem>> -> memref<1x128xi32, #tpu.memory_space<vmem>>
      %dma_wait3A_409 = tpu.memref_squeeze %dma_wait3A_408 : memref<1x128xi32, #tpu.memory_space<vmem>> -> memref<128xi32, #tpu.memory_space<vmem>>
      %dma_wait3A_410 = arith.constant 0 : i32
      %dma_wait3A_411 = arith.constant 0 : i32
      %dma_wait3A_412 = tpu.memref_slice %arg2[%dma_wait3A_410, %dma_wait3A_411] : memref<10000x128xf32, #tpu.memory_space<hbm>> -> memref<10000x128xf32, #tpu.memory_space<hbm>>
      tpu.wait_indirect_dma semaphore(%arg15 : memref<!tpu.dma_semaphore, #tpu.memory_space<semaphore_mem>>) src(%dma_wait3A_412 : memref<10000x128xf32, #tpu.memory_space<hbm>>) dst(%arg10 : memref<128x128xf32, #tpu.memory_space<vmem>>)
      %dma_start3A_413 = arith.constant 1 : i32
      %dma_start3A_414 = arith.constant 0 : i32
      %dma_start3A_415 = tpu.memref_slice %arg8[%dma_start3A_413, %dma_start3A_414] : memref<16x128xi32, #tpu.memory_space<vmem>> -> memref<1x128xi32, #tpu.memory_space<vmem>>
      %dma_start3A_416 = tpu.memref_squeeze %dma_start3A_415 : memref<1x128xi32, #tpu.memory_space<vmem>> -> memref<128xi32, #tpu.memory_space<vmem>>
      %dma_start3A_417 = arith.constant 0 : i32
      %dma_start3A_418 = arith.constant 0 : i32
      %dma_start3A_419 = tpu.memref_slice %arg20[%dma_start3A_417, %dma_start3A_418] : memref<10240x128xf32, #tpu.memory_space<vmem_shared>> -> memref<10240x128xf32, #tpu.memory_space<vmem_shared>>
      tpu.enqueue_indirect_dma source(%arg10 : memref<128x128xf32, #tpu.memory_space<vmem>>) target(%dma_start3A_419 : memref<10240x128xf32, #tpu.memory_space<vmem_shared>>) offsets(%dma_start3A_416 : memref<128xi32, #tpu.memory_space<vmem>>) semaphore(%arg17 : memref<!tpu.dma_semaphore, #tpu.memory_space<semaphore_mem>>) {add = true}
      %dma_start3A_420 = arith.constant 1 : i32
      %dma_start3A_421 = arith.constant 0 : i32
      %dma_start3A_422 = tpu.memref_slice %arg8[%dma_start3A_420, %dma_start3A_421] : memref<16x128xi32, #tpu.memory_space<vmem>> -> memref<1x128xi32, #tpu.memory_space<vmem>>
      %dma_start3A_423 = tpu.memref_squeeze %dma_start3A_422 : memref<1x128xi32, #tpu.memory_space<vmem>> -> memref<128xi32, #tpu.memory_space<vmem>>
      %dma_start3A_424 = arith.constant 0 : i32
      %dma_start3A_425 = tpu.memref_slice %arg21[%dma_start3A_424] : memref<10240xf32, #tpu.memory_space<vmem_shared>> -> memref<10240xf32, #tpu.memory_space<vmem_shared>>
      tpu.enqueue_indirect_dma source(%arg12 : memref<128xf32, #tpu.memory_space<vmem>>) target(%dma_start3A_425 : memref<10240xf32, #tpu.memory_space<vmem_shared>>) offsets(%dma_start3A_423 : memref<128xi32, #tpu.memory_space<vmem>>) semaphore(%arg19 : memref<!tpu.dma_semaphore, #tpu.memory_space<semaphore_mem>>) {add = true}
      %dma_wait3A_426 = arith.constant 1 : i32
      %dma_wait3A_427 = arith.constant 0 : i32
      %dma_wait3A_428 = tpu.memref_slice %arg8[%dma_wait3A_426, %dma_wait3A_427] : memref<16x128xi32, #tpu.memory_space<vmem>> -> memref<1x128xi32, #tpu.memory_space<vmem>>
      %dma_wait3A_429 = tpu.memref_squeeze %dma_wait3A_428 : memref<1x128xi32, #tpu.memory_space<vmem>> -> memref<128xi32, #tpu.memory_space<vmem>>
      %dma_wait3A_430 = arith.constant 0 : i32
      %dma_wait3A_431 = arith.constant 0 : i32
      %dma_wait3A_432 = tpu.memref_slice %arg20[%dma_wait3A_430, %dma_wait3A_431] : memref<10240x128xf32, #tpu.memory_space<vmem_shared>> -> memref<10240x128xf32, #tpu.memory_space<vmem_shared>>
      tpu.wait_indirect_dma semaphore(%arg17 : memref<!tpu.dma_semaphore, #tpu.memory_space<semaphore_mem>>) src(%arg10 : memref<128x128xf32, #tpu.memory_space<vmem>>) dst(%dma_wait3A_432 : memref<10240x128xf32, #tpu.memory_space<vmem_shared>>)
      %dma_start3A_433 = arith.constant 3 : i32
      %dma_start3A_434 = arith.constant 0 : i32
      %dma_start3A_435 = tpu.memref_slice %arg7[%dma_start3A_433, %dma_start3A_434] : memref<16x128xi32, #tpu.memory_space<vmem>> -> memref<1x128xi32, #tpu.memory_space<vmem>>
      %dma_start3A_436 = tpu.memref_squeeze %dma_start3A_435 : memref<1x128xi32, #tpu.memory_space<vmem>> -> memref<128xi32, #tpu.memory_space<vmem>>
      %dma_start3A_437 = arith.constant 0 : i32
      %dma_start3A_438 = arith.constant 0 : i32
      %dma_start3A_439 = tpu.memref_slice %arg2[%dma_start3A_437, %dma_start3A_438] : memref<10000x128xf32, #tpu.memory_space<hbm>> -> memref<10000x128xf32, #tpu.memory_space<hbm>>
      tpu.enqueue_indirect_dma source(%dma_start3A_439 : memref<10000x128xf32, #tpu.memory_space<hbm>>) target(%arg10 : memref<128x128xf32, #tpu.memory_space<vmem>>) offsets(%dma_start3A_436 : memref<128xi32, #tpu.memory_space<vmem>>) semaphore(%arg15 : memref<!tpu.dma_semaphore, #tpu.memory_space<semaphore_mem>>)
      %dma_wait3A_440 = arith.constant 2 : i32
      %dma_wait3A_441 = arith.constant 0 : i32
      %dma_wait3A_442 = tpu.memref_slice %arg7[%dma_wait3A_440, %dma_wait3A_441] : memref<16x128xi32, #tpu.memory_space<vmem>> -> memref<1x128xi32, #tpu.memory_space<vmem>>
      %dma_wait3A_443 = tpu.memref_squeeze %dma_wait3A_442 : memref<1x128xi32, #tpu.memory_space<vmem>> -> memref<128xi32, #tpu.memory_space<vmem>>
      %dma_wait3A_444 = arith.constant 0 : i32
      %dma_wait3A_445 = arith.constant 0 : i32
      %dma_wait3A_446 = tpu.memref_slice %arg2[%dma_wait3A_444, %dma_wait3A_445] : memref<10000x128xf32, #tpu.memory_space<hbm>> -> memref<10000x128xf32, #tpu.memory_space<hbm>>
      tpu.wait_indirect_dma semaphore(%arg14 : memref<!tpu.dma_semaphore, #tpu.memory_space<semaphore_mem>>) src(%dma_wait3A_446 : memref<10000x128xf32, #tpu.memory_space<hbm>>) dst(%arg9 : memref<128x128xf32, #tpu.memory_space<vmem>>)
      %dma_start3A_447 = arith.constant 2 : i32
      %dma_start3A_448 = arith.constant 0 : i32
      %dma_start3A_449 = tpu.memref_slice %arg8[%dma_start3A_447, %dma_start3A_448] : memref<16x128xi32, #tpu.memory_space<vmem>> -> memref<1x128xi32, #tpu.memory_space<vmem>>
      %dma_start3A_450 = tpu.memref_squeeze %dma_start3A_449 : memref<1x128xi32, #tpu.memory_space<vmem>> -> memref<128xi32, #tpu.memory_space<vmem>>
      %dma_start3A_451 = arith.constant 0 : i32
      %dma_start3A_452 = arith.constant 0 : i32
      %dma_start3A_453 = tpu.memref_slice %arg20[%dma_start3A_451, %dma_start3A_452] : memref<10240x128xf32, #tpu.memory_space<vmem_shared>> -> memref<10240x128xf32, #tpu.memory_space<vmem_shared>>
      tpu.enqueue_indirect_dma source(%arg9 : memref<128x128xf32, #tpu.memory_space<vmem>>) target(%dma_start3A_453 : memref<10240x128xf32, #tpu.memory_space<vmem_shared>>) offsets(%dma_start3A_450 : memref<128xi32, #tpu.memory_space<vmem>>) semaphore(%arg16 : memref<!tpu.dma_semaphore, #tpu.memory_space<semaphore_mem>>) {add = true}
      %dma_wait3A_454 = arith.constant 0 : i32
      %dma_wait3A_455 = arith.constant 0 : i32
      %dma_wait3A_456 = tpu.memref_slice %arg8[%dma_wait3A_454, %dma_wait3A_455] : memref<16x128xi32, #tpu.memory_space<vmem>> -> memref<1x128xi32, #tpu.memory_space<vmem>>
      %dma_wait3A_457 = tpu.memref_squeeze %dma_wait3A_456 : memref<1x128xi32, #tpu.memory_space<vmem>> -> memref<128xi32, #tpu.memory_space<vmem>>
      %dma_wait3A_458 = arith.constant 0 : i32
      %dma_wait3A_459 = tpu.memref_slice %arg21[%dma_wait3A_458] : memref<10240xf32, #tpu.memory_space<vmem_shared>> -> memref<10240xf32, #tpu.memory_space<vmem_shared>>
      tpu.wait_indirect_dma semaphore(%arg18 : memref<!tpu.dma_semaphore, #tpu.memory_space<semaphore_mem>>) src(%arg12 : memref<128xf32, #tpu.memory_space<vmem>>) dst(%dma_wait3A_459 : memref<10240xf32, #tpu.memory_space<vmem_shared>>)
      %dma_start3A_460 = arith.constant 2 : i32
      %dma_start3A_461 = arith.constant 0 : i32
      %dma_start3A_462 = tpu.memref_slice %arg8[%dma_start3A_460, %dma_start3A_461] : memref<16x128xi32, #tpu.memory_space<vmem>> -> memref<1x128xi32, #tpu.memory_space<vmem>>
      %dma_start3A_463 = tpu.memref_squeeze %dma_start3A_462 : memref<1x128xi32, #tpu.memory_space<vmem>> -> memref<128xi32, #tpu.memory_space<vmem>>
      %dma_start3A_464 = arith.constant 0 : i32
      %dma_start3A_465 = tpu.memref_slice %arg21[%dma_start3A_464] : memref<10240xf32, #tpu.memory_space<vmem_shared>> -> memref<10240xf32, #tpu.memory_space<vmem_shared>>
      tpu.enqueue_indirect_dma source(%arg12 : memref<128xf32, #tpu.memory_space<vmem>>) target(%dma_start3A_465 : memref<10240xf32, #tpu.memory_space<vmem_shared>>) offsets(%dma_start3A_463 : memref<128xi32, #tpu.memory_space<vmem>>) semaphore(%arg18 : memref<!tpu.dma_semaphore, #tpu.memory_space<semaphore_mem>>) {add = true}
      %dma_wait3A_466 = arith.constant 2 : i32
      %dma_wait3A_467 = arith.constant 0 : i32
      %dma_wait3A_468 = tpu.memref_slice %arg8[%dma_wait3A_466, %dma_wait3A_467] : memref<16x128xi32, #tpu.memory_space<vmem>> -> memref<1x128xi32, #tpu.memory_space<vmem>>
      %dma_wait3A_469 = tpu.memref_squeeze %dma_wait3A_468 : memref<1x128xi32, #tpu.memory_space<vmem>> -> memref<128xi32, #tpu.memory_space<vmem>>
      %dma_wait3A_470 = arith.constant 0 : i32
      %dma_wait3A_471 = arith.constant 0 : i32
      %dma_wait3A_472 = tpu.memref_slice %arg20[%dma_wait3A_470, %dma_wait3A_471] : memref<10240x128xf32, #tpu.memory_space<vmem_shared>> -> memref<10240x128xf32, #tpu.memory_space<vmem_shared>>
      tpu.wait_indirect_dma semaphore(%arg16 : memref<!tpu.dma_semaphore, #tpu.memory_space<semaphore_mem>>) src(%arg9 : memref<128x128xf32, #tpu.memory_space<vmem>>) dst(%dma_wait3A_472 : memref<10240x128xf32, #tpu.memory_space<vmem_shared>>)
      %dma_start3A_473 = arith.constant 4 : i32
      %dma_start3A_474 = arith.constant 0 : i32
      %dma_start3A_475 = tpu.memref_slice %arg7[%dma_start3A_473, %dma_start3A_474] : memref<16x128xi32, #tpu.memory_space<vmem>> -> memref<1x128xi32, #tpu.memory_space<vmem>>
      %dma_start3A_476 = tpu.memref_squeeze %dma_start3A_475 : memref<1x128xi32, #tpu.memory_space<vmem>> -> memref<128xi32, #tpu.memory_space<vmem>>
      %dma_start3A_477 = arith.constant 0 : i32
      %dma_start3A_478 = arith.constant 0 : i32
      %dma_start3A_479 = tpu.memref_slice %arg2[%dma_start3A_477, %dma_start3A_478] : memref<10000x128xf32, #tpu.memory_space<hbm>> -> memref<10000x128xf32, #tpu.memory_space<hbm>>
      tpu.enqueue_indirect_dma source(%dma_start3A_479 : memref<10000x128xf32, #tpu.memory_space<hbm>>) target(%arg9 : memref<128x128xf32, #tpu.memory_space<vmem>>) offsets(%dma_start3A_476 : memref<128xi32, #tpu.memory_space<vmem>>) semaphore(%arg14 : memref<!tpu.dma_semaphore, #tpu.memory_space<semaphore_mem>>)
      %dma_wait3A_480 = arith.constant 3 : i32
      %dma_wait3A_481 = arith.constant 0 : i32
      %dma_wait3A_482 = tpu.memref_slice %arg7[%dma_wait3A_480, %dma_wait3A_481] : memref<16x128xi32, #tpu.memory_space<vmem>> -> memref<1x128xi32, #tpu.memory_space<vmem>>
      %dma_wait3A_483 = tpu.memref_squeeze %dma_wait3A_482 : memref<1x128xi32, #tpu.memory_space<vmem>> -> memref<128xi32, #tpu.memory_space<vmem>>
      %dma_wait3A_484 = arith.constant 0 : i32
      %dma_wait3A_485 = arith.constant 0 : i32
      %dma_wait3A_486 = tpu.memref_slice %arg2[%dma_wait3A_484, %dma_wait3A_485] : memref<10000x128xf32, #tpu.memory_space<hbm>> -> memref<10000x128xf32, #tpu.memory_space<hbm>>
      tpu.wait_indirect_dma semaphore(%arg15 : memref<!tpu.dma_semaphore, #tpu.memory_space<semaphore_mem>>) src(%dma_wait3A_486 : memref<10000x128xf32, #tpu.memory_space<hbm>>) dst(%arg10 : memref<128x128xf32, #tpu.memory_space<vmem>>)
      %dma_start3A_487 = arith.constant 3 : i32
      %dma_start3A_488 = arith.constant 0 : i32
      %dma_start3A_489 = tpu.memref_slice %arg8[%dma_start3A_487, %dma_start3A_488] : memref<16x128xi32, #tpu.memory_space<vmem>> -> memref<1x128xi32, #tpu.memory_space<vmem>>
      %dma_start3A_490 = tpu.memref_squeeze %dma_start3A_489 : memref<1x128xi32, #tpu.memory_space<vmem>> -> memref<128xi32, #tpu.memory_space<vmem>>
      %dma_start3A_491 = arith.constant 0 : i32
      %dma_start3A_492 = arith.constant 0 : i32
      %dma_start3A_493 = tpu.memref_slice %arg20[%dma_start3A_491, %dma_start3A_492] : memref<10240x128xf32, #tpu.memory_space<vmem_shared>> -> memref<10240x128xf32, #tpu.memory_space<vmem_shared>>
      tpu.enqueue_indirect_dma source(%arg10 : memref<128x128xf32, #tpu.memory_space<vmem>>) target(%dma_start3A_493 : memref<10240x128xf32, #tpu.memory_space<vmem_shared>>) offsets(%dma_start3A_490 : memref<128xi32, #tpu.memory_space<vmem>>) semaphore(%arg17 : memref<!tpu.dma_semaphore, #tpu.memory_space<semaphore_mem>>) {add = true}
      %dma_wait3A_494 = arith.constant 1 : i32
      %dma_wait3A_495 = arith.constant 0 : i32
      %dma_wait3A_496 = tpu.memref_slice %arg8[%dma_wait3A_494, %dma_wait3A_495] : memref<16x128xi32, #tpu.memory_space<vmem>> -> memref<1x128xi32, #tpu.memory_space<vmem>>
      %dma_wait3A_497 = tpu.memref_squeeze %dma_wait3A_496 : memref<1x128xi32, #tpu.memory_space<vmem>> -> memref<128xi32, #tpu.memory_space<vmem>>
      %dma_wait3A_498 = arith.constant 0 : i32
      %dma_wait3A_499 = tpu.memref_slice %arg21[%dma_wait3A_498] : memref<10240xf32, #tpu.memory_space<vmem_shared>> -> memref<10240xf32, #tpu.memory_space<vmem_shared>>
      tpu.wait_indirect_dma semaphore(%arg19 : memref<!tpu.dma_semaphore, #tpu.memory_space<semaphore_mem>>) src(%arg12 : memref<128xf32, #tpu.memory_space<vmem>>) dst(%dma_wait3A_499 : memref<10240xf32, #tpu.memory_space<vmem_shared>>)
      %dma_start3A_500 = arith.constant 3 : i32
      %dma_start3A_501 = arith.constant 0 : i32
      %dma_start3A_502 = tpu.memref_slice %arg8[%dma_start3A_500, %dma_start3A_501] : memref<16x128xi32, #tpu.memory_space<vmem>> -> memref<1x128xi32, #tpu.memory_space<vmem>>
      %dma_start3A_503 = tpu.memref_squeeze %dma_start3A_502 : memref<1x128xi32, #tpu.memory_space<vmem>> -> memref<128xi32, #tpu.memory_space<vmem>>
      %dma_start3A_504 = arith.constant 0 : i32
      %dma_start3A_505 = tpu.memref_slice %arg21[%dma_start3A_504] : memref<10240xf32, #tpu.memory_space<vmem_shared>> -> memref<10240xf32, #tpu.memory_space<vmem_shared>>
      tpu.enqueue_indirect_dma source(%arg12 : memref<128xf32, #tpu.memory_space<vmem>>) target(%dma_start3A_505 : memref<10240xf32, #tpu.memory_space<vmem_shared>>) offsets(%dma_start3A_503 : memref<128xi32, #tpu.memory_space<vmem>>) semaphore(%arg19 : memref<!tpu.dma_semaphore, #tpu.memory_space<semaphore_mem>>) {add = true}
      %dma_wait3A_506 = arith.constant 3 : i32
      %dma_wait3A_507 = arith.constant 0 : i32
      %dma_wait3A_508 = tpu.memref_slice %arg8[%dma_wait3A_506, %dma_wait3A_507] : memref<16x128xi32, #tpu.memory_space<vmem>> -> memref<1x128xi32, #tpu.memory_space<vmem>>
      %dma_wait3A_509 = tpu.memref_squeeze %dma_wait3A_508 : memref<1x128xi32, #tpu.memory_space<vmem>> -> memref<128xi32, #tpu.memory_space<vmem>>
      %dma_wait3A_510 = arith.constant 0 : i32
      %dma_wait3A_511 = arith.constant 0 : i32
      %dma_wait3A_512 = tpu.memref_slice %arg20[%dma_wait3A_510, %dma_wait3A_511] : memref<10240x128xf32, #tpu.memory_space<vmem_shared>> -> memref<10240x128xf32, #tpu.memory_space<vmem_shared>>
      tpu.wait_indirect_dma semaphore(%arg17 : memref<!tpu.dma_semaphore, #tpu.memory_space<semaphore_mem>>) src(%arg10 : memref<128x128xf32, #tpu.memory_space<vmem>>) dst(%dma_wait3A_512 : memref<10240x128xf32, #tpu.memory_space<vmem_shared>>)
      %dma_start3A_513 = arith.constant 5 : i32
      %dma_start3A_514 = arith.constant 0 : i32
      %dma_start3A_515 = tpu.memref_slice %arg7[%dma_start3A_513, %dma_start3A_514] : memref<16x128xi32, #tpu.memory_space<vmem>> -> memref<1x128xi32, #tpu.memory_space<vmem>>
      %dma_start3A_516 = tpu.memref_squeeze %dma_start3A_515 : memref<1x128xi32, #tpu.memory_space<vmem>> -> memref<128xi32, #tpu.memory_space<vmem>>
      %dma_start3A_517 = arith.constant 0 : i32
      %dma_start3A_518 = arith.constant 0 : i32
      %dma_start3A_519 = tpu.memref_slice %arg2[%dma_start3A_517, %dma_start3A_518] : memref<10000x128xf32, #tpu.memory_space<hbm>> -> memref<10000x128xf32, #tpu.memory_space<hbm>>
      tpu.enqueue_indirect_dma source(%dma_start3A_519 : memref<10000x128xf32, #tpu.memory_space<hbm>>) target(%arg10 : memref<128x128xf32, #tpu.memory_space<vmem>>) offsets(%dma_start3A_516 : memref<128xi32, #tpu.memory_space<vmem>>) semaphore(%arg15 : memref<!tpu.dma_semaphore, #tpu.memory_space<semaphore_mem>>)
      %dma_wait3A_520 = arith.constant 4 : i32
      %dma_wait3A_521 = arith.constant 0 : i32
      %dma_wait3A_522 = tpu.memref_slice %arg7[%dma_wait3A_520, %dma_wait3A_521] : memref<16x128xi32, #tpu.memory_space<vmem>> -> memref<1x128xi32, #tpu.memory_space<vmem>>
      %dma_wait3A_523 = tpu.memref_squeeze %dma_wait3A_522 : memref<1x128xi32, #tpu.memory_space<vmem>> -> memref<128xi32, #tpu.memory_space<vmem>>
      %dma_wait3A_524 = arith.constant 0 : i32
      %dma_wait3A_525 = arith.constant 0 : i32
      %dma_wait3A_526 = tpu.memref_slice %arg2[%dma_wait3A_524, %dma_wait3A_525] : memref<10000x128xf32, #tpu.memory_space<hbm>> -> memref<10000x128xf32, #tpu.memory_space<hbm>>
      tpu.wait_indirect_dma semaphore(%arg14 : memref<!tpu.dma_semaphore, #tpu.memory_space<semaphore_mem>>) src(%dma_wait3A_526 : memref<10000x128xf32, #tpu.memory_space<hbm>>) dst(%arg9 : memref<128x128xf32, #tpu.memory_space<vmem>>)
      %dma_start3A_527 = arith.constant 4 : i32
      %dma_start3A_528 = arith.constant 0 : i32
      %dma_start3A_529 = tpu.memref_slice %arg8[%dma_start3A_527, %dma_start3A_528] : memref<16x128xi32, #tpu.memory_space<vmem>> -> memref<1x128xi32, #tpu.memory_space<vmem>>
      %dma_start3A_530 = tpu.memref_squeeze %dma_start3A_529 : memref<1x128xi32, #tpu.memory_space<vmem>> -> memref<128xi32, #tpu.memory_space<vmem>>
      %dma_start3A_531 = arith.constant 0 : i32
      %dma_start3A_532 = arith.constant 0 : i32
      %dma_start3A_533 = tpu.memref_slice %arg20[%dma_start3A_531, %dma_start3A_532] : memref<10240x128xf32, #tpu.memory_space<vmem_shared>> -> memref<10240x128xf32, #tpu.memory_space<vmem_shared>>
      tpu.enqueue_indirect_dma source(%arg9 : memref<128x128xf32, #tpu.memory_space<vmem>>) target(%dma_start3A_533 : memref<10240x128xf32, #tpu.memory_space<vmem_shared>>) offsets(%dma_start3A_530 : memref<128xi32, #tpu.memory_space<vmem>>) semaphore(%arg16 : memref<!tpu.dma_semaphore, #tpu.memory_space<semaphore_mem>>) {add = true}
      %dma_wait3A_534 = arith.constant 2 : i32
      %dma_wait3A_535 = arith.constant 0 : i32
      %dma_wait3A_536 = tpu.memref_slice %arg8[%dma_wait3A_534, %dma_wait3A_535] : memref<16x128xi32, #tpu.memory_space<vmem>> -> memref<1x128xi32, #tpu.memory_space<vmem>>
      %dma_wait3A_537 = tpu.memref_squeeze %dma_wait3A_536 : memref<1x128xi32, #tpu.memory_space<vmem>> -> memref<128xi32, #tpu.memory_space<vmem>>
      %dma_wait3A_538 = arith.constant 0 : i32
      %dma_wait3A_539 = tpu.memref_slice %arg21[%dma_wait3A_538] : memref<10240xf32, #tpu.memory_space<vmem_shared>> -> memref<10240xf32, #tpu.memory_space<vmem_shared>>
      tpu.wait_indirect_dma semaphore(%arg18 : memref<!tpu.dma_semaphore, #tpu.memory_space<semaphore_mem>>) src(%arg12 : memref<128xf32, #tpu.memory_space<vmem>>) dst(%dma_wait3A_539 : memref<10240xf32, #tpu.memory_space<vmem_shared>>)
      %dma_start3A_540 = arith.constant 4 : i32
      %dma_start3A_541 = arith.constant 0 : i32
      %dma_start3A_542 = tpu.memref_slice %arg8[%dma_start3A_540, %dma_start3A_541] : memref<16x128xi32, #tpu.memory_space<vmem>> -> memref<1x128xi32, #tpu.memory_space<vmem>>
      %dma_start3A_543 = tpu.memref_squeeze %dma_start3A_542 : memref<1x128xi32, #tpu.memory_space<vmem>> -> memref<128xi32, #tpu.memory_space<vmem>>
      %dma_start3A_544 = arith.constant 0 : i32
      %dma_start3A_545 = tpu.memref_slice %arg21[%dma_start3A_544] : memref<10240xf32, #tpu.memory_space<vmem_shared>> -> memref<10240xf32, #tpu.memory_space<vmem_shared>>
      tpu.enqueue_indirect_dma source(%arg12 : memref<128xf32, #tpu.memory_space<vmem>>) target(%dma_start3A_545 : memref<10240xf32, #tpu.memory_space<vmem_shared>>) offsets(%dma_start3A_543 : memref<128xi32, #tpu.memory_space<vmem>>) semaphore(%arg18 : memref<!tpu.dma_semaphore, #tpu.memory_space<semaphore_mem>>) {add = true}
      %dma_wait3A_546 = arith.constant 4 : i32
      %dma_wait3A_547 = arith.constant 0 : i32
      %dma_wait3A_548 = tpu.memref_slice %arg8[%dma_wait3A_546, %dma_wait3A_547] : memref<16x128xi32, #tpu.memory_space<vmem>> -> memref<1x128xi32, #tpu.memory_space<vmem>>
      %dma_wait3A_549 = tpu.memref_squeeze %dma_wait3A_548 : memref<1x128xi32, #tpu.memory_space<vmem>> -> memref<128xi32, #tpu.memory_space<vmem>>
      %dma_wait3A_550 = arith.constant 0 : i32
      %dma_wait3A_551 = arith.constant 0 : i32
      %dma_wait3A_552 = tpu.memref_slice %arg20[%dma_wait3A_550, %dma_wait3A_551] : memref<10240x128xf32, #tpu.memory_space<vmem_shared>> -> memref<10240x128xf32, #tpu.memory_space<vmem_shared>>
      tpu.wait_indirect_dma semaphore(%arg16 : memref<!tpu.dma_semaphore, #tpu.memory_space<semaphore_mem>>) src(%arg9 : memref<128x128xf32, #tpu.memory_space<vmem>>) dst(%dma_wait3A_552 : memref<10240x128xf32, #tpu.memory_space<vmem_shared>>)
      %dma_start3A_553 = arith.constant 6 : i32
      %dma_start3A_554 = arith.constant 0 : i32
      %dma_start3A_555 = tpu.memref_slice %arg7[%dma_start3A_553, %dma_start3A_554] : memref<16x128xi32, #tpu.memory_space<vmem>> -> memref<1x128xi32, #tpu.memory_space<vmem>>
      %dma_start3A_556 = tpu.memref_squeeze %dma_start3A_555 : memref<1x128xi32, #tpu.memory_space<vmem>> -> memref<128xi32, #tpu.memory_space<vmem>>
      %dma_start3A_557 = arith.constant 0 : i32
      %dma_start3A_558 = arith.constant 0 : i32
      %dma_start3A_559 = tpu.memref_slice %arg2[%dma_start3A_557, %dma_start3A_558] : memref<10000x128xf32, #tpu.memory_space<hbm>> -> memref<10000x128xf32, #tpu.memory_space<hbm>>
      tpu.enqueue_indirect_dma source(%dma_start3A_559 : memref<10000x128xf32, #tpu.memory_space<hbm>>) target(%arg9 : memref<128x128xf32, #tpu.memory_space<vmem>>) offsets(%dma_start3A_556 : memref<128xi32, #tpu.memory_space<vmem>>) semaphore(%arg14 : memref<!tpu.dma_semaphore, #tpu.memory_space<semaphore_mem>>)
      %dma_wait3A_560 = arith.constant 5 : i32
      %dma_wait3A_561 = arith.constant 0 : i32
      %dma_wait3A_562 = tpu.memref_slice %arg7[%dma_wait3A_560, %dma_wait3A_561] : memref<16x128xi32, #tpu.memory_space<vmem>> -> memref<1x128xi32, #tpu.memory_space<vmem>>
      %dma_wait3A_563 = tpu.memref_squeeze %dma_wait3A_562 : memref<1x128xi32, #tpu.memory_space<vmem>> -> memref<128xi32, #tpu.memory_space<vmem>>
      %dma_wait3A_564 = arith.constant 0 : i32
      %dma_wait3A_565 = arith.constant 0 : i32
      %dma_wait3A_566 = tpu.memref_slice %arg2[%dma_wait3A_564, %dma_wait3A_565] : memref<10000x128xf32, #tpu.memory_space<hbm>> -> memref<10000x128xf32, #tpu.memory_space<hbm>>
      tpu.wait_indirect_dma semaphore(%arg15 : memref<!tpu.dma_semaphore, #tpu.memory_space<semaphore_mem>>) src(%dma_wait3A_566 : memref<10000x128xf32, #tpu.memory_space<hbm>>) dst(%arg10 : memref<128x128xf32, #tpu.memory_space<vmem>>)
      %dma_start3A_567 = arith.constant 5 : i32
      %dma_start3A_568 = arith.constant 0 : i32
      %dma_start3A_569 = tpu.memref_slice %arg8[%dma_start3A_567, %dma_start3A_568] : memref<16x128xi32, #tpu.memory_space<vmem>> -> memref<1x128xi32, #tpu.memory_space<vmem>>
      %dma_start3A_570 = tpu.memref_squeeze %dma_start3A_569 : memref<1x128xi32, #tpu.memory_space<vmem>> -> memref<128xi32, #tpu.memory_space<vmem>>
      %dma_start3A_571 = arith.constant 0 : i32
      %dma_start3A_572 = arith.constant 0 : i32
      %dma_start3A_573 = tpu.memref_slice %arg20[%dma_start3A_571, %dma_start3A_572] : memref<10240x128xf32, #tpu.memory_space<vmem_shared>> -> memref<10240x128xf32, #tpu.memory_space<vmem_shared>>
      tpu.enqueue_indirect_dma source(%arg10 : memref<128x128xf32, #tpu.memory_space<vmem>>) target(%dma_start3A_573 : memref<10240x128xf32, #tpu.memory_space<vmem_shared>>) offsets(%dma_start3A_570 : memref<128xi32, #tpu.memory_space<vmem>>) semaphore(%arg17 : memref<!tpu.dma_semaphore, #tpu.memory_space<semaphore_mem>>) {add = true}
      %dma_wait3A_574 = arith.constant 3 : i32
      %dma_wait3A_575 = arith.constant 0 : i32
      %dma_wait3A_576 = tpu.memref_slice %arg8[%dma_wait3A_574, %dma_wait3A_575] : memref<16x128xi32, #tpu.memory_space<vmem>> -> memref<1x128xi32, #tpu.memory_space<vmem>>
      %dma_wait3A_577 = tpu.memref_squeeze %dma_wait3A_576 : memref<1x128xi32, #tpu.memory_space<vmem>> -> memref<128xi32, #tpu.memory_space<vmem>>
      %dma_wait3A_578 = arith.constant 0 : i32
      %dma_wait3A_579 = tpu.memref_slice %arg21[%dma_wait3A_578] : memref<10240xf32, #tpu.memory_space<vmem_shared>> -> memref<10240xf32, #tpu.memory_space<vmem_shared>>
      tpu.wait_indirect_dma semaphore(%arg19 : memref<!tpu.dma_semaphore, #tpu.memory_space<semaphore_mem>>) src(%arg12 : memref<128xf32, #tpu.memory_space<vmem>>) dst(%dma_wait3A_579 : memref<10240xf32, #tpu.memory_space<vmem_shared>>)
      %dma_start3A_580 = arith.constant 5 : i32
      %dma_start3A_581 = arith.constant 0 : i32
      %dma_start3A_582 = tpu.memref_slice %arg8[%dma_start3A_580, %dma_start3A_581] : memref<16x128xi32, #tpu.memory_space<vmem>> -> memref<1x128xi32, #tpu.memory_space<vmem>>
      %dma_start3A_583 = tpu.memref_squeeze %dma_start3A_582 : memref<1x128xi32, #tpu.memory_space<vmem>> -> memref<128xi32, #tpu.memory_space<vmem>>
      %dma_start3A_584 = arith.constant 0 : i32
      %dma_start3A_585 = tpu.memref_slice %arg21[%dma_start3A_584] : memref<10240xf32, #tpu.memory_space<vmem_shared>> -> memref<10240xf32, #tpu.memory_space<vmem_shared>>
      tpu.enqueue_indirect_dma source(%arg12 : memref<128xf32, #tpu.memory_space<vmem>>) target(%dma_start3A_585 : memref<10240xf32, #tpu.memory_space<vmem_shared>>) offsets(%dma_start3A_583 : memref<128xi32, #tpu.memory_space<vmem>>) semaphore(%arg19 : memref<!tpu.dma_semaphore, #tpu.memory_space<semaphore_mem>>) {add = true}
      %dma_wait3A_586 = arith.constant 5 : i32
      %dma_wait3A_587 = arith.constant 0 : i32
      %dma_wait3A_588 = tpu.memref_slice %arg8[%dma_wait3A_586, %dma_wait3A_587] : memref<16x128xi32, #tpu.memory_space<vmem>> -> memref<1x128xi32, #tpu.memory_space<vmem>>
      %dma_wait3A_589 = tpu.memref_squeeze %dma_wait3A_588 : memref<1x128xi32, #tpu.memory_space<vmem>> -> memref<128xi32, #tpu.memory_space<vmem>>
      %dma_wait3A_590 = arith.constant 0 : i32
      %dma_wait3A_591 = arith.constant 0 : i32
      %dma_wait3A_592 = tpu.memref_slice %arg20[%dma_wait3A_590, %dma_wait3A_591] : memref<10240x128xf32, #tpu.memory_space<vmem_shared>> -> memref<10240x128xf32, #tpu.memory_space<vmem_shared>>
      tpu.wait_indirect_dma semaphore(%arg17 : memref<!tpu.dma_semaphore, #tpu.memory_space<semaphore_mem>>) src(%arg10 : memref<128x128xf32, #tpu.memory_space<vmem>>) dst(%dma_wait3A_592 : memref<10240x128xf32, #tpu.memory_space<vmem_shared>>)
      %dma_start3A_593 = arith.constant 7 : i32
      %dma_start3A_594 = arith.constant 0 : i32
      %dma_start3A_595 = tpu.memref_slice %arg7[%dma_start3A_593, %dma_start3A_594] : memref<16x128xi32, #tpu.memory_space<vmem>> -> memref<1x128xi32, #tpu.memory_space<vmem>>
      %dma_start3A_596 = tpu.memref_squeeze %dma_start3A_595 : memref<1x128xi32, #tpu.memory_space<vmem>> -> memref<128xi32, #tpu.memory_space<vmem>>
      %dma_start3A_597 = arith.constant 0 : i32
      %dma_start3A_598 = arith.constant 0 : i32
      %dma_start3A_599 = tpu.memref_slice %arg2[%dma_start3A_597, %dma_start3A_598] : memref<10000x128xf32, #tpu.memory_space<hbm>> -> memref<10000x128xf32, #tpu.memory_space<hbm>>
      tpu.enqueue_indirect_dma source(%dma_start3A_599 : memref<10000x128xf32, #tpu.memory_space<hbm>>) target(%arg10 : memref<128x128xf32, #tpu.memory_space<vmem>>) offsets(%dma_start3A_596 : memref<128xi32, #tpu.memory_space<vmem>>) semaphore(%arg15 : memref<!tpu.dma_semaphore, #tpu.memory_space<semaphore_mem>>)
      %dma_wait3A_600 = arith.constant 6 : i32
      %dma_wait3A_601 = arith.constant 0 : i32
      %dma_wait3A_602 = tpu.memref_slice %arg7[%dma_wait3A_600, %dma_wait3A_601] : memref<16x128xi32, #tpu.memory_space<vmem>> -> memref<1x128xi32, #tpu.memory_space<vmem>>
      %dma_wait3A_603 = tpu.memref_squeeze %dma_wait3A_602 : memref<1x128xi32, #tpu.memory_space<vmem>> -> memref<128xi32, #tpu.memory_space<vmem>>
      %dma_wait3A_604 = arith.constant 0 : i32
      %dma_wait3A_605 = arith.constant 0 : i32
      %dma_wait3A_606 = tpu.memref_slice %arg2[%dma_wait3A_604, %dma_wait3A_605] : memref<10000x128xf32, #tpu.memory_space<hbm>> -> memref<10000x128xf32, #tpu.memory_space<hbm>>
      tpu.wait_indirect_dma semaphore(%arg14 : memref<!tpu.dma_semaphore, #tpu.memory_space<semaphore_mem>>) src(%dma_wait3A_606 : memref<10000x128xf32, #tpu.memory_space<hbm>>) dst(%arg9 : memref<128x128xf32, #tpu.memory_space<vmem>>)
      %dma_start3A_607 = arith.constant 6 : i32
      %dma_start3A_608 = arith.constant 0 : i32
      %dma_start3A_609 = tpu.memref_slice %arg8[%dma_start3A_607, %dma_start3A_608] : memref<16x128xi32, #tpu.memory_space<vmem>> -> memref<1x128xi32, #tpu.memory_space<vmem>>
      %dma_start3A_610 = tpu.memref_squeeze %dma_start3A_609 : memref<1x128xi32, #tpu.memory_space<vmem>> -> memref<128xi32, #tpu.memory_space<vmem>>
      %dma_start3A_611 = arith.constant 0 : i32
      %dma_start3A_612 = arith.constant 0 : i32
      %dma_start3A_613 = tpu.memref_slice %arg20[%dma_start3A_611, %dma_start3A_612] : memref<10240x128xf32, #tpu.memory_space<vmem_shared>> -> memref<10240x128xf32, #tpu.memory_space<vmem_shared>>
      tpu.enqueue_indirect_dma source(%arg9 : memref<128x128xf32, #tpu.memory_space<vmem>>) target(%dma_start3A_613 : memref<10240x128xf32, #tpu.memory_space<vmem_shared>>) offsets(%dma_start3A_610 : memref<128xi32, #tpu.memory_space<vmem>>) semaphore(%arg16 : memref<!tpu.dma_semaphore, #tpu.memory_space<semaphore_mem>>) {add = true}
      %dma_wait3A_614 = arith.constant 4 : i32
      %dma_wait3A_615 = arith.constant 0 : i32
      %dma_wait3A_616 = tpu.memref_slice %arg8[%dma_wait3A_614, %dma_wait3A_615] : memref<16x128xi32, #tpu.memory_space<vmem>> -> memref<1x128xi32, #tpu.memory_space<vmem>>
      %dma_wait3A_617 = tpu.memref_squeeze %dma_wait3A_616 : memref<1x128xi32, #tpu.memory_space<vmem>> -> memref<128xi32, #tpu.memory_space<vmem>>
      %dma_wait3A_618 = arith.constant 0 : i32
      %dma_wait3A_619 = tpu.memref_slice %arg21[%dma_wait3A_618] : memref<10240xf32, #tpu.memory_space<vmem_shared>> -> memref<10240xf32, #tpu.memory_space<vmem_shared>>
      tpu.wait_indirect_dma semaphore(%arg18 : memref<!tpu.dma_semaphore, #tpu.memory_space<semaphore_mem>>) src(%arg12 : memref<128xf32, #tpu.memory_space<vmem>>) dst(%dma_wait3A_619 : memref<10240xf32, #tpu.memory_space<vmem_shared>>)
      %dma_start3A_620 = arith.constant 6 : i32
      %dma_start3A_621 = arith.constant 0 : i32
      %dma_start3A_622 = tpu.memref_slice %arg8[%dma_start3A_620, %dma_start3A_621] : memref<16x128xi32, #tpu.memory_space<vmem>> -> memref<1x128xi32, #tpu.memory_space<vmem>>
      %dma_start3A_623 = tpu.memref_squeeze %dma_start3A_622 : memref<1x128xi32, #tpu.memory_space<vmem>> -> memref<128xi32, #tpu.memory_space<vmem>>
      %dma_start3A_624 = arith.constant 0 : i32
      %dma_start3A_625 = tpu.memref_slice %arg21[%dma_start3A_624] : memref<10240xf32, #tpu.memory_space<vmem_shared>> -> memref<10240xf32, #tpu.memory_space<vmem_shared>>
      tpu.enqueue_indirect_dma source(%arg12 : memref<128xf32, #tpu.memory_space<vmem>>) target(%dma_start3A_625 : memref<10240xf32, #tpu.memory_space<vmem_shared>>) offsets(%dma_start3A_623 : memref<128xi32, #tpu.memory_space<vmem>>) semaphore(%arg18 : memref<!tpu.dma_semaphore, #tpu.memory_space<semaphore_mem>>) {add = true}
      %dma_wait3A_626 = arith.constant 6 : i32
      %dma_wait3A_627 = arith.constant 0 : i32
      %dma_wait3A_628 = tpu.memref_slice %arg8[%dma_wait3A_626, %dma_wait3A_627] : memref<16x128xi32, #tpu.memory_space<vmem>> -> memref<1x128xi32, #tpu.memory_space<vmem>>
      %dma_wait3A_629 = tpu.memref_squeeze %dma_wait3A_628 : memref<1x128xi32, #tpu.memory_space<vmem>> -> memref<128xi32, #tpu.memory_space<vmem>>
      %dma_wait3A_630 = arith.constant 0 : i32
      %dma_wait3A_631 = arith.constant 0 : i32
      %dma_wait3A_632 = tpu.memref_slice %arg20[%dma_wait3A_630, %dma_wait3A_631] : memref<10240x128xf32, #tpu.memory_space<vmem_shared>> -> memref<10240x128xf32, #tpu.memory_space<vmem_shared>>
      tpu.wait_indirect_dma semaphore(%arg16 : memref<!tpu.dma_semaphore, #tpu.memory_space<semaphore_mem>>) src(%arg9 : memref<128x128xf32, #tpu.memory_space<vmem>>) dst(%dma_wait3A_632 : memref<10240x128xf32, #tpu.memory_space<vmem_shared>>)
      %dma_start3A_633 = arith.constant 8 : i32
      %dma_start3A_634 = arith.constant 0 : i32
      %dma_start3A_635 = tpu.memref_slice %arg7[%dma_start3A_633, %dma_start3A_634] : memref<16x128xi32, #tpu.memory_space<vmem>> -> memref<1x128xi32, #tpu.memory_space<vmem>>
      %dma_start3A_636 = tpu.memref_squeeze %dma_start3A_635 : memref<1x128xi32, #tpu.memory_space<vmem>> -> memref<128xi32, #tpu.memory_space<vmem>>
      %dma_start3A_637 = arith.constant 0 : i32
      %dma_start3A_638 = arith.constant 0 : i32
      %dma_start3A_639 = tpu.memref_slice %arg2[%dma_start3A_637, %dma_start3A_638] : memref<10000x128xf32, #tpu.memory_space<hbm>> -> memref<10000x128xf32, #tpu.memory_space<hbm>>
      tpu.enqueue_indirect_dma source(%dma_start3A_639 : memref<10000x128xf32, #tpu.memory_space<hbm>>) target(%arg9 : memref<128x128xf32, #tpu.memory_space<vmem>>) offsets(%dma_start3A_636 : memref<128xi32, #tpu.memory_space<vmem>>) semaphore(%arg14 : memref<!tpu.dma_semaphore, #tpu.memory_space<semaphore_mem>>)
      %dma_wait3A_640 = arith.constant 7 : i32
      %dma_wait3A_641 = arith.constant 0 : i32
      %dma_wait3A_642 = tpu.memref_slice %arg7[%dma_wait3A_640, %dma_wait3A_641] : memref<16x128xi32, #tpu.memory_space<vmem>> -> memref<1x128xi32, #tpu.memory_space<vmem>>
      %dma_wait3A_643 = tpu.memref_squeeze %dma_wait3A_642 : memref<1x128xi32, #tpu.memory_space<vmem>> -> memref<128xi32, #tpu.memory_space<vmem>>
      %dma_wait3A_644 = arith.constant 0 : i32
      %dma_wait3A_645 = arith.constant 0 : i32
      %dma_wait3A_646 = tpu.memref_slice %arg2[%dma_wait3A_644, %dma_wait3A_645] : memref<10000x128xf32, #tpu.memory_space<hbm>> -> memref<10000x128xf32, #tpu.memory_space<hbm>>
      tpu.wait_indirect_dma semaphore(%arg15 : memref<!tpu.dma_semaphore, #tpu.memory_space<semaphore_mem>>) src(%dma_wait3A_646 : memref<10000x128xf32, #tpu.memory_space<hbm>>) dst(%arg10 : memref<128x128xf32, #tpu.memory_space<vmem>>)
      %dma_start3A_647 = arith.constant 7 : i32
      %dma_start3A_648 = arith.constant 0 : i32
      %dma_start3A_649 = tpu.memref_slice %arg8[%dma_start3A_647, %dma_start3A_648] : memref<16x128xi32, #tpu.memory_space<vmem>> -> memref<1x128xi32, #tpu.memory_space<vmem>>
      %dma_start3A_650 = tpu.memref_squeeze %dma_start3A_649 : memref<1x128xi32, #tpu.memory_space<vmem>> -> memref<128xi32, #tpu.memory_space<vmem>>
      %dma_start3A_651 = arith.constant 0 : i32
      %dma_start3A_652 = arith.constant 0 : i32
      %dma_start3A_653 = tpu.memref_slice %arg20[%dma_start3A_651, %dma_start3A_652] : memref<10240x128xf32, #tpu.memory_space<vmem_shared>> -> memref<10240x128xf32, #tpu.memory_space<vmem_shared>>
      tpu.enqueue_indirect_dma source(%arg10 : memref<128x128xf32, #tpu.memory_space<vmem>>) target(%dma_start3A_653 : memref<10240x128xf32, #tpu.memory_space<vmem_shared>>) offsets(%dma_start3A_650 : memref<128xi32, #tpu.memory_space<vmem>>) semaphore(%arg17 : memref<!tpu.dma_semaphore, #tpu.memory_space<semaphore_mem>>) {add = true}
      %dma_wait3A_654 = arith.constant 5 : i32
      %dma_wait3A_655 = arith.constant 0 : i32
      %dma_wait3A_656 = tpu.memref_slice %arg8[%dma_wait3A_654, %dma_wait3A_655] : memref<16x128xi32, #tpu.memory_space<vmem>> -> memref<1x128xi32, #tpu.memory_space<vmem>>
      %dma_wait3A_657 = tpu.memref_squeeze %dma_wait3A_656 : memref<1x128xi32, #tpu.memory_space<vmem>> -> memref<128xi32, #tpu.memory_space<vmem>>
      %dma_wait3A_658 = arith.constant 0 : i32
      %dma_wait3A_659 = tpu.memref_slice %arg21[%dma_wait3A_658] : memref<10240xf32, #tpu.memory_space<vmem_shared>> -> memref<10240xf32, #tpu.memory_space<vmem_shared>>
      tpu.wait_indirect_dma semaphore(%arg19 : memref<!tpu.dma_semaphore, #tpu.memory_space<semaphore_mem>>) src(%arg12 : memref<128xf32, #tpu.memory_space<vmem>>) dst(%dma_wait3A_659 : memref<10240xf32, #tpu.memory_space<vmem_shared>>)
      %dma_start3A_660 = arith.constant 7 : i32
      %dma_start3A_661 = arith.constant 0 : i32
      %dma_start3A_662 = tpu.memref_slice %arg8[%dma_start3A_660, %dma_start3A_661] : memref<16x128xi32, #tpu.memory_space<vmem>> -> memref<1x128xi32, #tpu.memory_space<vmem>>
      %dma_start3A_663 = tpu.memref_squeeze %dma_start3A_662 : memref<1x128xi32, #tpu.memory_space<vmem>> -> memref<128xi32, #tpu.memory_space<vmem>>
      %dma_start3A_664 = arith.constant 0 : i32
      %dma_start3A_665 = tpu.memref_slice %arg21[%dma_start3A_664] : memref<10240xf32, #tpu.memory_space<vmem_shared>> -> memref<10240xf32, #tpu.memory_space<vmem_shared>>
      tpu.enqueue_indirect_dma source(%arg12 : memref<128xf32, #tpu.memory_space<vmem>>) target(%dma_start3A_665 : memref<10240xf32, #tpu.memory_space<vmem_shared>>) offsets(%dma_start3A_663 : memref<128xi32, #tpu.memory_space<vmem>>) semaphore(%arg19 : memref<!tpu.dma_semaphore, #tpu.memory_space<semaphore_mem>>) {add = true}
      %dma_wait3A_666 = arith.constant 7 : i32
      %dma_wait3A_667 = arith.constant 0 : i32
      %dma_wait3A_668 = tpu.memref_slice %arg8[%dma_wait3A_666, %dma_wait3A_667] : memref<16x128xi32, #tpu.memory_space<vmem>> -> memref<1x128xi32, #tpu.memory_space<vmem>>
      %dma_wait3A_669 = tpu.memref_squeeze %dma_wait3A_668 : memref<1x128xi32, #tpu.memory_space<vmem>> -> memref<128xi32, #tpu.memory_space<vmem>>
      %dma_wait3A_670 = arith.constant 0 : i32
      %dma_wait3A_671 = arith.constant 0 : i32
      %dma_wait3A_672 = tpu.memref_slice %arg20[%dma_wait3A_670, %dma_wait3A_671] : memref<10240x128xf32, #tpu.memory_space<vmem_shared>> -> memref<10240x128xf32, #tpu.memory_space<vmem_shared>>
      tpu.wait_indirect_dma semaphore(%arg17 : memref<!tpu.dma_semaphore, #tpu.memory_space<semaphore_mem>>) src(%arg10 : memref<128x128xf32, #tpu.memory_space<vmem>>) dst(%dma_wait3A_672 : memref<10240x128xf32, #tpu.memory_space<vmem_shared>>)
      %dma_start3A_673 = arith.constant 9 : i32
      %dma_start3A_674 = arith.constant 0 : i32
      %dma_start3A_675 = tpu.memref_slice %arg7[%dma_start3A_673, %dma_start3A_674] : memref<16x128xi32, #tpu.memory_space<vmem>> -> memref<1x128xi32, #tpu.memory_space<vmem>>
      %dma_start3A_676 = tpu.memref_squeeze %dma_start3A_675 : memref<1x128xi32, #tpu.memory_space<vmem>> -> memref<128xi32, #tpu.memory_space<vmem>>
      %dma_start3A_677 = arith.constant 0 : i32
      %dma_start3A_678 = arith.constant 0 : i32
      %dma_start3A_679 = tpu.memref_slice %arg2[%dma_start3A_677, %dma_start3A_678] : memref<10000x128xf32, #tpu.memory_space<hbm>> -> memref<10000x128xf32, #tpu.memory_space<hbm>>
      tpu.enqueue_indirect_dma source(%dma_start3A_679 : memref<10000x128xf32, #tpu.memory_space<hbm>>) target(%arg10 : memref<128x128xf32, #tpu.memory_space<vmem>>) offsets(%dma_start3A_676 : memref<128xi32, #tpu.memory_space<vmem>>) semaphore(%arg15 : memref<!tpu.dma_semaphore, #tpu.memory_space<semaphore_mem>>)
      %dma_wait3A_680 = arith.constant 8 : i32
      %dma_wait3A_681 = arith.constant 0 : i32
      %dma_wait3A_682 = tpu.memref_slice %arg7[%dma_wait3A_680, %dma_wait3A_681] : memref<16x128xi32, #tpu.memory_space<vmem>> -> memref<1x128xi32, #tpu.memory_space<vmem>>
      %dma_wait3A_683 = tpu.memref_squeeze %dma_wait3A_682 : memref<1x128xi32, #tpu.memory_space<vmem>> -> memref<128xi32, #tpu.memory_space<vmem>>
      %dma_wait3A_684 = arith.constant 0 : i32
      %dma_wait3A_685 = arith.constant 0 : i32
      %dma_wait3A_686 = tpu.memref_slice %arg2[%dma_wait3A_684, %dma_wait3A_685] : memref<10000x128xf32, #tpu.memory_space<hbm>> -> memref<10000x128xf32, #tpu.memory_space<hbm>>
      tpu.wait_indirect_dma semaphore(%arg14 : memref<!tpu.dma_semaphore, #tpu.memory_space<semaphore_mem>>) src(%dma_wait3A_686 : memref<10000x128xf32, #tpu.memory_space<hbm>>) dst(%arg9 : memref<128x128xf32, #tpu.memory_space<vmem>>)
      %dma_start3A_687 = arith.constant 8 : i32
      %dma_start3A_688 = arith.constant 0 : i32
      %dma_start3A_689 = tpu.memref_slice %arg8[%dma_start3A_687, %dma_start3A_688] : memref<16x128xi32, #tpu.memory_space<vmem>> -> memref<1x128xi32, #tpu.memory_space<vmem>>
      %dma_start3A_690 = tpu.memref_squeeze %dma_start3A_689 : memref<1x128xi32, #tpu.memory_space<vmem>> -> memref<128xi32, #tpu.memory_space<vmem>>
      %dma_start3A_691 = arith.constant 0 : i32
      %dma_start3A_692 = arith.constant 0 : i32
      %dma_start3A_693 = tpu.memref_slice %arg20[%dma_start3A_691, %dma_start3A_692] : memref<10240x128xf32, #tpu.memory_space<vmem_shared>> -> memref<10240x128xf32, #tpu.memory_space<vmem_shared>>
      tpu.enqueue_indirect_dma source(%arg9 : memref<128x128xf32, #tpu.memory_space<vmem>>) target(%dma_start3A_693 : memref<10240x128xf32, #tpu.memory_space<vmem_shared>>) offsets(%dma_start3A_690 : memref<128xi32, #tpu.memory_space<vmem>>) semaphore(%arg16 : memref<!tpu.dma_semaphore, #tpu.memory_space<semaphore_mem>>) {add = true}
      %dma_wait3A_694 = arith.constant 6 : i32
      %dma_wait3A_695 = arith.constant 0 : i32
      %dma_wait3A_696 = tpu.memref_slice %arg8[%dma_wait3A_694, %dma_wait3A_695] : memref<16x128xi32, #tpu.memory_space<vmem>> -> memref<1x128xi32, #tpu.memory_space<vmem>>
      %dma_wait3A_697 = tpu.memref_squeeze %dma_wait3A_696 : memref<1x128xi32, #tpu.memory_space<vmem>> -> memref<128xi32, #tpu.memory_space<vmem>>
      %dma_wait3A_698 = arith.constant 0 : i32
      %dma_wait3A_699 = tpu.memref_slice %arg21[%dma_wait3A_698] : memref<10240xf32, #tpu.memory_space<vmem_shared>> -> memref<10240xf32, #tpu.memory_space<vmem_shared>>
      tpu.wait_indirect_dma semaphore(%arg18 : memref<!tpu.dma_semaphore, #tpu.memory_space<semaphore_mem>>) src(%arg12 : memref<128xf32, #tpu.memory_space<vmem>>) dst(%dma_wait3A_699 : memref<10240xf32, #tpu.memory_space<vmem_shared>>)
      %dma_start3A_700 = arith.constant 8 : i32
      %dma_start3A_701 = arith.constant 0 : i32
      %dma_start3A_702 = tpu.memref_slice %arg8[%dma_start3A_700, %dma_start3A_701] : memref<16x128xi32, #tpu.memory_space<vmem>> -> memref<1x128xi32, #tpu.memory_space<vmem>>
      %dma_start3A_703 = tpu.memref_squeeze %dma_start3A_702 : memref<1x128xi32, #tpu.memory_space<vmem>> -> memref<128xi32, #tpu.memory_space<vmem>>
      %dma_start3A_704 = arith.constant 0 : i32
      %dma_start3A_705 = tpu.memref_slice %arg21[%dma_start3A_704] : memref<10240xf32, #tpu.memory_space<vmem_shared>> -> memref<10240xf32, #tpu.memory_space<vmem_shared>>
      tpu.enqueue_indirect_dma source(%arg12 : memref<128xf32, #tpu.memory_space<vmem>>) target(%dma_start3A_705 : memref<10240xf32, #tpu.memory_space<vmem_shared>>) offsets(%dma_start3A_703 : memref<128xi32, #tpu.memory_space<vmem>>) semaphore(%arg18 : memref<!tpu.dma_semaphore, #tpu.memory_space<semaphore_mem>>) {add = true}
      %dma_wait3A_706 = arith.constant 8 : i32
      %dma_wait3A_707 = arith.constant 0 : i32
      %dma_wait3A_708 = tpu.memref_slice %arg8[%dma_wait3A_706, %dma_wait3A_707] : memref<16x128xi32, #tpu.memory_space<vmem>> -> memref<1x128xi32, #tpu.memory_space<vmem>>
      %dma_wait3A_709 = tpu.memref_squeeze %dma_wait3A_708 : memref<1x128xi32, #tpu.memory_space<vmem>> -> memref<128xi32, #tpu.memory_space<vmem>>
      %dma_wait3A_710 = arith.constant 0 : i32
      %dma_wait3A_711 = arith.constant 0 : i32
      %dma_wait3A_712 = tpu.memref_slice %arg20[%dma_wait3A_710, %dma_wait3A_711] : memref<10240x128xf32, #tpu.memory_space<vmem_shared>> -> memref<10240x128xf32, #tpu.memory_space<vmem_shared>>
      tpu.wait_indirect_dma semaphore(%arg16 : memref<!tpu.dma_semaphore, #tpu.memory_space<semaphore_mem>>) src(%arg9 : memref<128x128xf32, #tpu.memory_space<vmem>>) dst(%dma_wait3A_712 : memref<10240x128xf32, #tpu.memory_space<vmem_shared>>)
      %dma_start3A_713 = arith.constant 10 : i32
      %dma_start3A_714 = arith.constant 0 : i32
      %dma_start3A_715 = tpu.memref_slice %arg7[%dma_start3A_713, %dma_start3A_714] : memref<16x128xi32, #tpu.memory_space<vmem>> -> memref<1x128xi32, #tpu.memory_space<vmem>>
      %dma_start3A_716 = tpu.memref_squeeze %dma_start3A_715 : memref<1x128xi32, #tpu.memory_space<vmem>> -> memref<128xi32, #tpu.memory_space<vmem>>
      %dma_start3A_717 = arith.constant 0 : i32
      %dma_start3A_718 = arith.constant 0 : i32
      %dma_start3A_719 = tpu.memref_slice %arg2[%dma_start3A_717, %dma_start3A_718] : memref<10000x128xf32, #tpu.memory_space<hbm>> -> memref<10000x128xf32, #tpu.memory_space<hbm>>
      tpu.enqueue_indirect_dma source(%dma_start3A_719 : memref<10000x128xf32, #tpu.memory_space<hbm>>) target(%arg9 : memref<128x128xf32, #tpu.memory_space<vmem>>) offsets(%dma_start3A_716 : memref<128xi32, #tpu.memory_space<vmem>>) semaphore(%arg14 : memref<!tpu.dma_semaphore, #tpu.memory_space<semaphore_mem>>)
      %dma_wait3A_720 = arith.constant 9 : i32
      %dma_wait3A_721 = arith.constant 0 : i32
      %dma_wait3A_722 = tpu.memref_slice %arg7[%dma_wait3A_720, %dma_wait3A_721] : memref<16x128xi32, #tpu.memory_space<vmem>> -> memref<1x128xi32, #tpu.memory_space<vmem>>
      %dma_wait3A_723 = tpu.memref_squeeze %dma_wait3A_722 : memref<1x128xi32, #tpu.memory_space<vmem>> -> memref<128xi32, #tpu.memory_space<vmem>>
      %dma_wait3A_724 = arith.constant 0 : i32
      %dma_wait3A_725 = arith.constant 0 : i32
      %dma_wait3A_726 = tpu.memref_slice %arg2[%dma_wait3A_724, %dma_wait3A_725] : memref<10000x128xf32, #tpu.memory_space<hbm>> -> memref<10000x128xf32, #tpu.memory_space<hbm>>
      tpu.wait_indirect_dma semaphore(%arg15 : memref<!tpu.dma_semaphore, #tpu.memory_space<semaphore_mem>>) src(%dma_wait3A_726 : memref<10000x128xf32, #tpu.memory_space<hbm>>) dst(%arg10 : memref<128x128xf32, #tpu.memory_space<vmem>>)
      %dma_start3A_727 = arith.constant 9 : i32
      %dma_start3A_728 = arith.constant 0 : i32
      %dma_start3A_729 = tpu.memref_slice %arg8[%dma_start3A_727, %dma_start3A_728] : memref<16x128xi32, #tpu.memory_space<vmem>> -> memref<1x128xi32, #tpu.memory_space<vmem>>
      %dma_start3A_730 = tpu.memref_squeeze %dma_start3A_729 : memref<1x128xi32, #tpu.memory_space<vmem>> -> memref<128xi32, #tpu.memory_space<vmem>>
      %dma_start3A_731 = arith.constant 0 : i32
      %dma_start3A_732 = arith.constant 0 : i32
      %dma_start3A_733 = tpu.memref_slice %arg20[%dma_start3A_731, %dma_start3A_732] : memref<10240x128xf32, #tpu.memory_space<vmem_shared>> -> memref<10240x128xf32, #tpu.memory_space<vmem_shared>>
      tpu.enqueue_indirect_dma source(%arg10 : memref<128x128xf32, #tpu.memory_space<vmem>>) target(%dma_start3A_733 : memref<10240x128xf32, #tpu.memory_space<vmem_shared>>) offsets(%dma_start3A_730 : memref<128xi32, #tpu.memory_space<vmem>>) semaphore(%arg17 : memref<!tpu.dma_semaphore, #tpu.memory_space<semaphore_mem>>) {add = true}
      %dma_wait3A_734 = arith.constant 7 : i32
      %dma_wait3A_735 = arith.constant 0 : i32
      %dma_wait3A_736 = tpu.memref_slice %arg8[%dma_wait3A_734, %dma_wait3A_735] : memref<16x128xi32, #tpu.memory_space<vmem>> -> memref<1x128xi32, #tpu.memory_space<vmem>>
      %dma_wait3A_737 = tpu.memref_squeeze %dma_wait3A_736 : memref<1x128xi32, #tpu.memory_space<vmem>> -> memref<128xi32, #tpu.memory_space<vmem>>
      %dma_wait3A_738 = arith.constant 0 : i32
      %dma_wait3A_739 = tpu.memref_slice %arg21[%dma_wait3A_738] : memref<10240xf32, #tpu.memory_space<vmem_shared>> -> memref<10240xf32, #tpu.memory_space<vmem_shared>>
      tpu.wait_indirect_dma semaphore(%arg19 : memref<!tpu.dma_semaphore, #tpu.memory_space<semaphore_mem>>) src(%arg12 : memref<128xf32, #tpu.memory_space<vmem>>) dst(%dma_wait3A_739 : memref<10240xf32, #tpu.memory_space<vmem_shared>>)
      %dma_start3A_740 = arith.constant 9 : i32
      %dma_start3A_741 = arith.constant 0 : i32
      %dma_start3A_742 = tpu.memref_slice %arg8[%dma_start3A_740, %dma_start3A_741] : memref<16x128xi32, #tpu.memory_space<vmem>> -> memref<1x128xi32, #tpu.memory_space<vmem>>
      %dma_start3A_743 = tpu.memref_squeeze %dma_start3A_742 : memref<1x128xi32, #tpu.memory_space<vmem>> -> memref<128xi32, #tpu.memory_space<vmem>>
      %dma_start3A_744 = arith.constant 0 : i32
      %dma_start3A_745 = tpu.memref_slice %arg21[%dma_start3A_744] : memref<10240xf32, #tpu.memory_space<vmem_shared>> -> memref<10240xf32, #tpu.memory_space<vmem_shared>>
      tpu.enqueue_indirect_dma source(%arg12 : memref<128xf32, #tpu.memory_space<vmem>>) target(%dma_start3A_745 : memref<10240xf32, #tpu.memory_space<vmem_shared>>) offsets(%dma_start3A_743 : memref<128xi32, #tpu.memory_space<vmem>>) semaphore(%arg19 : memref<!tpu.dma_semaphore, #tpu.memory_space<semaphore_mem>>) {add = true}
      %dma_wait3A_746 = arith.constant 9 : i32
      %dma_wait3A_747 = arith.constant 0 : i32
      %dma_wait3A_748 = tpu.memref_slice %arg8[%dma_wait3A_746, %dma_wait3A_747] : memref<16x128xi32, #tpu.memory_space<vmem>> -> memref<1x128xi32, #tpu.memory_space<vmem>>
      %dma_wait3A_749 = tpu.memref_squeeze %dma_wait3A_748 : memref<1x128xi32, #tpu.memory_space<vmem>> -> memref<128xi32, #tpu.memory_space<vmem>>
      %dma_wait3A_750 = arith.constant 0 : i32
      %dma_wait3A_751 = arith.constant 0 : i32
      %dma_wait3A_752 = tpu.memref_slice %arg20[%dma_wait3A_750, %dma_wait3A_751] : memref<10240x128xf32, #tpu.memory_space<vmem_shared>> -> memref<10240x128xf32, #tpu.memory_space<vmem_shared>>
      tpu.wait_indirect_dma semaphore(%arg17 : memref<!tpu.dma_semaphore, #tpu.memory_space<semaphore_mem>>) src(%arg10 : memref<128x128xf32, #tpu.memory_space<vmem>>) dst(%dma_wait3A_752 : memref<10240x128xf32, #tpu.memory_space<vmem_shared>>)
      %dma_start3A_753 = arith.constant 11 : i32
      %dma_start3A_754 = arith.constant 0 : i32
      %dma_start3A_755 = tpu.memref_slice %arg7[%dma_start3A_753, %dma_start3A_754] : memref<16x128xi32, #tpu.memory_space<vmem>> -> memref<1x128xi32, #tpu.memory_space<vmem>>
      %dma_start3A_756 = tpu.memref_squeeze %dma_start3A_755 : memref<1x128xi32, #tpu.memory_space<vmem>> -> memref<128xi32, #tpu.memory_space<vmem>>
      %dma_start3A_757 = arith.constant 0 : i32
      %dma_start3A_758 = arith.constant 0 : i32
      %dma_start3A_759 = tpu.memref_slice %arg2[%dma_start3A_757, %dma_start3A_758] : memref<10000x128xf32, #tpu.memory_space<hbm>> -> memref<10000x128xf32, #tpu.memory_space<hbm>>
      tpu.enqueue_indirect_dma source(%dma_start3A_759 : memref<10000x128xf32, #tpu.memory_space<hbm>>) target(%arg10 : memref<128x128xf32, #tpu.memory_space<vmem>>) offsets(%dma_start3A_756 : memref<128xi32, #tpu.memory_space<vmem>>) semaphore(%arg15 : memref<!tpu.dma_semaphore, #tpu.memory_space<semaphore_mem>>)
      %dma_wait3A_760 = arith.constant 10 : i32
      %dma_wait3A_761 = arith.constant 0 : i32
      %dma_wait3A_762 = tpu.memref_slice %arg7[%dma_wait3A_760, %dma_wait3A_761] : memref<16x128xi32, #tpu.memory_space<vmem>> -> memref<1x128xi32, #tpu.memory_space<vmem>>
      %dma_wait3A_763 = tpu.memref_squeeze %dma_wait3A_762 : memref<1x128xi32, #tpu.memory_space<vmem>> -> memref<128xi32, #tpu.memory_space<vmem>>
      %dma_wait3A_764 = arith.constant 0 : i32
      %dma_wait3A_765 = arith.constant 0 : i32
      %dma_wait3A_766 = tpu.memref_slice %arg2[%dma_wait3A_764, %dma_wait3A_765] : memref<10000x128xf32, #tpu.memory_space<hbm>> -> memref<10000x128xf32, #tpu.memory_space<hbm>>
      tpu.wait_indirect_dma semaphore(%arg14 : memref<!tpu.dma_semaphore, #tpu.memory_space<semaphore_mem>>) src(%dma_wait3A_766 : memref<10000x128xf32, #tpu.memory_space<hbm>>) dst(%arg9 : memref<128x128xf32, #tpu.memory_space<vmem>>)
      %dma_start3A_767 = arith.constant 10 : i32
      %dma_start3A_768 = arith.constant 0 : i32
      %dma_start3A_769 = tpu.memref_slice %arg8[%dma_start3A_767, %dma_start3A_768] : memref<16x128xi32, #tpu.memory_space<vmem>> -> memref<1x128xi32, #tpu.memory_space<vmem>>
      %dma_start3A_770 = tpu.memref_squeeze %dma_start3A_769 : memref<1x128xi32, #tpu.memory_space<vmem>> -> memref<128xi32, #tpu.memory_space<vmem>>
      %dma_start3A_771 = arith.constant 0 : i32
      %dma_start3A_772 = arith.constant 0 : i32
      %dma_start3A_773 = tpu.memref_slice %arg20[%dma_start3A_771, %dma_start3A_772] : memref<10240x128xf32, #tpu.memory_space<vmem_shared>> -> memref<10240x128xf32, #tpu.memory_space<vmem_shared>>
      tpu.enqueue_indirect_dma source(%arg9 : memref<128x128xf32, #tpu.memory_space<vmem>>) target(%dma_start3A_773 : memref<10240x128xf32, #tpu.memory_space<vmem_shared>>) offsets(%dma_start3A_770 : memref<128xi32, #tpu.memory_space<vmem>>) semaphore(%arg16 : memref<!tpu.dma_semaphore, #tpu.memory_space<semaphore_mem>>) {add = true}
      %dma_wait3A_774 = arith.constant 8 : i32
      %dma_wait3A_775 = arith.constant 0 : i32
      %dma_wait3A_776 = tpu.memref_slice %arg8[%dma_wait3A_774, %dma_wait3A_775] : memref<16x128xi32, #tpu.memory_space<vmem>> -> memref<1x128xi32, #tpu.memory_space<vmem>>
      %dma_wait3A_777 = tpu.memref_squeeze %dma_wait3A_776 : memref<1x128xi32, #tpu.memory_space<vmem>> -> memref<128xi32, #tpu.memory_space<vmem>>
      %dma_wait3A_778 = arith.constant 0 : i32
      %dma_wait3A_779 = tpu.memref_slice %arg21[%dma_wait3A_778] : memref<10240xf32, #tpu.memory_space<vmem_shared>> -> memref<10240xf32, #tpu.memory_space<vmem_shared>>
      tpu.wait_indirect_dma semaphore(%arg18 : memref<!tpu.dma_semaphore, #tpu.memory_space<semaphore_mem>>) src(%arg12 : memref<128xf32, #tpu.memory_space<vmem>>) dst(%dma_wait3A_779 : memref<10240xf32, #tpu.memory_space<vmem_shared>>)
      %dma_start3A_780 = arith.constant 10 : i32
      %dma_start3A_781 = arith.constant 0 : i32
      %dma_start3A_782 = tpu.memref_slice %arg8[%dma_start3A_780, %dma_start3A_781] : memref<16x128xi32, #tpu.memory_space<vmem>> -> memref<1x128xi32, #tpu.memory_space<vmem>>
      %dma_start3A_783 = tpu.memref_squeeze %dma_start3A_782 : memref<1x128xi32, #tpu.memory_space<vmem>> -> memref<128xi32, #tpu.memory_space<vmem>>
      %dma_start3A_784 = arith.constant 0 : i32
      %dma_start3A_785 = tpu.memref_slice %arg21[%dma_start3A_784] : memref<10240xf32, #tpu.memory_space<vmem_shared>> -> memref<10240xf32, #tpu.memory_space<vmem_shared>>
      tpu.enqueue_indirect_dma source(%arg12 : memref<128xf32, #tpu.memory_space<vmem>>) target(%dma_start3A_785 : memref<10240xf32, #tpu.memory_space<vmem_shared>>) offsets(%dma_start3A_783 : memref<128xi32, #tpu.memory_space<vmem>>) semaphore(%arg18 : memref<!tpu.dma_semaphore, #tpu.memory_space<semaphore_mem>>) {add = true}
      %dma_wait3A_786 = arith.constant 10 : i32
      %dma_wait3A_787 = arith.constant 0 : i32
      %dma_wait3A_788 = tpu.memref_slice %arg8[%dma_wait3A_786, %dma_wait3A_787] : memref<16x128xi32, #tpu.memory_space<vmem>> -> memref<1x128xi32, #tpu.memory_space<vmem>>
      %dma_wait3A_789 = tpu.memref_squeeze %dma_wait3A_788 : memref<1x128xi32, #tpu.memory_space<vmem>> -> memref<128xi32, #tpu.memory_space<vmem>>
      %dma_wait3A_790 = arith.constant 0 : i32
      %dma_wait3A_791 = arith.constant 0 : i32
      %dma_wait3A_792 = tpu.memref_slice %arg20[%dma_wait3A_790, %dma_wait3A_791] : memref<10240x128xf32, #tpu.memory_space<vmem_shared>> -> memref<10240x128xf32, #tpu.memory_space<vmem_shared>>
      tpu.wait_indirect_dma semaphore(%arg16 : memref<!tpu.dma_semaphore, #tpu.memory_space<semaphore_mem>>) src(%arg9 : memref<128x128xf32, #tpu.memory_space<vmem>>) dst(%dma_wait3A_792 : memref<10240x128xf32, #tpu.memory_space<vmem_shared>>)
      %dma_start3A_793 = arith.constant 12 : i32
      %dma_start3A_794 = arith.constant 0 : i32
      %dma_start3A_795 = tpu.memref_slice %arg7[%dma_start3A_793, %dma_start3A_794] : memref<16x128xi32, #tpu.memory_space<vmem>> -> memref<1x128xi32, #tpu.memory_space<vmem>>
      %dma_start3A_796 = tpu.memref_squeeze %dma_start3A_795 : memref<1x128xi32, #tpu.memory_space<vmem>> -> memref<128xi32, #tpu.memory_space<vmem>>
      %dma_start3A_797 = arith.constant 0 : i32
      %dma_start3A_798 = arith.constant 0 : i32
      %dma_start3A_799 = tpu.memref_slice %arg2[%dma_start3A_797, %dma_start3A_798] : memref<10000x128xf32, #tpu.memory_space<hbm>> -> memref<10000x128xf32, #tpu.memory_space<hbm>>
      tpu.enqueue_indirect_dma source(%dma_start3A_799 : memref<10000x128xf32, #tpu.memory_space<hbm>>) target(%arg9 : memref<128x128xf32, #tpu.memory_space<vmem>>) offsets(%dma_start3A_796 : memref<128xi32, #tpu.memory_space<vmem>>) semaphore(%arg14 : memref<!tpu.dma_semaphore, #tpu.memory_space<semaphore_mem>>)
      %dma_wait3A_800 = arith.constant 11 : i32
      %dma_wait3A_801 = arith.constant 0 : i32
      %dma_wait3A_802 = tpu.memref_slice %arg7[%dma_wait3A_800, %dma_wait3A_801] : memref<16x128xi32, #tpu.memory_space<vmem>> -> memref<1x128xi32, #tpu.memory_space<vmem>>
      %dma_wait3A_803 = tpu.memref_squeeze %dma_wait3A_802 : memref<1x128xi32, #tpu.memory_space<vmem>> -> memref<128xi32, #tpu.memory_space<vmem>>
      %dma_wait3A_804 = arith.constant 0 : i32
      %dma_wait3A_805 = arith.constant 0 : i32
      %dma_wait3A_806 = tpu.memref_slice %arg2[%dma_wait3A_804, %dma_wait3A_805] : memref<10000x128xf32, #tpu.memory_space<hbm>> -> memref<10000x128xf32, #tpu.memory_space<hbm>>
      tpu.wait_indirect_dma semaphore(%arg15 : memref<!tpu.dma_semaphore, #tpu.memory_space<semaphore_mem>>) src(%dma_wait3A_806 : memref<10000x128xf32, #tpu.memory_space<hbm>>) dst(%arg10 : memref<128x128xf32, #tpu.memory_space<vmem>>)
      %dma_start3A_807 = arith.constant 11 : i32
      %dma_start3A_808 = arith.constant 0 : i32
      %dma_start3A_809 = tpu.memref_slice %arg8[%dma_start3A_807, %dma_start3A_808] : memref<16x128xi32, #tpu.memory_space<vmem>> -> memref<1x128xi32, #tpu.memory_space<vmem>>
      %dma_start3A_810 = tpu.memref_squeeze %dma_start3A_809 : memref<1x128xi32, #tpu.memory_space<vmem>> -> memref<128xi32, #tpu.memory_space<vmem>>
      %dma_start3A_811 = arith.constant 0 : i32
      %dma_start3A_812 = arith.constant 0 : i32
      %dma_start3A_813 = tpu.memref_slice %arg20[%dma_start3A_811, %dma_start3A_812] : memref<10240x128xf32, #tpu.memory_space<vmem_shared>> -> memref<10240x128xf32, #tpu.memory_space<vmem_shared>>
      tpu.enqueue_indirect_dma source(%arg10 : memref<128x128xf32, #tpu.memory_space<vmem>>) target(%dma_start3A_813 : memref<10240x128xf32, #tpu.memory_space<vmem_shared>>) offsets(%dma_start3A_810 : memref<128xi32, #tpu.memory_space<vmem>>) semaphore(%arg17 : memref<!tpu.dma_semaphore, #tpu.memory_space<semaphore_mem>>) {add = true}
      %dma_wait3A_814 = arith.constant 9 : i32
      %dma_wait3A_815 = arith.constant 0 : i32
      %dma_wait3A_816 = tpu.memref_slice %arg8[%dma_wait3A_814, %dma_wait3A_815] : memref<16x128xi32, #tpu.memory_space<vmem>> -> memref<1x128xi32, #tpu.memory_space<vmem>>
      %dma_wait3A_817 = tpu.memref_squeeze %dma_wait3A_816 : memref<1x128xi32, #tpu.memory_space<vmem>> -> memref<128xi32, #tpu.memory_space<vmem>>
      %dma_wait3A_818 = arith.constant 0 : i32
      %dma_wait3A_819 = tpu.memref_slice %arg21[%dma_wait3A_818] : memref<10240xf32, #tpu.memory_space<vmem_shared>> -> memref<10240xf32, #tpu.memory_space<vmem_shared>>
      tpu.wait_indirect_dma semaphore(%arg19 : memref<!tpu.dma_semaphore, #tpu.memory_space<semaphore_mem>>) src(%arg12 : memref<128xf32, #tpu.memory_space<vmem>>) dst(%dma_wait3A_819 : memref<10240xf32, #tpu.memory_space<vmem_shared>>)
      %dma_start3A_820 = arith.constant 11 : i32
      %dma_start3A_821 = arith.constant 0 : i32
      %dma_start3A_822 = tpu.memref_slice %arg8[%dma_start3A_820, %dma_start3A_821] : memref<16x128xi32, #tpu.memory_space<vmem>> -> memref<1x128xi32, #tpu.memory_space<vmem>>
      %dma_start3A_823 = tpu.memref_squeeze %dma_start3A_822 : memref<1x128xi32, #tpu.memory_space<vmem>> -> memref<128xi32, #tpu.memory_space<vmem>>
      %dma_start3A_824 = arith.constant 0 : i32
      %dma_start3A_825 = tpu.memref_slice %arg21[%dma_start3A_824] : memref<10240xf32, #tpu.memory_space<vmem_shared>> -> memref<10240xf32, #tpu.memory_space<vmem_shared>>
      tpu.enqueue_indirect_dma source(%arg12 : memref<128xf32, #tpu.memory_space<vmem>>) target(%dma_start3A_825 : memref<10240xf32, #tpu.memory_space<vmem_shared>>) offsets(%dma_start3A_823 : memref<128xi32, #tpu.memory_space<vmem>>) semaphore(%arg19 : memref<!tpu.dma_semaphore, #tpu.memory_space<semaphore_mem>>) {add = true}
      %dma_wait3A_826 = arith.constant 11 : i32
      %dma_wait3A_827 = arith.constant 0 : i32
      %dma_wait3A_828 = tpu.memref_slice %arg8[%dma_wait3A_826, %dma_wait3A_827] : memref<16x128xi32, #tpu.memory_space<vmem>> -> memref<1x128xi32, #tpu.memory_space<vmem>>
      %dma_wait3A_829 = tpu.memref_squeeze %dma_wait3A_828 : memref<1x128xi32, #tpu.memory_space<vmem>> -> memref<128xi32, #tpu.memory_space<vmem>>
      %dma_wait3A_830 = arith.constant 0 : i32
      %dma_wait3A_831 = arith.constant 0 : i32
      %dma_wait3A_832 = tpu.memref_slice %arg20[%dma_wait3A_830, %dma_wait3A_831] : memref<10240x128xf32, #tpu.memory_space<vmem_shared>> -> memref<10240x128xf32, #tpu.memory_space<vmem_shared>>
      tpu.wait_indirect_dma semaphore(%arg17 : memref<!tpu.dma_semaphore, #tpu.memory_space<semaphore_mem>>) src(%arg10 : memref<128x128xf32, #tpu.memory_space<vmem>>) dst(%dma_wait3A_832 : memref<10240x128xf32, #tpu.memory_space<vmem_shared>>)
      %dma_start3A_833 = arith.constant 13 : i32
      %dma_start3A_834 = arith.constant 0 : i32
      %dma_start3A_835 = tpu.memref_slice %arg7[%dma_start3A_833, %dma_start3A_834] : memref<16x128xi32, #tpu.memory_space<vmem>> -> memref<1x128xi32, #tpu.memory_space<vmem>>
      %dma_start3A_836 = tpu.memref_squeeze %dma_start3A_835 : memref<1x128xi32, #tpu.memory_space<vmem>> -> memref<128xi32, #tpu.memory_space<vmem>>
      %dma_start3A_837 = arith.constant 0 : i32
      %dma_start3A_838 = arith.constant 0 : i32
      %dma_start3A_839 = tpu.memref_slice %arg2[%dma_start3A_837, %dma_start3A_838] : memref<10000x128xf32, #tpu.memory_space<hbm>> -> memref<10000x128xf32, #tpu.memory_space<hbm>>
      tpu.enqueue_indirect_dma source(%dma_start3A_839 : memref<10000x128xf32, #tpu.memory_space<hbm>>) target(%arg10 : memref<128x128xf32, #tpu.memory_space<vmem>>) offsets(%dma_start3A_836 : memref<128xi32, #tpu.memory_space<vmem>>) semaphore(%arg15 : memref<!tpu.dma_semaphore, #tpu.memory_space<semaphore_mem>>)
      %dma_wait3A_840 = arith.constant 12 : i32
      %dma_wait3A_841 = arith.constant 0 : i32
      %dma_wait3A_842 = tpu.memref_slice %arg7[%dma_wait3A_840, %dma_wait3A_841] : memref<16x128xi32, #tpu.memory_space<vmem>> -> memref<1x128xi32, #tpu.memory_space<vmem>>
      %dma_wait3A_843 = tpu.memref_squeeze %dma_wait3A_842 : memref<1x128xi32, #tpu.memory_space<vmem>> -> memref<128xi32, #tpu.memory_space<vmem>>
      %dma_wait3A_844 = arith.constant 0 : i32
      %dma_wait3A_845 = arith.constant 0 : i32
      %dma_wait3A_846 = tpu.memref_slice %arg2[%dma_wait3A_844, %dma_wait3A_845] : memref<10000x128xf32, #tpu.memory_space<hbm>> -> memref<10000x128xf32, #tpu.memory_space<hbm>>
      tpu.wait_indirect_dma semaphore(%arg14 : memref<!tpu.dma_semaphore, #tpu.memory_space<semaphore_mem>>) src(%dma_wait3A_846 : memref<10000x128xf32, #tpu.memory_space<hbm>>) dst(%arg9 : memref<128x128xf32, #tpu.memory_space<vmem>>)
      %dma_start3A_847 = arith.constant 12 : i32
      %dma_start3A_848 = arith.constant 0 : i32
      %dma_start3A_849 = tpu.memref_slice %arg8[%dma_start3A_847, %dma_start3A_848] : memref<16x128xi32, #tpu.memory_space<vmem>> -> memref<1x128xi32, #tpu.memory_space<vmem>>
      %dma_start3A_850 = tpu.memref_squeeze %dma_start3A_849 : memref<1x128xi32, #tpu.memory_space<vmem>> -> memref<128xi32, #tpu.memory_space<vmem>>
      %dma_start3A_851 = arith.constant 0 : i32
      %dma_start3A_852 = arith.constant 0 : i32
      %dma_start3A_853 = tpu.memref_slice %arg20[%dma_start3A_851, %dma_start3A_852] : memref<10240x128xf32, #tpu.memory_space<vmem_shared>> -> memref<10240x128xf32, #tpu.memory_space<vmem_shared>>
      tpu.enqueue_indirect_dma source(%arg9 : memref<128x128xf32, #tpu.memory_space<vmem>>) target(%dma_start3A_853 : memref<10240x128xf32, #tpu.memory_space<vmem_shared>>) offsets(%dma_start3A_850 : memref<128xi32, #tpu.memory_space<vmem>>) semaphore(%arg16 : memref<!tpu.dma_semaphore, #tpu.memory_space<semaphore_mem>>) {add = true}
      %dma_wait3A_854 = arith.constant 10 : i32
      %dma_wait3A_855 = arith.constant 0 : i32
      %dma_wait3A_856 = tpu.memref_slice %arg8[%dma_wait3A_854, %dma_wait3A_855] : memref<16x128xi32, #tpu.memory_space<vmem>> -> memref<1x128xi32, #tpu.memory_space<vmem>>
      %dma_wait3A_857 = tpu.memref_squeeze %dma_wait3A_856 : memref<1x128xi32, #tpu.memory_space<vmem>> -> memref<128xi32, #tpu.memory_space<vmem>>
      %dma_wait3A_858 = arith.constant 0 : i32
      %dma_wait3A_859 = tpu.memref_slice %arg21[%dma_wait3A_858] : memref<10240xf32, #tpu.memory_space<vmem_shared>> -> memref<10240xf32, #tpu.memory_space<vmem_shared>>
      tpu.wait_indirect_dma semaphore(%arg18 : memref<!tpu.dma_semaphore, #tpu.memory_space<semaphore_mem>>) src(%arg12 : memref<128xf32, #tpu.memory_space<vmem>>) dst(%dma_wait3A_859 : memref<10240xf32, #tpu.memory_space<vmem_shared>>)
      %dma_start3A_860 = arith.constant 12 : i32
      %dma_start3A_861 = arith.constant 0 : i32
      %dma_start3A_862 = tpu.memref_slice %arg8[%dma_start3A_860, %dma_start3A_861] : memref<16x128xi32, #tpu.memory_space<vmem>> -> memref<1x128xi32, #tpu.memory_space<vmem>>
      %dma_start3A_863 = tpu.memref_squeeze %dma_start3A_862 : memref<1x128xi32, #tpu.memory_space<vmem>> -> memref<128xi32, #tpu.memory_space<vmem>>
      %dma_start3A_864 = arith.constant 0 : i32
      %dma_start3A_865 = tpu.memref_slice %arg21[%dma_start3A_864] : memref<10240xf32, #tpu.memory_space<vmem_shared>> -> memref<10240xf32, #tpu.memory_space<vmem_shared>>
      tpu.enqueue_indirect_dma source(%arg12 : memref<128xf32, #tpu.memory_space<vmem>>) target(%dma_start3A_865 : memref<10240xf32, #tpu.memory_space<vmem_shared>>) offsets(%dma_start3A_863 : memref<128xi32, #tpu.memory_space<vmem>>) semaphore(%arg18 : memref<!tpu.dma_semaphore, #tpu.memory_space<semaphore_mem>>) {add = true}
      %dma_wait3A_866 = arith.constant 12 : i32
      %dma_wait3A_867 = arith.constant 0 : i32
      %dma_wait3A_868 = tpu.memref_slice %arg8[%dma_wait3A_866, %dma_wait3A_867] : memref<16x128xi32, #tpu.memory_space<vmem>> -> memref<1x128xi32, #tpu.memory_space<vmem>>
      %dma_wait3A_869 = tpu.memref_squeeze %dma_wait3A_868 : memref<1x128xi32, #tpu.memory_space<vmem>> -> memref<128xi32, #tpu.memory_space<vmem>>
      %dma_wait3A_870 = arith.constant 0 : i32
      %dma_wait3A_871 = arith.constant 0 : i32
      %dma_wait3A_872 = tpu.memref_slice %arg20[%dma_wait3A_870, %dma_wait3A_871] : memref<10240x128xf32, #tpu.memory_space<vmem_shared>> -> memref<10240x128xf32, #tpu.memory_space<vmem_shared>>
      tpu.wait_indirect_dma semaphore(%arg16 : memref<!tpu.dma_semaphore, #tpu.memory_space<semaphore_mem>>) src(%arg9 : memref<128x128xf32, #tpu.memory_space<vmem>>) dst(%dma_wait3A_872 : memref<10240x128xf32, #tpu.memory_space<vmem_shared>>)
      %dma_start3A_873 = arith.constant 14 : i32
      %dma_start3A_874 = arith.constant 0 : i32
      %dma_start3A_875 = tpu.memref_slice %arg7[%dma_start3A_873, %dma_start3A_874] : memref<16x128xi32, #tpu.memory_space<vmem>> -> memref<1x128xi32, #tpu.memory_space<vmem>>
      %dma_start3A_876 = tpu.memref_squeeze %dma_start3A_875 : memref<1x128xi32, #tpu.memory_space<vmem>> -> memref<128xi32, #tpu.memory_space<vmem>>
      %dma_start3A_877 = arith.constant 0 : i32
      %dma_start3A_878 = arith.constant 0 : i32
      %dma_start3A_879 = tpu.memref_slice %arg2[%dma_start3A_877, %dma_start3A_878] : memref<10000x128xf32, #tpu.memory_space<hbm>> -> memref<10000x128xf32, #tpu.memory_space<hbm>>
      tpu.enqueue_indirect_dma source(%dma_start3A_879 : memref<10000x128xf32, #tpu.memory_space<hbm>>) target(%arg9 : memref<128x128xf32, #tpu.memory_space<vmem>>) offsets(%dma_start3A_876 : memref<128xi32, #tpu.memory_space<vmem>>) semaphore(%arg14 : memref<!tpu.dma_semaphore, #tpu.memory_space<semaphore_mem>>)
      %dma_wait3A_880 = arith.constant 13 : i32
      %dma_wait3A_881 = arith.constant 0 : i32
      %dma_wait3A_882 = tpu.memref_slice %arg7[%dma_wait3A_880, %dma_wait3A_881] : memref<16x128xi32, #tpu.memory_space<vmem>> -> memref<1x128xi32, #tpu.memory_space<vmem>>
      %dma_wait3A_883 = tpu.memref_squeeze %dma_wait3A_882 : memref<1x128xi32, #tpu.memory_space<vmem>> -> memref<128xi32, #tpu.memory_space<vmem>>
      %dma_wait3A_884 = arith.constant 0 : i32
      %dma_wait3A_885 = arith.constant 0 : i32
      %dma_wait3A_886 = tpu.memref_slice %arg2[%dma_wait3A_884, %dma_wait3A_885] : memref<10000x128xf32, #tpu.memory_space<hbm>> -> memref<10000x128xf32, #tpu.memory_space<hbm>>
      tpu.wait_indirect_dma semaphore(%arg15 : memref<!tpu.dma_semaphore, #tpu.memory_space<semaphore_mem>>) src(%dma_wait3A_886 : memref<10000x128xf32, #tpu.memory_space<hbm>>) dst(%arg10 : memref<128x128xf32, #tpu.memory_space<vmem>>)
      %dma_start3A_887 = arith.constant 13 : i32
      %dma_start3A_888 = arith.constant 0 : i32
      %dma_start3A_889 = tpu.memref_slice %arg8[%dma_start3A_887, %dma_start3A_888] : memref<16x128xi32, #tpu.memory_space<vmem>> -> memref<1x128xi32, #tpu.memory_space<vmem>>
      %dma_start3A_890 = tpu.memref_squeeze %dma_start3A_889 : memref<1x128xi32, #tpu.memory_space<vmem>> -> memref<128xi32, #tpu.memory_space<vmem>>
      %dma_start3A_891 = arith.constant 0 : i32
      %dma_start3A_892 = arith.constant 0 : i32
      %dma_start3A_893 = tpu.memref_slice %arg20[%dma_start3A_891, %dma_start3A_892] : memref<10240x128xf32, #tpu.memory_space<vmem_shared>> -> memref<10240x128xf32, #tpu.memory_space<vmem_shared>>
      tpu.enqueue_indirect_dma source(%arg10 : memref<128x128xf32, #tpu.memory_space<vmem>>) target(%dma_start3A_893 : memref<10240x128xf32, #tpu.memory_space<vmem_shared>>) offsets(%dma_start3A_890 : memref<128xi32, #tpu.memory_space<vmem>>) semaphore(%arg17 : memref<!tpu.dma_semaphore, #tpu.memory_space<semaphore_mem>>) {add = true}
      %dma_wait3A_894 = arith.constant 11 : i32
      %dma_wait3A_895 = arith.constant 0 : i32
      %dma_wait3A_896 = tpu.memref_slice %arg8[%dma_wait3A_894, %dma_wait3A_895] : memref<16x128xi32, #tpu.memory_space<vmem>> -> memref<1x128xi32, #tpu.memory_space<vmem>>
      %dma_wait3A_897 = tpu.memref_squeeze %dma_wait3A_896 : memref<1x128xi32, #tpu.memory_space<vmem>> -> memref<128xi32, #tpu.memory_space<vmem>>
      %dma_wait3A_898 = arith.constant 0 : i32
      %dma_wait3A_899 = tpu.memref_slice %arg21[%dma_wait3A_898] : memref<10240xf32, #tpu.memory_space<vmem_shared>> -> memref<10240xf32, #tpu.memory_space<vmem_shared>>
      tpu.wait_indirect_dma semaphore(%arg19 : memref<!tpu.dma_semaphore, #tpu.memory_space<semaphore_mem>>) src(%arg12 : memref<128xf32, #tpu.memory_space<vmem>>) dst(%dma_wait3A_899 : memref<10240xf32, #tpu.memory_space<vmem_shared>>)
      %dma_start3A_900 = arith.constant 13 : i32
      %dma_start3A_901 = arith.constant 0 : i32
      %dma_start3A_902 = tpu.memref_slice %arg8[%dma_start3A_900, %dma_start3A_901] : memref<16x128xi32, #tpu.memory_space<vmem>> -> memref<1x128xi32, #tpu.memory_space<vmem>>
      %dma_start3A_903 = tpu.memref_squeeze %dma_start3A_902 : memref<1x128xi32, #tpu.memory_space<vmem>> -> memref<128xi32, #tpu.memory_space<vmem>>
      %dma_start3A_904 = arith.constant 0 : i32
      %dma_start3A_905 = tpu.memref_slice %arg21[%dma_start3A_904] : memref<10240xf32, #tpu.memory_space<vmem_shared>> -> memref<10240xf32, #tpu.memory_space<vmem_shared>>
      tpu.enqueue_indirect_dma source(%arg12 : memref<128xf32, #tpu.memory_space<vmem>>) target(%dma_start3A_905 : memref<10240xf32, #tpu.memory_space<vmem_shared>>) offsets(%dma_start3A_903 : memref<128xi32, #tpu.memory_space<vmem>>) semaphore(%arg19 : memref<!tpu.dma_semaphore, #tpu.memory_space<semaphore_mem>>) {add = true}
      %dma_wait3A_906 = arith.constant 13 : i32
      %dma_wait3A_907 = arith.constant 0 : i32
      %dma_wait3A_908 = tpu.memref_slice %arg8[%dma_wait3A_906, %dma_wait3A_907] : memref<16x128xi32, #tpu.memory_space<vmem>> -> memref<1x128xi32, #tpu.memory_space<vmem>>
      %dma_wait3A_909 = tpu.memref_squeeze %dma_wait3A_908 : memref<1x128xi32, #tpu.memory_space<vmem>> -> memref<128xi32, #tpu.memory_space<vmem>>
      %dma_wait3A_910 = arith.constant 0 : i32
      %dma_wait3A_911 = arith.constant 0 : i32
      %dma_wait3A_912 = tpu.memref_slice %arg20[%dma_wait3A_910, %dma_wait3A_911] : memref<10240x128xf32, #tpu.memory_space<vmem_shared>> -> memref<10240x128xf32, #tpu.memory_space<vmem_shared>>
      tpu.wait_indirect_dma semaphore(%arg17 : memref<!tpu.dma_semaphore, #tpu.memory_space<semaphore_mem>>) src(%arg10 : memref<128x128xf32, #tpu.memory_space<vmem>>) dst(%dma_wait3A_912 : memref<10240x128xf32, #tpu.memory_space<vmem_shared>>)
      %dma_start3A_913 = arith.constant 15 : i32
      %dma_start3A_914 = arith.constant 0 : i32
      %dma_start3A_915 = tpu.memref_slice %arg7[%dma_start3A_913, %dma_start3A_914] : memref<16x128xi32, #tpu.memory_space<vmem>> -> memref<1x128xi32, #tpu.memory_space<vmem>>
      %dma_start3A_916 = tpu.memref_squeeze %dma_start3A_915 : memref<1x128xi32, #tpu.memory_space<vmem>> -> memref<128xi32, #tpu.memory_space<vmem>>
      %dma_start3A_917 = arith.constant 0 : i32
      %dma_start3A_918 = arith.constant 0 : i32
      %dma_start3A_919 = tpu.memref_slice %arg2[%dma_start3A_917, %dma_start3A_918] : memref<10000x128xf32, #tpu.memory_space<hbm>> -> memref<10000x128xf32, #tpu.memory_space<hbm>>
      tpu.enqueue_indirect_dma source(%dma_start3A_919 : memref<10000x128xf32, #tpu.memory_space<hbm>>) target(%arg10 : memref<128x128xf32, #tpu.memory_space<vmem>>) offsets(%dma_start3A_916 : memref<128xi32, #tpu.memory_space<vmem>>) semaphore(%arg15 : memref<!tpu.dma_semaphore, #tpu.memory_space<semaphore_mem>>)
      %dma_wait3A_920 = arith.constant 14 : i32
      %dma_wait3A_921 = arith.constant 0 : i32
      %dma_wait3A_922 = tpu.memref_slice %arg7[%dma_wait3A_920, %dma_wait3A_921] : memref<16x128xi32, #tpu.memory_space<vmem>> -> memref<1x128xi32, #tpu.memory_space<vmem>>
      %dma_wait3A_923 = tpu.memref_squeeze %dma_wait3A_922 : memref<1x128xi32, #tpu.memory_space<vmem>> -> memref<128xi32, #tpu.memory_space<vmem>>
      %dma_wait3A_924 = arith.constant 0 : i32
      %dma_wait3A_925 = arith.constant 0 : i32
      %dma_wait3A_926 = tpu.memref_slice %arg2[%dma_wait3A_924, %dma_wait3A_925] : memref<10000x128xf32, #tpu.memory_space<hbm>> -> memref<10000x128xf32, #tpu.memory_space<hbm>>
      tpu.wait_indirect_dma semaphore(%arg14 : memref<!tpu.dma_semaphore, #tpu.memory_space<semaphore_mem>>) src(%dma_wait3A_926 : memref<10000x128xf32, #tpu.memory_space<hbm>>) dst(%arg9 : memref<128x128xf32, #tpu.memory_space<vmem>>)
      %dma_start3A_927 = arith.constant 14 : i32
      %dma_start3A_928 = arith.constant 0 : i32
      %dma_start3A_929 = tpu.memref_slice %arg8[%dma_start3A_927, %dma_start3A_928] : memref<16x128xi32, #tpu.memory_space<vmem>> -> memref<1x128xi32, #tpu.memory_space<vmem>>
      %dma_start3A_930 = tpu.memref_squeeze %dma_start3A_929 : memref<1x128xi32, #tpu.memory_space<vmem>> -> memref<128xi32, #tpu.memory_space<vmem>>
      %dma_start3A_931 = arith.constant 0 : i32
      %dma_start3A_932 = arith.constant 0 : i32
      %dma_start3A_933 = tpu.memref_slice %arg20[%dma_start3A_931, %dma_start3A_932] : memref<10240x128xf32, #tpu.memory_space<vmem_shared>> -> memref<10240x128xf32, #tpu.memory_space<vmem_shared>>
      tpu.enqueue_indirect_dma source(%arg9 : memref<128x128xf32, #tpu.memory_space<vmem>>) target(%dma_start3A_933 : memref<10240x128xf32, #tpu.memory_space<vmem_shared>>) offsets(%dma_start3A_930 : memref<128xi32, #tpu.memory_space<vmem>>) semaphore(%arg16 : memref<!tpu.dma_semaphore, #tpu.memory_space<semaphore_mem>>) {add = true}
      %dma_wait3A_934 = arith.constant 12 : i32
      %dma_wait3A_935 = arith.constant 0 : i32
      %dma_wait3A_936 = tpu.memref_slice %arg8[%dma_wait3A_934, %dma_wait3A_935] : memref<16x128xi32, #tpu.memory_space<vmem>> -> memref<1x128xi32, #tpu.memory_space<vmem>>
      %dma_wait3A_937 = tpu.memref_squeeze %dma_wait3A_936 : memref<1x128xi32, #tpu.memory_space<vmem>> -> memref<128xi32, #tpu.memory_space<vmem>>
      %dma_wait3A_938 = arith.constant 0 : i32
      %dma_wait3A_939 = tpu.memref_slice %arg21[%dma_wait3A_938] : memref<10240xf32, #tpu.memory_space<vmem_shared>> -> memref<10240xf32, #tpu.memory_space<vmem_shared>>
      tpu.wait_indirect_dma semaphore(%arg18 : memref<!tpu.dma_semaphore, #tpu.memory_space<semaphore_mem>>) src(%arg12 : memref<128xf32, #tpu.memory_space<vmem>>) dst(%dma_wait3A_939 : memref<10240xf32, #tpu.memory_space<vmem_shared>>)
      %dma_start3A_940 = arith.constant 14 : i32
      %dma_start3A_941 = arith.constant 0 : i32
      %dma_start3A_942 = tpu.memref_slice %arg8[%dma_start3A_940, %dma_start3A_941] : memref<16x128xi32, #tpu.memory_space<vmem>> -> memref<1x128xi32, #tpu.memory_space<vmem>>
      %dma_start3A_943 = tpu.memref_squeeze %dma_start3A_942 : memref<1x128xi32, #tpu.memory_space<vmem>> -> memref<128xi32, #tpu.memory_space<vmem>>
      %dma_start3A_944 = arith.constant 0 : i32
      %dma_start3A_945 = tpu.memref_slice %arg21[%dma_start3A_944] : memref<10240xf32, #tpu.memory_space<vmem_shared>> -> memref<10240xf32, #tpu.memory_space<vmem_shared>>
      tpu.enqueue_indirect_dma source(%arg12 : memref<128xf32, #tpu.memory_space<vmem>>) target(%dma_start3A_945 : memref<10240xf32, #tpu.memory_space<vmem_shared>>) offsets(%dma_start3A_943 : memref<128xi32, #tpu.memory_space<vmem>>) semaphore(%arg18 : memref<!tpu.dma_semaphore, #tpu.memory_space<semaphore_mem>>) {add = true}
      %dma_wait3A_946 = arith.constant 15 : i32
      %dma_wait3A_947 = arith.constant 0 : i32
      %dma_wait3A_948 = tpu.memref_slice %arg7[%dma_wait3A_946, %dma_wait3A_947] : memref<16x128xi32, #tpu.memory_space<vmem>> -> memref<1x128xi32, #tpu.memory_space<vmem>>
      %dma_wait3A_949 = tpu.memref_squeeze %dma_wait3A_948 : memref<1x128xi32, #tpu.memory_space<vmem>> -> memref<128xi32, #tpu.memory_space<vmem>>
      %dma_wait3A_950 = arith.constant 0 : i32
      %dma_wait3A_951 = arith.constant 0 : i32
      %dma_wait3A_952 = tpu.memref_slice %arg2[%dma_wait3A_950, %dma_wait3A_951] : memref<10000x128xf32, #tpu.memory_space<hbm>> -> memref<10000x128xf32, #tpu.memory_space<hbm>>
      tpu.wait_indirect_dma semaphore(%arg15 : memref<!tpu.dma_semaphore, #tpu.memory_space<semaphore_mem>>) src(%dma_wait3A_952 : memref<10000x128xf32, #tpu.memory_space<hbm>>) dst(%arg10 : memref<128x128xf32, #tpu.memory_space<vmem>>)
      %dma_start3A_953 = arith.constant 15 : i32
      %dma_start3A_954 = arith.constant 0 : i32
      %dma_start3A_955 = tpu.memref_slice %arg8[%dma_start3A_953, %dma_start3A_954] : memref<16x128xi32, #tpu.memory_space<vmem>> -> memref<1x128xi32, #tpu.memory_space<vmem>>
      %dma_start3A_956 = tpu.memref_squeeze %dma_start3A_955 : memref<1x128xi32, #tpu.memory_space<vmem>> -> memref<128xi32, #tpu.memory_space<vmem>>
      %dma_start3A_957 = arith.constant 0 : i32
      %dma_start3A_958 = arith.constant 0 : i32
      %dma_start3A_959 = tpu.memref_slice %arg20[%dma_start3A_957, %dma_start3A_958] : memref<10240x128xf32, #tpu.memory_space<vmem_shared>> -> memref<10240x128xf32, #tpu.memory_space<vmem_shared>>
      tpu.enqueue_indirect_dma source(%arg10 : memref<128x128xf32, #tpu.memory_space<vmem>>) target(%dma_start3A_959 : memref<10240x128xf32, #tpu.memory_space<vmem_shared>>) offsets(%dma_start3A_956 : memref<128xi32, #tpu.memory_space<vmem>>) semaphore(%arg17 : memref<!tpu.dma_semaphore, #tpu.memory_space<semaphore_mem>>) {add = true}
      %dma_wait3A_960 = arith.constant 13 : i32
      %dma_wait3A_961 = arith.constant 0 : i32
      %dma_wait3A_962 = tpu.memref_slice %arg8[%dma_wait3A_960, %dma_wait3A_961] : memref<16x128xi32, #tpu.memory_space<vmem>> -> memref<1x128xi32, #tpu.memory_space<vmem>>
      %dma_wait3A_963 = tpu.memref_squeeze %dma_wait3A_962 : memref<1x128xi32, #tpu.memory_space<vmem>> -> memref<128xi32, #tpu.memory_space<vmem>>
      %dma_wait3A_964 = arith.constant 0 : i32
      %dma_wait3A_965 = tpu.memref_slice %arg21[%dma_wait3A_964] : memref<10240xf32, #tpu.memory_space<vmem_shared>> -> memref<10240xf32, #tpu.memory_space<vmem_shared>>
      tpu.wait_indirect_dma semaphore(%arg19 : memref<!tpu.dma_semaphore, #tpu.memory_space<semaphore_mem>>) src(%arg12 : memref<128xf32, #tpu.memory_space<vmem>>) dst(%dma_wait3A_965 : memref<10240xf32, #tpu.memory_space<vmem_shared>>)
      %dma_start3A_966 = arith.constant 15 : i32
      %dma_start3A_967 = arith.constant 0 : i32
      %dma_start3A_968 = tpu.memref_slice %arg8[%dma_start3A_966, %dma_start3A_967] : memref<16x128xi32, #tpu.memory_space<vmem>> -> memref<1x128xi32, #tpu.memory_space<vmem>>
      %dma_start3A_969 = tpu.memref_squeeze %dma_start3A_968 : memref<1x128xi32, #tpu.memory_space<vmem>> -> memref<128xi32, #tpu.memory_space<vmem>>
      %dma_start3A_970 = arith.constant 0 : i32
      %dma_start3A_971 = tpu.memref_slice %arg21[%dma_start3A_970] : memref<10240xf32, #tpu.memory_space<vmem_shared>> -> memref<10240xf32, #tpu.memory_space<vmem_shared>>
      tpu.enqueue_indirect_dma source(%arg12 : memref<128xf32, #tpu.memory_space<vmem>>) target(%dma_start3A_971 : memref<10240xf32, #tpu.memory_space<vmem_shared>>) offsets(%dma_start3A_969 : memref<128xi32, #tpu.memory_space<vmem>>) semaphore(%arg19 : memref<!tpu.dma_semaphore, #tpu.memory_space<semaphore_mem>>) {add = true}
      %dma_wait3A_972 = arith.constant 14 : i32
      %dma_wait3A_973 = arith.constant 0 : i32
      %dma_wait3A_974 = tpu.memref_slice %arg8[%dma_wait3A_972, %dma_wait3A_973] : memref<16x128xi32, #tpu.memory_space<vmem>> -> memref<1x128xi32, #tpu.memory_space<vmem>>
      %dma_wait3A_975 = tpu.memref_squeeze %dma_wait3A_974 : memref<1x128xi32, #tpu.memory_space<vmem>> -> memref<128xi32, #tpu.memory_space<vmem>>
      %dma_wait3A_976 = arith.constant 0 : i32
      %dma_wait3A_977 = arith.constant 0 : i32
      %dma_wait3A_978 = tpu.memref_slice %arg20[%dma_wait3A_976, %dma_wait3A_977] : memref<10240x128xf32, #tpu.memory_space<vmem_shared>> -> memref<10240x128xf32, #tpu.memory_space<vmem_shared>>
      tpu.wait_indirect_dma semaphore(%arg16 : memref<!tpu.dma_semaphore, #tpu.memory_space<semaphore_mem>>) src(%arg9 : memref<128x128xf32, #tpu.memory_space<vmem>>) dst(%dma_wait3A_978 : memref<10240x128xf32, #tpu.memory_space<vmem_shared>>)
      %dma_wait3A_979 = arith.constant 15 : i32
      %dma_wait3A_980 = arith.constant 0 : i32
      %dma_wait3A_981 = tpu.memref_slice %arg8[%dma_wait3A_979, %dma_wait3A_980] : memref<16x128xi32, #tpu.memory_space<vmem>> -> memref<1x128xi32, #tpu.memory_space<vmem>>
      %dma_wait3A_982 = tpu.memref_squeeze %dma_wait3A_981 : memref<1x128xi32, #tpu.memory_space<vmem>> -> memref<128xi32, #tpu.memory_space<vmem>>
      %dma_wait3A_983 = arith.constant 0 : i32
      %dma_wait3A_984 = arith.constant 0 : i32
      %dma_wait3A_985 = tpu.memref_slice %arg20[%dma_wait3A_983, %dma_wait3A_984] : memref<10240x128xf32, #tpu.memory_space<vmem_shared>> -> memref<10240x128xf32, #tpu.memory_space<vmem_shared>>
      tpu.wait_indirect_dma semaphore(%arg17 : memref<!tpu.dma_semaphore, #tpu.memory_space<semaphore_mem>>) src(%arg10 : memref<128x128xf32, #tpu.memory_space<vmem>>) dst(%dma_wait3A_985 : memref<10240x128xf32, #tpu.memory_space<vmem_shared>>)
      %dma_wait3A_986 = arith.constant 14 : i32
      %dma_wait3A_987 = arith.constant 0 : i32
      %dma_wait3A_988 = tpu.memref_slice %arg8[%dma_wait3A_986, %dma_wait3A_987] : memref<16x128xi32, #tpu.memory_space<vmem>> -> memref<1x128xi32, #tpu.memory_space<vmem>>
      %dma_wait3A_989 = tpu.memref_squeeze %dma_wait3A_988 : memref<1x128xi32, #tpu.memory_space<vmem>> -> memref<128xi32, #tpu.memory_space<vmem>>
      %dma_wait3A_990 = arith.constant 0 : i32
      %dma_wait3A_991 = tpu.memref_slice %arg21[%dma_wait3A_990] : memref<10240xf32, #tpu.memory_space<vmem_shared>> -> memref<10240xf32, #tpu.memory_space<vmem_shared>>
      tpu.wait_indirect_dma semaphore(%arg18 : memref<!tpu.dma_semaphore, #tpu.memory_space<semaphore_mem>>) src(%arg12 : memref<128xf32, #tpu.memory_space<vmem>>) dst(%dma_wait3A_991 : memref<10240xf32, #tpu.memory_space<vmem_shared>>)
      %dma_wait3A_992 = arith.constant 15 : i32
      %dma_wait3A_993 = arith.constant 0 : i32
      %dma_wait3A_994 = tpu.memref_slice %arg8[%dma_wait3A_992, %dma_wait3A_993] : memref<16x128xi32, #tpu.memory_space<vmem>> -> memref<1x128xi32, #tpu.memory_space<vmem>>
      %dma_wait3A_995 = tpu.memref_squeeze %dma_wait3A_994 : memref<1x128xi32, #tpu.memory_space<vmem>> -> memref<128xi32, #tpu.memory_space<vmem>>
      %dma_wait3A_996 = arith.constant 0 : i32
      %dma_wait3A_997 = tpu.memref_slice %arg21[%dma_wait3A_996] : memref<10240xf32, #tpu.memory_space<vmem_shared>> -> memref<10240xf32, #tpu.memory_space<vmem_shared>>
      tpu.wait_indirect_dma semaphore(%arg19 : memref<!tpu.dma_semaphore, #tpu.memory_space<semaphore_mem>>) src(%arg12 : memref<128xf32, #tpu.memory_space<vmem>>) dst(%dma_wait3A_997 : memref<10240xf32, #tpu.memory_space<vmem_shared>>)
    }
    %scan3A_269 = arith.constant 5 : i32
    %barrier3A_270 = arith.constant 0 : index
    tpu.barrier barrier_id(%barrier3A_270)
    %add3A_271 = arith.constant 0 : i32
    %add3A_272 = arith.addi %mul3A_59, %add3A_271 : i32
    "tpu.region"() ({
      %run_scoped3A = tpu.sem_alloc : memref<!tpu.dma_semaphore, #tpu.memory_space<semaphore_mem>>
      %dma_start3A_354 = arith.constant 0 : i32
      %dma_start3A_355 = tpu.memref_slice %arg20[%add3A_272, %dma_start3A_354] : memref<10240x128xf32, #tpu.memory_space<vmem_shared>> -> memref<128x128xf32, #tpu.memory_space<vmem_shared>>
      %dma_start3A_356 = arith.constant 0 : i32
      %dma_start3A_357 = tpu.memref_slice %arg20[%add3A_272, %dma_start3A_356] : memref<10240x128xf32, #tpu.memory_space<vmem_shared>> -> memref<128x128xf32, #tpu.memory_space<vmem_shared>>
      tpu.enqueue_dma source(%dma_start3A_357 : memref<128x128xf32, #tpu.memory_space<vmem_shared>>) target(%arg9 : memref<128x128xf32, #tpu.memory_space<vmem>>) target_semaphore(%run_scoped3A : memref<!tpu.dma_semaphore, #tpu.memory_space<semaphore_mem>>)
      %dma_wait3A_358 = arith.constant 0 : i32
      %dma_wait3A_359 = tpu.memref_slice %arg20[%add3A_272, %dma_wait3A_358] : memref<10240x128xf32, #tpu.memory_space<vmem_shared>> -> memref<128x128xf32, #tpu.memory_space<vmem_shared>>
      %dma_wait3A_360 = arith.constant 0 : i32
      %dma_wait3A_361 = tpu.memref_slice %arg20[%add3A_272, %dma_wait3A_360] : memref<10240x128xf32, #tpu.memory_space<vmem_shared>> -> memref<128x128xf32, #tpu.memory_space<vmem_shared>>
      tpu.wait_dma2 semaphore(%run_scoped3A : memref<!tpu.dma_semaphore, #tpu.memory_space<semaphore_mem>>) src(%dma_wait3A_361 : memref<128x128xf32, #tpu.memory_space<vmem_shared>>) dst(%arg9 : memref<128x128xf32, #tpu.memory_space<vmem>>)
      tpu.yield
    }) : () -> ()
    %add3A_273 = arith.constant 0 : i32
    %add3A_274 = arith.addi %mul3A_59, %add3A_273 : i32
    %dma_start3A_275 = arith.constant 0 : i32
    %dma_start3A_276 = tpu.memref_slice %arg5[%arg0, %add3A_274, %dma_start3A_275] : memref<2x10240x128xf32, #tpu.memory_space<hbm>> -> memref<1x128x128xf32, #tpu.memory_space<hbm>>
    %dma_start3A_277 = tpu.memref_squeeze %dma_start3A_276 : memref<1x128x128xf32, #tpu.memory_space<hbm>> -> memref<128x128xf32, #tpu.memory_space<hbm>>
    %dma_start3A_278 = arith.constant 0 : i32
    %dma_start3A_279 = tpu.memref_slice %arg5[%arg0, %add3A_274, %dma_start3A_278] : memref<2x10240x128xf32, #tpu.memory_space<hbm>> -> memref<1x128x128xf32, #tpu.memory_space<hbm>>
    %dma_start3A_280 = tpu.memref_squeeze %dma_start3A_279 : memref<1x128x128xf32, #tpu.memory_space<hbm>> -> memref<128x128xf32, #tpu.memory_space<hbm>>
    tpu.enqueue_dma source(%arg9 : memref<128x128xf32, #tpu.memory_space<vmem>>) target(%dma_start3A_280 : memref<128x128xf32, #tpu.memory_space<hbm>>) target_semaphore(%arg14 : memref<!tpu.dma_semaphore, #tpu.memory_space<semaphore_mem>>)
    %add3A_281 = arith.constant 128 : i32
    %add3A_282 = arith.addi %mul3A_59, %add3A_281 : i32
    "tpu.region"() ({
      %run_scoped3A = tpu.sem_alloc : memref<!tpu.dma_semaphore, #tpu.memory_space<semaphore_mem>>
      %dma_start3A_354 = arith.constant 0 : i32
      %dma_start3A_355 = tpu.memref_slice %arg20[%add3A_282, %dma_start3A_354] : memref<10240x128xf32, #tpu.memory_space<vmem_shared>> -> memref<128x128xf32, #tpu.memory_space<vmem_shared>>
      %dma_start3A_356 = arith.constant 0 : i32
      %dma_start3A_357 = tpu.memref_slice %arg20[%add3A_282, %dma_start3A_356] : memref<10240x128xf32, #tpu.memory_space<vmem_shared>> -> memref<128x128xf32, #tpu.memory_space<vmem_shared>>
      tpu.enqueue_dma source(%dma_start3A_357 : memref<128x128xf32, #tpu.memory_space<vmem_shared>>) target(%arg10 : memref<128x128xf32, #tpu.memory_space<vmem>>) target_semaphore(%run_scoped3A : memref<!tpu.dma_semaphore, #tpu.memory_space<semaphore_mem>>)
      %dma_wait3A_358 = arith.constant 0 : i32
      %dma_wait3A_359 = tpu.memref_slice %arg20[%add3A_282, %dma_wait3A_358] : memref<10240x128xf32, #tpu.memory_space<vmem_shared>> -> memref<128x128xf32, #tpu.memory_space<vmem_shared>>
      %dma_wait3A_360 = arith.constant 0 : i32
      %dma_wait3A_361 = tpu.memref_slice %arg20[%add3A_282, %dma_wait3A_360] : memref<10240x128xf32, #tpu.memory_space<vmem_shared>> -> memref<128x128xf32, #tpu.memory_space<vmem_shared>>
      tpu.wait_dma2 semaphore(%run_scoped3A : memref<!tpu.dma_semaphore, #tpu.memory_space<semaphore_mem>>) src(%dma_wait3A_361 : memref<128x128xf32, #tpu.memory_space<vmem_shared>>) dst(%arg10 : memref<128x128xf32, #tpu.memory_space<vmem>>)
      tpu.yield
    }) : () -> ()
    %add3A_283 = arith.constant 128 : i32
    %add3A_284 = arith.addi %mul3A_59, %add3A_283 : i32
    %dma_start3A_285 = arith.constant 0 : i32
    %dma_start3A_286 = tpu.memref_slice %arg5[%arg0, %add3A_284, %dma_start3A_285] : memref<2x10240x128xf32, #tpu.memory_space<hbm>> -> memref<1x128x128xf32, #tpu.memory_space<hbm>>
    %dma_start3A_287 = tpu.memref_squeeze %dma_start3A_286 : memref<1x128x128xf32, #tpu.memory_space<hbm>> -> memref<128x128xf32, #tpu.memory_space<hbm>>
    %dma_start3A_288 = arith.constant 0 : i32
    %dma_start3A_289 = tpu.memref_slice %arg5[%arg0, %add3A_284, %dma_start3A_288] : memref<2x10240x128xf32, #tpu.memory_space<hbm>> -> memref<1x128x128xf32, #tpu.memory_space<hbm>>
    %dma_start3A_290 = tpu.memref_squeeze %dma_start3A_289 : memref<1x128x128xf32, #tpu.memory_space<hbm>> -> memref<128x128xf32, #tpu.memory_space<hbm>>
    tpu.enqueue_dma source(%arg10 : memref<128x128xf32, #tpu.memory_space<vmem>>) target(%dma_start3A_290 : memref<128x128xf32, #tpu.memory_space<hbm>>) target_semaphore(%arg15 : memref<!tpu.dma_semaphore, #tpu.memory_space<semaphore_mem>>)
    %add3A_291 = arith.constant 256 : i32
    %add3A_292 = arith.addi %mul3A_59, %add3A_291 : i32
    "tpu.region"() ({
      %run_scoped3A = tpu.sem_alloc : memref<!tpu.dma_semaphore, #tpu.memory_space<semaphore_mem>>
      %dma_start3A_354 = arith.constant 0 : i32
      %dma_start3A_355 = tpu.memref_slice %arg20[%add3A_292, %dma_start3A_354] : memref<10240x128xf32, #tpu.memory_space<vmem_shared>> -> memref<128x128xf32, #tpu.memory_space<vmem_shared>>
      %dma_start3A_356 = arith.constant 0 : i32
      %dma_start3A_357 = tpu.memref_slice %arg20[%add3A_292, %dma_start3A_356] : memref<10240x128xf32, #tpu.memory_space<vmem_shared>> -> memref<128x128xf32, #tpu.memory_space<vmem_shared>>
      tpu.enqueue_dma source(%dma_start3A_357 : memref<128x128xf32, #tpu.memory_space<vmem_shared>>) target(%arg9 : memref<128x128xf32, #tpu.memory_space<vmem>>) target_semaphore(%run_scoped3A : memref<!tpu.dma_semaphore, #tpu.memory_space<semaphore_mem>>)
      %dma_wait3A_358 = arith.constant 0 : i32
      %dma_wait3A_359 = tpu.memref_slice %arg20[%add3A_292, %dma_wait3A_358] : memref<10240x128xf32, #tpu.memory_space<vmem_shared>> -> memref<128x128xf32, #tpu.memory_space<vmem_shared>>
      %dma_wait3A_360 = arith.constant 0 : i32
      %dma_wait3A_361 = tpu.memref_slice %arg20[%add3A_292, %dma_wait3A_360] : memref<10240x128xf32, #tpu.memory_space<vmem_shared>> -> memref<128x128xf32, #tpu.memory_space<vmem_shared>>
      tpu.wait_dma2 semaphore(%run_scoped3A : memref<!tpu.dma_semaphore, #tpu.memory_space<semaphore_mem>>) src(%dma_wait3A_361 : memref<128x128xf32, #tpu.memory_space<vmem_shared>>) dst(%arg9 : memref<128x128xf32, #tpu.memory_space<vmem>>)
      tpu.yield
    }) : () -> ()
    %dma_wait3A_293 = arith.constant 0 : i32
    %dma_wait3A_294 = tpu.memref_slice %arg5[%arg0, %add3A_274, %dma_wait3A_293] : memref<2x10240x128xf32, #tpu.memory_space<hbm>> -> memref<1x128x128xf32, #tpu.memory_space<hbm>>
    %dma_wait3A_295 = tpu.memref_squeeze %dma_wait3A_294 : memref<1x128x128xf32, #tpu.memory_space<hbm>> -> memref<128x128xf32, #tpu.memory_space<hbm>>
    %dma_wait3A_296 = arith.constant 0 : i32
    %dma_wait3A_297 = tpu.memref_slice %arg5[%arg0, %add3A_274, %dma_wait3A_296] : memref<2x10240x128xf32, #tpu.memory_space<hbm>> -> memref<1x128x128xf32, #tpu.memory_space<hbm>>
    %dma_wait3A_298 = tpu.memref_squeeze %dma_wait3A_297 : memref<1x128x128xf32, #tpu.memory_space<hbm>> -> memref<128x128xf32, #tpu.memory_space<hbm>>
    tpu.wait_dma2 semaphore(%arg14 : memref<!tpu.dma_semaphore, #tpu.memory_space<semaphore_mem>>) src(%arg9 : memref<128x128xf32, #tpu.memory_space<vmem>>) dst(%dma_wait3A_298 : memref<128x128xf32, #tpu.memory_space<hbm>>)
    %add3A_299 = arith.constant 256 : i32
    %add3A_300 = arith.addi %mul3A_59, %add3A_299 : i32
    %dma_start3A_301 = arith.constant 0 : i32
    %dma_start3A_302 = tpu.memref_slice %arg5[%arg0, %add3A_300, %dma_start3A_301] : memref<2x10240x128xf32, #tpu.memory_space<hbm>> -> memref<1x128x128xf32, #tpu.memory_space<hbm>>
    %dma_start3A_303 = tpu.memref_squeeze %dma_start3A_302 : memref<1x128x128xf32, #tpu.memory_space<hbm>> -> memref<128x128xf32, #tpu.memory_space<hbm>>
    %dma_start3A_304 = arith.constant 0 : i32
    %dma_start3A_305 = tpu.memref_slice %arg5[%arg0, %add3A_300, %dma_start3A_304] : memref<2x10240x128xf32, #tpu.memory_space<hbm>> -> memref<1x128x128xf32, #tpu.memory_space<hbm>>
    %dma_start3A_306 = tpu.memref_squeeze %dma_start3A_305 : memref<1x128x128xf32, #tpu.memory_space<hbm>> -> memref<128x128xf32, #tpu.memory_space<hbm>>
    tpu.enqueue_dma source(%arg9 : memref<128x128xf32, #tpu.memory_space<vmem>>) target(%dma_start3A_306 : memref<128x128xf32, #tpu.memory_space<hbm>>) target_semaphore(%arg14 : memref<!tpu.dma_semaphore, #tpu.memory_space<semaphore_mem>>)
    %add3A_307 = arith.constant 384 : i32
    %add3A_308 = arith.addi %mul3A_59, %add3A_307 : i32
    "tpu.region"() ({
      %run_scoped3A = tpu.sem_alloc : memref<!tpu.dma_semaphore, #tpu.memory_space<semaphore_mem>>
      %dma_start3A_354 = arith.constant 0 : i32
      %dma_start3A_355 = tpu.memref_slice %arg20[%add3A_308, %dma_start3A_354] : memref<10240x128xf32, #tpu.memory_space<vmem_shared>> -> memref<128x128xf32, #tpu.memory_space<vmem_shared>>
      %dma_start3A_356 = arith.constant 0 : i32
      %dma_start3A_357 = tpu.memref_slice %arg20[%add3A_308, %dma_start3A_356] : memref<10240x128xf32, #tpu.memory_space<vmem_shared>> -> memref<128x128xf32, #tpu.memory_space<vmem_shared>>
      tpu.enqueue_dma source(%dma_start3A_357 : memref<128x128xf32, #tpu.memory_space<vmem_shared>>) target(%arg10 : memref<128x128xf32, #tpu.memory_space<vmem>>) target_semaphore(%run_scoped3A : memref<!tpu.dma_semaphore, #tpu.memory_space<semaphore_mem>>)
      %dma_wait3A_358 = arith.constant 0 : i32
      %dma_wait3A_359 = tpu.memref_slice %arg20[%add3A_308, %dma_wait3A_358] : memref<10240x128xf32, #tpu.memory_space<vmem_shared>> -> memref<128x128xf32, #tpu.memory_space<vmem_shared>>
      %dma_wait3A_360 = arith.constant 0 : i32
      %dma_wait3A_361 = tpu.memref_slice %arg20[%add3A_308, %dma_wait3A_360] : memref<10240x128xf32, #tpu.memory_space<vmem_shared>> -> memref<128x128xf32, #tpu.memory_space<vmem_shared>>
      tpu.wait_dma2 semaphore(%run_scoped3A : memref<!tpu.dma_semaphore, #tpu.memory_space<semaphore_mem>>) src(%dma_wait3A_361 : memref<128x128xf32, #tpu.memory_space<vmem_shared>>) dst(%arg10 : memref<128x128xf32, #tpu.memory_space<vmem>>)
      tpu.yield
    }) : () -> ()
    %dma_wait3A_309 = arith.constant 0 : i32
    %dma_wait3A_310 = tpu.memref_slice %arg5[%arg0, %add3A_284, %dma_wait3A_309] : memref<2x10240x128xf32, #tpu.memory_space<hbm>> -> memref<1x128x128xf32, #tpu.memory_space<hbm>>
    %dma_wait3A_311 = tpu.memref_squeeze %dma_wait3A_310 : memref<1x128x128xf32, #tpu.memory_space<hbm>> -> memref<128x128xf32, #tpu.memory_space<hbm>>
    %dma_wait3A_312 = arith.constant 0 : i32
    %dma_wait3A_313 = tpu.memref_slice %arg5[%arg0, %add3A_284, %dma_wait3A_312] : memref<2x10240x128xf32, #tpu.memory_space<hbm>> -> memref<1x128x128xf32, #tpu.memory_space<hbm>>
    %dma_wait3A_314 = tpu.memref_squeeze %dma_wait3A_313 : memref<1x128x128xf32, #tpu.memory_space<hbm>> -> memref<128x128xf32, #tpu.memory_space<hbm>>
    tpu.wait_dma2 semaphore(%arg15 : memref<!tpu.dma_semaphore, #tpu.memory_space<semaphore_mem>>) src(%arg10 : memref<128x128xf32, #tpu.memory_space<vmem>>) dst(%dma_wait3A_314 : memref<128x128xf32, #tpu.memory_space<hbm>>)
    %add3A_315 = arith.constant 384 : i32
    %add3A_316 = arith.addi %mul3A_59, %add3A_315 : i32
    %dma_start3A_317 = arith.constant 0 : i32
    %dma_start3A_318 = tpu.memref_slice %arg5[%arg0, %add3A_316, %dma_start3A_317] : memref<2x10240x128xf32, #tpu.memory_space<hbm>> -> memref<1x128x128xf32, #tpu.memory_space<hbm>>
    %dma_start3A_319 = tpu.memref_squeeze %dma_start3A_318 : memref<1x128x128xf32, #tpu.memory_space<hbm>> -> memref<128x128xf32, #tpu.memory_space<hbm>>
    %dma_start3A_320 = arith.constant 0 : i32
    %dma_start3A_321 = tpu.memref_slice %arg5[%arg0, %add3A_316, %dma_start3A_320] : memref<2x10240x128xf32, #tpu.memory_space<hbm>> -> memref<1x128x128xf32, #tpu.memory_space<hbm>>
    %dma_start3A_322 = tpu.memref_squeeze %dma_start3A_321 : memref<1x128x128xf32, #tpu.memory_space<hbm>> -> memref<128x128xf32, #tpu.memory_space<hbm>>
    tpu.enqueue_dma source(%arg10 : memref<128x128xf32, #tpu.memory_space<vmem>>) target(%dma_start3A_322 : memref<128x128xf32, #tpu.memory_space<hbm>>) target_semaphore(%arg15 : memref<!tpu.dma_semaphore, #tpu.memory_space<semaphore_mem>>)
    %add3A_323 = arith.constant 512 : i32
    %add3A_324 = arith.addi %mul3A_59, %add3A_323 : i32
    "tpu.region"() ({
      %run_scoped3A = tpu.sem_alloc : memref<!tpu.dma_semaphore, #tpu.memory_space<semaphore_mem>>
      %dma_start3A_354 = arith.constant 0 : i32
      %dma_start3A_355 = tpu.memref_slice %arg20[%add3A_324, %dma_start3A_354] : memref<10240x128xf32, #tpu.memory_space<vmem_shared>> -> memref<128x128xf32, #tpu.memory_space<vmem_shared>>
      %dma_start3A_356 = arith.constant 0 : i32
      %dma_start3A_357 = tpu.memref_slice %arg20[%add3A_324, %dma_start3A_356] : memref<10240x128xf32, #tpu.memory_space<vmem_shared>> -> memref<128x128xf32, #tpu.memory_space<vmem_shared>>
      tpu.enqueue_dma source(%dma_start3A_357 : memref<128x128xf32, #tpu.memory_space<vmem_shared>>) target(%arg9 : memref<128x128xf32, #tpu.memory_space<vmem>>) target_semaphore(%run_scoped3A : memref<!tpu.dma_semaphore, #tpu.memory_space<semaphore_mem>>)
      %dma_wait3A_358 = arith.constant 0 : i32
      %dma_wait3A_359 = tpu.memref_slice %arg20[%add3A_324, %dma_wait3A_358] : memref<10240x128xf32, #tpu.memory_space<vmem_shared>> -> memref<128x128xf32, #tpu.memory_space<vmem_shared>>
      %dma_wait3A_360 = arith.constant 0 : i32
      %dma_wait3A_361 = tpu.memref_slice %arg20[%add3A_324, %dma_wait3A_360] : memref<10240x128xf32, #tpu.memory_space<vmem_shared>> -> memref<128x128xf32, #tpu.memory_space<vmem_shared>>
      tpu.wait_dma2 semaphore(%run_scoped3A : memref<!tpu.dma_semaphore, #tpu.memory_space<semaphore_mem>>) src(%dma_wait3A_361 : memref<128x128xf32, #tpu.memory_space<vmem_shared>>) dst(%arg9 : memref<128x128xf32, #tpu.memory_space<vmem>>)
      tpu.yield
    }) : () -> ()
    %dma_wait3A_325 = arith.constant 0 : i32
    %dma_wait3A_326 = tpu.memref_slice %arg5[%arg0, %add3A_300, %dma_wait3A_325] : memref<2x10240x128xf32, #tpu.memory_space<hbm>> -> memref<1x128x128xf32, #tpu.memory_space<hbm>>
    %dma_wait3A_327 = tpu.memref_squeeze %dma_wait3A_326 : memref<1x128x128xf32, #tpu.memory_space<hbm>> -> memref<128x128xf32, #tpu.memory_space<hbm>>
    %dma_wait3A_328 = arith.constant 0 : i32
    %dma_wait3A_329 = tpu.memref_slice %arg5[%arg0, %add3A_300, %dma_wait3A_328] : memref<2x10240x128xf32, #tpu.memory_space<hbm>> -> memref<1x128x128xf32, #tpu.memory_space<hbm>>
    %dma_wait3A_330 = tpu.memref_squeeze %dma_wait3A_329 : memref<1x128x128xf32, #tpu.memory_space<hbm>> -> memref<128x128xf32, #tpu.memory_space<hbm>>
    tpu.wait_dma2 semaphore(%arg14 : memref<!tpu.dma_semaphore, #tpu.memory_space<semaphore_mem>>) src(%arg9 : memref<128x128xf32, #tpu.memory_space<vmem>>) dst(%dma_wait3A_330 : memref<128x128xf32, #tpu.memory_space<hbm>>)
    %add3A_331 = arith.constant 512 : i32
    %add3A_332 = arith.addi %mul3A_59, %add3A_331 : i32
    %dma_start3A_333 = arith.constant 0 : i32
    %dma_start3A_334 = tpu.memref_slice %arg5[%arg0, %add3A_332, %dma_start3A_333] : memref<2x10240x128xf32, #tpu.memory_space<hbm>> -> memref<1x128x128xf32, #tpu.memory_space<hbm>>
    %dma_start3A_335 = tpu.memref_squeeze %dma_start3A_334 : memref<1x128x128xf32, #tpu.memory_space<hbm>> -> memref<128x128xf32, #tpu.memory_space<hbm>>
    %dma_start3A_336 = arith.constant 0 : i32
    %dma_start3A_337 = tpu.memref_slice %arg5[%arg0, %add3A_332, %dma_start3A_336] : memref<2x10240x128xf32, #tpu.memory_space<hbm>> -> memref<1x128x128xf32, #tpu.memory_space<hbm>>
    %dma_start3A_338 = tpu.memref_squeeze %dma_start3A_337 : memref<1x128x128xf32, #tpu.memory_space<hbm>> -> memref<128x128xf32, #tpu.memory_space<hbm>>
    tpu.enqueue_dma source(%arg9 : memref<128x128xf32, #tpu.memory_space<vmem>>) target(%dma_start3A_338 : memref<128x128xf32, #tpu.memory_space<hbm>>) target_semaphore(%arg14 : memref<!tpu.dma_semaphore, #tpu.memory_space<semaphore_mem>>)
    %dma_wait3A_339 = arith.constant 0 : i32
    %dma_wait3A_340 = tpu.memref_slice %arg5[%arg0, %add3A_332, %dma_wait3A_339] : memref<2x10240x128xf32, #tpu.memory_space<hbm>> -> memref<1x128x128xf32, #tpu.memory_space<hbm>>
    %dma_wait3A_341 = tpu.memref_squeeze %dma_wait3A_340 : memref<1x128x128xf32, #tpu.memory_space<hbm>> -> memref<128x128xf32, #tpu.memory_space<hbm>>
    %dma_wait3A_342 = arith.constant 0 : i32
    %dma_wait3A_343 = tpu.memref_slice %arg5[%arg0, %add3A_332, %dma_wait3A_342] : memref<2x10240x128xf32, #tpu.memory_space<hbm>> -> memref<1x128x128xf32, #tpu.memory_space<hbm>>
    %dma_wait3A_344 = tpu.memref_squeeze %dma_wait3A_343 : memref<1x128x128xf32, #tpu.memory_space<hbm>> -> memref<128x128xf32, #tpu.memory_space<hbm>>
    tpu.wait_dma2 semaphore(%arg14 : memref<!tpu.dma_semaphore, #tpu.memory_space<semaphore_mem>>) src(%arg9 : memref<128x128xf32, #tpu.memory_space<vmem>>) dst(%dma_wait3A_344 : memref<128x128xf32, #tpu.memory_space<hbm>>)
    %dma_wait3A_345 = arith.constant 0 : i32
    %dma_wait3A_346 = tpu.memref_slice %arg5[%arg0, %add3A_316, %dma_wait3A_345] : memref<2x10240x128xf32, #tpu.memory_space<hbm>> -> memref<1x128x128xf32, #tpu.memory_space<hbm>>
    %dma_wait3A_347 = tpu.memref_squeeze %dma_wait3A_346 : memref<1x128x128xf32, #tpu.memory_space<hbm>> -> memref<128x128xf32, #tpu.memory_space<hbm>>
    %dma_wait3A_348 = arith.constant 0 : i32
    %dma_wait3A_349 = tpu.memref_slice %arg5[%arg0, %add3A_316, %dma_wait3A_348] : memref<2x10240x128xf32, #tpu.memory_space<hbm>> -> memref<1x128x128xf32, #tpu.memory_space<hbm>>
    %dma_wait3A_350 = tpu.memref_squeeze %dma_wait3A_349 : memref<1x128x128xf32, #tpu.memory_space<hbm>> -> memref<128x128xf32, #tpu.memory_space<hbm>>
    tpu.wait_dma2 semaphore(%arg15 : memref<!tpu.dma_semaphore, #tpu.memory_space<semaphore_mem>>) src(%arg10 : memref<128x128xf32, #tpu.memory_space<vmem>>) dst(%dma_wait3A_350 : memref<128x128xf32, #tpu.memory_space<hbm>>)
    "tpu.region"() ({
      %run_scoped3A = tpu.sem_alloc : memref<!tpu.dma_semaphore, #tpu.memory_space<semaphore_mem>>
      %dma_start3A_354 = tpu.memref_slice %arg21[%mul3A_59] : memref<10240xf32, #tpu.memory_space<vmem_shared>> -> memref<640xf32, #tpu.memory_space<vmem_shared>>
      %dma_start3A_355 = tpu.memref_slice %arg21[%mul3A_59] : memref<10240xf32, #tpu.memory_space<vmem_shared>> -> memref<640xf32, #tpu.memory_space<vmem_shared>>
      tpu.enqueue_dma source(%dma_start3A_355 : memref<640xf32, #tpu.memory_space<vmem_shared>>) target(%arg13 : memref<640xf32, #tpu.memory_space<vmem>>) target_semaphore(%run_scoped3A : memref<!tpu.dma_semaphore, #tpu.memory_space<semaphore_mem>>)
      %dma_wait3A_356 = tpu.memref_slice %arg21[%mul3A_59] : memref<10240xf32, #tpu.memory_space<vmem_shared>> -> memref<640xf32, #tpu.memory_space<vmem_shared>>
      %dma_wait3A_357 = tpu.memref_slice %arg21[%mul3A_59] : memref<10240xf32, #tpu.memory_space<vmem_shared>> -> memref<640xf32, #tpu.memory_space<vmem_shared>>
      tpu.wait_dma2 semaphore(%run_scoped3A : memref<!tpu.dma_semaphore, #tpu.memory_space<semaphore_mem>>) src(%dma_wait3A_357 : memref<640xf32, #tpu.memory_space<vmem_shared>>) dst(%arg13 : memref<640xf32, #tpu.memory_space<vmem>>)
      tpu.yield
    }) : () -> ()
    %mul3A_351 = arith.constant 10240 : i32
    %mul3A_352 = arith.muli %arg0, %mul3A_351 : i32
    %add3A_353 = arith.addi %mul3A_352, %mul3A_59 : i32
    "tpu.region"() ({
      %run_scoped3A = tpu.sem_alloc : memref<!tpu.dma_semaphore, #tpu.memory_space<semaphore_mem>>
      %dma_start3A_354 = tpu.memref_slice %arg6[%add3A_353] : memref<20480xf32, #tpu.memory_space<hbm>> -> memref<640xf32, #tpu.memory_space<hbm>>
      %dma_start3A_355 = tpu.memref_slice %arg6[%add3A_353] : memref<20480xf32, #tpu.memory_space<hbm>> -> memref<640xf32, #tpu.memory_space<hbm>>
      tpu.enqueue_dma source(%arg13 : memref<640xf32, #tpu.memory_space<vmem>>) target(%dma_start3A_355 : memref<640xf32, #tpu.memory_space<hbm>>) target_semaphore(%run_scoped3A : memref<!tpu.dma_semaphore, #tpu.memory_space<semaphore_mem>>)
      %dma_wait3A_356 = tpu.memref_slice %arg6[%add3A_353] : memref<20480xf32, #tpu.memory_space<hbm>> -> memref<640xf32, #tpu.memory_space<hbm>>
      %dma_wait3A_357 = tpu.memref_slice %arg6[%add3A_353] : memref<20480xf32, #tpu.memory_space<hbm>> -> memref<640xf32, #tpu.memory_space<hbm>>
      tpu.wait_dma2 semaphore(%run_scoped3A : memref<!tpu.dma_semaphore, #tpu.memory_space<semaphore_mem>>) src(%arg13 : memref<640xf32, #tpu.memory_space<vmem>>) dst(%dma_wait3A_357 : memref<640xf32, #tpu.memory_space<hbm>>)
      tpu.yield
    }) : () -> ()
    return
  }
}

module attributes {stable_mosaic.version = 14 : i64} {
  func.func @sage_tc_right(%arg0: i32, %arg1: memref<1024x128xf32, #tpu.memory_space<vmem>>, %arg2: memref<128x128xf32, #tpu.memory_space<vmem>>, %arg3: memref<1x128xf32, #tpu.memory_space<vmem>>, %arg4: memref<1024x128xf32, #tpu.memory_space<vmem>>) attributes {dimension_semantics = [#tpu.dimension_semantics<arbitrary>], iteration_bounds = array<i64: 10>, scalar_prefetch = 0 : i64, scratch_operands = 0 : i64, tpu.core_type = #tpu.core_type<tc>, window_params = [{transform_indices = @transform_0, window_bounds = array<i64: 1024, 128>}, {pipeline_mode = #tpu.pipeline_mode<synchronous>, transform_indices = @transform_1, window_bounds = array<i64: 128, 128>}, {pipeline_mode = #tpu.pipeline_mode<synchronous>, transform_indices = @transform_2, window_bounds = array<i64: 1, 128>}, {transform_indices = @transform_3, window_bounds = array<i64: 1024, 128>}]} {
    %get3A = arith.constant 0 : index
    %get3A_0 = arith.constant 0 : index
    %get3A_1 = vector.load %arg3[%get3A, %get3A_0] : memref<1x128xf32, #tpu.memory_space<vmem>>, vector<1x128xf32>
    %get3A_2 = arith.constant 0 : index
    %get3A_3 = arith.constant 0 : index
    %get3A_4 = vector.load %arg1[%get3A_2, %get3A_3] : memref<1024x128xf32, #tpu.memory_space<vmem>>, vector<1024x128xf32>
    %get3A_5 = arith.constant 0 : index
    %get3A_6 = arith.constant 0 : index
    %get3A_7 = vector.load %arg2[%get3A_5, %get3A_6] : memref<128x128xf32, #tpu.memory_space<vmem>>, vector<128x128xf32>
    %dot_general3A = arith.constant dense<0.000000e+00> : vector<1024x128xf32>
    %dot_general3A_8 = tpu.matmul %get3A_4, %get3A_7, %dot_general3A {dimension_numbers = #tpu.dot_dimension_numbers<[1], [0], [0], [1], [0, 0, 1, 1], [], []>, precision = #tpu.contract_precision<fp32>, transpose_lhs_hint = false} : vector<1024x128xf32>, vector<128x128xf32>, vector<1024x128xf32> -> vector<1024x128xf32>
    %add3A = vector.broadcast %get3A_1 : vector<1x128xf32> to vector<1024x128xf32>
    %add3A_9 = arith.addf %add3A, %dot_general3A_8 : vector<1024x128xf32>
    %swap3A = arith.constant 0 : index
    %swap3A_10 = arith.constant 0 : index
    %swap3A_11 = vector.load %arg4[%swap3A, %swap3A_10] : memref<1024x128xf32, #tpu.memory_space<vmem>>, vector<1024x128xf32>
    tpu.vector_store %arg4[%swap3A, %swap3A_10], %add3A_9 {strides = array<i32>} : memref<1024x128xf32, #tpu.memory_space<vmem>>, vector<1024x128xf32>,
    return
  }
  func.func @transform_0(%arg0: i32) -> (i32, i32) {
    %c0_i32 = arith.constant 0 : i32
    %c0_i32_0 = arith.constant 0 : i32
    return %arg0, %c0_i32 : i32, i32
  }
  func.func @transform_1(%arg0: i32) -> (i32, i32) {
    %c0_i32 = arith.constant 0 : i32
    %c0_i32_0 = arith.constant 0 : i32
    %c0_i32_1 = arith.constant 0 : i32
    return %c0_i32, %c0_i32_0 : i32, i32
  }
  func.func @transform_2(%arg0: i32) -> (i32, i32) {
    %c0_i32 = arith.constant 0 : i32
    %c0_i32_0 = arith.constant 0 : i32
    %c0_i32_1 = arith.constant 0 : i32
    return %c0_i32, %c0_i32_0 : i32, i32
  }
  func.func @transform_3(%arg0: i32) -> (i32, i32) {
    %c0_i32 = arith.constant 0 : i32
    %c0_i32_0 = arith.constant 0 : i32
    return %arg0, %c0_i32 : i32, i32
  }
}

module attributes {stable_mosaic.version = 14 : i64} {
  func.func @sage_tc_mean(%arg0: i32, %arg1: memref<2x1024x128xf32, #tpu.memory_space<vmem>>, %arg2: memref<2x8x128xf32, #tpu.memory_space<vmem>>, %arg3: memref<1024x128xf32, #tpu.memory_space<vmem>>, %arg4: memref<128x128xf32, #tpu.memory_space<vmem>>, %arg5: memref<1024x128xf32, #tpu.memory_space<vmem>>) attributes {dimension_semantics = [#tpu.dimension_semantics<arbitrary>], iteration_bounds = array<i64: 10>, scalar_prefetch = 0 : i64, scratch_operands = 0 : i64, tpu.core_type = #tpu.core_type<tc>, window_params = [{transform_indices = @transform_0, window_bounds = array<i64: 2, 1024, 128>}, {transform_indices = @transform_1, window_bounds = array<i64: 2, 8, 128>}, {transform_indices = @transform_2, window_bounds = array<i64: 1024, 128>}, {pipeline_mode = #tpu.pipeline_mode<synchronous>, transform_indices = @transform_3, window_bounds = array<i64: 128, 128>}, {transform_indices = @transform_4, window_bounds = array<i64: 1024, 128>}]} {
    %get3A = arith.constant 0 : index
    %get3A_0 = arith.constant 0 : index
    %get3A_1 = arith.constant 0 : index
    %get3A_2 = vector.load %arg1[%get3A, %get3A_0, %get3A_1] : memref<2x1024x128xf32, #tpu.memory_space<vmem>>, vector<1x1024x128xf32>
    %get3A_3 = vector.shape_cast %get3A_2 : vector<1x1024x128xf32> to vector<1024x128xf32>
    %get3A_4 = arith.constant 1 : index
    %get3A_5 = arith.constant 0 : index
    %get3A_6 = arith.constant 0 : index
    %get3A_7 = vector.load %arg1[%get3A_4, %get3A_5, %get3A_6] : memref<2x1024x128xf32, #tpu.memory_space<vmem>>, vector<1x1024x128xf32>
    %get3A_8 = vector.shape_cast %get3A_7 : vector<1x1024x128xf32> to vector<1024x128xf32>
    %add3A = arith.addf %get3A_3, %get3A_8 : vector<1024x128xf32>
    %get3A_9 = arith.constant 0 : index
    %get3A_10 = arith.constant 0 : index
    %get3A_11 = arith.constant 0 : index
    %get3A_12 = vector.load %arg2[%get3A_9, %get3A_10, %get3A_11] : memref<2x8x128xf32, #tpu.memory_space<vmem>>, vector<1x8x128xf32>
    %get3A_13 = vector.shape_cast %get3A_12 : vector<1x8x128xf32> to vector<8x128xf32>
    %get3A_14 = arith.constant 1 : index
    %get3A_15 = arith.constant 0 : index
    %get3A_16 = arith.constant 0 : index
    %get3A_17 = vector.load %arg2[%get3A_14, %get3A_15, %get3A_16] : memref<2x8x128xf32, #tpu.memory_space<vmem>>, vector<1x8x128xf32>
    %get3A_18 = vector.shape_cast %get3A_17 : vector<1x8x128xf32> to vector<8x128xf32>
    %add3A_19 = arith.addf %get3A_13, %get3A_18 : vector<8x128xf32>
    %max3A = arith.constant 1.000000e+00 : f32
    %max3A_20 = vector.broadcast %max3A : f32 to vector<8x128xf32>
    %max3A_21 = arith.maximumf %add3A_19, %max3A_20 : vector<8x128xf32>
    %iota3A = tpu.iota {dimensions = array<i32: 0>} : vector<1024x8xi32>
    %jit3A = arith.constant 128 : i32
    %div3A = vector.broadcast %jit3A : i32 to vector<1024x8xi32>
    %div3A_22 = arith.divsi %iota3A, %div3A : vector<1024x8xi32>
    %sign3A = arith.constant 0 : i32
    %sign3A_23 = vector.broadcast %sign3A : i32 to vector<1024x8xi32>
    %sign3A_24 = arith.cmpi sgt, %iota3A, %sign3A_23 : vector<1024x8xi32>
    %sign3A_25 = arith.extui %sign3A_24 : vector<1024x8xi1> to vector<1024x8xi32>
    %sign3A_26 = arith.constant 0 : i32
    %sign3A_27 = vector.broadcast %sign3A_26 : i32 to vector<1024x8xi32>
    %sign3A_28 = arith.cmpi slt, %iota3A, %sign3A_27 : vector<1024x8xi32>
    %sign3A_29 = arith.extui %sign3A_28 : vector<1024x8xi1> to vector<1024x8xi32>
    %sign3A_30 = arith.subi %sign3A_25, %sign3A_29 : vector<1024x8xi32>
    %sign3A_31 = arith.constant 0 : i32
    %sign3A_32 = arith.cmpi sgt, %jit3A, %sign3A_31 : i32
    %sign3A_33 = arith.extui %sign3A_32 : i1 to i32
    %sign3A_34 = arith.constant 0 : i32
    %sign3A_35 = arith.cmpi slt, %jit3A, %sign3A_34 : i32
    %sign3A_36 = arith.extui %sign3A_35 : i1 to i32
    %sign3A_37 = arith.subi %sign3A_33, %sign3A_36 : i32
    %ne3A = vector.broadcast %sign3A_37 : i32 to vector<1024x8xi32>
    %ne3A_38 = arith.cmpi ne, %sign3A_30, %ne3A : vector<1024x8xi32>
    %rem3A = vector.broadcast %jit3A : i32 to vector<1024x8xi32>
    %rem3A_39 = arith.remsi %iota3A, %rem3A : vector<1024x8xi32>
    %ne3A_40 = arith.constant 0 : i32
    %ne3A_41 = vector.broadcast %ne3A_40 : i32 to vector<1024x8xi32>
    %ne3A_42 = arith.cmpi ne, %rem3A_39, %ne3A_41 : vector<1024x8xi32>
    %and3A = arith.andi %ne3A_38, %ne3A_42 : vector<1024x8xi1>
    %sub3A = arith.constant 1 : i32
    %sub3A_43 = vector.broadcast %sub3A : i32 to vector<1024x8xi32>
    %sub3A_44 = arith.subi %div3A_22, %sub3A_43 : vector<1024x8xi32>
    %select_n3A = arith.select %and3A, %sub3A_44, %div3A_22 : vector<1024x8xi1>, vector<1024x8xi32>
    %iota3A_45 = tpu.iota {dimensions = array<i32: 1>} : vector<1024x8xi32>
    %eq3A = arith.cmpi eq, %select_n3A, %iota3A_45 : vector<1024x8xi32>
    %convert_element_type3A = arith.extui %eq3A : vector<1024x8xi1> to vector<1024x8xi32>
    %convert_element_type3A_46 = arith.sitofp %convert_element_type3A : vector<1024x8xi32> to vector<1024x8xf32>
    %dot_general3A = arith.constant dense<0.000000e+00> : vector<1024x128xf32>
    %dot_general3A_47 = tpu.matmul %convert_element_type3A_46, %max3A_21, %dot_general3A {dimension_numbers = #tpu.dot_dimension_numbers<[1], [0], [0], [1], [0, 0, 1, 1], [], []>, transpose_lhs_hint = false} : vector<1024x8xf32>, vector<8x128xf32>, vector<1024x128xf32> -> vector<1024x128xf32>
    %iota3A_48 = tpu.iota {dimensions = array<i32: 0>} : vector<1024x128xi32>
    %jit3A_49 = arith.constant 128 : i32
    %eq3A_50 = arith.constant 0 : i32
    %eq3A_51 = arith.cmpi eq, %jit3A_49, %eq3A_50 : i32
    %jit3A_52 = arith.constant 1 : i32
    %select_n3A_53 = arith.select %eq3A_51, %jit3A_52, %jit3A_49 : i32
    %rem3A_54 = vector.broadcast %select_n3A_53 : i32 to vector<1024x128xi32>
    %rem3A_55 = arith.remsi %iota3A_48, %rem3A_54 : vector<1024x128xi32>
    %ne3A_56 = arith.constant 0 : i32
    %ne3A_57 = vector.broadcast %ne3A_56 : i32 to vector<1024x128xi32>
    %ne3A_58 = arith.cmpi ne, %rem3A_55, %ne3A_57 : vector<1024x128xi32>
    %lt3A = arith.constant 0 : i32
    %lt3A_59 = vector.broadcast %lt3A : i32 to vector<1024x128xi32>
    %lt3A_60 = arith.cmpi slt, %rem3A_55, %lt3A_59 : vector<1024x128xi32>
    %lt3A_61 = arith.constant 0 : i32
    %lt3A_62 = arith.cmpi slt, %select_n3A_53, %lt3A_61 : i32
    %ne3A_63 = vector.broadcast %lt3A_62 : i1 to vector<1024x128xi1>
    %ne3A_64 = vector.broadcast %ne3A_63 : vector<1024x128xi1> to vector<1024x128xi1>
    %ne3A_65 = arith.xori %lt3A_60, %ne3A_64 : vector<1024x128xi1>
    %and3A_66 = arith.andi %ne3A_65, %ne3A_58 : vector<1024x128xi1>
    %add3A_67 = vector.broadcast %select_n3A_53 : i32 to vector<1024x128xi32>
    %add3A_68 = arith.addi %rem3A_55, %add3A_67 : vector<1024x128xi32>
    %select_n3A_69 = arith.select %and3A_66, %add3A_68, %rem3A_55 : vector<1024x128xi1>, vector<1024x128xi32>
    %iota3A_70 = tpu.iota {dimensions = array<i32: 1>} : vector<1024x128xi32>
    %eq3A_71 = arith.cmpi eq, %select_n3A_69, %iota3A_70 : vector<1024x128xi32>
    %jit3A_72 = arith.constant 0.000000e+00 : f32
    %broadcast_in_dim3A = vector.broadcast %jit3A_72 : f32 to vector<1024x128xf32>
    %select_n3A_73 = arith.select %eq3A_71, %dot_general3A_47, %broadcast_in_dim3A : vector<1024x128xi1>, vector<1024x128xf32>
    %reduce_sum3A = arith.constant dense<0.000000e+00> : vector<1024xf32>
    %reduce_sum3A_74 = vector.multi_reduction <add>, %select_n3A_73, %reduce_sum3A [1] : vector<1024x128xf32> to vector<1024xf32>
    %broadcast_in_dim3A_75 = vector.shape_cast %reduce_sum3A_74 : vector<1024xf32> to vector<1024x1xf32>
    %div3A_76 = vector.broadcast %broadcast_in_dim3A_75 : vector<1024x1xf32> to vector<1024x128xf32>
    %div3A_77 = arith.divf %add3A, %div3A_76 : vector<1024x128xf32>
    %get3A_78 = arith.constant 0 : index
    %get3A_79 = arith.constant 0 : index
    %get3A_80 = vector.load %arg4[%get3A_78, %get3A_79] : memref<128x128xf32, #tpu.memory_space<vmem>>, vector<128x128xf32>
    %dot_general3A_81 = arith.constant dense<0.000000e+00> : vector<1024x128xf32>
    %dot_general3A_82 = tpu.matmul %div3A_77, %get3A_80, %dot_general3A_81 {dimension_numbers = #tpu.dot_dimension_numbers<[1], [0], [0], [1], [0, 0, 1, 1], [], []>, precision = #tpu.contract_precision<fp32>, transpose_lhs_hint = false} : vector<1024x128xf32>, vector<128x128xf32>, vector<1024x128xf32> -> vector<1024x128xf32>
    %get3A_83 = arith.constant 0 : index
    %get3A_84 = arith.constant 0 : index
    %get3A_85 = vector.load %arg3[%get3A_83, %get3A_84] : memref<1024x128xf32, #tpu.memory_space<vmem>>, vector<1024x128xf32>
    %add3A_86 = arith.addf %dot_general3A_82, %get3A_85 : vector<1024x128xf32>
    %max3A_87 = arith.constant 0.000000e+00 : f32
    %max3A_88 = vector.broadcast %max3A_87 : f32 to vector<1024x128xf32>
    %max3A_89 = arith.maximumf %add3A_86, %max3A_88 : vector<1024x128xf32>
    %swap3A = arith.constant 0 : index
    %swap3A_90 = arith.constant 0 : index
    %swap3A_91 = vector.load %arg5[%swap3A, %swap3A_90] : memref<1024x128xf32, #tpu.memory_space<vmem>>, vector<1024x128xf32>
    tpu.vector_store %arg5[%swap3A, %swap3A_90], %max3A_89 {strides = array<i32>} : memref<1024x128xf32, #tpu.memory_space<vmem>>, vector<1024x128xf32>,
    return
  }
  func.func @transform_0(%arg0: i32) -> (i32, i32, i32) {
    %c0_i32 = arith.constant 0 : i32
    %c0_i32_0 = arith.constant 0 : i32
    %c0_i32_1 = arith.constant 0 : i32
    return %c0_i32, %arg0, %c0_i32_0 : i32, i32, i32
  }
  func.func @transform_1(%arg0: i32) -> (i32, i32, i32) {
    %c0_i32 = arith.constant 0 : i32
    %c0_i32_0 = arith.constant 0 : i32
    %c0_i32_1 = arith.constant 0 : i32
    return %c0_i32, %arg0, %c0_i32_0 : i32, i32, i32
  }
  func.func @transform_2(%arg0: i32) -> (i32, i32) {
    %c0_i32 = arith.constant 0 : i32
    %c0_i32_0 = arith.constant 0 : i32
    return %arg0, %c0_i32 : i32, i32
  }
  func.func @transform_3(%arg0: i32) -> (i32, i32) {
    %c0_i32 = arith.constant 0 : i32
    %c0_i32_0 = arith.constant 0 : i32
    %c0_i32_1 = arith.constant 0 : i32
    return %c0_i32, %c0_i32_0 : i32, i32
  }
  func.func @transform_4(%arg0: i32) -> (i32, i32) {
    %c0_i32 = arith.constant 0 : i32
    %c0_i32_0 = arith.constant 0 : i32
    return %arg0, %c0_i32 : i32, i32
  }
}

module attributes {stable_mosaic.version = 14 : i64} {
  func.func @sage_tc_right(%arg0: i32, %arg1: memref<1024x128xf32, #tpu.memory_space<vmem>>, %arg2: memref<128x128xf32, #tpu.memory_space<vmem>>, %arg3: memref<1x128xf32, #tpu.memory_space<vmem>>, %arg4: memref<1024x128xf32, #tpu.memory_space<vmem>>) attributes {dimension_semantics = [#tpu.dimension_semantics<arbitrary>], iteration_bounds = array<i64: 10>, scalar_prefetch = 0 : i64, scratch_operands = 0 : i64, tpu.core_type = #tpu.core_type<tc>, window_params = [{transform_indices = @transform_0, window_bounds = array<i64: 1024, 128>}, {pipeline_mode = #tpu.pipeline_mode<synchronous>, transform_indices = @transform_1, window_bounds = array<i64: 128, 128>}, {pipeline_mode = #tpu.pipeline_mode<synchronous>, transform_indices = @transform_2, window_bounds = array<i64: 1, 128>}, {transform_indices = @transform_3, window_bounds = array<i64: 1024, 128>}]} {
    %get3A = arith.constant 0 : index
    %get3A_0 = arith.constant 0 : index
    %get3A_1 = vector.load %arg3[%get3A, %get3A_0] : memref<1x128xf32, #tpu.memory_space<vmem>>, vector<1x128xf32>
    %get3A_2 = arith.constant 0 : index
    %get3A_3 = arith.constant 0 : index
    %get3A_4 = vector.load %arg1[%get3A_2, %get3A_3] : memref<1024x128xf32, #tpu.memory_space<vmem>>, vector<1024x128xf32>
    %get3A_5 = arith.constant 0 : index
    %get3A_6 = arith.constant 0 : index
    %get3A_7 = vector.load %arg2[%get3A_5, %get3A_6] : memref<128x128xf32, #tpu.memory_space<vmem>>, vector<128x128xf32>
    %dot_general3A = arith.constant dense<0.000000e+00> : vector<1024x128xf32>
    %dot_general3A_8 = tpu.matmul %get3A_4, %get3A_7, %dot_general3A {dimension_numbers = #tpu.dot_dimension_numbers<[1], [0], [0], [1], [0, 0, 1, 1], [], []>, precision = #tpu.contract_precision<fp32>, transpose_lhs_hint = false} : vector<1024x128xf32>, vector<128x128xf32>, vector<1024x128xf32> -> vector<1024x128xf32>
    %add3A = vector.broadcast %get3A_1 : vector<1x128xf32> to vector<1024x128xf32>
    %add3A_9 = arith.addf %add3A, %dot_general3A_8 : vector<1024x128xf32>
    %swap3A = arith.constant 0 : index
    %swap3A_10 = arith.constant 0 : index
    %swap3A_11 = vector.load %arg4[%swap3A, %swap3A_10] : memref<1024x128xf32, #tpu.memory_space<vmem>>, vector<1024x128xf32>
    tpu.vector_store %arg4[%swap3A, %swap3A_10], %add3A_9 {strides = array<i32>} : memref<1024x128xf32, #tpu.memory_space<vmem>>, vector<1024x128xf32>,
    return
  }
  func.func @transform_0(%arg0: i32) -> (i32, i32) {
    %c0_i32 = arith.constant 0 : i32
    %c0_i32_0 = arith.constant 0 : i32
    return %arg0, %c0_i32 : i32, i32
  }
  func.func @transform_1(%arg0: i32) -> (i32, i32) {
    %c0_i32 = arith.constant 0 : i32
    %c0_i32_0 = arith.constant 0 : i32
    %c0_i32_1 = arith.constant 0 : i32
    return %c0_i32, %c0_i32_0 : i32, i32
  }
  func.func @transform_2(%arg0: i32) -> (i32, i32) {
    %c0_i32 = arith.constant 0 : i32
    %c0_i32_0 = arith.constant 0 : i32
    %c0_i32_1 = arith.constant 0 : i32
    return %c0_i32, %c0_i32_0 : i32, i32
  }
  func.func @transform_3(%arg0: i32) -> (i32, i32) {
    %c0_i32 = arith.constant 0 : i32
    %c0_i32_0 = arith.constant 0 : i32
    return %arg0, %c0_i32 : i32, i32
  }
}

module attributes {stable_mosaic.version = 14 : i64} {
  func.func @sage_tc_mean(%arg0: i32, %arg1: memref<2x1024x128xf32, #tpu.memory_space<vmem>>, %arg2: memref<2x8x128xf32, #tpu.memory_space<vmem>>, %arg3: memref<1024x128xf32, #tpu.memory_space<vmem>>, %arg4: memref<128x128xf32, #tpu.memory_space<vmem>>, %arg5: memref<1024x128xf32, #tpu.memory_space<vmem>>) attributes {dimension_semantics = [#tpu.dimension_semantics<arbitrary>], iteration_bounds = array<i64: 10>, scalar_prefetch = 0 : i64, scratch_operands = 0 : i64, tpu.core_type = #tpu.core_type<tc>, window_params = [{transform_indices = @transform_0, window_bounds = array<i64: 2, 1024, 128>}, {transform_indices = @transform_1, window_bounds = array<i64: 2, 8, 128>}, {transform_indices = @transform_2, window_bounds = array<i64: 1024, 128>}, {pipeline_mode = #tpu.pipeline_mode<synchronous>, transform_indices = @transform_3, window_bounds = array<i64: 128, 128>}, {transform_indices = @transform_4, window_bounds = array<i64: 1024, 128>}]} {
    %get3A = arith.constant 0 : index
    %get3A_0 = arith.constant 0 : index
    %get3A_1 = arith.constant 0 : index
    %get3A_2 = vector.load %arg1[%get3A, %get3A_0, %get3A_1] : memref<2x1024x128xf32, #tpu.memory_space<vmem>>, vector<1x1024x128xf32>
    %get3A_3 = vector.shape_cast %get3A_2 : vector<1x1024x128xf32> to vector<1024x128xf32>
    %get3A_4 = arith.constant 1 : index
    %get3A_5 = arith.constant 0 : index
    %get3A_6 = arith.constant 0 : index
    %get3A_7 = vector.load %arg1[%get3A_4, %get3A_5, %get3A_6] : memref<2x1024x128xf32, #tpu.memory_space<vmem>>, vector<1x1024x128xf32>
    %get3A_8 = vector.shape_cast %get3A_7 : vector<1x1024x128xf32> to vector<1024x128xf32>
    %add3A = arith.addf %get3A_3, %get3A_8 : vector<1024x128xf32>
    %get3A_9 = arith.constant 0 : index
    %get3A_10 = arith.constant 0 : index
    %get3A_11 = arith.constant 0 : index
    %get3A_12 = vector.load %arg2[%get3A_9, %get3A_10, %get3A_11] : memref<2x8x128xf32, #tpu.memory_space<vmem>>, vector<1x8x128xf32>
    %get3A_13 = vector.shape_cast %get3A_12 : vector<1x8x128xf32> to vector<8x128xf32>
    %get3A_14 = arith.constant 1 : index
    %get3A_15 = arith.constant 0 : index
    %get3A_16 = arith.constant 0 : index
    %get3A_17 = vector.load %arg2[%get3A_14, %get3A_15, %get3A_16] : memref<2x8x128xf32, #tpu.memory_space<vmem>>, vector<1x8x128xf32>
    %get3A_18 = vector.shape_cast %get3A_17 : vector<1x8x128xf32> to vector<8x128xf32>
    %add3A_19 = arith.addf %get3A_13, %get3A_18 : vector<8x128xf32>
    %max3A = arith.constant 1.000000e+00 : f32
    %max3A_20 = vector.broadcast %max3A : f32 to vector<8x128xf32>
    %max3A_21 = arith.maximumf %add3A_19, %max3A_20 : vector<8x128xf32>
    %iota3A = tpu.iota {dimensions = array<i32: 0>} : vector<1024x8xi32>
    %jit3A = arith.constant 128 : i32
    %div3A = vector.broadcast %jit3A : i32 to vector<1024x8xi32>
    %div3A_22 = arith.divsi %iota3A, %div3A : vector<1024x8xi32>
    %sign3A = arith.constant 0 : i32
    %sign3A_23 = vector.broadcast %sign3A : i32 to vector<1024x8xi32>
    %sign3A_24 = arith.cmpi sgt, %iota3A, %sign3A_23 : vector<1024x8xi32>
    %sign3A_25 = arith.extui %sign3A_24 : vector<1024x8xi1> to vector<1024x8xi32>
    %sign3A_26 = arith.constant 0 : i32
    %sign3A_27 = vector.broadcast %sign3A_26 : i32 to vector<1024x8xi32>
    %sign3A_28 = arith.cmpi slt, %iota3A, %sign3A_27 : vector<1024x8xi32>
    %sign3A_29 = arith.extui %sign3A_28 : vector<1024x8xi1> to vector<1024x8xi32>
    %sign3A_30 = arith.subi %sign3A_25, %sign3A_29 : vector<1024x8xi32>
    %sign3A_31 = arith.constant 0 : i32
    %sign3A_32 = arith.cmpi sgt, %jit3A, %sign3A_31 : i32
    %sign3A_33 = arith.extui %sign3A_32 : i1 to i32
    %sign3A_34 = arith.constant 0 : i32
    %sign3A_35 = arith.cmpi slt, %jit3A, %sign3A_34 : i32
    %sign3A_36 = arith.extui %sign3A_35 : i1 to i32
    %sign3A_37 = arith.subi %sign3A_33, %sign3A_36 : i32
    %ne3A = vector.broadcast %sign3A_37 : i32 to vector<1024x8xi32>
    %ne3A_38 = arith.cmpi ne, %sign3A_30, %ne3A : vector<1024x8xi32>
    %rem3A = vector.broadcast %jit3A : i32 to vector<1024x8xi32>
    %rem3A_39 = arith.remsi %iota3A, %rem3A : vector<1024x8xi32>
    %ne3A_40 = arith.constant 0 : i32
    %ne3A_41 = vector.broadcast %ne3A_40 : i32 to vector<1024x8xi32>
    %ne3A_42 = arith.cmpi ne, %rem3A_39, %ne3A_41 : vector<1024x8xi32>
    %and3A = arith.andi %ne3A_38, %ne3A_42 : vector<1024x8xi1>
    %sub3A = arith.constant 1 : i32
    %sub3A_43 = vector.broadcast %sub3A : i32 to vector<1024x8xi32>
    %sub3A_44 = arith.subi %div3A_22, %sub3A_43 : vector<1024x8xi32>
    %select_n3A = arith.select %and3A, %sub3A_44, %div3A_22 : vector<1024x8xi1>, vector<1024x8xi32>
    %iota3A_45 = tpu.iota {dimensions = array<i32: 1>} : vector<1024x8xi32>
    %eq3A = arith.cmpi eq, %select_n3A, %iota3A_45 : vector<1024x8xi32>
    %convert_element_type3A = arith.extui %eq3A : vector<1024x8xi1> to vector<1024x8xi32>
    %convert_element_type3A_46 = arith.sitofp %convert_element_type3A : vector<1024x8xi32> to vector<1024x8xf32>
    %dot_general3A = arith.constant dense<0.000000e+00> : vector<1024x128xf32>
    %dot_general3A_47 = tpu.matmul %convert_element_type3A_46, %max3A_21, %dot_general3A {dimension_numbers = #tpu.dot_dimension_numbers<[1], [0], [0], [1], [0, 0, 1, 1], [], []>, transpose_lhs_hint = false} : vector<1024x8xf32>, vector<8x128xf32>, vector<1024x128xf32> -> vector<1024x128xf32>
    %iota3A_48 = tpu.iota {dimensions = array<i32: 0>} : vector<1024x128xi32>
    %jit3A_49 = arith.constant 128 : i32
    %eq3A_50 = arith.constant 0 : i32
    %eq3A_51 = arith.cmpi eq, %jit3A_49, %eq3A_50 : i32
    %jit3A_52 = arith.constant 1 : i32
    %select_n3A_53 = arith.select %eq3A_51, %jit3A_52, %jit3A_49 : i32
    %rem3A_54 = vector.broadcast %select_n3A_53 : i32 to vector<1024x128xi32>
    %rem3A_55 = arith.remsi %iota3A_48, %rem3A_54 : vector<1024x128xi32>
    %ne3A_56 = arith.constant 0 : i32
    %ne3A_57 = vector.broadcast %ne3A_56 : i32 to vector<1024x128xi32>
    %ne3A_58 = arith.cmpi ne, %rem3A_55, %ne3A_57 : vector<1024x128xi32>
    %lt3A = arith.constant 0 : i32
    %lt3A_59 = vector.broadcast %lt3A : i32 to vector<1024x128xi32>
    %lt3A_60 = arith.cmpi slt, %rem3A_55, %lt3A_59 : vector<1024x128xi32>
    %lt3A_61 = arith.constant 0 : i32
    %lt3A_62 = arith.cmpi slt, %select_n3A_53, %lt3A_61 : i32
    %ne3A_63 = vector.broadcast %lt3A_62 : i1 to vector<1024x128xi1>
    %ne3A_64 = vector.broadcast %ne3A_63 : vector<1024x128xi1> to vector<1024x128xi1>
    %ne3A_65 = arith.xori %lt3A_60, %ne3A_64 : vector<1024x128xi1>
    %and3A_66 = arith.andi %ne3A_65, %ne3A_58 : vector<1024x128xi1>
    %add3A_67 = vector.broadcast %select_n3A_53 : i32 to vector<1024x128xi32>
    %add3A_68 = arith.addi %rem3A_55, %add3A_67 : vector<1024x128xi32>
    %select_n3A_69 = arith.select %and3A_66, %add3A_68, %rem3A_55 : vector<1024x128xi1>, vector<1024x128xi32>
    %iota3A_70 = tpu.iota {dimensions = array<i32: 1>} : vector<1024x128xi32>
    %eq3A_71 = arith.cmpi eq, %select_n3A_69, %iota3A_70 : vector<1024x128xi32>
    %jit3A_72 = arith.constant 0.000000e+00 : f32
    %broadcast_in_dim3A = vector.broadcast %jit3A_72 : f32 to vector<1024x128xf32>
    %select_n3A_73 = arith.select %eq3A_71, %dot_general3A_47, %broadcast_in_dim3A : vector<1024x128xi1>, vector<1024x128xf32>
    %reduce_sum3A = arith.constant dense<0.000000e+00> : vector<1024xf32>
    %reduce_sum3A_74 = vector.multi_reduction <add>, %select_n3A_73, %reduce_sum3A [1] : vector<1024x128xf32> to vector<1024xf32>
    %broadcast_in_dim3A_75 = vector.shape_cast %reduce_sum3A_74 : vector<1024xf32> to vector<1024x1xf32>
    %div3A_76 = vector.broadcast %broadcast_in_dim3A_75 : vector<1024x1xf32> to vector<1024x128xf32>
    %div3A_77 = arith.divf %add3A, %div3A_76 : vector<1024x128xf32>
    %get3A_78 = arith.constant 0 : index
    %get3A_79 = arith.constant 0 : index
    %get3A_80 = vector.load %arg4[%get3A_78, %get3A_79] : memref<128x128xf32, #tpu.memory_space<vmem>>, vector<128x128xf32>
    %dot_general3A_81 = arith.constant dense<0.000000e+00> : vector<1024x128xf32>
    %dot_general3A_82 = tpu.matmul %div3A_77, %get3A_80, %dot_general3A_81 {dimension_numbers = #tpu.dot_dimension_numbers<[1], [0], [0], [1], [0, 0, 1, 1], [], []>, precision = #tpu.contract_precision<fp32>, transpose_lhs_hint = false} : vector<1024x128xf32>, vector<128x128xf32>, vector<1024x128xf32> -> vector<1024x128xf32>
    %get3A_83 = arith.constant 0 : index
    %get3A_84 = arith.constant 0 : index
    %get3A_85 = vector.load %arg3[%get3A_83, %get3A_84] : memref<1024x128xf32, #tpu.memory_space<vmem>>, vector<1024x128xf32>
    %add3A_86 = arith.addf %dot_general3A_82, %get3A_85 : vector<1024x128xf32>
    %swap3A = arith.constant 0 : index
    %swap3A_87 = arith.constant 0 : index
    %swap3A_88 = vector.load %arg5[%swap3A, %swap3A_87] : memref<1024x128xf32, #tpu.memory_space<vmem>>, vector<1024x128xf32>
    tpu.vector_store %arg5[%swap3A, %swap3A_87], %add3A_86 {strides = array<i32>} : memref<1024x128xf32, #tpu.memory_space<vmem>>, vector<1024x128xf32>,
    return
  }
  func.func @transform_0(%arg0: i32) -> (i32, i32, i32) {
    %c0_i32 = arith.constant 0 : i32
    %c0_i32_0 = arith.constant 0 : i32
    %c0_i32_1 = arith.constant 0 : i32
    return %c0_i32, %arg0, %c0_i32_0 : i32, i32, i32
  }
  func.func @transform_1(%arg0: i32) -> (i32, i32, i32) {
    %c0_i32 = arith.constant 0 : i32
    %c0_i32_0 = arith.constant 0 : i32
    %c0_i32_1 = arith.constant 0 : i32
    return %c0_i32, %arg0, %c0_i32_0 : i32, i32, i32
  }
  func.func @transform_2(%arg0: i32) -> (i32, i32) {
    %c0_i32 = arith.constant 0 : i32
    %c0_i32_0 = arith.constant 0 : i32
    return %arg0, %c0_i32 : i32, i32
  }
  func.func @transform_3(%arg0: i32) -> (i32, i32) {
    %c0_i32 = arith.constant 0 : i32
    %c0_i32_0 = arith.constant 0 : i32
    %c0_i32_1 = arith.constant 0 : i32
    return %c0_i32, %c0_i32_0 : i32, i32
  }
  func.func @transform_4(%arg0: i32) -> (i32, i32) {
    %c0_i32 = arith.constant 0 : i32
    %c0_i32_0 = arith.constant 0 : i32
    return %arg0, %c0_i32 : i32, i32
  }
}

</mosaic_0001>

<sc_bundles>
// kernel: sage_sc_agg.4.cloned.1.call-start
scs
__scs_entry_jumppad:
0x0: {  	(pc) =	sbr.rel $0x88, $3  }
0x1: {  	(tag) =	ssettag $0x0;
	lr =	simm.s32 $0x1  }
0x2: {  	[smem:$0x3F99] =	sst lr;
	_ =	strace $0xD0000000  }
0x3: {  	_ = 	snop  }
0x4: {  	_ = 	snop  }
0x5: {  	_ = 	snop  }
0x6: {  	_ = 	snop  }
0x7: {  	_ = 	snop  }
__scs_overlays_trampoline_lowered:
0x8: {  	[smem:$0x3FA8] =	sst s0  }
0x9: {  	[smem:$0x3FA9] =	sst s1  }
0xa: {  	[smem:$0x3FAA] =	sst s2  }
0xb: {  	[smem:$0x3FAB] =	sst s3  }
0xc: {  	[smem:$0x3FAC] =	sst s4  }
0xd: {  	[smem:$0x3FAD] =	sst s5  }
0xe: {  	[smem:$0x3FAE] =	sst s6  }
0xf: {  	[smem:$0x3FAF] =	sst s7  }
0x10: {  	[smem:$0x3FB0] =	sst s8  }
0x11: {  	[smem:$0x3FB1] =	sst s9;
	s0 =	simm.s32 @!p0 $0x0  }
0x12: {  	s1 =	sld [smem:$0x3F97];
	s0 =	simm.s32 @p0 $0x1  }
0x13: {  	[smem:$0x3FB2] =	sst s0;
	s0 =	simm.s32 @!p1 $0x0  }
0x14: {  	s2 =	sld [smem:$0x3F96];
	s0 =	simm.s32 @p1 $0x1  }
0x15: {  	[smem:$0x3FB3] =	sst s0;
	s0 =	simm.s32 @!p2 $0x0  }
0x16: {  	s3 =	sld [smem:$0x3FDB];
	s0 =	simm.s32 @p2 $0x1  }
0x17: {  	s4 =	simm.s32 $0x1BF5;
	[smem:$0x3FB5] =	sst s0  }
0x18: {  	s0 =	sld [smem:$0x3F98];
	_ =	swait.ge [sflag:s4], $0x0  }
0x19: {  	s7 =	sld [smem:$0x3F99]  }
0x1a: {  	s8 =	sadd.s32 $0xFFFFE003, lr  }
0x1b: {  	s9 =	sadd.s32 $0xFFFFFEF7, lr;
	s5 =	simm.s32 $0xFFFFFFFF;
	p2 =	slt.u32 s8, $0xFFFFF086  }
0x1c: {  	p1 =	slt.u32 s9, $0xF7A;
	s5 =	simm.s32 @!p2 $0x0  }
0x1d: {  	s5 =	simm.s32 @p1 $0x1;
	p0 =	seq.s32 s7, s2  }
0x1e: {  	s7 =	smul.u32 @!p0 $0xF7A, s2;
	p2 =	seq.s32 @!p0 s5, $0x0  }
0x1f: {  	s9 =	smul.u32 $0xF7A, s1;
	s8 =	simm.s32 @!p0 $0x1BF5;
	p2 =	por !p2, p0  }
0x20: {  	[sflag:s8] =	ssyncset.s32 @!p0 $0xFFFFF086;
	s6 =	sadd.s32 @!p0 s3, s7;
	s7 =	simm.s32 @!p0 $0x108  }
0x21: {  	s3 =	sadd.s32 s3, s9;
	s6 =	sadd.s32 @!p0 $0x88, s6;
	s7 =	simm.s32 @p2 $0x1082  }
0x22: {  	[simem:s7], [sflag:s8] =	dma.local @!p0 [hbm:s6], $0xF7A  }
0x23: {  	s9 =	sor.u32 $0xD0000000, s2;
	s6 =	simm.s32 $0x108;
	_ =	swait.ge @!p0 [sflag:s8], $0x0  }
0x24: {  	s3 =	sadd.s32 $0x88, s3;
	s6 =	simm.s32 @!p1 $0x1082;
	[sflag:s4] =	ssyncset.s32 $0xFFFFF086  }
0x25: {  	[simem:s6], [sflag:s4] =	dma.local [hbm:s3], $0xF7A  }
0x26: {  	[smem:$0x3F99] =	sst s1;
	(tag) =	ssettag s2;
	_ =	strace s9  }
0x27: {  	s1 =	sld [smem:$0x3FA9]  }
0x28: {  	s2 =	sld [smem:$0x3FAA]  }
0x29: {  	s4 =	sld [smem:$0x3FAC]  }
0x2a: {  	p0 =	seq.s32 s5, $0x0;
	s5 =	sld [smem:$0x3FAD]  }
0x2b: {  	s6 =	sld [smem:$0x3FAE]  }
0x2c: {  	s7 =	sld [smem:$0x3FAF]  }
0x2d: {  	s3 =	simm.s32 $0x108;
	s8 =	sld [smem:$0x3FB0]  }
0x2e: {  	s3 =	simm.s32 @!p0 $0x1082;
	s9 =	sld [smem:$0x3FB1]  }
0x2f: {  	lr =	sadd.s32 s0, s3;
	s0 =	sld [smem:$0x3FA8]  }
0x30: {  	s3 =	sld [smem:$0x3FAB]  }
0x31: {  	[smem:$0x3FB4] =	sst s10  }
0x32: {  	s10 =	sld [smem:$0x3FB2];
	_ =	sdelay $0x3  }
0x33: {  	p0 =	seq.s32 s10, $0x1;
	s10 =	sld [smem:$0x3FB4];
	_ =	sdelay $0x3  }
0x34: {  	[smem:$0x3FB4] =	sst s10  }
0x35: {  	s10 =	sld [smem:$0x3FB3];
	_ =	sdelay $0x3  }
0x36: {  	p1 =	seq.s32 s10, $0x1;
	s10 =	sld [smem:$0x3FB4];
	_ =	sdelay $0x3  }
0x37: {  	[smem:$0x3FB4] =	sst s10  }
0x38: {  	s10 =	sld [smem:$0x3FB5]  }
0x39: {  	_ = 	snop;
	(pc) =	sbr.ind lr, $3  }
0x3a: {  	_ = 	snop  }
0x3b: {  	_ = 	snop  }
0x3c: {  	p2 =	seq.s32 s10, $0x1;
	s10 =	sld [smem:$0x3FB4]  }
0x3d: {  	_ =	shalt  }
0x3e: {  	_ =	shalt  }
0x3f: {  	_ =	shalt  }
0x40: {  	_ =	shalt  }
0x41: {  	_ =	shalt  }
0x42: {  	_ =	shalt  }
0x43: {  	_ =	shalt  }
0x44: {  	_ =	shalt  }
0x45: {  	_ =	shalt  }
0x46: {  	_ =	shalt  }
0x47: {  	_ =	shalt  }
0x48: {  	_ =	shalt  }
0x49: {  	_ =	shalt  }
0x4a: {  	_ =	shalt  }
0x4b: {  	_ =	shalt  }
0x4c: {  	_ =	shalt  }
0x4d: {  	_ =	shalt  }
0x4e: {  	_ =	shalt  }
0x4f: {  	_ =	shalt  }
0x50: {  	_ =	shalt  }
0x51: {  	_ =	shalt  }
0x52: {  	_ =	shalt  }
0x53: {  	_ =	shalt  }
0x54: {  	_ =	shalt  }
0x55: {  	_ =	shalt  }
0x56: {  	_ =	shalt  }
0x57: {  	_ =	shalt  }
0x58: {  	_ =	shalt  }
0x59: {  	_ =	shalt  }
0x5a: {  	_ =	shalt  }
0x5b: {  	_ =	shalt  }
0x5c: {  	_ =	shalt  }
0x5d: {  	_ =	shalt  }
0x5e: {  	_ =	shalt  }
0x5f: {  	_ =	shalt  }
0x60: {  	_ =	shalt  }
0x61: {  	_ =	shalt  }
0x62: {  	_ =	shalt  }
0x63: {  	_ =	shalt  }
0x64: {  	_ =	shalt  }
0x65: {  	_ =	shalt  }
0x66: {  	_ =	shalt  }
0x67: {  	_ =	shalt  }
0x68: {  	_ =	shalt  }
0x69: {  	_ =	shalt  }
0x6a: {  	_ =	shalt  }
0x6b: {  	_ =	shalt  }
0x6c: {  	_ =	shalt  }
0x6d: {  	_ =	shalt  }
0x6e: {  	_ =	shalt  }
0x6f: {  	_ =	shalt  }
0x70: {  	_ =	shalt  }
0x71: {  	_ =	shalt  }
0x72: {  	_ =	shalt  }
0x73: {  	_ =	shalt  }
0x74: {  	_ =	shalt  }
0x75: {  	_ =	shalt  }
0x76: {  	_ =	shalt  }
0x77: {  	_ =	shalt  }
0x78: {  	_ =	shalt  }
0x79: {  	_ =	shalt  }
0x7a: {  	_ =	shalt  }
0x7b: {  	_ =	shalt  }
0x7c: {  	_ =	shalt  }
0x7d: {  	_ =	shalt  }
0x7e: {  	_ =	shalt  }
0x7f: {  	_ =	shalt  }
0x80: {  	_ =	shalt  }
0x81: {  	_ =	shalt  }
0x82: {  	_ =	shalt  }
0x83: {  	_ =	shalt  }
0x84: {  	_ =	shalt  }
0x85: {  	_ =	shalt  }
0x86: {  	_ =	shalt  }
0x87: {  	_ =	shalt  }
.Lfunc_end0:
.L_simem_size_0:
called_computation_lowered:
.L_overlay_start_0:
0x88: {  	s2 =	sld [smem:$0x3FD9]  }
0x89: {  	s3 =	sld [smem:$0x3FFE];
	_ =	sdelay $0x1  }
0x8a: {  	s1 =	srdreg.scid  }
0x8b: {  	s0 =	sand.u32 $0x1, s1  }
0x8c: {  	s17 =	sshll.u32 s0, $0xA;
	s2 =	sadd.s32 s3, s2  }
0x8d: {  	s2 =	sadd.s32 s2, s17  }
0x8e: {  	[smem:$0x3FC0] =	sst s2  }
0x8f: {  	_ = 	snop  }
0x90: {  	s2 =	sld [smem:$0x3FC9]  }
0x91: {  	s18 =	sld [smem:$0x3FD0];
	(tm) =	ssettm $0x1  }
0x92: {  	s4 =	sld [smem:$0x3FFB];
	_ =	sdelay $0x3  }
0x93: {  	_ =	strace s4  }
0x94: {  	s4 =	sld [smem:$0x3FFC];
	_ =	sdelay $0x3  }
0x95: {  	_ =	strace s4  }
0x96: {  	s4 =	sld [smem:$0x3FFD];
	_ =	sdelay $0x3  }
0x97: {  	_ =	strace s4  }
0x98: {  	_ =	strace $0x8FFFFFFF  }
0x99: {  	s19 =	sld [smem:$0x3FDB];
	_ =	sdelay $0x1  }
0x9a: {  	s5 =	simm.s32 $_scs_section_size  }
0x9b: {  	s6 =	simm.s32 $_size__tile_overlayer_lowered;
	s7 =	simm.s32 $_tile_overlayer_lowered  }
0x9c: {  	s22 =	simm.s32 $0x1BFF;
	s21 =	sshll.u32 s7, $0x1;
	s4 =	sadd.s32 s5, s19  }
0x9d: {  	s8 =	simm.s32 $0x0;
	s20 =	sshll.u32 s6, $0x1;
	s6 =	sadd.s32 s21, s4  }
0x9e: {  	[timem:s8], [sflag:s22] =	dma.local [hbm:s6], s20  }
0x9f: {  	_ =	swait.ge [sflag:s22], s20  }
0xa0: {  	s5 =	ssub.s32 $0x0, s20;
	[sflag:s22] =	ssyncset.done $0x0  }
0xa1: {  	[sflag:s22] =	ssyncadd.s32 s5;
	_ =	sdelay $0x1  }
0xa2: {  	s23 =	simm.s32 $0x1B8B  }
0xa3: {  	_ =	swait.ge [sflag:s23], $0x1  }
0xa4: {  	[sflag:s23] =	ssyncset.done $0x0  }
0xa5: {  	s25 =	simm.s32 $0x1B8E;
	s24 =	sld [smem:$0x3FFE];
	[sflag:s23] =	ssyncadd.s32 $0xFFFFFFFF  }
0xa6: {  	s26 =	simm.s32 $execute0_lowered;
	[smem:$0x3FD2] =	sst s25  }
0xa7: {  	s6 =	sshll.u32 s26, $0x1;
	_ =	strace $0x80000046;
	[dreg:$0x1] =	wrdreg $0xFFFFFFFF  }
0xa8: {  	s28 =	simm.s32 $_size_execute0_lowered;
	s4 =	sadd.s32 s4, s6;
	[dreg:$0x0] =	wrdreg $0x0  }
0xa9: {  	s6 =	sshll.u32 s28, $0x1;
	[dreg:$0x2] =	wrdreg s4  }
0xaa: {  	[dreg:$0x3] =	wrdreg s6  }
0xab: {  	[dreg:$0x4] =	wrdreg $0xC0  }
0xac: {  	_ =	task [dreg:s8], $0x5FFFF  }
0xad: {  	[dreg:$0x1] =	wrdreg $0xFFFFFFFF  }
0xae: {  	[dreg:$0x0] =	wrdreg $0x60  }
0xaf: {  	[dreg:$0x2] =	wrdreg s2  }
0xb0: {  	[dreg:$0x3] =	wrdreg s18  }
0xb1: {  	[dreg:$0x4] =	wrdreg s24  }
0xb2: {  	[dreg:$0x5] =	wrdreg $0xA3000  }
0xb3: {  	[dreg:$0x6] =	wrdreg $0x1E3000  }
0xb4: {  	[dreg:$0x7] =	wrdreg $0x9  }
0xb5: {  	_ =	task.clear_ibuf [dreg:s8], $0x8FFFF;
	_ =	strace $0x90000046  }
0xb6: {  	s29 =	simm.s32 $0x9;
	_ =	strace $0x80000048  }
0xb7: {  	_ =	swait.ge [sflag:s29], $0x1  }
0xb8: {  	[sflag:s29] =	ssyncadd.s32 $0xFFFFFFFF  }
0xb9: {  	_ =	strace $0x90000048  }
0xba: {  	_ =	sfence  }
0xbb: {  	s30 =	sld [smem:$0x0];
	_ =	sdelay $0x2  }
0xbc: {  	s31 =	sshll.u32 s1, $0xD;
	s1 =	sshrl.u32 s1, $0x2  }
0xbd: {  	s3 =	sand.u32 $0x4000, s31;
	s1 =	sadd.s32 s1, s30  }
0xbe: {  	s0 =	sor.u32 s3, s0;
	s1 =	sshll.u32 s1, $0x11  }
0xbf: {  	s0 =	sor.u32 s1, s0  }
0xc0: {  	s0 =	sadd.s32 $0x8F2B, s0  }
0xc1: {  	[sflag:s0] =	ssyncadd.remote.s32 $0x1  }
0xc2: {  	_ =	sfence.sel $0xFFFF  }
0xc3: {  	[dreg:$0x0] =	wrdreg $0xFFFFFFFF;
	(pc) =	sbr.abs _section_cstart, $3  }
0xc4: {  	[dreg:$0x1] =	wrdreg $0xFFFFFFFF  }
0xc5: {  	_ =	task.clear_ibuf [dreg:s8], $0x2FFFF;
	_ =	strace $0x9FFFFFFF  }
0xc6: {  	(tm) =	ssettm $0x7FFFFFFF  }
0xc7: {  	_ =	shalt  }
tec
execute0_lowered:
.L_overlay_start_1:
0x0: {  	(tag) =	ssettag $0x1  }
0x1: {  	s0 =	rddreg [dreg:$0x0]  }
0x2: {  	s7 =	rddreg [dreg:$0x1]  }
0x3: {  	s2 =	rddreg [dreg:$0x2];
	s15 =	stileid.u32  }
0x4: {  	s1 =	srdreg.scid;
	s16 =	smul.u32 $0x5000, s15  }
0x5: {  	s3 =	rddreg [dreg:$0x3];
	s8 =	sand.u32 $0x1, s1;
	s1 =	smul.u32 $0x280, s15  }
0x6: {  	s4 =	rddreg [dreg:$0x4];
	s10 =	smul.u32 $0x50000, s15  }
0x7: {  	s5 =	simm.s32 $0x0;
	s26 =	simm.s32 $0x100;
	s21 =	smul.u32 $0x14000, s15  }
0x8: {  	[smem:$0x7FF] =	sst s5;
	s12 =	sadd.s32 $0xC600, s2;
	s6 =	smul.u32 $0x2800, s8  }
0x9: {  	_ =	strace $0x80000047;
	[dreg:$0x8] =	wrdreg s26;
	s26 =	simm.s32 $0x680  }
0xa: {  	s10 =	sshrl.u32 s10, $0x2;
	s18 =	sshll.u32 s1, $0x7;
	[dreg:$0x13] =	wrdreg s26  }
0xb: {  	s9 =	sadd.s32 s6, s16;
	s6 =	sadd.s32 s1, s6;
	s1 =	sadd.s32 s1, s4  }
0xc: {  	s13 =	ssub.s32 $0x2, s8;
	s29 =	sadd.s32 s10, s3;
	[smem:$0x7F3] =	sst s1  }
0xd: {  	s8 =	smul.u32 $0x140000, s8;
	s10 =	sadd.s32 $0x1000, s29;
	[dreg:$0x16] =	wrdreg s29  }
0xe: {  	s14 =	sshrl.u32 s13, $0x1;
	s17 =	sadd.s32 $0x2000, s29;
	[dreg:$0x17] =	wrdreg s10  }
0xf: {  	s20 =	sadd.s32 $0x4000, s18;
	s19 =	sadd.s32 $0x3000, s29;
	[dreg:$0x18] =	wrdreg s17  }
0x10: {  	s15 =	sadd.s32 $0x8000, s18;
	s22 =	sadd.s32 s20, s3;
	[dreg:$0x19] =	wrdreg s19  }
0x11: {  	s9 =	sshrl.u32 s9, $0x3;
	s23 =	sadd.s32 $0x5000, s29;
	[dreg:$0x1a] =	wrdreg s22  }
0x12: {  	s6 =	sshrl.u32 s6, $0x3;
	s24 =	sadd.s32 $0x6000, s29;
	[dreg:$0x1b] =	wrdreg s23  }
0x13: {  	s26 =	sadd.s32 $0x13000, s29;
	s11 =	sadd.s32 s9, s2;
	[dreg:$0x1c] =	wrdreg s24  }
0x14: {  	s2 =	sadd.s32 s6, s2;
	s7 =	sadd.s32 s9, s7;
	[smem:$0x7FD] =	sst s26  }
0x15: {  	s6 =	ssub.s32 s13, s14;
	s13 =	simm.s32 $0x200;
	[dreg:$0x7] =	wrdreg s7  }
0x16: {  	s16 =	sadd.s32 $0xC000, s18;
	s17 =	simm.s32 $0x280;
	[dreg:$0xa] =	wrdreg s13  }
0x17: {  	s10 =	sadd.s32 $0x10000, s18;
	s18 =	simm.s32 $0x300;
	[dreg:$0xb] =	wrdreg s17  }
0x18: {  	s19 =	simm.s32 $0x380;
	[dreg:$0xc] =	wrdreg s18  }
0x19: {  	s14 =	sadd.s32 s21, s8;
	s21 =	simm.s32 $0x400;
	[dreg:$0xd] =	wrdreg s19  }
0x1a: {  	s22 =	simm.s32 $0x480;
	[dreg:$0xe] =	wrdreg s21  }
0x1b: {  	s23 =	simm.s32 $0x500;
	[dreg:$0xf] =	wrdreg s22  }
0x1c: {  	s25 =	sadd.s32 s8, s20;
	s24 =	simm.s32 $0x580;
	[dreg:$0x10] =	wrdreg s23  }
0x1d: {  	s9 =	sshrl.u32 s25, $0x3;
	s25 =	simm.s32 $0x600;
	[dreg:$0x11] =	wrdreg s24  }
0x1e: {  	s28 =	simm.s32 $0x5;
	s11 =	sadd.s32 $0x2600, s11;
	[dreg:$0x12] =	wrdreg s25  }
0x1f: {  	s30 =	simm.s32 $0x6;
	s9 =	sadd.s32 s12, s9;
	[dreg:$0x6] =	wrdreg s11  }
0x20: {  	s31 =	simm.s32 $0x0;
	s13 =	simm.s32 $0x780;
	[dreg:$0x1e] =	wrdreg s9  }
0x21: {  	s20 =	sadd.s32 s8, s16;
	s17 =	sadd.s32 $0x5C600, s2;
	[dreg:$0x15] =	wrdreg s13  }
0x22: {  	s1 =	simm.s32 $0x0;
	s18 =	smax.u32 s6, $0x1;
	[smem:$0x7F4] =	sst s17  }
0x23: {  	s14 =	sshrl.u32 s14, $0x3;
	s19 =	sadd.s32 $0xA000, s29;
	[smem:$0x7F5] =	sst s18  }
0x24: {  	s21 =	sadd.s32 $0xD000, s29;
	s22 =	sadd.s32 $0xE000, s29;
	[smem:$0x7F6] =	sst s19  }
0x25: {  	s23 =	sadd.s32 $0xF000, s29;
	s24 =	sadd.s32 $0x11000, s29;
	[smem:$0x7F8] =	sst s21  }
0x26: {  	s25 =	sadd.s32 $0x12000, s29;
	s7 =	simm.s32 $0xA00;
	[smem:$0x7F9] =	sst s22  }
0x27: {  	s6 =	simm.s32 $0xD80;
	s2 =	simm.s32 $0xF00;
	[smem:$0x7FA] =	sst s23  }
0x28: {  	s14 =	sadd.s32 s12, s14;
	s11 =	simm.s32 $0x180;
	[smem:$0x7FB] =	sst s24  }
0x29: {  	[smem:$0x7FC] =	sst s25;
	s13 =	simm.s32 $0x800;
	s17 =	simm.s32 $0xA000  }
0x2a: {  	s18 =	simm.s32 $0x3;
	s25 =	simm.s32 $0x4;
	s19 =	simm.s32 $0xB80  }
0x2b: {  	s21 =	simm.s32 $0xC00;
	s22 =	simm.s32 $0xC80;
	[dreg:$0x1d] =	wrdreg s14  }
0x2c: {  	s23 =	simm.s32 $0xD00;
	[dreg:$0x9] =	wrdreg s11;
	s14 =	sadd.s32 s8, s15  }
0x2d: {  	s8 =	sadd.s32 s8, s10;
	s11 =	simm.s32 $0x700;
	s9 =	sshrl.u32 s14, $0x3  }
0x2e: {  	s8 =	sshrl.u32 s8, $0x3;
	[dreg:$0x14] =	wrdreg s11;
	s14 =	sadd.s32 $0x9000, s29  }
0x2f: {  	s11 =	simm.s32 $0x1;
	s9 =	sadd.s32 s12, s9;
	[smem:$0x7F0] =	sst s14  }
0x30: {  	s8 =	sadd.s32 s12, s8;
	s14 =	simm.s32 $0x80;
	[dreg:$0x1f] =	wrdreg s9  }
0x31: {  	s9 =	sshrl.u32 s20, $0x3;
	[smem:$0x7ED] =	sst s8;
	s20 =	sadd.s32 $0xB000, s29  }
0x32: {  	s8 =	simm.s32 $0xE00;
	s9 =	sadd.s32 s12, s9;
	[smem:$0x7F7] =	sst s20  }
0x33: {  	s12 =	sadd.s32 s15, s3;
	s15 =	sadd.s32 s16, s3;
	[smem:$0x7EC] =	sst s9  }
0x34: {  	s16 =	sadd.s32 s10, s3;
	s20 =	simm.s32 $0x2;
	[smem:$0x7EF] =	sst s12  }
0x35: {  	s10 =	simm.s32 $0xB00;
	s9 =	sadd.s32 $0x7000, s29;
	[smem:$0x7F1] =	sst s15  }
0x36: {  	[smem:$0x7F2] =	sst s16;
	s12 =	simm.s32 $0x7;
	s15 =	simm.s32 $0x1000  }
0x37: {  	v0 =	vimm.f32 $0.0e+00;
	v1 =	vimm.f32 $1.000000000e+00;
	s16 =	simm.s32 $0x5000;
	[smem:$0x7EE] =	sst s9;
	s9 =	simm.s32 $0xA80  }
.LBB2_1:
0x38: {  	[smem:$0x7EB] =	sst s1;
	s24 =	simm.s32 $0x0;
	s26 =	simm.s32 $0x200  }
.LBB2_2:
0x39: {  	p0 =	sne.s32 s26, $0x3E00;
	[tilespmem:s24+$0x9070] =	vst v0  }
0x3a: {  	[tilespmem:s24+$0x9000] =	vst v0  }
0x3b: {  	[tilespmem:s24+$0x9010] =	vst v0  }
.Ltmp0:
0x3c: {  	[tilespmem:s24+$0x9020] =	vst v0;
	(pc) =	sbr.rel @p0 .LBB2_2-.Ltmp0, $4  }
0x3d: {  	[tilespmem:s24+$0x9030] =	vst v0  }
0x3e: {  	[tilespmem:s24+$0x9040] =	vst v0  }
0x3f: {  	[tilespmem:s24+$0x9050] =	vst v0  }
0x40: {  	[tilespmem:s24+$0x9060] =	vst v0;
	s24 =	sshra.s32 s26, $0x2;
	s26 =	sadd.s32 $0x200, s26  }
0x41: {  	[tilespmem:s24+$0x9070] =	vst v0  }
0x42: {  	[tilespmem:s24+$0x9000] =	vst v0  }
0x43: {  	[tilespmem:s24+$0x9010] =	vst v0  }
0x44: {  	[tilespmem:s24+$0x9020] =	vst v0  }
0x45: {  	[tilespmem:s24+$0x9030] =	vst v0  }
0x46: {  	[tilespmem:s24+$0x9040] =	vst v0  }
0x47: {  	[tilespmem:s24+$0x9050] =	vst v0  }
0x48: {  	[tilespmem:s24+$0x9060] =	vst v0  }
0x49: {  	[tilespmem:$0xA080] =	vst v0  }
0x4a: {  	[tilespmem:$0xA090] =	vst v0  }
0x4b: {  	[tilespmem:$0xA0A0] =	vst v0  }
0x4c: {  	[tilespmem:$0xA0B0] =	vst v0  }
0x4d: {  	[tilespmem:$0xA0C0] =	vst v0  }
0x4e: {  	[tilespmem:$0xA0D0] =	vst v0  }
0x4f: {  	[tilespmem:$0xA0E0] =	vst v0  }
0x50: {  	[tilespmem:$0xA0F0] =	vst v0  }
0x51: {  	[tilespmem:$0xA100] =	vst v0  }
0x52: {  	[tilespmem:$0xA110] =	vst v0  }
0x53: {  	[tilespmem:$0xA120] =	vst v0  }
0x54: {  	[tilespmem:$0xA130] =	vst v0  }
0x55: {  	[tilespmem:$0xA140] =	vst v0  }
0x56: {  	[tilespmem:$0xA150] =	vst v0  }
0x57: {  	[tilespmem:$0xA160] =	vst v0  }
0x58: {  	[tilespmem:$0xA170] =	vst v0  }
0x59: {  	[tilespmem:$0xA180] =	vst v0  }
0x5a: {  	[tilespmem:$0xA190] =	vst v0  }
0x5b: {  	[tilespmem:$0xA1A0] =	vst v0  }
0x5c: {  	[tilespmem:$0xA1B0] =	vst v0  }
0x5d: {  	[tilespmem:$0xA1C0] =	vst v0  }
0x5e: {  	[tilespmem:$0xA1D0] =	vst v0  }
0x5f: {  	[tilespmem:$0xA1E0] =	vst v0  }
0x60: {  	[tilespmem:$0xA1F0] =	vst v0  }
0x61: {  	[tilespmem:$0xA200] =	vst v0  }
0x62: {  	[tilespmem:$0xA210] =	vst v0  }
0x63: {  	[tilespmem:$0xA220] =	vst v0  }
0x64: {  	[tilespmem:$0xA230] =	vst v0  }
0x65: {  	[tilespmem:$0xA240] =	vst v0  }
0x66: {  	[tilespmem:$0xA250] =	vst v0  }
0x67: {  	[tilespmem:$0xA260] =	vst v0  }
0x68: {  	[tilespmem:$0xA270] =	vst v0  }
0x69: {  	[tilespmem:$0xA280] =	vst v0  }
0x6a: {  	[tilespmem:$0xA290] =	vst v0  }
0x6b: {  	[tilespmem:$0xA2A0] =	vst v0  }
0x6c: {  	[tilespmem:$0xA2B0] =	vst v0  }
0x6d: {  	[tilespmem:$0xA2C0] =	vst v0  }
0x6e: {  	[tilespmem:$0xA2D0] =	vst v0  }
0x6f: {  	[tilespmem:$0xA2E0] =	vst v0  }
0x70: {  	[tilespmem:$0xA2F0] =	vst v0  }
0x71: {  	[tilespmem:$0xA000] =	vst v1  }
0x72: {  	[tilespmem:$0xA010] =	vst v1  }
0x73: {  	[tilespmem:$0xA020] =	vst v1  }
0x74: {  	[tilespmem:$0xA030] =	vst v1  }
0x75: {  	[tilespmem:$0xA040] =	vst v1  }
0x76: {  	[tilespmem:$0xA050] =	vst v1  }
0x77: {  	[tilespmem:$0xA060] =	vst v1  }
0x78: {  	s26 =	simm.s32 $0x9000;
	s1 =	rddreg [dreg:$0x17];
	[tilespmem:$0xA070] =	vst v1  }
0x79: {  	[spmem:s29] =	stream.linear.scatter [tilespmem:s26], [sflag:$0x1], $0x1000, $0x38;
	[tilespmem:$0x1E580] =	vst v63  }
0x7a: {  	s29 =	rddreg [dreg:$0x18]  }
0x7b: {  	[spmem:s1] =	stream.linear.scatter [tilespmem:s26], [sflag:$0x1], $0x1000, $0x38;
	[tilespmem:$0x1E580] =	vst v63  }
0x7c: {  	s1 =	rddreg [dreg:$0x19]  }
0x7d: {  	[spmem:s29] =	stream.linear.scatter [tilespmem:s26], [sflag:$0x1], $0x1000, $0x38;
	[tilespmem:$0x1E580] =	vst v63  }
0x7e: {  	s29 =	rddreg [dreg:$0x1a]  }
0x7f: {  	[spmem:s1] =	stream.linear.scatter [tilespmem:s26], [sflag:$0x1], $0x1000, $0x38;
	[tilespmem:$0x1E580] =	vst v63  }
0x80: {  	s1 =	rddreg [dreg:$0x1b]  }
0x81: {  	[spmem:s29] =	stream.linear.scatter [tilespmem:s26], [sflag:$0x1], $0x1000, $0x38;
	[tilespmem:$0x1E580] =	vst v63  }
0x82: {  	s29 =	rddreg [dreg:$0x1c]  }
0x83: {  	[spmem:s1] =	stream.linear.scatter [tilespmem:s26], [sflag:$0x1], $0x1000, $0x38;
	[tilespmem:$0x1E580] =	vst v63  }
0x84: {  	s1 =	sld [smem:$0x7EE]  }
0x85: {  	[spmem:s29] =	stream.linear.scatter [tilespmem:s26], [sflag:$0x1], $0x1000, $0x38;
	[tilespmem:$0x1E580] =	vst v63  }
0x86: {  	s29 =	sld [smem:$0x7EF]  }
0x87: {  	[spmem:s1] =	stream.linear.scatter [tilespmem:s26], [sflag:$0x1], $0x1000, $0x38;
	[tilespmem:$0x1E580] =	vst v63  }
0x88: {  	s1 =	sld [smem:$0x7F0]  }
0x89: {  	[spmem:s29] =	stream.linear.scatter [tilespmem:s26], [sflag:$0x1], $0x1000, $0x38;
	[tilespmem:$0x1E580] =	vst v63  }
0x8a: {  	s29 =	sld [smem:$0x7F6]  }
0x8b: {  	[spmem:s1] =	stream.linear.scatter [tilespmem:s26], [sflag:$0x1], $0x1000, $0x38;
	[tilespmem:$0x1E580] =	vst v63  }
0x8c: {  	s1 =	sld [smem:$0x7F7]  }
0x8d: {  	[spmem:s29] =	stream.linear.scatter [tilespmem:s26], [sflag:$0x1], $0x1000, $0x38;
	[tilespmem:$0x1E580] =	vst v63  }
0x8e: {  	s29 =	sld [smem:$0x7F1]  }
0x8f: {  	[spmem:s1] =	stream.linear.scatter [tilespmem:s26], [sflag:$0x1], $0x1000, $0x38;
	[tilespmem:$0x1E580] =	vst v63  }
0x90: {  	s1 =	sld [smem:$0x7F8]  }
0x91: {  	[spmem:s29] =	stream.linear.scatter [tilespmem:s26], [sflag:$0x1], $0x1000, $0x38;
	[tilespmem:$0x1E580] =	vst v63  }
0x92: {  	s29 =	sld [smem:$0x7F9]  }
0x93: {  	[spmem:s1] =	stream.linear.scatter [tilespmem:s26], [sflag:$0x1], $0x1000, $0x38;
	[tilespmem:$0x1E580] =	vst v63  }
0x94: {  	s1 =	sld [smem:$0x7FA]  }
0x95: {  	[spmem:s29] =	stream.linear.scatter [tilespmem:s26], [sflag:$0x1], $0x1000, $0x38;
	[tilespmem:$0x1E580] =	vst v63  }
0x96: {  	s29 =	sld [smem:$0x7F2]  }
0x97: {  	[spmem:s1] =	stream.linear.scatter [tilespmem:s26], [sflag:$0x1], $0x1000, $0x38;
	[tilespmem:$0x1E580] =	vst v63  }
0x98: {  	s1 =	sld [smem:$0x7FB]  }
0x99: {  	[spmem:s29] =	stream.linear.scatter [tilespmem:s26], [sflag:$0x1], $0x1000, $0x38;
	[tilespmem:$0x1E580] =	vst v63  }
0x9a: {  	s29 =	sld [smem:$0x7FC]  }
0x9b: {  	[spmem:s1] =	stream.linear.scatter [tilespmem:s26], [sflag:$0x1], $0x1000, $0x38;
	[tilespmem:$0x1E580] =	vst v63  }
0x9c: {  	s1 =	sld [smem:$0x7FD]  }
0x9d: {  	[spmem:s29] =	stream.linear.scatter [tilespmem:s26], [sflag:$0x1], $0x1000, $0x38;
	[tilespmem:$0x1E580] =	vst v63  }
0x9e: {  	s29 =	sld [smem:$0x7F3]  }
0x9f: {  	[spmem:s1] =	stream.linear.scatter [tilespmem:s26], [sflag:$0x1], $0x1000, $0x38;
	[tilespmem:$0x1E580] =	vst v63  }
0xa0: {  	s1 =	simm.s32 $0xA080  }
0xa1: {  	[spmem:s29] =	stream.linear.scatter [tilespmem:s1], [sflag:$0x1], $0x280, $0x38;
	[tilespmem:$0x1E580] =	vst v63  }
0xa2: {  	_ =	swait.ge [sflag:s11], $0x1000  }
0xa3: {  	[sflag:s11] =	ssyncset.done $0x0  }
0xa4: {  	[sflag:s11] =	ssyncadd.s32 $0xFFFFF000  }
0xa5: {  	_ =	swait.ge [sflag:s11], $0x1000  }
0xa6: {  	[sflag:s11] =	ssyncset.done $0x0  }
0xa7: {  	[sflag:s11] =	ssyncadd.s32 $0xFFFFF000  }
0xa8: {  	_ =	swait.ge [sflag:s11], $0x1000  }
0xa9: {  	[sflag:s11] =	ssyncset.done $0x0  }
0xaa: {  	[sflag:s11] =	ssyncadd.s32 $0xFFFFF000  }
0xab: {  	_ =	swait.ge [sflag:s11], $0x1000  }
0xac: {  	[sflag:s11] =	ssyncset.done $0x0  }
0xad: {  	[sflag:s11] =	ssyncadd.s32 $0xFFFFF000  }
0xae: {  	_ =	swait.ge [sflag:s11], $0x1000  }
0xaf: {  	[sflag:s11] =	ssyncset.done $0x0  }
0xb0: {  	[sflag:s11] =	ssyncadd.s32 $0xFFFFF000  }
0xb1: {  	_ =	swait.ge [sflag:s11], $0x1000  }
0xb2: {  	[sflag:s11] =	ssyncset.done $0x0  }
0xb3: {  	[sflag:s11] =	ssyncadd.s32 $0xFFFFF000  }
0xb4: {  	_ =	swait.ge [sflag:s11], $0x1000  }
0xb5: {  	[sflag:s11] =	ssyncset.done $0x0  }
0xb6: {  	[sflag:s11] =	ssyncadd.s32 $0xFFFFF000  }
0xb7: {  	_ =	swait.ge [sflag:s11], $0x1000  }
0xb8: {  	[sflag:s11] =	ssyncset.done $0x0  }
0xb9: {  	[sflag:s11] =	ssyncadd.s32 $0xFFFFF000  }
0xba: {  	_ =	swait.ge [sflag:s11], $0x1000  }
0xbb: {  	[sflag:s11] =	ssyncset.done $0x0  }
0xbc: {  	[sflag:s11] =	ssyncadd.s32 $0xFFFFF000  }
0xbd: {  	_ =	swait.ge [sflag:s11], $0x1000  }
0xbe: {  	[sflag:s11] =	ssyncset.done $0x0  }
0xbf: {  	[sflag:s11] =	ssyncadd.s32 $0xFFFFF000  }
0xc0: {  	_ =	swait.ge [sflag:s11], $0x1000  }
0xc1: {  	[sflag:s11] =	ssyncset.done $0x0  }
0xc2: {  	[sflag:s11] =	ssyncadd.s32 $0xFFFFF000  }
0xc3: {  	_ =	swait.ge [sflag:s11], $0x1000  }
0xc4: {  	[sflag:s11] =	ssyncset.done $0x0  }
0xc5: {  	[sflag:s11] =	ssyncadd.s32 $0xFFFFF000  }
0xc6: {  	_ =	swait.ge [sflag:s11], $0x1000  }
0xc7: {  	[sflag:s11] =	ssyncset.done $0x0  }
0xc8: {  	[sflag:s11] =	ssyncadd.s32 $0xFFFFF000  }
0xc9: {  	_ =	swait.ge [sflag:s11], $0x1000  }
0xca: {  	[sflag:s11] =	ssyncset.done $0x0  }
0xcb: {  	[sflag:s11] =	ssyncadd.s32 $0xFFFFF000  }
0xcc: {  	_ =	swait.ge [sflag:s11], $0x1000  }
0xcd: {  	[sflag:s11] =	ssyncset.done $0x0  }
0xce: {  	[sflag:s11] =	ssyncadd.s32 $0xFFFFF000  }
0xcf: {  	_ =	swait.ge [sflag:s11], $0x1000  }
0xd0: {  	[sflag:s11] =	ssyncset.done $0x0  }
0xd1: {  	[sflag:s11] =	ssyncadd.s32 $0xFFFFF000  }
0xd2: {  	_ =	swait.ge [sflag:s11], $0x1000  }
0xd3: {  	[sflag:s11] =	ssyncset.done $0x0  }
0xd4: {  	[sflag:s11] =	ssyncadd.s32 $0xFFFFF000  }
0xd5: {  	_ =	swait.ge [sflag:s11], $0x1000  }
0xd6: {  	[sflag:s11] =	ssyncset.done $0x0  }
0xd7: {  	[sflag:s11] =	ssyncadd.s32 $0xFFFFF000  }
0xd8: {  	_ =	swait.ge [sflag:s11], $0x1000  }
0xd9: {  	[sflag:s11] =	ssyncset.done $0x0  }
0xda: {  	[sflag:s11] =	ssyncadd.s32 $0xFFFFF000  }
0xdb: {  	_ =	swait.ge [sflag:s11], $0x1000  }
0xdc: {  	[sflag:s11] =	ssyncset.done $0x0  }
0xdd: {  	[sflag:s11] =	ssyncadd.s32 $0xFFFFF000  }
0xde: {  	_ =	swait.ge [sflag:s11], $0x280  }
0xdf: {  	[sflag:s11] =	ssyncset.done $0x0  }
0xe0: {  	[sflag:s11] =	ssyncadd.s32 $0xFFFFFD80  }
0xe1: {  	[bflag:$0x0] =	sbarrier.arrive $0xFFFF  }
0xe2: {  	s26 =	rddreg [dreg:$0x7]  }
0xe3: {  	s24 =	sadd.s32 $0x0, s26  }
0xe4: {  	[tilespmem:s5], [sflag:$0x7] =	stream.linear.gather [hbm4b:s24+s5], $0x800, $0x38;
	[tilespmem:$0x1E580] =	vst v63  }
0xe5: {  	_ =	swait.ge [sflag:s12], $0x800  }
0xe6: {  	s29 =	rddreg [dreg:$0x6];
	[sflag:s12] =	ssyncset.done $0x0  }
0xe7: {  	[sflag:s12] =	ssyncadd.s32 $0xFFFFF800;
	s24 =	sadd.s32 $0x0, s29  }
0xe8: {  	[tilespmem:s13], [sflag:$0x7] =	stream.linear.gather [hbm4b:s24+s5], $0x800, $0x38;
	[tilespmem:$0x1E580] =	vst v63  }
0xe9: {  	_ =	swait.ge [sflag:s12], $0x800  }
0xea: {  	[sflag:s12] =	ssyncset.done $0x0  }
0xeb: {  	[sflag:s12] =	ssyncadd.s32 $0xFFFFF800  }
0xec: {  	[tilespmem:s15], [sflag:$0x1] =	stream.indirect.gather [hbm4b:s0+s14], $0x80, s5, s14, $0xb8;
	[tilespmem:$0x1E580] =	vst v63  }
0xed: {  	_ = 	snop  }
0xee: {  	[tilespmem:s16], [sflag:$0x2] =	stream.indirect.gather [hbm4b:s0+s14], $0x80, s14, s14, $0xb8;
	[tilespmem:$0x1E580] =	vst v63  }
0xef: {  	_ =	swait.ge [sflag:s11], $0x4000  }
0xf0: {  	[sflag:s11] =	ssyncset.done $0x0  }
0xf1: {  	[sflag:s11] =	ssyncadd.s32 $0xFFFFC000  }
0xf2: {  	[spmem:s3] =	stream.indirect.scatter.add.f32 [tilespmem:s15], [sflag:$0x3], $0x80, s13, s14, $0xb8;
	[tilespmem:$0x1E580] =	vst v63  }
0xf3: {  	_ = 	snop  }
0xf4: {  	[spmem:s4] =	stream.indirect.scatter.add.f32 [tilespmem:s17], [sflag:$0x5], $0x1, s13, s14, $0xb8;
	[tilespmem:$0x1E580] =	vst v63  }
0xf5: {  	_ =	swait.ge [sflag:s18], $0x4000  }
0xf6: {  	[sflag:s18] =	ssyncset.done $0x0  }
0xf7: {  	s1 =	rddreg [dreg:$0x8];
	[sflag:s18] =	ssyncadd.s32 $0xFFFFC000  }
0xf8: {  	[tilespmem:s15], [sflag:$0x1] =	stream.indirect.gather [hbm4b:s0+s14], $0x80, s1, s14, $0xb8;
	[tilespmem:$0x1E580] =	vst v63  }
0xf9: {  	_ =	swait.ge [sflag:s20], $0x4000  }
0xfa: {  	[sflag:s20] =	ssyncset.done $0x0  }
0xfb: {  	s1 =	simm.s32 $0x880;
	[sflag:s20] =	ssyncadd.s32 $0xFFFFC000  }
0xfc: {  	[spmem:s3] =	stream.indirect.scatter.add.f32 [tilespmem:s16], [sflag:$0x4], $0x80, s1, s14, $0xb8;
	[tilespmem:$0x1E580] =	vst v63  }
0xfd: {  	_ = 	snop  }
0xfe: {  	[spmem:s4] =	stream.indirect.scatter.add.f32 [tilespmem:s17], [sflag:$0x6], $0x1, s1, s14, $0xb8;
	[tilespmem:$0x1E580] =	vst v63  }
0xff: {  	_ =	swait.ge [sflag:s25], $0x4000  }
0x100: {  	[sflag:s25] =	ssyncset.done $0x0  }
0x101: {  	s5 =	rddreg [dreg:$0x9];
	[sflag:s25] =	ssyncadd.s32 $0xFFFFC000  }
0x102: {  	[tilespmem:s16], [sflag:$0x2] =	stream.indirect.gather [hbm4b:s0+s14], $0x80, s5, s14, $0xb8;
	[tilespmem:$0x1E580] =	vst v63  }
0x103: {  	_ =	swait.ge [sflag:s11], $0x4000  }
0x104: {  	[sflag:s11] =	ssyncset.done $0x0  }
0x105: {  	s24 =	simm.s32 $0x900;
	[sflag:s11] =	ssyncadd.s32 $0xFFFFC000  }
0x106: {  	[spmem:s3] =	stream.indirect.scatter.add.f32 [tilespmem:s15], [sflag:$0x3], $0x80, s24, s14, $0xb8;
	[tilespmem:$0x1E580] =	vst v63  }
0x107: {  	_ =	swait.ge [sflag:s28], $0x80  }
0x108: {  	[sflag:s28] =	ssyncset.done $0x0  }
0x109: {  	[sflag:s28] =	ssyncadd.s32 $0xFFFFFF80  }
0x10a: {  	[spmem:s4] =	stream.indirect.scatter.add.f32 [tilespmem:s17], [sflag:$0x5], $0x1, s24, s14, $0xb8;
	[tilespmem:$0x1E580] =	vst v63  }
0x10b: {  	_ =	swait.ge [sflag:s18], $0x4000  }
0x10c: {  	[sflag:s18] =	ssyncset.done $0x0  }
0x10d: {  	s26 =	rddreg [dreg:$0xa];
	[sflag:s18] =	ssyncadd.s32 $0xFFFFC000  }
0x10e: {  	[tilespmem:s15], [sflag:$0x1] =	stream.indirect.gather [hbm4b:s0+s14], $0x80, s26, s14, $0xb8;
	[tilespmem:$0x1E580] =	vst v63  }
0x10f: {  	_ =	swait.ge [sflag:s20], $0x4000  }
0x110: {  	[sflag:s20] =	ssyncset.done $0x0  }
0x111: {  	s29 =	simm.s32 $0x980;
	[sflag:s20] =	ssyncadd.s32 $0xFFFFC000  }
0x112: {  	[spmem:s3] =	stream.indirect.scatter.add.f32 [tilespmem:s16], [sflag:$0x4], $0x80, s29, s14, $0xb8;
	[tilespmem:$0x1E580] =	vst v63  }
0x113: {  	_ =	swait.ge [sflag:s30], $0x80  }
0x114: {  	[sflag:s30] =	ssyncset.done $0x0  }
0x115: {  	[sflag:s30] =	ssyncadd.s32 $0xFFFFFF80  }
0x116: {  	[spmem:s4] =	stream.indirect.scatter.add.f32 [tilespmem:s17], [sflag:$0x6], $0x1, s29, s14, $0xb8;
	[tilespmem:$0x1E580] =	vst v63  }
0x117: {  	_ =	swait.ge [sflag:s25], $0x4000  }
0x118: {  	[sflag:s25] =	ssyncset.done $0x0  }
0x119: {  	s5 =	rddreg [dreg:$0xb];
	[sflag:s25] =	ssyncadd.s32 $0xFFFFC000  }
0x11a: {  	[tilespmem:s16], [sflag:$0x2] =	stream.indirect.gather [hbm4b:s0+s14], $0x80, s5, s14, $0xb8;
	[tilespmem:$0x1E580] =	vst v63  }
0x11b: {  	_ =	swait.ge [sflag:s11], $0x4000  }
0x11c: {  	[sflag:s11] =	ssyncset.done $0x0  }
0x11d: {  	[sflag:s11] =	ssyncadd.s32 $0xFFFFC000  }
0x11e: {  	[spmem:s3] =	stream.indirect.scatter.add.f32 [tilespmem:s15], [sflag:$0x3], $0x80, s7, s14, $0xb8;
	[tilespmem:$0x1E580] =	vst v63  }
0x11f: {  	_ =	swait.ge [sflag:s28], $0x80  }
0x120: {  	[sflag:s28] =	ssyncset.done $0x0  }
0x121: {  	[sflag:s28] =	ssyncadd.s32 $0xFFFFFF80  }
0x122: {  	[spmem:s4] =	stream.indirect.scatter.add.f32 [tilespmem:s17], [sflag:$0x5], $0x1, s7, s14, $0xb8;
	[tilespmem:$0x1E580] =	vst v63  }
0x123: {  	_ =	swait.ge [sflag:s18], $0x4000  }
0x124: {  	[sflag:s18] =	ssyncset.done $0x0  }
0x125: {  	s26 =	rddreg [dreg:$0xc];
	[sflag:s18] =	ssyncadd.s32 $0xFFFFC000  }
0x126: {  	[tilespmem:s15], [sflag:$0x1] =	stream.indirect.gather [hbm4b:s0+s14], $0x80, s26, s14, $0xb8;
	[tilespmem:$0x1E580] =	vst v63  }
0x127: {  	_ =	swait.ge [sflag:s20], $0x4000  }
0x128: {  	[sflag:s20] =	ssyncset.done $0x0  }
0x129: {  	[sflag:s20] =	ssyncadd.s32 $0xFFFFC000  }
0x12a: {  	[spmem:s3] =	stream.indirect.scatter.add.f32 [tilespmem:s16], [sflag:$0x4], $0x80, s9, s14, $0xb8;
	[tilespmem:$0x1E580] =	vst v63  }
0x12b: {  	_ =	swait.ge [sflag:s30], $0x80  }
0x12c: {  	[sflag:s30] =	ssyncset.done $0x0  }
0x12d: {  	[sflag:s30] =	ssyncadd.s32 $0xFFFFFF80  }
0x12e: {  	[spmem:s4] =	stream.indirect.scatter.add.f32 [tilespmem:s17], [sflag:$0x6], $0x1, s9, s14, $0xb8;
	[tilespmem:$0x1E580] =	vst v63  }
0x12f: {  	_ =	swait.ge [sflag:s25], $0x4000  }
0x130: {  	[sflag:s25] =	ssyncset.done $0x0  }
0x131: {  	s29 =	rddreg [dreg:$0xd];
	[sflag:s25] =	ssyncadd.s32 $0xFFFFC000  }
0x132: {  	[tilespmem:s16], [sflag:$0x2] =	stream.indirect.gather [hbm4b:s0+s14], $0x80, s29, s14, $0xb8;
	[tilespmem:$0x1E580] =	vst v63  }
0x133: {  	_ =	swait.ge [sflag:s11], $0x4000  }
0x134: {  	[sflag:s11] =	ssyncset.done $0x0  }
0x135: {  	[sflag:s11] =	ssyncadd.s32 $0xFFFFC000  }
0x136: {  	[spmem:s3] =	stream.indirect.scatter.add.f32 [tilespmem:s15], [sflag:$0x3], $0x80, s10, s14, $0xb8;
	[tilespmem:$0x1E580] =	vst v63  }
0x137: {  	_ =	swait.ge [sflag:s28], $0x80  }
0x138: {  	[sflag:s28] =	ssyncset.done $0x0  }
0x139: {  	[sflag:s28] =	ssyncadd.s32 $0xFFFFFF80  }
0x13a: {  	[spmem:s4] =	stream.indirect.scatter.add.f32 [tilespmem:s17], [sflag:$0x5], $0x1, s10, s14, $0xb8;
	[tilespmem:$0x1E580] =	vst v63  }
0x13b: {  	_ =	swait.ge [sflag:s18], $0x4000  }
0x13c: {  	[sflag:s18] =	ssyncset.done $0x0  }
0x13d: {  	s1 =	rddreg [dreg:$0xe];
	[sflag:s18] =	ssyncadd.s32 $0xFFFFC000  }
0x13e: {  	[tilespmem:s15], [sflag:$0x1] =	stream.indirect.gather [hbm4b:s0+s14], $0x80, s1, s14, $0xb8;
	[tilespmem:$0x1E580] =	vst v63  }
0x13f: {  	_ =	swait.ge [sflag:s20], $0x4000  }
0x140: {  	[sflag:s20] =	ssyncset.done $0x0  }
0x141: {  	[sflag:s20] =	ssyncadd.s32 $0xFFFFC000  }
0x142: {  	[spmem:s3] =	stream.indirect.scatter.add.f32 [tilespmem:s16], [sflag:$0x4], $0x80, s19, s14, $0xb8;
	[tilespmem:$0x1E580] =	vst v63  }
0x143: {  	_ =	swait.ge [sflag:s30], $0x80  }
0x144: {  	[sflag:s30] =	ssyncset.done $0x0  }
0x145: {  	[sflag:s30] =	ssyncadd.s32 $0xFFFFFF80  }
0x146: {  	[spmem:s4] =	stream.indirect.scatter.add.f32 [tilespmem:s17], [sflag:$0x6], $0x1, s19, s14, $0xb8;
	[tilespmem:$0x1E580] =	vst v63  }
0x147: {  	_ =	swait.ge [sflag:s25], $0x4000  }
0x148: {  	[sflag:s25] =	ssyncset.done $0x0  }
0x149: {  	s5 =	rddreg [dreg:$0xf];
	[sflag:s25] =	ssyncadd.s32 $0xFFFFC000  }
0x14a: {  	[tilespmem:s16], [sflag:$0x2] =	stream.indirect.gather [hbm4b:s0+s14], $0x80, s5, s14, $0xb8;
	[tilespmem:$0x1E580] =	vst v63  }
0x14b: {  	_ =	swait.ge [sflag:s11], $0x4000  }
0x14c: {  	[sflag:s11] =	ssyncset.done $0x0  }
0x14d: {  	[sflag:s11] =	ssyncadd.s32 $0xFFFFC000  }
0x14e: {  	[spmem:s3] =	stream.indirect.scatter.add.f32 [tilespmem:s15], [sflag:$0x3], $0x80, s21, s14, $0xb8;
	[tilespmem:$0x1E580] =	vst v63  }
0x14f: {  	_ =	swait.ge [sflag:s28], $0x80  }
0x150: {  	[sflag:s28] =	ssyncset.done $0x0  }
0x151: {  	[sflag:s28] =	ssyncadd.s32 $0xFFFFFF80  }
0x152: {  	[spmem:s4] =	stream.indirect.scatter.add.f32 [tilespmem:s17], [sflag:$0x5], $0x1, s21, s14, $0xb8;
	[tilespmem:$0x1E580] =	vst v63  }
0x153: {  	_ =	swait.ge [sflag:s18], $0x4000  }
0x154: {  	[sflag:s18] =	ssyncset.done $0x0  }
0x155: {  	s26 =	rddreg [dreg:$0x10];
	[sflag:s18] =	ssyncadd.s32 $0xFFFFC000  }
0x156: {  	[tilespmem:s15], [sflag:$0x1] =	stream.indirect.gather [hbm4b:s0+s14], $0x80, s26, s14, $0xb8;
	[tilespmem:$0x1E580] =	vst v63  }
0x157: {  	_ =	swait.ge [sflag:s20], $0x4000  }
0x158: {  	[sflag:s20] =	ssyncset.done $0x0  }
0x159: {  	[sflag:s20] =	ssyncadd.s32 $0xFFFFC000  }
0x15a: {  	[spmem:s3] =	stream.indirect.scatter.add.f32 [tilespmem:s16], [sflag:$0x4], $0x80, s22, s14, $0xb8;
	[tilespmem:$0x1E580] =	vst v63  }
0x15b: {  	_ =	swait.ge [sflag:s30], $0x80  }
0x15c: {  	[sflag:s30] =	ssyncset.done $0x0  }
0x15d: {  	[sflag:s30] =	ssyncadd.s32 $0xFFFFFF80  }
0x15e: {  	[spmem:s4] =	stream.indirect.scatter.add.f32 [tilespmem:s17], [sflag:$0x6], $0x1, s22, s14, $0xb8;
	[tilespmem:$0x1E580] =	vst v63  }
0x15f: {  	_ =	swait.ge [sflag:s25], $0x4000  }
0x160: {  	[sflag:s25] =	ssyncset.done $0x0  }
0x161: {  	s29 =	rddreg [dreg:$0x11];
	[sflag:s25] =	ssyncadd.s32 $0xFFFFC000  }
0x162: {  	[tilespmem:s16], [sflag:$0x2] =	stream.indirect.gather [hbm4b:s0+s14], $0x80, s29, s14, $0xb8;
	[tilespmem:$0x1E580] =	vst v63  }
0x163: {  	_ =	swait.ge [sflag:s11], $0x4000  }
0x164: {  	[sflag:s11] =	ssyncset.done $0x0  }
0x165: {  	[sflag:s11] =	ssyncadd.s32 $0xFFFFC000  }
0x166: {  	[spmem:s3] =	stream.indirect.scatter.add.f32 [tilespmem:s15], [sflag:$0x3], $0x80, s23, s14, $0xb8;
	[tilespmem:$0x1E580] =	vst v63  }
0x167: {  	_ =	swait.ge [sflag:s28], $0x80  }
0x168: {  	[sflag:s28] =	ssyncset.done $0x0  }
0x169: {  	[sflag:s28] =	ssyncadd.s32 $0xFFFFFF80  }
0x16a: {  	[spmem:s4] =	stream.indirect.scatter.add.f32 [tilespmem:s17], [sflag:$0x5], $0x1, s23, s14, $0xb8;
	[tilespmem:$0x1E580] =	vst v63  }
0x16b: {  	_ =	swait.ge [sflag:s18], $0x4000  }
0x16c: {  	[sflag:s18] =	ssyncset.done $0x0  }
0x16d: {  	s1 =	rddreg [dreg:$0x12];
	[sflag:s18] =	ssyncadd.s32 $0xFFFFC000  }
0x16e: {  	[tilespmem:s15], [sflag:$0x1] =	stream.indirect.gather [hbm4b:s0+s14], $0x80, s1, s14, $0xb8;
	[tilespmem:$0x1E580] =	vst v63  }
0x16f: {  	_ =	swait.ge [sflag:s20], $0x4000  }
0x170: {  	[sflag:s20] =	ssyncset.done $0x0  }
0x171: {  	[sflag:s20] =	ssyncadd.s32 $0xFFFFC000  }
0x172: {  	[spmem:s3] =	stream.indirect.scatter.add.f32 [tilespmem:s16], [sflag:$0x4], $0x80, s6, s14, $0xb8;
	[tilespmem:$0x1E580] =	vst v63  }
0x173: {  	_ =	swait.ge [sflag:s30], $0x80  }
0x174: {  	[sflag:s30] =	ssyncset.done $0x0  }
0x175: {  	[sflag:s30] =	ssyncadd.s32 $0xFFFFFF80  }
0x176: {  	[spmem:s4] =	stream.indirect.scatter.add.f32 [tilespmem:s17], [sflag:$0x6], $0x1, s6, s14, $0xb8;
	[tilespmem:$0x1E580] =	vst v63  }
0x177: {  	_ =	swait.ge [sflag:s25], $0x4000  }
0x178: {  	[sflag:s25] =	ssyncset.done $0x0  }
0x179: {  	s5 =	rddreg [dreg:$0x13];
	[sflag:s25] =	ssyncadd.s32 $0xFFFFC000  }
0x17a: {  	[tilespmem:s16], [sflag:$0x2] =	stream.indirect.gather [hbm4b:s0+s14], $0x80, s5, s14, $0xb8;
	[tilespmem:$0x1E580] =	vst v63  }
0x17b: {  	_ =	swait.ge [sflag:s11], $0x4000  }
0x17c: {  	[sflag:s11] =	ssyncset.done $0x0  }
0x17d: {  	[sflag:s11] =	ssyncadd.s32 $0xFFFFC000  }
0x17e: {  	[spmem:s3] =	stream.indirect.scatter.add.f32 [tilespmem:s15], [sflag:$0x3], $0x80, s8, s14, $0xb8;
	[tilespmem:$0x1E580] =	vst v63  }
0x17f: {  	_ =	swait.ge [sflag:s28], $0x80  }
0x180: {  	[sflag:s28] =	ssyncset.done $0x0  }
0x181: {  	[sflag:s28] =	ssyncadd.s32 $0xFFFFFF80  }
0x182: {  	[spmem:s4] =	stream.indirect.scatter.add.f32 [tilespmem:s17], [sflag:$0x5], $0x1, s8, s14, $0xb8;
	[tilespmem:$0x1E580] =	vst v63  }
0x183: {  	_ =	swait.ge [sflag:s18], $0x4000  }
0x184: {  	[sflag:s18] =	ssyncset.done $0x0  }
0x185: {  	s26 =	rddreg [dreg:$0x14];
	[sflag:s18] =	ssyncadd.s32 $0xFFFFC000  }
0x186: {  	[tilespmem:s15], [sflag:$0x1] =	stream.indirect.gather [hbm4b:s0+s14], $0x80, s26, s14, $0xb8;
	[tilespmem:$0x1E580] =	vst v63  }
0x187: {  	_ =	swait.ge [sflag:s20], $0x4000  }
0x188: {  	[sflag:s20] =	ssyncset.done $0x0  }
0x189: {  	s5 =	simm.s32 $0xE80;
	[sflag:s20] =	ssyncadd.s32 $0xFFFFC000  }
0x18a: {  	[spmem:s3] =	stream.indirect.scatter.add.f32 [tilespmem:s16], [sflag:$0x4], $0x80, s5, s14, $0xb8;
	[tilespmem:$0x1E580] =	vst v63  }
0x18b: {  	_ =	swait.ge [sflag:s30], $0x80  }
0x18c: {  	[sflag:s30] =	ssyncset.done $0x0  }
0x18d: {  	[sflag:s30] =	ssyncadd.s32 $0xFFFFFF80  }
0x18e: {  	[spmem:s4] =	stream.indirect.scatter.add.f32 [tilespmem:s17], [sflag:$0x6], $0x1, s5, s14, $0xb8;
	[tilespmem:$0x1E580] =	vst v63  }
0x18f: {  	_ =	swait.ge [sflag:s25], $0x4000  }
0x190: {  	[sflag:s25] =	ssyncset.done $0x0  }
0x191: {  	s29 =	rddreg [dreg:$0x15];
	[sflag:s25] =	ssyncadd.s32 $0xFFFFC000  }
0x192: {  	[tilespmem:s16], [sflag:$0x2] =	stream.indirect.gather [hbm4b:s0+s14], $0x80, s29, s14, $0xb8;
	[tilespmem:$0x1E580] =	vst v63  }
0x193: {  	_ =	swait.ge [sflag:s11], $0x4000  }
0x194: {  	[sflag:s11] =	ssyncset.done $0x0  }
0x195: {  	[sflag:s11] =	ssyncadd.s32 $0xFFFFC000  }
0x196: {  	[spmem:s3] =	stream.indirect.scatter.add.f32 [tilespmem:s15], [sflag:$0x3], $0x80, s2, s14, $0xb8;
	[tilespmem:$0x1E580] =	vst v63  }
0x197: {  	_ =	swait.ge [sflag:s28], $0x80  }
0x198: {  	[sflag:s28] =	ssyncset.done $0x0  }
0x199: {  	[sflag:s28] =	ssyncadd.s32 $0xFFFFFF80  }
0x19a: {  	[spmem:s4] =	stream.indirect.scatter.add.f32 [tilespmem:s17], [sflag:$0x5], $0x1, s2, s14, $0xb8;
	[tilespmem:$0x1E580] =	vst v63  }
0x19b: {  	_ =	swait.ge [sflag:s20], $0x4000  }
0x19c: {  	[sflag:s20] =	ssyncset.done $0x0  }
0x19d: {  	s1 =	simm.s32 $0xF80;
	[sflag:s20] =	ssyncadd.s32 $0xFFFFC000  }
0x19e: {  	[spmem:s3] =	stream.indirect.scatter.add.f32 [tilespmem:s16], [sflag:$0x4], $0x80, s1, s14, $0xb8;
	[tilespmem:$0x1E580] =	vst v63  }
0x19f: {  	_ =	swait.ge [sflag:s30], $0x80  }
0x1a0: {  	[sflag:s30] =	ssyncset.done $0x0  }
0x1a1: {  	[sflag:s30] =	ssyncadd.s32 $0xFFFFFF80  }
0x1a2: {  	[spmem:s4] =	stream.indirect.scatter.add.f32 [tilespmem:s17], [sflag:$0x6], $0x1, s1, s14, $0xb8;
	[tilespmem:$0x1E580] =	vst v63  }
0x1a3: {  	_ =	swait.ge [sflag:s18], $0x4000  }
0x1a4: {  	[sflag:s18] =	ssyncset.done $0x0  }
0x1a5: {  	[sflag:s18] =	ssyncadd.s32 $0xFFFFC000  }
0x1a6: {  	_ =	swait.ge [sflag:s25], $0x4000  }
0x1a7: {  	[sflag:s25] =	ssyncset.done $0x0  }
0x1a8: {  	[sflag:s25] =	ssyncadd.s32 $0xFFFFC000  }
0x1a9: {  	_ =	swait.ge [sflag:s28], $0x80  }
0x1aa: {  	[sflag:s28] =	ssyncset.done $0x0  }
0x1ab: {  	[sflag:s28] =	ssyncadd.s32 $0xFFFFFF80  }
0x1ac: {  	s24 =	simm.s32 $0x100;
	_ =	swait.ge [sflag:s30], $0x80  }
.LBB2_4:
0x1ad: {  	s26 =	rddreg [dreg:$0x7];
	s29 =	smov.u32 s24;
	[sflag:s30] =	ssyncset.done $0x0  }
0x1ae: {  	s26 =	sadd.s32 s29, s26;
	[sflag:s30] =	ssyncadd.s32 $0xFFFFFF80  }
0x1af: {  	[tilespmem:s31], [sflag:$0x7] =	stream.linear.gather [hbm4b:s26+s31], $0x800, $0x38;
	[tilespmem:$0x1E580] =	vst v63  }
0x1b0: {  	_ =	swait.ge [sflag:s12], $0x800  }
0x1b1: {  	s26 =	rddreg [dreg:$0x6];
	[sflag:s12] =	ssyncset.done $0x0  }
0x1b2: {  	[sflag:s12] =	ssyncadd.s32 $0xFFFFF800;
	s26 =	sadd.s32 s29, s26  }
0x1b3: {  	[tilespmem:s13], [sflag:$0x7] =	stream.linear.gather [hbm4b:s26+s31], $0x800, $0x38;
	[tilespmem:$0x1E580] =	vst v63  }
0x1b4: {  	_ =	swait.ge [sflag:s12], $0x800  }
0x1b5: {  	[sflag:s12] =	ssyncset.done $0x0  }
0x1b6: {  	[sflag:s12] =	ssyncadd.s32 $0xFFFFF800  }
0x1b7: {  	[tilespmem:s15], [sflag:$0x1] =	stream.indirect.gather [hbm4b:s0+s14], $0x80, s31, s14, $0xb8;
	[tilespmem:$0x1E580] =	vst v63  }
0x1b8: {  	_ = 	snop  }
0x1b9: {  	[tilespmem:s16], [sflag:$0x2] =	stream.indirect.gather [hbm4b:s0+s14], $0x80, s14, s14, $0xb8;
	[tilespmem:$0x1E580] =	vst v63  }
0x1ba: {  	_ =	swait.ge [sflag:s11], $0x4000  }
0x1bb: {  	[sflag:s11] =	ssyncset.done $0x0  }
0x1bc: {  	[sflag:s11] =	ssyncadd.s32 $0xFFFFC000  }
0x1bd: {  	[spmem:s3] =	stream.indirect.scatter.add.f32 [tilespmem:s15], [sflag:$0x3], $0x80, s13, s14, $0xb8;
	[tilespmem:$0x1E580] =	vst v63  }
0x1be: {  	_ = 	snop  }
0x1bf: {  	[spmem:s4] =	stream.indirect.scatter.add.f32 [tilespmem:s17], [sflag:$0x5], $0x1, s13, s14, $0xb8;
	[tilespmem:$0x1E580] =	vst v63  }
0x1c0: {  	_ =	swait.ge [sflag:s18], $0x4000  }
0x1c1: {  	[sflag:s18] =	ssyncset.done $0x0  }
0x1c2: {  	s29 =	rddreg [dreg:$0x8];
	[sflag:s18] =	ssyncadd.s32 $0xFFFFC000  }
0x1c3: {  	[tilespmem:s15], [sflag:$0x1] =	stream.indirect.gather [hbm4b:s0+s14], $0x80, s29, s14, $0xb8;
	[tilespmem:$0x1E580] =	vst v63  }
0x1c4: {  	_ =	swait.ge [sflag:s20], $0x4000  }
0x1c5: {  	[sflag:s20] =	ssyncset.done $0x0  }
0x1c6: {  	s29 =	simm.s32 $0x880;
	[sflag:s20] =	ssyncadd.s32 $0xFFFFC000  }
0x1c7: {  	[spmem:s3] =	stream.indirect.scatter.add.f32 [tilespmem:s16], [sflag:$0x4], $0x80, s29, s14, $0xb8;
	[tilespmem:$0x1E580] =	vst v63  }
0x1c8: {  	_ = 	snop  }
0x1c9: {  	[spmem:s4] =	stream.indirect.scatter.add.f32 [tilespmem:s17], [sflag:$0x6], $0x1, s29, s14, $0xb8;
	[tilespmem:$0x1E580] =	vst v63  }
0x1ca: {  	_ =	swait.ge [sflag:s25], $0x4000  }
0x1cb: {  	[sflag:s25] =	ssyncset.done $0x0  }
0x1cc: {  	s29 =	rddreg [dreg:$0x9];
	[sflag:s25] =	ssyncadd.s32 $0xFFFFC000  }
0x1cd: {  	[tilespmem:s16], [sflag:$0x2] =	stream.indirect.gather [hbm4b:s0+s14], $0x80, s29, s14, $0xb8;
	[tilespmem:$0x1E580] =	vst v63  }
0x1ce: {  	_ =	swait.ge [sflag:s11], $0x4000  }
0x1cf: {  	[sflag:s11] =	ssyncset.done $0x0  }
0x1d0: {  	s29 =	simm.s32 $0x900;
	[sflag:s11] =	ssyncadd.s32 $0xFFFFC000  }
0x1d1: {  	[spmem:s3] =	stream.indirect.scatter.add.f32 [tilespmem:s15], [sflag:$0x3], $0x80, s29, s14, $0xb8;
	[tilespmem:$0x1E580] =	vst v63  }
0x1d2: {  	_ =	swait.ge [sflag:s28], $0x80  }
0x1d3: {  	[sflag:s28] =	ssyncset.done $0x0  }
0x1d4: {  	[sflag:s28] =	ssyncadd.s32 $0xFFFFFF80  }
0x1d5: {  	[spmem:s4] =	stream.indirect.scatter.add.f32 [tilespmem:s17], [sflag:$0x5], $0x1, s29, s14, $0xb8;
	[tilespmem:$0x1E580] =	vst v63  }
0x1d6: {  	_ =	swait.ge [sflag:s18], $0x4000  }
0x1d7: {  	[sflag:s18] =	ssyncset.done $0x0  }
0x1d8: {  	s29 =	rddreg [dreg:$0xa];
	[sflag:s18] =	ssyncadd.s32 $0xFFFFC000  }
0x1d9: {  	[tilespmem:s15], [sflag:$0x1] =	stream.indirect.gather [hbm4b:s0+s14], $0x80, s29, s14, $0xb8;
	[tilespmem:$0x1E580] =	vst v63  }
0x1da: {  	_ =	swait.ge [sflag:s20], $0x4000  }
0x1db: {  	[sflag:s20] =	ssyncset.done $0x0  }
0x1dc: {  	s29 =	simm.s32 $0x980;
	[sflag:s20] =	ssyncadd.s32 $0xFFFFC000  }
0x1dd: {  	[spmem:s3] =	stream.indirect.scatter.add.f32 [tilespmem:s16], [sflag:$0x4], $0x80, s29, s14, $0xb8;
	[tilespmem:$0x1E580] =	vst v63  }
0x1de: {  	_ =	swait.ge [sflag:s30], $0x80  }
0x1df: {  	[sflag:s30] =	ssyncset.done $0x0  }
0x1e0: {  	[sflag:s30] =	ssyncadd.s32 $0xFFFFFF80  }
0x1e1: {  	[spmem:s4] =	stream.indirect.scatter.add.f32 [tilespmem:s17], [sflag:$0x6], $0x1, s29, s14, $0xb8;
	[tilespmem:$0x1E580] =	vst v63  }
0x1e2: {  	_ =	swait.ge [sflag:s25], $0x4000  }
0x1e3: {  	[sflag:s25] =	ssyncset.done $0x0  }
0x1e4: {  	s29 =	rddreg [dreg:$0xb];
	[sflag:s25] =	ssyncadd.s32 $0xFFFFC000  }
0x1e5: {  	[tilespmem:s16], [sflag:$0x2] =	stream.indirect.gather [hbm4b:s0+s14], $0x80, s29, s14, $0xb8;
	[tilespmem:$0x1E580] =	vst v63  }
0x1e6: {  	_ =	swait.ge [sflag:s11], $0x4000  }
0x1e7: {  	[sflag:s11] =	ssyncset.done $0x0  }
0x1e8: {  	[sflag:s11] =	ssyncadd.s32 $0xFFFFC000  }
0x1e9: {  	[spmem:s3] =	stream.indirect.scatter.add.f32 [tilespmem:s15], [sflag:$0x3], $0x80, s7, s14, $0xb8;
	[tilespmem:$0x1E580] =	vst v63  }
0x1ea: {  	_ =	swait.ge [sflag:s28], $0x80  }
0x1eb: {  	[sflag:s28] =	ssyncset.done $0x0  }
0x1ec: {  	[sflag:s28] =	ssyncadd.s32 $0xFFFFFF80  }
0x1ed: {  	[spmem:s4] =	stream.indirect.scatter.add.f32 [tilespmem:s17], [sflag:$0x5], $0x1, s7, s14, $0xb8;
	[tilespmem:$0x1E580] =	vst v63  }
0x1ee: {  	_ =	swait.ge [sflag:s18], $0x4000  }
0x1ef: {  	[sflag:s18] =	ssyncset.done $0x0  }
0x1f0: {  	s29 =	rddreg [dreg:$0xc];
	[sflag:s18] =	ssyncadd.s32 $0xFFFFC000  }
0x1f1: {  	[tilespmem:s15], [sflag:$0x1] =	stream.indirect.gather [hbm4b:s0+s14], $0x80, s29, s14, $0xb8;
	[tilespmem:$0x1E580] =	vst v63  }
0x1f2: {  	_ =	swait.ge [sflag:s20], $0x4000  }
0x1f3: {  	[sflag:s20] =	ssyncset.done $0x0  }
0x1f4: {  	[sflag:s20] =	ssyncadd.s32 $0xFFFFC000  }
0x1f5: {  	[spmem:s3] =	stream.indirect.scatter.add.f32 [tilespmem:s16], [sflag:$0x4], $0x80, s9, s14, $0xb8;
	[tilespmem:$0x1E580] =	vst v63  }
0x1f6: {  	_ =	swait.ge [sflag:s30], $0x80  }
0x1f7: {  	[sflag:s30] =	ssyncset.done $0x0  }
0x1f8: {  	[sflag:s30] =	ssyncadd.s32 $0xFFFFFF80  }
0x1f9: {  	[spmem:s4] =	stream.indirect.scatter.add.f32 [tilespmem:s17], [sflag:$0x6], $0x1, s9, s14, $0xb8;
	[tilespmem:$0x1E580] =	vst v63  }
0x1fa: {  	_ =	swait.ge [sflag:s25], $0x4000  }
0x1fb: {  	[sflag:s25] =	ssyncset.done $0x0  }
0x1fc: {  	s29 =	rddreg [dreg:$0xd];
	[sflag:s25] =	ssyncadd.s32 $0xFFFFC000  }
0x1fd: {  	[tilespmem:s16], [sflag:$0x2] =	stream.indirect.gather [hbm4b:s0+s14], $0x80, s29, s14, $0xb8;
	[tilespmem:$0x1E580] =	vst v63  }
0x1fe: {  	_ =	swait.ge [sflag:s11], $0x4000  }
0x1ff: {  	[sflag:s11] =	ssyncset.done $0x0  }
0x200: {  	[sflag:s11] =	ssyncadd.s32 $0xFFFFC000  }
0x201: {  	[spmem:s3] =	stream.indirect.scatter.add.f32 [tilespmem:s15], [sflag:$0x3], $0x80, s10, s14, $0xb8;
	[tilespmem:$0x1E580] =	vst v63  }
0x202: {  	_ =	swait.ge [sflag:s28], $0x80  }
0x203: {  	[sflag:s28] =	ssyncset.done $0x0  }
0x204: {  	[sflag:s28] =	ssyncadd.s32 $0xFFFFFF80  }
0x205: {  	[spmem:s4] =	stream.indirect.scatter.add.f32 [tilespmem:s17], [sflag:$0x5], $0x1, s10, s14, $0xb8;
	[tilespmem:$0x1E580] =	vst v63  }
0x206: {  	_ =	swait.ge [sflag:s18], $0x4000  }
0x207: {  	[sflag:s18] =	ssyncset.done $0x0  }
0x208: {  	s29 =	rddreg [dreg:$0xe];
	[sflag:s18] =	ssyncadd.s32 $0xFFFFC000  }
0x209: {  	[tilespmem:s15], [sflag:$0x1] =	stream.indirect.gather [hbm4b:s0+s14], $0x80, s29, s14, $0xb8;
	[tilespmem:$0x1E580] =	vst v63  }
0x20a: {  	_ =	swait.ge [sflag:s20], $0x4000  }
0x20b: {  	[sflag:s20] =	ssyncset.done $0x0  }
0x20c: {  	[sflag:s20] =	ssyncadd.s32 $0xFFFFC000  }
0x20d: {  	[spmem:s3] =	stream.indirect.scatter.add.f32 [tilespmem:s16], [sflag:$0x4], $0x80, s19, s14, $0xb8;
	[tilespmem:$0x1E580] =	vst v63  }
0x20e: {  	_ =	swait.ge [sflag:s30], $0x80  }
0x20f: {  	[sflag:s30] =	ssyncset.done $0x0  }
0x210: {  	[sflag:s30] =	ssyncadd.s32 $0xFFFFFF80  }
0x211: {  	[spmem:s4] =	stream.indirect.scatter.add.f32 [tilespmem:s17], [sflag:$0x6], $0x1, s19, s14, $0xb8;
	[tilespmem:$0x1E580] =	vst v63  }
0x212: {  	_ =	swait.ge [sflag:s25], $0x4000  }
0x213: {  	[sflag:s25] =	ssyncset.done $0x0  }
0x214: {  	s29 =	rddreg [dreg:$0xf];
	[sflag:s25] =	ssyncadd.s32 $0xFFFFC000  }
0x215: {  	[tilespmem:s16], [sflag:$0x2] =	stream.indirect.gather [hbm4b:s0+s14], $0x80, s29, s14, $0xb8;
	[tilespmem:$0x1E580] =	vst v63  }
0x216: {  	_ =	swait.ge [sflag:s11], $0x4000  }
0x217: {  	[sflag:s11] =	ssyncset.done $0x0  }
0x218: {  	[sflag:s11] =	ssyncadd.s32 $0xFFFFC000  }
0x219: {  	[spmem:s3] =	stream.indirect.scatter.add.f32 [tilespmem:s15], [sflag:$0x3], $0x80, s21, s14, $0xb8;
	[tilespmem:$0x1E580] =	vst v63  }
0x21a: {  	_ =	swait.ge [sflag:s28], $0x80  }
0x21b: {  	[sflag:s28] =	ssyncset.done $0x0  }
0x21c: {  	[sflag:s28] =	ssyncadd.s32 $0xFFFFFF80  }
0x21d: {  	[spmem:s4] =	stream.indirect.scatter.add.f32 [tilespmem:s17], [sflag:$0x5], $0x1, s21, s14, $0xb8;
	[tilespmem:$0x1E580] =	vst v63  }
0x21e: {  	_ =	swait.ge [sflag:s18], $0x4000  }
0x21f: {  	[sflag:s18] =	ssyncset.done $0x0  }
0x220: {  	s29 =	rddreg [dreg:$0x10];
	[sflag:s18] =	ssyncadd.s32 $0xFFFFC000  }
0x221: {  	[tilespmem:s15], [sflag:$0x1] =	stream.indirect.gather [hbm4b:s0+s14], $0x80, s29, s14, $0xb8;
	[tilespmem:$0x1E580] =	vst v63  }
0x222: {  	_ =	swait.ge [sflag:s20], $0x4000  }
0x223: {  	[sflag:s20] =	ssyncset.done $0x0  }
0x224: {  	[sflag:s20] =	ssyncadd.s32 $0xFFFFC000  }
0x225: {  	[spmem:s3] =	stream.indirect.scatter.add.f32 [tilespmem:s16], [sflag:$0x4], $0x80, s22, s14, $0xb8;
	[tilespmem:$0x1E580] =	vst v63  }
0x226: {  	_ =	swait.ge [sflag:s30], $0x80  }
0x227: {  	[sflag:s30] =	ssyncset.done $0x0  }
0x228: {  	[sflag:s30] =	ssyncadd.s32 $0xFFFFFF80  }
0x229: {  	[spmem:s4] =	stream.indirect.scatter.add.f32 [tilespmem:s17], [sflag:$0x6], $0x1, s22, s14, $0xb8;
	[tilespmem:$0x1E580] =	vst v63  }
0x22a: {  	_ =	swait.ge [sflag:s25], $0x4000  }
0x22b: {  	[sflag:s25] =	ssyncset.done $0x0  }
0x22c: {  	s29 =	rddreg [dreg:$0x11];
	[sflag:s25] =	ssyncadd.s32 $0xFFFFC000  }
0x22d: {  	[tilespmem:s16], [sflag:$0x2] =	stream.indirect.gather [hbm4b:s0+s14], $0x80, s29, s14, $0xb8;
	[tilespmem:$0x1E580] =	vst v63  }
0x22e: {  	_ =	swait.ge [sflag:s11], $0x4000  }
0x22f: {  	[sflag:s11] =	ssyncset.done $0x0  }
0x230: {  	[sflag:s11] =	ssyncadd.s32 $0xFFFFC000  }
0x231: {  	[spmem:s3] =	stream.indirect.scatter.add.f32 [tilespmem:s15], [sflag:$0x3], $0x80, s23, s14, $0xb8;
	[tilespmem:$0x1E580] =	vst v63  }
0x232: {  	_ =	swait.ge [sflag:s28], $0x80  }
0x233: {  	[sflag:s28] =	ssyncset.done $0x0  }
0x234: {  	[sflag:s28] =	ssyncadd.s32 $0xFFFFFF80  }
0x235: {  	[spmem:s4] =	stream.indirect.scatter.add.f32 [tilespmem:s17], [sflag:$0x5], $0x1, s23, s14, $0xb8;
	[tilespmem:$0x1E580] =	vst v63  }
0x236: {  	_ =	swait.ge [sflag:s18], $0x4000  }
0x237: {  	[sflag:s18] =	ssyncset.done $0x0  }
0x238: {  	s29 =	rddreg [dreg:$0x12];
	[sflag:s18] =	ssyncadd.s32 $0xFFFFC000  }
0x239: {  	[tilespmem:s15], [sflag:$0x1] =	stream.indirect.gather [hbm4b:s0+s14], $0x80, s29, s14, $0xb8;
	[tilespmem:$0x1E580] =	vst v63  }
0x23a: {  	_ =	swait.ge [sflag:s20], $0x4000  }
0x23b: {  	[sflag:s20] =	ssyncset.done $0x0  }
0x23c: {  	[sflag:s20] =	ssyncadd.s32 $0xFFFFC000  }
0x23d: {  	[spmem:s3] =	stream.indirect.scatter.add.f32 [tilespmem:s16], [sflag:$0x4], $0x80, s6, s14, $0xb8;
	[tilespmem:$0x1E580] =	vst v63  }
0x23e: {  	_ =	swait.ge [sflag:s30], $0x80  }
0x23f: {  	[sflag:s30] =	ssyncset.done $0x0  }
0x240: {  	[sflag:s30] =	ssyncadd.s32 $0xFFFFFF80  }
0x241: {  	[spmem:s4] =	stream.indirect.scatter.add.f32 [tilespmem:s17], [sflag:$0x6], $0x1, s6, s14, $0xb8;
	[tilespmem:$0x1E580] =	vst v63  }
0x242: {  	_ =	swait.ge [sflag:s25], $0x4000  }
0x243: {  	[sflag:s25] =	ssyncset.done $0x0  }
0x244: {  	s29 =	rddreg [dreg:$0x13];
	[sflag:s25] =	ssyncadd.s32 $0xFFFFC000  }
0x245: {  	[tilespmem:s16], [sflag:$0x2] =	stream.indirect.gather [hbm4b:s0+s14], $0x80, s29, s14, $0xb8;
	[tilespmem:$0x1E580] =	vst v63  }
0x246: {  	_ =	swait.ge [sflag:s11], $0x4000  }
0x247: {  	[sflag:s11] =	ssyncset.done $0x0  }
0x248: {  	[sflag:s11] =	ssyncadd.s32 $0xFFFFC000  }
0x249: {  	[spmem:s3] =	stream.indirect.scatter.add.f32 [tilespmem:s15], [sflag:$0x3], $0x80, s8, s14, $0xb8;
	[tilespmem:$0x1E580] =	vst v63  }
0x24a: {  	_ =	swait.ge [sflag:s28], $0x80  }
0x24b: {  	[sflag:s28] =	ssyncset.done $0x0  }
0x24c: {  	[sflag:s28] =	ssyncadd.s32 $0xFFFFFF80  }
0x24d: {  	[spmem:s4] =	stream.indirect.scatter.add.f32 [tilespmem:s17], [sflag:$0x5], $0x1, s8, s14, $0xb8;
	[tilespmem:$0x1E580] =	vst v63  }
0x24e: {  	_ =	swait.ge [sflag:s18], $0x4000  }
0x24f: {  	[sflag:s18] =	ssyncset.done $0x0  }
0x250: {  	s29 =	rddreg [dreg:$0x14];
	[sflag:s18] =	ssyncadd.s32 $0xFFFFC000  }
0x251: {  	[tilespmem:s15], [sflag:$0x1] =	stream.indirect.gather [hbm4b:s0+s14], $0x80, s29, s14, $0xb8;
	[tilespmem:$0x1E580] =	vst v63  }
0x252: {  	_ =	swait.ge [sflag:s20], $0x4000  }
0x253: {  	[sflag:s20] =	ssyncset.done $0x0  }
0x254: {  	[sflag:s20] =	ssyncadd.s32 $0xFFFFC000  }
0x255: {  	[spmem:s3] =	stream.indirect.scatter.add.f32 [tilespmem:s16], [sflag:$0x4], $0x80, s5, s14, $0xb8;
	[tilespmem:$0x1E580] =	vst v63  }
0x256: {  	_ =	swait.ge [sflag:s30], $0x80  }
0x257: {  	[sflag:s30] =	ssyncset.done $0x0  }
0x258: {  	[sflag:s30] =	ssyncadd.s32 $0xFFFFFF80  }
0x259: {  	[spmem:s4] =	stream.indirect.scatter.add.f32 [tilespmem:s17], [sflag:$0x6], $0x1, s5, s14, $0xb8;
	[tilespmem:$0x1E580] =	vst v63  }
0x25a: {  	_ =	swait.ge [sflag:s25], $0x4000  }
0x25b: {  	[sflag:s25] =	ssyncset.done $0x0  }
0x25c: {  	s29 =	rddreg [dreg:$0x15];
	[sflag:s25] =	ssyncadd.s32 $0xFFFFC000  }
0x25d: {  	[tilespmem:s16], [sflag:$0x2] =	stream.indirect.gather [hbm4b:s0+s14], $0x80, s29, s14, $0xb8;
	[tilespmem:$0x1E580] =	vst v63  }
0x25e: {  	_ =	swait.ge [sflag:s11], $0x4000  }
0x25f: {  	[sflag:s11] =	ssyncset.done $0x0  }
0x260: {  	[sflag:s11] =	ssyncadd.s32 $0xFFFFC000  }
0x261: {  	[spmem:s3] =	stream.indirect.scatter.add.f32 [tilespmem:s15], [sflag:$0x3], $0x80, s2, s14, $0xb8;
	[tilespmem:$0x1E580] =	vst v63  }
0x262: {  	_ =	swait.ge [sflag:s28], $0x80  }
0x263: {  	[sflag:s28] =	ssyncset.done $0x0  }
0x264: {  	[sflag:s28] =	ssyncadd.s32 $0xFFFFFF80  }
0x265: {  	[spmem:s4] =	stream.indirect.scatter.add.f32 [tilespmem:s17], [sflag:$0x5], $0x1, s2, s14, $0xb8;
	[tilespmem:$0x1E580] =	vst v63  }
0x266: {  	_ =	swait.ge [sflag:s20], $0x4000  }
0x267: {  	[sflag:s20] =	ssyncset.done $0x0  }
0x268: {  	[sflag:s20] =	ssyncadd.s32 $0xFFFFC000  }
0x269: {  	[spmem:s3] =	stream.indirect.scatter.add.f32 [tilespmem:s16], [sflag:$0x4], $0x80, s1, s14, $0xb8;
	[tilespmem:$0x1E580] =	vst v63  }
0x26a: {  	_ =	swait.ge [sflag:s30], $0x80  }
0x26b: {  	[sflag:s30] =	ssyncset.done $0x0  }
0x26c: {  	[sflag:s30] =	ssyncadd.s32 $0xFFFFFF80  }
0x26d: {  	[spmem:s4] =	stream.indirect.scatter.add.f32 [tilespmem:s17], [sflag:$0x6], $0x1, s1, s14, $0xb8;
	[tilespmem:$0x1E580] =	vst v63  }
0x26e: {  	_ =	swait.ge [sflag:s18], $0x4000  }
0x26f: {  	[sflag:s18] =	ssyncset.done $0x0  }
0x270: {  	[sflag:s18] =	ssyncadd.s32 $0xFFFFC000  }
0x271: {  	_ =	swait.ge [sflag:s25], $0x4000  }
0x272: {  	p0 =	sne.s32 s24, $0x400;
	[sflag:s25] =	ssyncset.done $0x0  }
.Ltmp1:
0x273: {  	[sflag:s25] =	ssyncadd.s32 $0xFFFFC000;
	(pc) =	sbr.rel @p0 .LBB2_4-.Ltmp1, $4  }
0x274: {  	_ =	swait.ge [sflag:s28], $0x80  }
0x275: {  	[sflag:s28] =	ssyncset.done $0x0  }
0x276: {  	[sflag:s28] =	ssyncadd.s32 $0xFFFFFF80  }
0x277: {  	s24 =	sadd.s32 $0x100, s24;
	_ =	swait.ge [sflag:s30], $0x80  }
0x278: {  	[sflag:s30] =	ssyncset.done $0x0  }
0x279: {  	[sflag:s30] =	ssyncadd.s32 $0xFFFFFF80  }
0x27a: {  	[bflag:$0x0] =	sbarrier.arrive $0xFFFF  }
0x27b: {  	s29 =	rddreg [dreg:$0x16]  }
0x27c: {  	[tilespmem:s15], [sflag:$0x7] =	stream.linear.gather [spmem:s29], $0x4000, $0x38;
	[tilespmem:$0x1E580] =	vst v63  }
0x27d: {  	_ =	swait.ge [sflag:s12], $0x4000  }
0x27e: {  	[sflag:s12] =	ssyncset.done $0x0  }
0x27f: {  	s24 =	rddreg [dreg:$0x1d];
	[sflag:s12] =	ssyncadd.s32 $0xFFFFC000  }
0x280: {  	[hbm4b:s24+s31] =	stream.linear.scatter [tilespmem:s15], [sflag:$0x1], $0x4000, $0x38;
	[tilespmem:$0x1E580] =	vst v63  }
0x281: {  	s5 =	rddreg [dreg:$0x1a]  }
0x282: {  	[tilespmem:s16], [sflag:$0x7] =	stream.linear.gather [spmem:s5], $0x4000, $0x38;
	[tilespmem:$0x1E580] =	vst v63  }
0x283: {  	_ =	swait.ge [sflag:s12], $0x4000  }
0x284: {  	[sflag:s12] =	ssyncset.done $0x0;
	s26 =	rddreg [dreg:$0x1e]  }
0x285: {  	s1 =	sld [smem:$0x7EF];
	[sflag:s12] =	ssyncadd.s32 $0xFFFFC000  }
0x286: {  	[hbm4b:s26+s31] =	stream.linear.scatter [tilespmem:s16], [sflag:$0x2], $0x4000, $0x38;
	[tilespmem:$0x1E580] =	vst v63  }
0x287: {  	_ = 	snop  }
0x288: {  	[tilespmem:s15], [sflag:$0x7] =	stream.linear.gather [spmem:s1], $0x4000, $0x38;
	[tilespmem:$0x1E580] =	vst v63  }
0x289: {  	_ =	swait.ge [sflag:s12], $0x4000  }
0x28a: {  	[sflag:s12] =	ssyncset.done $0x0  }
0x28b: {  	[sflag:s12] =	ssyncadd.s32 $0xFFFFC000  }
0x28c: {  	_ =	swait.ge [sflag:s11], $0x4000  }
0x28d: {  	[sflag:s11] =	ssyncset.done $0x0;
	s5 =	rddreg [dreg:$0x1f]  }
0x28e: {  	s26 =	sld [smem:$0x7F1];
	[sflag:s11] =	ssyncadd.s32 $0xFFFFC000  }
0x28f: {  	[hbm4b:s5+s31] =	stream.linear.scatter [tilespmem:s15], [sflag:$0x1], $0x4000, $0x38;
	[tilespmem:$0x1E580] =	vst v63  }
0x290: {  	_ = 	snop  }
0x291: {  	[tilespmem:s16], [sflag:$0x7] =	stream.linear.gather [spmem:s26], $0x4000, $0x38;
	[tilespmem:$0x1E580] =	vst v63  }
0x292: {  	_ =	swait.ge [sflag:s12], $0x4000  }
0x293: {  	[sflag:s12] =	ssyncset.done $0x0  }
0x294: {  	[sflag:s12] =	ssyncadd.s32 $0xFFFFC000  }
0x295: {  	_ =	swait.ge [sflag:s20], $0x4000  }
0x296: {  	s1 =	sld [smem:$0x7EC]  }
0x297: {  	[sflag:s20] =	ssyncset.done $0x0  }
0x298: {  	s5 =	sld [smem:$0x7F2];
	[sflag:s20] =	ssyncadd.s32 $0xFFFFC000  }
0x299: {  	[hbm4b:s1+s31] =	stream.linear.scatter [tilespmem:s16], [sflag:$0x2], $0x4000, $0x38;
	[tilespmem:$0x1E580] =	vst v63  }
0x29a: {  	_ = 	snop  }
0x29b: {  	[tilespmem:s15], [sflag:$0x7] =	stream.linear.gather [spmem:s5], $0x4000, $0x38;
	[tilespmem:$0x1E580] =	vst v63  }
0x29c: {  	_ =	swait.ge [sflag:s12], $0x4000  }
0x29d: {  	[sflag:s12] =	ssyncset.done $0x0  }
0x29e: {  	[sflag:s12] =	ssyncadd.s32 $0xFFFFC000  }
0x29f: {  	_ =	swait.ge [sflag:s11], $0x4000  }
0x2a0: {  	s26 =	sld [smem:$0x7ED]  }
0x2a1: {  	[sflag:s11] =	ssyncset.done $0x0  }
0x2a2: {  	[sflag:s11] =	ssyncadd.s32 $0xFFFFC000  }
0x2a3: {  	[hbm4b:s26+s31] =	stream.linear.scatter [tilespmem:s15], [sflag:$0x1], $0x4000, $0x38;
	[tilespmem:$0x1E580] =	vst v63  }
0x2a4: {  	_ =	swait.ge [sflag:s11], $0x4000  }
0x2a5: {  	[sflag:s11] =	ssyncset.done $0x0  }
0x2a6: {  	[sflag:s11] =	ssyncadd.s32 $0xFFFFC000  }
0x2a7: {  	_ =	swait.ge [sflag:s20], $0x4000  }
0x2a8: {  	s1 =	sld [smem:$0x7F3]  }
0x2a9: {  	[sflag:s20] =	ssyncset.done $0x0  }
0x2aa: {  	s26 =	simm.s32 $0xA080;
	[sflag:s20] =	ssyncadd.s32 $0xFFFFC000  }
0x2ab: {  	[tilespmem:s26], [sflag:$0x7] =	stream.linear.gather [spmem:s1], $0x280, $0x38;
	[tilespmem:$0x1E580] =	vst v63  }
0x2ac: {  	_ =	swait.ge [sflag:s12], $0x280  }
0x2ad: {  	s5 =	sld [smem:$0x7F4]  }
0x2ae: {  	[sflag:s12] =	ssyncset.done $0x0  }
0x2af: {  	[sflag:s12] =	ssyncadd.s32 $0xFFFFFD80  }
0x2b0: {  	[hbm4b:s5+s31] =	stream.linear.scatter [tilespmem:s26], [sflag:$0x7], $0x280, $0x38;
	[tilespmem:$0x1E580] =	vst v63  }
0x2b1: {  	_ =	swait.ge [sflag:s12], $0x280  }
0x2b2: {  	s1 =	sld [smem:$0x7EB]  }
0x2b3: {  	s26 =	sld [smem:$0x7F5];
	_ =	sdelay $0x1  }
0x2b4: {  	s1 =	sadd.s32 $0x1, s1  }
0x2b5: {  	p0 =	sne.s32 s1, s26  }
.Ltmp2:
0x2b6: {  	_ = 	snop;
	(pc) =	sbr.rel @p0 .LBB2_1-.Ltmp2, $3  }
0x2b7: {  	_ =	sdelay $0x1  }
0x2b8: {  	[sflag:s12] =	ssyncset.done $0x0  }
0x2b9: {  	s5 =	simm.s32 $0x0;
	[sflag:s12] =	ssyncadd.s32 $0xFFFFFD80  }
0x2ba: {  	_ =	sfence.sel $0x180000  }
0x2bb: {  	[bflag:$0x0] =	sbarrier.arrive $0xFFFF  }
0x2bc: {  	_ =	strace $0x90000047  }
0x2bd: {  	s0 =	stileid.u32;
	[bflag:$0x2] =	sbarrier.arrive $0xFFFF  }
0x2be: {  	p0 =	sne.s32 s0, $0x0;
	s0 =	rddreg [dreg:$0x5]  }
0x2bf: {  	s0 =	sadd.s32 @!p0 $0x100000, s0  }
0x2c0: {  	[sflag:s0] =	ssyncadd.tile.s32 @!p0 $0x1;
	_ =	shalt  }
.Lfunc_end2:
_tile_overlayer_lowered:
.L_overlay_start_2:
0x2c1: {  	(tag) =	ssettag $0x2  }
0x2c2: {  	s0 =	rddreg [dreg:$0x0];
	s2 =	stileid.u32  }
0x2c3: {  	s1 =	rddreg [dreg:$0x1];
	p0 =	sne.s32 s2, $0x0  }
0x2c4: {  	s3 =	rddreg [dreg:$0x2];
	[bflag:$0x3] =	sbarrier.arrive $0xFFFF;
	s2 =	simm.s32 @!p0 $0x1C07  }
0x2c5: {  	[timem:s3], [sflag:s2] =	dma.local @!p0 [hbm:s0], s1  }
0x2c6: {  	s0 =	simm.s32 @!p0 $0x7  }
0x2c7: {  	_ =	swait.ge @!p0 [sflag:s0], s1  }
0x2c8: {  	s1 =	ssub.s32 @!p0 $0x0, s1;
	[sflag:s0] =	ssyncset.done @!p0 $0x0  }
0x2c9: {  	[sflag:s0] =	ssyncadd.s32 @!p0 s1  }
0x2ca: {  	[bflag:$0x3] =	sbarrier.arrive $0xFFFF  }
0x2cb: {  	_ =	shalt  }

// kernel: sage_sc_agg.7.cloned.1.call-start
scs
__scs_entry_jumppad:
0x0: {  	(pc) =	sbr.rel $0x88, $3  }
0x1: {  	(tag) =	ssettag $0x0;
	lr =	simm.s32 $0x1  }
0x2: {  	[smem:$0x3F99] =	sst lr;
	_ =	strace $0xD0000000  }
0x3: {  	_ = 	snop  }
0x4: {  	_ = 	snop  }
0x5: {  	_ = 	snop  }
0x6: {  	_ = 	snop  }
0x7: {  	_ = 	snop  }
__scs_overlays_trampoline_lowered:
0x8: {  	[smem:$0x3FA8] =	sst s0  }
0x9: {  	[smem:$0x3FA9] =	sst s1  }
0xa: {  	[smem:$0x3FAA] =	sst s2  }
0xb: {  	[smem:$0x3FAB] =	sst s3  }
0xc: {  	[smem:$0x3FAC] =	sst s4  }
0xd: {  	[smem:$0x3FAD] =	sst s5  }
0xe: {  	[smem:$0x3FAE] =	sst s6  }
0xf: {  	[smem:$0x3FAF] =	sst s7  }
0x10: {  	[smem:$0x3FB0] =	sst s8  }
0x11: {  	[smem:$0x3FB1] =	sst s9;
	s0 =	simm.s32 @!p0 $0x0  }
0x12: {  	s1 =	sld [smem:$0x3F97];
	s0 =	simm.s32 @p0 $0x1  }
0x13: {  	[smem:$0x3FB2] =	sst s0;
	s0 =	simm.s32 @!p1 $0x0  }
0x14: {  	s2 =	sld [smem:$0x3F96];
	s0 =	simm.s32 @p1 $0x1  }
0x15: {  	[smem:$0x3FB3] =	sst s0;
	s0 =	simm.s32 @!p2 $0x0  }
0x16: {  	s3 =	sld [smem:$0x3FDB];
	s0 =	simm.s32 @p2 $0x1  }
0x17: {  	s4 =	simm.s32 $0x1BF5;
	[smem:$0x3FB5] =	sst s0  }
0x18: {  	s0 =	sld [smem:$0x3F98];
	_ =	swait.ge [sflag:s4], $0x0  }
0x19: {  	s7 =	sld [smem:$0x3F99]  }
0x1a: {  	s8 =	sadd.s32 $0xFFFFE003, lr  }
0x1b: {  	s9 =	sadd.s32 $0xFFFFFEF7, lr;
	s5 =	simm.s32 $0xFFFFFFFF;
	p2 =	slt.u32 s8, $0xFFFFF086  }
0x1c: {  	p1 =	slt.u32 s9, $0xF7A;
	s5 =	simm.s32 @!p2 $0x0  }
0x1d: {  	s5 =	simm.s32 @p1 $0x1;
	p0 =	seq.s32 s7, s2  }
0x1e: {  	s7 =	smul.u32 @!p0 $0xF7A, s2;
	p2 =	seq.s32 @!p0 s5, $0x0  }
0x1f: {  	s9 =	smul.u32 $0xF7A, s1;
	s8 =	simm.s32 @!p0 $0x1BF5;
	p2 =	por !p2, p0  }
0x20: {  	[sflag:s8] =	ssyncset.s32 @!p0 $0xFFFFF086;
	s6 =	sadd.s32 @!p0 s3, s7;
	s7 =	simm.s32 @!p0 $0x108  }
0x21: {  	s3 =	sadd.s32 s3, s9;
	s6 =	sadd.s32 @!p0 $0x88, s6;
	s7 =	simm.s32 @p2 $0x1082  }
0x22: {  	[simem:s7], [sflag:s8] =	dma.local @!p0 [hbm:s6], $0xF7A  }
0x23: {  	s9 =	sor.u32 $0xD0000000, s2;
	s6 =	simm.s32 $0x108;
	_ =	swait.ge @!p0 [sflag:s8], $0x0  }
0x24: {  	s3 =	sadd.s32 $0x88, s3;
	s6 =	simm.s32 @!p1 $0x1082;
	[sflag:s4] =	ssyncset.s32 $0xFFFFF086  }
0x25: {  	[simem:s6], [sflag:s4] =	dma.local [hbm:s3], $0xF7A  }
0x26: {  	[smem:$0x3F99] =	sst s1;
	(tag) =	ssettag s2;
	_ =	strace s9  }
0x27: {  	s1 =	sld [smem:$0x3FA9]  }
0x28: {  	s2 =	sld [smem:$0x3FAA]  }
0x29: {  	s4 =	sld [smem:$0x3FAC]  }
0x2a: {  	p0 =	seq.s32 s5, $0x0;
	s5 =	sld [smem:$0x3FAD]  }
0x2b: {  	s6 =	sld [smem:$0x3FAE]  }
0x2c: {  	s7 =	sld [smem:$0x3FAF]  }
0x2d: {  	s3 =	simm.s32 $0x108;
	s8 =	sld [smem:$0x3FB0]  }
0x2e: {  	s3 =	simm.s32 @!p0 $0x1082;
	s9 =	sld [smem:$0x3FB1]  }
0x2f: {  	lr =	sadd.s32 s0, s3;
	s0 =	sld [smem:$0x3FA8]  }
0x30: {  	s3 =	sld [smem:$0x3FAB]  }
0x31: {  	[smem:$0x3FB4] =	sst s10  }
0x32: {  	s10 =	sld [smem:$0x3FB2];
	_ =	sdelay $0x3  }
0x33: {  	p0 =	seq.s32 s10, $0x1;
	s10 =	sld [smem:$0x3FB4];
	_ =	sdelay $0x3  }
0x34: {  	[smem:$0x3FB4] =	sst s10  }
0x35: {  	s10 =	sld [smem:$0x3FB3];
	_ =	sdelay $0x3  }
0x36: {  	p1 =	seq.s32 s10, $0x1;
	s10 =	sld [smem:$0x3FB4];
	_ =	sdelay $0x3  }
0x37: {  	[smem:$0x3FB4] =	sst s10  }
0x38: {  	s10 =	sld [smem:$0x3FB5]  }
0x39: {  	_ = 	snop;
	(pc) =	sbr.ind lr, $3  }
0x3a: {  	_ = 	snop  }
0x3b: {  	_ = 	snop  }
0x3c: {  	p2 =	seq.s32 s10, $0x1;
	s10 =	sld [smem:$0x3FB4]  }
0x3d: {  	_ =	shalt  }
0x3e: {  	_ =	shalt  }
0x3f: {  	_ =	shalt  }
0x40: {  	_ =	shalt  }
0x41: {  	_ =	shalt  }
0x42: {  	_ =	shalt  }
0x43: {  	_ =	shalt  }
0x44: {  	_ =	shalt  }
0x45: {  	_ =	shalt  }
0x46: {  	_ =	shalt  }
0x47: {  	_ =	shalt  }
0x48: {  	_ =	shalt  }
0x49: {  	_ =	shalt  }
0x4a: {  	_ =	shalt  }
0x4b: {  	_ =	shalt  }
0x4c: {  	_ =	shalt  }
0x4d: {  	_ =	shalt  }
0x4e: {  	_ =	shalt  }
0x4f: {  	_ =	shalt  }
0x50: {  	_ =	shalt  }
0x51: {  	_ =	shalt  }
0x52: {  	_ =	shalt  }
0x53: {  	_ =	shalt  }
0x54: {  	_ =	shalt  }
0x55: {  	_ =	shalt  }
0x56: {  	_ =	shalt  }
0x57: {  	_ =	shalt  }
0x58: {  	_ =	shalt  }
0x59: {  	_ =	shalt  }
0x5a: {  	_ =	shalt  }
0x5b: {  	_ =	shalt  }
0x5c: {  	_ =	shalt  }
0x5d: {  	_ =	shalt  }
0x5e: {  	_ =	shalt  }
0x5f: {  	_ =	shalt  }
0x60: {  	_ =	shalt  }
0x61: {  	_ =	shalt  }
0x62: {  	_ =	shalt  }
0x63: {  	_ =	shalt  }
0x64: {  	_ =	shalt  }
0x65: {  	_ =	shalt  }
0x66: {  	_ =	shalt  }
0x67: {  	_ =	shalt  }
0x68: {  	_ =	shalt  }
0x69: {  	_ =	shalt  }
0x6a: {  	_ =	shalt  }
0x6b: {  	_ =	shalt  }
0x6c: {  	_ =	shalt  }
0x6d: {  	_ =	shalt  }
0x6e: {  	_ =	shalt  }
0x6f: {  	_ =	shalt  }
0x70: {  	_ =	shalt  }
0x71: {  	_ =	shalt  }
0x72: {  	_ =	shalt  }
0x73: {  	_ =	shalt  }
0x74: {  	_ =	shalt  }
0x75: {  	_ =	shalt  }
0x76: {  	_ =	shalt  }
0x77: {  	_ =	shalt  }
0x78: {  	_ =	shalt  }
0x79: {  	_ =	shalt  }
0x7a: {  	_ =	shalt  }
0x7b: {  	_ =	shalt  }
0x7c: {  	_ =	shalt  }
0x7d: {  	_ =	shalt  }
0x7e: {  	_ =	shalt  }
0x7f: {  	_ =	shalt  }
0x80: {  	_ =	shalt  }
0x81: {  	_ =	shalt  }
0x82: {  	_ =	shalt  }
0x83: {  	_ =	shalt  }
0x84: {  	_ =	shalt  }
0x85: {  	_ =	shalt  }
0x86: {  	_ =	shalt  }
0x87: {  	_ =	shalt  }
.Lfunc_end0:
.L_simem_size_0:
called_computation.1_lowered:
.L_overlay_start_0:
0x88: {  	s2 =	sld [smem:$0x3FD9]  }
0x89: {  	s3 =	sld [smem:$0x3FFE];
	_ =	sdelay $0x1  }
0x8a: {  	s1 =	srdreg.scid  }
0x8b: {  	s0 =	sand.u32 $0x1, s1  }
0x8c: {  	s17 =	sshll.u32 s0, $0xA;
	s2 =	sadd.s32 s3, s2  }
0x8d: {  	s2 =	sadd.s32 s2, s17  }
0x8e: {  	[smem:$0x3FC0] =	sst s2  }
0x8f: {  	_ = 	snop  }
0x90: {  	s2 =	sld [smem:$0x3FD0];
	(tm) =	ssettm $0x1  }
0x91: {  	s18 =	sld [smem:$0x3FFB];
	_ =	sdelay $0x3  }
0x92: {  	_ =	strace s18  }
0x93: {  	s3 =	sld [smem:$0x3FFC];
	_ =	sdelay $0x3  }
0x94: {  	_ =	strace s3  }
0x95: {  	s3 =	sld [smem:$0x3FFD];
	_ =	sdelay $0x3  }
0x96: {  	_ =	strace s3  }
0x97: {  	_ =	strace $0x8FFFFFFF  }
0x98: {  	s19 =	sld [smem:$0x3FDB];
	_ =	sdelay $0x1  }
0x99: {  	s4 =	simm.s32 $_scs_section_size  }
0x9a: {  	s5 =	simm.s32 $_size__tile_overlayer_lowered;
	s6 =	simm.s32 $_tile_overlayer_lowered  }
0x9b: {  	s22 =	simm.s32 $0x1BFF;
	s21 =	sshll.u32 s6, $0x1;
	s3 =	sadd.s32 s4, s19  }
0x9c: {  	s7 =	simm.s32 $0x0;
	s20 =	sshll.u32 s5, $0x1;
	s5 =	sadd.s32 s21, s3  }
0x9d: {  	[timem:s7], [sflag:s22] =	dma.local [hbm:s5], s20  }
0x9e: {  	_ =	swait.ge [sflag:s22], s20  }
0x9f: {  	s4 =	ssub.s32 $0x0, s20;
	[sflag:s22] =	ssyncset.done $0x0  }
0xa0: {  	[sflag:s22] =	ssyncadd.s32 s4;
	_ =	sdelay $0x1  }
0xa1: {  	s23 =	simm.s32 $0x1B8B  }
0xa2: {  	_ =	swait.ge [sflag:s23], $0x1  }
0xa3: {  	[sflag:s23] =	ssyncset.done $0x0  }
0xa4: {  	s25 =	simm.s32 $0x1B8E;
	s24 =	sld [smem:$0x3FFE];
	[sflag:s23] =	ssyncadd.s32 $0xFFFFFFFF  }
0xa5: {  	s26 =	simm.s32 $execute0_lowered;
	[smem:$0x3FD2] =	sst s25  }
0xa6: {  	s5 =	sshll.u32 s26, $0x1;
	_ =	strace $0x80000049;
	[dreg:$0x1] =	wrdreg $0xFFFFFFFF  }
0xa7: {  	s28 =	simm.s32 $_size_execute0_lowered;
	s3 =	sadd.s32 s3, s5;
	[dreg:$0x0] =	wrdreg $0x0  }
0xa8: {  	s5 =	sshll.u32 s28, $0x1;
	[dreg:$0x2] =	wrdreg s3  }
0xa9: {  	[dreg:$0x3] =	wrdreg s5  }
0xaa: {  	[dreg:$0x4] =	wrdreg $0xC0  }
0xab: {  	_ =	task [dreg:s7], $0x5FFFF  }
0xac: {  	[dreg:$0x1] =	wrdreg $0xFFFFFFFF  }
0xad: {  	[dreg:$0x0] =	wrdreg $0x60  }
0xae: {  	[dreg:$0x2] =	wrdreg s24  }
0xaf: {  	[dreg:$0x3] =	wrdreg s2  }
0xb0: {  	[dreg:$0x4] =	wrdreg $0xA0000  }
0xb1: {  	[dreg:$0x5] =	wrdreg $0x9  }
0xb2: {  	_ =	task.clear_ibuf [dreg:s7], $0x6FFFF;
	_ =	strace $0x90000049  }
0xb3: {  	s29 =	simm.s32 $0x9;
	_ =	strace $0x8000004B  }
0xb4: {  	_ =	swait.ge [sflag:s29], $0x1  }
0xb5: {  	[sflag:s29] =	ssyncadd.s32 $0xFFFFFFFF  }
0xb6: {  	_ =	strace $0x9000004B  }
0xb7: {  	_ =	sfence  }
0xb8: {  	s30 =	sld [smem:$0x0];
	_ =	sdelay $0x2  }
0xb9: {  	s31 =	sshll.u32 s1, $0xD;
	s1 =	sshrl.u32 s1, $0x2  }
0xba: {  	s3 =	sand.u32 $0x4000, s31;
	s1 =	sadd.s32 s1, s30  }
0xbb: {  	s0 =	sor.u32 s3, s0;
	s1 =	sshll.u32 s1, $0x11  }
0xbc: {  	s0 =	sor.u32 s1, s0  }
0xbd: {  	s0 =	sadd.s32 $0x8F2B, s0  }
0xbe: {  	[sflag:s0] =	ssyncadd.remote.s32 $0x1  }
0xbf: {  	_ =	sfence.sel $0xFFFF  }
0xc0: {  	[dreg:$0x0] =	wrdreg $0xFFFFFFFF;
	(pc) =	sbr.abs _section_cstart, $3  }
0xc1: {  	[dreg:$0x1] =	wrdreg $0xFFFFFFFF  }
0xc2: {  	_ =	task.clear_ibuf [dreg:s7], $0x2FFFF;
	_ =	strace $0x9FFFFFFF  }
0xc3: {  	(tm) =	ssettm $0x7FFFFFFF  }
tec
execute0_lowered:
.L_overlay_start_1:
0x0: {  	(tag) =	ssettag $0x1  }
0x1: {  	s0 =	srdreg.scid  }
0x2: {  	s10 =	stileid.u32;
	s1 =	rddreg [dreg:$0x0]  }
0x3: {  	s6 =	rddreg [dreg:$0x1];
	s14 =	smul.u32 $0x5000, s10  }
0x4: {  	s2 =	rddreg [dreg:$0x2];
	s3 =	simm.s32 $0x0;
	s15 =	smul.u32 $0x50000, s10  }
0x5: {  	s5 =	sand.u32 $0x1, s0;
	[smem:$0x7FF] =	sst s3;
	s10 =	smul.u32 $0x14000, s10  }
0x6: {  	s4 =	smul.u32 $0x2800, s5;
	_ =	strace $0x8000004A;
	s9 =	ssub.s32 $0x2, s5  }
0x7: {  	s5 =	smul.u32 $0x140000, s5;
	s11 =	sshrl.u32 s9, $0x1;
	s17 =	sadd.s32 $0x4000, s10  }
0x8: {  	s24 =	sadd.s32 $0x8000, s10;
	s0 =	sadd.s32 s4, s14;
	s20 =	sadd.s32 s17, s2  }
0x9: {  	s25 =	sadd.s32 s24, s2;
	s17 =	sadd.s32 s5, s17;
	[dreg:$0x18] =	wrdreg s20  }
0xa: {  	s7 =	sshrl.u32 s0, $0x3;
	[dreg:$0x1c] =	wrdreg s25;
	s20 =	simm.s32 $0x900  }
0xb: {  	s0 =	sshrl.u32 s15, $0x2;
	s25 =	simm.s32 $0x280;
	[dreg:$0x9] =	wrdreg s20  }
0xc: {  	s22 =	sadd.s32 s0, s2;
	s6 =	sadd.s32 s7, s6;
	[dreg:$0xc] =	wrdreg s25  }
0xd: {  	s0 =	ssub.s32 s9, s11;
	s9 =	simm.s32 $0x300;
	[dreg:$0x5] =	wrdreg s6  }
0xe: {  	s8 =	sadd.s32 s7, s1;
	s11 =	simm.s32 $0xA80;
	[dreg:$0xe] =	wrdreg s9  }
0xf: {  	s7 =	sshrl.u32 s17, $0x3;
	s17 =	simm.s32 $0xB80;
	[dreg:$0xf] =	wrdreg s11  }
0x10: {  	[dreg:$0x13] =	wrdreg s17  }
0x11: {  	s16 =	sadd.s32 $0x1000, s22;
	[dreg:$0x14] =	wrdreg s22  }
0x12: {  	s28 =	simm.s32 $0xE00;
	s18 =	sadd.s32 $0x2000, s22;
	[dreg:$0x15] =	wrdreg s16  }
0x13: {  	s29 =	simm.s32 $0x700;
	s19 =	sadd.s32 $0x3000, s22;
	[dreg:$0x16] =	wrdreg s18  }
0x14: {  	s30 =	simm.s32 $0xE80;
	s21 =	sadd.s32 $0x5000, s22;
	[dreg:$0x17] =	wrdreg s19  }
0x15: {  	s31 =	simm.s32 $0x780;
	s23 =	sadd.s32 $0x6000, s22;
	[dreg:$0x19] =	wrdreg s21  }
0x16: {  	s4 =	sadd.s32 $0xC600, s1;
	s12 =	sadd.s32 $0x7000, s22;
	[dreg:$0x1a] =	wrdreg s23  }
0x17: {  	s14 =	sadd.s32 s10, s5;
	s26 =	sadd.s32 $0x9000, s22;
	[dreg:$0x1b] =	wrdreg s12  }
0x18: {  	s1 =	sadd.s32 $0x5D000, s1;
	s13 =	sadd.s32 $0xA000, s22;
	[dreg:$0x1d] =	wrdreg s26  }
0x19: {  	s8 =	sadd.s32 $0x2600, s8;
	s7 =	sadd.s32 s1, s7;
	[dreg:$0x1e] =	wrdreg s13  }
0x1a: {  	s0 =	smax.u32 s0, $0x1;
	s25 =	sadd.s32 $0x12000, s22;
	[dreg:$0x4] =	wrdreg s8  }
0x1b: {  	s6 =	simm.s32 $0x5;
	s11 =	simm.s32 $0x5000;
	[smem:$0x7F0] =	sst s7  }
0x1c: {  	s17 =	simm.s32 $0xC00;
	s9 =	simm.s32 $0xF00;
	[smem:$0x7F8] =	sst s0  }
0x1d: {  	s12 =	sadd.s32 $0xC000, s10;
	s16 =	simm.s32 $0x100;
	[smem:$0x7FC] =	sst s25  }
0x1e: {  	s10 =	sadd.s32 $0x10000, s10;
	s18 =	simm.s32 $0x880;
	[dreg:$0x6] =	wrdreg s16  }
0x1f: {  	s8 =	sshrl.u32 s14, $0x3;
	s19 =	simm.s32 $0x180;
	[dreg:$0x7] =	wrdreg s18  }
0x20: {  	s21 =	sadd.s32 s5, s24;
	s23 =	simm.s32 $0x200;
	[dreg:$0x8] =	wrdreg s19  }
0x21: {  	s24 =	simm.s32 $0x980;
	s13 =	simm.s32 $0x380;
	[dreg:$0xa] =	wrdreg s23  }
0x22: {  	s14 =	simm.s32 $0xB00;
	s0 =	simm.s32 $0x1;
	[dreg:$0xb] =	wrdreg s24  }
0x23: {  	s25 =	simm.s32 $0xD80;
	s15 =	sadd.s32 s1, s8;
	[dreg:$0x10] =	wrdreg s13  }
0x24: {  	s7 =	sshrl.u32 s21, $0x3;
	s26 =	sadd.s32 s5, s12;
	[dreg:$0x11] =	wrdreg s14  }
0x25: {  	s8 =	simm.s32 $0xA00;
	s5 =	sadd.s32 s5, s10;
	[dreg:$0x1f] =	wrdreg s15  }
0x26: {  	s16 =	sadd.s32 $0xB000, s22;
	s18 =	sadd.s32 s12, s2;
	[dreg:$0xd] =	wrdreg s8  }
0x27: {  	s19 =	sadd.s32 $0xD000, s22;
	s20 =	sadd.s32 s10, s2;
	[smem:$0x7F4] =	sst s16  }
0x28: {  	s21 =	sadd.s32 $0xE000, s22;
	s23 =	sadd.s32 $0xF000, s22;
	[smem:$0x7F5] =	sst s18  }
0x29: {  	s24 =	sadd.s32 $0x11000, s22;
	s10 =	simm.s32 $0x1000;
	[smem:$0x7F6] =	sst s19  }
0x2a: {  	s12 =	simm.s32 $0x3;
	s14 =	simm.s32 $0x2;
	[smem:$0x7F7] =	sst s20  }
0x2b: {  	s13 =	simm.s32 $0xF80;
	s7 =	sadd.s32 s1, s7;
	[smem:$0x7F9] =	sst s21  }
0x2c: {  	s5 =	sshrl.u32 s5, $0x3;
	s15 =	simm.s32 $0x400;
	[smem:$0x7FA] =	sst s23  }
0x2d: {  	[smem:$0x7FB] =	sst s24;
	s8 =	simm.s32 $0x80;
	s16 =	simm.s32 $0x480  }
0x2e: {  	s18 =	simm.s32 $0x500;
	s19 =	simm.s32 $0xC80;
	s20 =	simm.s32 $0x580  }
0x2f: {  	s21 =	simm.s32 $0xD00;
	s23 =	simm.s32 $0x600;
	[smem:$0x7F1] =	sst s7  }
0x30: {  	s7 =	sshrl.u32 s26, $0x3;
	[dreg:$0x12] =	wrdreg s15;
	s26 =	sadd.s32 $0x13000, s22  }
0x31: {  	s15 =	simm.s32 $0x4;
	s7 =	sadd.s32 s1, s7;
	[smem:$0x7FD] =	sst s26  }
0x32: {  	s1 =	sadd.s32 s1, s5;
	s26 =	simm.s32 $0x680;
	[smem:$0x7F2] =	sst s7  }
0x33: {  	v0 =	vimm.f32 $0.0e+00;
	s5 =	simm.s32 $0x0;
	[smem:$0x7F3] =	sst s1;
	s7 =	simm.s32 $0x800  }
.LBB2_1:
0x34: {  	[smem:$0x7EF] =	sst s5;
	s5 =	simm.s32 $0x0;
	s24 =	simm.s32 $0x200  }
.LBB2_2:
0x35: {  	p0 =	sne.s32 s24, $0x3E00;
	[tilespmem:s5+$0x9070] =	vst v0  }
0x36: {  	[tilespmem:s5+$0x9000] =	vst v0  }
0x37: {  	[tilespmem:s5+$0x9010] =	vst v0  }
.Ltmp0:
0x38: {  	[tilespmem:s5+$0x9020] =	vst v0;
	(pc) =	sbr.rel @p0 .LBB2_2-.Ltmp0, $4  }
0x39: {  	[tilespmem:s5+$0x9030] =	vst v0  }
0x3a: {  	[tilespmem:s5+$0x9040] =	vst v0  }
0x3b: {  	[tilespmem:s5+$0x9050] =	vst v0  }
0x3c: {  	[tilespmem:s5+$0x9060] =	vst v0;
	s5 =	sshra.s32 s24, $0x2;
	s24 =	sadd.s32 $0x200, s24  }
0x3d: {  	[tilespmem:s5+$0x9070] =	vst v0  }
0x3e: {  	[tilespmem:s5+$0x9000] =	vst v0  }
0x3f: {  	[tilespmem:s5+$0x9010] =	vst v0  }
0x40: {  	[tilespmem:s5+$0x9020] =	vst v0  }
0x41: {  	[tilespmem:s5+$0x9030] =	vst v0  }
0x42: {  	[tilespmem:s5+$0x9040] =	vst v0  }
0x43: {  	[tilespmem:s5+$0x9050] =	vst v0  }
0x44: {  	[tilespmem:s5+$0x9060] =	vst v0;
	s5 =	simm.s32 $0x9000;
	s1 =	rddreg [dreg:$0x15]  }
0x45: {  	[spmem:s22] =	stream.linear.scatter [tilespmem:s5], [sflag:$0x1], $0x1000, $0x38;
	[tilespmem:$0x1E000] =	vst v63  }
0x46: {  	s24 =	rddreg [dreg:$0x16]  }
0x47: {  	[spmem:s1] =	stream.linear.scatter [tilespmem:s5], [sflag:$0x1], $0x1000, $0x38;
	[tilespmem:$0x1E000] =	vst v63  }
0x48: {  	s22 =	rddreg [dreg:$0x17]  }
0x49: {  	[spmem:s24] =	stream.linear.scatter [tilespmem:s5], [sflag:$0x1], $0x1000, $0x38;
	[tilespmem:$0x1E000] =	vst v63  }
0x4a: {  	s24 =	rddreg [dreg:$0x18]  }
0x4b: {  	[spmem:s22] =	stream.linear.scatter [tilespmem:s5], [sflag:$0x1], $0x1000, $0x38;
	[tilespmem:$0x1E000] =	vst v63  }
0x4c: {  	s22 =	rddreg [dreg:$0x19]  }
0x4d: {  	[spmem:s24] =	stream.linear.scatter [tilespmem:s5], [sflag:$0x1], $0x1000, $0x38;
	[tilespmem:$0x1E000] =	vst v63  }
0x4e: {  	s24 =	rddreg [dreg:$0x1a]  }
0x4f: {  	[spmem:s22] =	stream.linear.scatter [tilespmem:s5], [sflag:$0x1], $0x1000, $0x38;
	[tilespmem:$0x1E000] =	vst v63  }
0x50: {  	s22 =	rddreg [dreg:$0x1b]  }
0x51: {  	[spmem:s24] =	stream.linear.scatter [tilespmem:s5], [sflag:$0x1], $0x1000, $0x38;
	[tilespmem:$0x1E000] =	vst v63  }
0x52: {  	s24 =	rddreg [dreg:$0x1c]  }
0x53: {  	[spmem:s22] =	stream.linear.scatter [tilespmem:s5], [sflag:$0x1], $0x1000, $0x38;
	[tilespmem:$0x1E000] =	vst v63  }
0x54: {  	s22 =	rddreg [dreg:$0x1d]  }
0x55: {  	[spmem:s24] =	stream.linear.scatter [tilespmem:s5], [sflag:$0x1], $0x1000, $0x38;
	[tilespmem:$0x1E000] =	vst v63  }
0x56: {  	s24 =	rddreg [dreg:$0x1e]  }
0x57: {  	[spmem:s22] =	stream.linear.scatter [tilespmem:s5], [sflag:$0x1], $0x1000, $0x38;
	[tilespmem:$0x1E000] =	vst v63  }
0x58: {  	s22 =	sld [smem:$0x7F4]  }
0x59: {  	[spmem:s24] =	stream.linear.scatter [tilespmem:s5], [sflag:$0x1], $0x1000, $0x38;
	[tilespmem:$0x1E000] =	vst v63  }
0x5a: {  	s24 =	sld [smem:$0x7F5]  }
0x5b: {  	[spmem:s22] =	stream.linear.scatter [tilespmem:s5], [sflag:$0x1], $0x1000, $0x38;
	[tilespmem:$0x1E000] =	vst v63  }
0x5c: {  	s22 =	sld [smem:$0x7F6]  }
0x5d: {  	[spmem:s24] =	stream.linear.scatter [tilespmem:s5], [sflag:$0x1], $0x1000, $0x38;
	[tilespmem:$0x1E000] =	vst v63  }
0x5e: {  	s24 =	sld [smem:$0x7F9]  }
0x5f: {  	[spmem:s22] =	stream.linear.scatter [tilespmem:s5], [sflag:$0x1], $0x1000, $0x38;
	[tilespmem:$0x1E000] =	vst v63  }
0x60: {  	s22 =	sld [smem:$0x7FA]  }
0x61: {  	[spmem:s24] =	stream.linear.scatter [tilespmem:s5], [sflag:$0x1], $0x1000, $0x38;
	[tilespmem:$0x1E000] =	vst v63  }
0x62: {  	s24 =	sld [smem:$0x7F7]  }
0x63: {  	[spmem:s22] =	stream.linear.scatter [tilespmem:s5], [sflag:$0x1], $0x1000, $0x38;
	[tilespmem:$0x1E000] =	vst v63  }
0x64: {  	s22 =	sld [smem:$0x7FB]  }
0x65: {  	[spmem:s24] =	stream.linear.scatter [tilespmem:s5], [sflag:$0x1], $0x1000, $0x38;
	[tilespmem:$0x1E000] =	vst v63  }
0x66: {  	s24 =	sld [smem:$0x7FC]  }
0x67: {  	[spmem:s22] =	stream.linear.scatter [tilespmem:s5], [sflag:$0x1], $0x1000, $0x38;
	[tilespmem:$0x1E000] =	vst v63  }
0x68: {  	s22 =	sld [smem:$0x7FD]  }
0x69: {  	[spmem:s24] =	stream.linear.scatter [tilespmem:s5], [sflag:$0x1], $0x1000, $0x38;
	[tilespmem:$0x1E000] =	vst v63  }
0x6a: {  	_ = 	snop  }
0x6b: {  	[spmem:s22] =	stream.linear.scatter [tilespmem:s5], [sflag:$0x1], $0x1000, $0x38;
	[tilespmem:$0x1E000] =	vst v63  }
0x6c: {  	_ =	swait.ge [sflag:s0], $0x1000  }
0x6d: {  	[sflag:s0] =	ssyncset.done $0x0  }
0x6e: {  	[sflag:s0] =	ssyncadd.s32 $0xFFFFF000  }
0x6f: {  	_ =	swait.ge [sflag:s0], $0x1000  }
0x70: {  	[sflag:s0] =	ssyncset.done $0x0  }
0x71: {  	[sflag:s0] =	ssyncadd.s32 $0xFFFFF000  }
0x72: {  	_ =	swait.ge [sflag:s0], $0x1000  }
0x73: {  	[sflag:s0] =	ssyncset.done $0x0  }
0x74: {  	[sflag:s0] =	ssyncadd.s32 $0xFFFFF000  }
0x75: {  	_ =	swait.ge [sflag:s0], $0x1000  }
0x76: {  	[sflag:s0] =	ssyncset.done $0x0  }
0x77: {  	[sflag:s0] =	ssyncadd.s32 $0xFFFFF000  }
0x78: {  	_ =	swait.ge [sflag:s0], $0x1000  }
0x79: {  	[sflag:s0] =	ssyncset.done $0x0  }
0x7a: {  	[sflag:s0] =	ssyncadd.s32 $0xFFFFF000  }
0x7b: {  	_ =	swait.ge [sflag:s0], $0x1000  }
0x7c: {  	[sflag:s0] =	ssyncset.done $0x0  }
0x7d: {  	[sflag:s0] =	ssyncadd.s32 $0xFFFFF000  }
0x7e: {  	_ =	swait.ge [sflag:s0], $0x1000  }
0x7f: {  	[sflag:s0] =	ssyncset.done $0x0  }
0x80: {  	[sflag:s0] =	ssyncadd.s32 $0xFFFFF000  }
0x81: {  	_ =	swait.ge [sflag:s0], $0x1000  }
0x82: {  	[sflag:s0] =	ssyncset.done $0x0  }
0x83: {  	[sflag:s0] =	ssyncadd.s32 $0xFFFFF000  }
0x84: {  	_ =	swait.ge [sflag:s0], $0x1000  }
0x85: {  	[sflag:s0] =	ssyncset.done $0x0  }
0x86: {  	[sflag:s0] =	ssyncadd.s32 $0xFFFFF000  }
0x87: {  	_ =	swait.ge [sflag:s0], $0x1000  }
0x88: {  	[sflag:s0] =	ssyncset.done $0x0  }
0x89: {  	[sflag:s0] =	ssyncadd.s32 $0xFFFFF000  }
0x8a: {  	_ =	swait.ge [sflag:s0], $0x1000  }
0x8b: {  	[sflag:s0] =	ssyncset.done $0x0  }
0x8c: {  	[sflag:s0] =	ssyncadd.s32 $0xFFFFF000  }
0x8d: {  	_ =	swait.ge [sflag:s0], $0x1000  }
0x8e: {  	[sflag:s0] =	ssyncset.done $0x0  }
0x8f: {  	[sflag:s0] =	ssyncadd.s32 $0xFFFFF000  }
0x90: {  	_ =	swait.ge [sflag:s0], $0x1000  }
0x91: {  	[sflag:s0] =	ssyncset.done $0x0  }
0x92: {  	[sflag:s0] =	ssyncadd.s32 $0xFFFFF000  }
0x93: {  	_ =	swait.ge [sflag:s0], $0x1000  }
0x94: {  	[sflag:s0] =	ssyncset.done $0x0  }
0x95: {  	[sflag:s0] =	ssyncadd.s32 $0xFFFFF000  }
0x96: {  	_ =	swait.ge [sflag:s0], $0x1000  }
0x97: {  	[sflag:s0] =	ssyncset.done $0x0  }
0x98: {  	[sflag:s0] =	ssyncadd.s32 $0xFFFFF000  }
0x99: {  	_ =	swait.ge [sflag:s0], $0x1000  }
0x9a: {  	[sflag:s0] =	ssyncset.done $0x0  }
0x9b: {  	[sflag:s0] =	ssyncadd.s32 $0xFFFFF000  }
0x9c: {  	_ =	swait.ge [sflag:s0], $0x1000  }
0x9d: {  	[sflag:s0] =	ssyncset.done $0x0  }
0x9e: {  	[sflag:s0] =	ssyncadd.s32 $0xFFFFF000  }
0x9f: {  	_ =	swait.ge [sflag:s0], $0x1000  }
0xa0: {  	[sflag:s0] =	ssyncset.done $0x0  }
0xa1: {  	[sflag:s0] =	ssyncadd.s32 $0xFFFFF000  }
0xa2: {  	_ =	swait.ge [sflag:s0], $0x1000  }
0xa3: {  	[sflag:s0] =	ssyncset.done $0x0  }
0xa4: {  	[sflag:s0] =	ssyncadd.s32 $0xFFFFF000  }
0xa5: {  	_ =	swait.ge [sflag:s0], $0x1000  }
0xa6: {  	[sflag:s0] =	ssyncset.done $0x0  }
0xa7: {  	[sflag:s0] =	ssyncadd.s32 $0xFFFFF000  }
0xa8: {  	[bflag:$0x0] =	sbarrier.arrive $0xFFFF  }
0xa9: {  	s24 =	rddreg [dreg:$0x5]  }
0xaa: {  	s5 =	sadd.s32 $0x0, s24  }
0xab: {  	[tilespmem:s3], [sflag:$0x5] =	stream.linear.gather [hbm4b:s5+s3], $0x800, $0x38;
	[tilespmem:$0x1E000] =	vst v63  }
0xac: {  	_ =	swait.ge [sflag:s6], $0x800  }
0xad: {  	s1 =	rddreg [dreg:$0x4];
	[sflag:s6] =	ssyncset.done $0x0  }
0xae: {  	[sflag:s6] =	ssyncadd.s32 $0xFFFFF800;
	s5 =	sadd.s32 $0x0, s1  }
0xaf: {  	[tilespmem:s7], [sflag:$0x5] =	stream.linear.gather [hbm4b:s5+s3], $0x800, $0x38;
	[tilespmem:$0x1E000] =	vst v63  }
0xb0: {  	_ =	swait.ge [sflag:s6], $0x800  }
0xb1: {  	[sflag:s6] =	ssyncset.done $0x0  }
0xb2: {  	[sflag:s6] =	ssyncadd.s32 $0xFFFFF800  }
0xb3: {  	[tilespmem:s10], [sflag:$0x1] =	stream.indirect.gather [hbm4b:s4+s8], $0x80, s3, s8, $0xb8;
	[tilespmem:$0x1E000] =	vst v63  }
0xb4: {  	_ = 	snop  }
0xb5: {  	[tilespmem:s11], [sflag:$0x2] =	stream.indirect.gather [hbm4b:s4+s8], $0x80, s8, s8, $0xb8;
	[tilespmem:$0x1E000] =	vst v63  }
0xb6: {  	_ =	swait.ge [sflag:s0], $0x4000  }
0xb7: {  	[sflag:s0] =	ssyncset.done $0x0  }
0xb8: {  	[sflag:s0] =	ssyncadd.s32 $0xFFFFC000  }
0xb9: {  	[spmem:s2] =	stream.indirect.scatter.add.f32 [tilespmem:s10], [sflag:$0x3], $0x80, s7, s8, $0xb8;
	[tilespmem:$0x1E000] =	vst v63  }
0xba: {  	_ =	swait.ge [sflag:s12], $0x4000  }
0xbb: {  	[sflag:s12] =	ssyncset.done $0x0  }
0xbc: {  	s22 =	rddreg [dreg:$0x6];
	[sflag:s12] =	ssyncadd.s32 $0xFFFFC000  }
0xbd: {  	[tilespmem:s10], [sflag:$0x1] =	stream.indirect.gather [hbm4b:s4+s8], $0x80, s22, s8, $0xb8;
	[tilespmem:$0x1E000] =	vst v63  }
0xbe: {  	_ =	swait.ge [sflag:s14], $0x4000  }
0xbf: {  	[sflag:s14] =	ssyncset.done $0x0  }
0xc0: {  	s24 =	rddreg [dreg:$0x7];
	[sflag:s14] =	ssyncadd.s32 $0xFFFFC000  }
0xc1: {  	[spmem:s2] =	stream.indirect.scatter.add.f32 [tilespmem:s11], [sflag:$0x4], $0x80, s24, s8, $0xb8;
	[tilespmem:$0x1E000] =	vst v63  }
0xc2: {  	_ =	swait.ge [sflag:s15], $0x4000  }
0xc3: {  	[sflag:s15] =	ssyncset.done $0x0  }
0xc4: {  	s1 =	rddreg [dreg:$0x8];
	[sflag:s15] =	ssyncadd.s32 $0xFFFFC000  }
0xc5: {  	[tilespmem:s11], [sflag:$0x2] =	stream.indirect.gather [hbm4b:s4+s8], $0x80, s1, s8, $0xb8;
	[tilespmem:$0x1E000] =	vst v63  }
0xc6: {  	_ =	swait.ge [sflag:s0], $0x4000  }
0xc7: {  	[sflag:s0] =	ssyncset.done $0x0  }
0xc8: {  	s22 =	rddreg [dreg:$0x9];
	[sflag:s0] =	ssyncadd.s32 $0xFFFFC000  }
0xc9: {  	[spmem:s2] =	stream.indirect.scatter.add.f32 [tilespmem:s10], [sflag:$0x3], $0x80, s22, s8, $0xb8;
	[tilespmem:$0x1E000] =	vst v63  }
0xca: {  	_ =	swait.ge [sflag:s12], $0x4000  }
0xcb: {  	[sflag:s12] =	ssyncset.done $0x0  }
0xcc: {  	s24 =	rddreg [dreg:$0xa];
	[sflag:s12] =	ssyncadd.s32 $0xFFFFC000  }
0xcd: {  	[tilespmem:s10], [sflag:$0x1] =	stream.indirect.gather [hbm4b:s4+s8], $0x80, s24, s8, $0xb8;
	[tilespmem:$0x1E000] =	vst v63  }
0xce: {  	_ =	swait.ge [sflag:s14], $0x4000  }
0xcf: {  	[sflag:s14] =	ssyncset.done $0x0  }
0xd0: {  	s1 =	rddreg [dreg:$0xb];
	[sflag:s14] =	ssyncadd.s32 $0xFFFFC000  }
0xd1: {  	[spmem:s2] =	stream.indirect.scatter.add.f32 [tilespmem:s11], [sflag:$0x4], $0x80, s1, s8, $0xb8;
	[tilespmem:$0x1E000] =	vst v63  }
0xd2: {  	_ =	swait.ge [sflag:s15], $0x4000  }
0xd3: {  	[sflag:s15] =	ssyncset.done $0x0  }
0xd4: {  	s22 =	rddreg [dreg:$0xc];
	[sflag:s15] =	ssyncadd.s32 $0xFFFFC000  }
0xd5: {  	[tilespmem:s11], [sflag:$0x2] =	stream.indirect.gather [hbm4b:s4+s8], $0x80, s22, s8, $0xb8;
	[tilespmem:$0x1E000] =	vst v63  }
0xd6: {  	_ =	swait.ge [sflag:s0], $0x4000  }
0xd7: {  	[sflag:s0] =	ssyncset.done $0x0  }
0xd8: {  	s24 =	rddreg [dreg:$0xd];
	[sflag:s0] =	ssyncadd.s32 $0xFFFFC000  }
0xd9: {  	[spmem:s2] =	stream.indirect.scatter.add.f32 [tilespmem:s10], [sflag:$0x3], $0x80, s24, s8, $0xb8;
	[tilespmem:$0x1E000] =	vst v63  }
0xda: {  	_ =	swait.ge [sflag:s12], $0x4000  }
0xdb: {  	[sflag:s12] =	ssyncset.done $0x0  }
0xdc: {  	s1 =	rddreg [dreg:$0xe];
	[sflag:s12] =	ssyncadd.s32 $0xFFFFC000  }
0xdd: {  	[tilespmem:s10], [sflag:$0x1] =	stream.indirect.gather [hbm4b:s4+s8], $0x80, s1, s8, $0xb8;
	[tilespmem:$0x1E000] =	vst v63  }
0xde: {  	_ =	swait.ge [sflag:s14], $0x4000  }
0xdf: {  	[sflag:s14] =	ssyncset.done $0x0  }
0xe0: {  	s22 =	rddreg [dreg:$0xf];
	[sflag:s14] =	ssyncadd.s32 $0xFFFFC000  }
0xe1: {  	[spmem:s2] =	stream.indirect.scatter.add.f32 [tilespmem:s11], [sflag:$0x4], $0x80, s22, s8, $0xb8;
	[tilespmem:$0x1E000] =	vst v63  }
0xe2: {  	_ =	swait.ge [sflag:s15], $0x4000  }
0xe3: {  	[sflag:s15] =	ssyncset.done $0x0  }
0xe4: {  	s24 =	rddreg [dreg:$0x10];
	[sflag:s15] =	ssyncadd.s32 $0xFFFFC000  }
0xe5: {  	[tilespmem:s11], [sflag:$0x2] =	stream.indirect.gather [hbm4b:s4+s8], $0x80, s24, s8, $0xb8;
	[tilespmem:$0x1E000] =	vst v63  }
0xe6: {  	_ =	swait.ge [sflag:s0], $0x4000  }
0xe7: {  	[sflag:s0] =	ssyncset.done $0x0  }
0xe8: {  	s1 =	rddreg [dreg:$0x11];
	[sflag:s0] =	ssyncadd.s32 $0xFFFFC000  }
0xe9: {  	[spmem:s2] =	stream.indirect.scatter.add.f32 [tilespmem:s10], [sflag:$0x3], $0x80, s1, s8, $0xb8;
	[tilespmem:$0x1E000] =	vst v63  }
0xea: {  	_ =	swait.ge [sflag:s12], $0x4000  }
0xeb: {  	[sflag:s12] =	ssyncset.done $0x0  }
0xec: {  	s22 =	rddreg [dreg:$0x12];
	[sflag:s12] =	ssyncadd.s32 $0xFFFFC000  }
0xed: {  	[tilespmem:s10], [sflag:$0x1] =	stream.indirect.gather [hbm4b:s4+s8], $0x80, s22, s8, $0xb8;
	[tilespmem:$0x1E000] =	vst v63  }
0xee: {  	_ =	swait.ge [sflag:s14], $0x4000  }
0xef: {  	[sflag:s14] =	ssyncset.done $0x0  }
0xf0: {  	s24 =	rddreg [dreg:$0x13];
	[sflag:s14] =	ssyncadd.s32 $0xFFFFC000  }
0xf1: {  	[spmem:s2] =	stream.indirect.scatter.add.f32 [tilespmem:s11], [sflag:$0x4], $0x80, s24, s8, $0xb8;
	[tilespmem:$0x1E000] =	vst v63  }
0xf2: {  	_ =	swait.ge [sflag:s15], $0x4000  }
0xf3: {  	[sflag:s15] =	ssyncset.done $0x0  }
0xf4: {  	[sflag:s15] =	ssyncadd.s32 $0xFFFFC000  }
0xf5: {  	[tilespmem:s11], [sflag:$0x2] =	stream.indirect.gather [hbm4b:s4+s8], $0x80, s16, s8, $0xb8;
	[tilespmem:$0x1E000] =	vst v63  }
0xf6: {  	_ =	swait.ge [sflag:s0], $0x4000  }
0xf7: {  	[sflag:s0] =	ssyncset.done $0x0  }
0xf8: {  	[sflag:s0] =	ssyncadd.s32 $0xFFFFC000  }
0xf9: {  	[spmem:s2] =	stream.indirect.scatter.add.f32 [tilespmem:s10], [sflag:$0x3], $0x80, s17, s8, $0xb8;
	[tilespmem:$0x1E000] =	vst v63  }
0xfa: {  	_ =	swait.ge [sflag:s12], $0x4000  }
0xfb: {  	[sflag:s12] =	ssyncset.done $0x0  }
0xfc: {  	[sflag:s12] =	ssyncadd.s32 $0xFFFFC000  }
0xfd: {  	[tilespmem:s10], [sflag:$0x1] =	stream.indirect.gather [hbm4b:s4+s8], $0x80, s18, s8, $0xb8;
	[tilespmem:$0x1E000] =	vst v63  }
0xfe: {  	_ =	swait.ge [sflag:s14], $0x4000  }
0xff: {  	[sflag:s14] =	ssyncset.done $0x0  }
0x100: {  	[sflag:s14] =	ssyncadd.s32 $0xFFFFC000  }
0x101: {  	[spmem:s2] =	stream.indirect.scatter.add.f32 [tilespmem:s11], [sflag:$0x4], $0x80, s19, s8, $0xb8;
	[tilespmem:$0x1E000] =	vst v63  }
0x102: {  	_ =	swait.ge [sflag:s15], $0x4000  }
0x103: {  	[sflag:s15] =	ssyncset.done $0x0  }
0x104: {  	[sflag:s15] =	ssyncadd.s32 $0xFFFFC000  }
0x105: {  	[tilespmem:s11], [sflag:$0x2] =	stream.indirect.gather [hbm4b:s4+s8], $0x80, s20, s8, $0xb8;
	[tilespmem:$0x1E000] =	vst v63  }
0x106: {  	_ =	swait.ge [sflag:s0], $0x4000  }
0x107: {  	[sflag:s0] =	ssyncset.done $0x0  }
0x108: {  	[sflag:s0] =	ssyncadd.s32 $0xFFFFC000  }
0x109: {  	[spmem:s2] =	stream.indirect.scatter.add.f32 [tilespmem:s10], [sflag:$0x3], $0x80, s21, s8, $0xb8;
	[tilespmem:$0x1E000] =	vst v63  }
0x10a: {  	_ =	swait.ge [sflag:s12], $0x4000  }
0x10b: {  	[sflag:s12] =	ssyncset.done $0x0  }
0x10c: {  	[sflag:s12] =	ssyncadd.s32 $0xFFFFC000  }
0x10d: {  	[tilespmem:s10], [sflag:$0x1] =	stream.indirect.gather [hbm4b:s4+s8], $0x80, s23, s8, $0xb8;
	[tilespmem:$0x1E000] =	vst v63  }
0x10e: {  	_ =	swait.ge [sflag:s14], $0x4000  }
0x10f: {  	[sflag:s14] =	ssyncset.done $0x0  }
0x110: {  	[sflag:s14] =	ssyncadd.s32 $0xFFFFC000  }
0x111: {  	[spmem:s2] =	stream.indirect.scatter.add.f32 [tilespmem:s11], [sflag:$0x4], $0x80, s25, s8, $0xb8;
	[tilespmem:$0x1E000] =	vst v63  }
0x112: {  	_ =	swait.ge [sflag:s15], $0x4000  }
0x113: {  	[sflag:s15] =	ssyncset.done $0x0  }
0x114: {  	[sflag:s15] =	ssyncadd.s32 $0xFFFFC000  }
0x115: {  	[tilespmem:s11], [sflag:$0x2] =	stream.indirect.gather [hbm4b:s4+s8], $0x80, s26, s8, $0xb8;
	[tilespmem:$0x1E000] =	vst v63  }
0x116: {  	_ =	swait.ge [sflag:s0], $0x4000  }
0x117: {  	[sflag:s0] =	ssyncset.done $0x0  }
0x118: {  	[sflag:s0] =	ssyncadd.s32 $0xFFFFC000  }
0x119: {  	[spmem:s2] =	stream.indirect.scatter.add.f32 [tilespmem:s10], [sflag:$0x3], $0x80, s28, s8, $0xb8;
	[tilespmem:$0x1E000] =	vst v63  }
0x11a: {  	_ =	swait.ge [sflag:s12], $0x4000  }
0x11b: {  	[sflag:s12] =	ssyncset.done $0x0  }
0x11c: {  	[sflag:s12] =	ssyncadd.s32 $0xFFFFC000  }
0x11d: {  	[tilespmem:s10], [sflag:$0x1] =	stream.indirect.gather [hbm4b:s4+s8], $0x80, s29, s8, $0xb8;
	[tilespmem:$0x1E000] =	vst v63  }
0x11e: {  	_ =	swait.ge [sflag:s14], $0x4000  }
0x11f: {  	[sflag:s14] =	ssyncset.done $0x0  }
0x120: {  	[sflag:s14] =	ssyncadd.s32 $0xFFFFC000  }
0x121: {  	[spmem:s2] =	stream.indirect.scatter.add.f32 [tilespmem:s11], [sflag:$0x4], $0x80, s30, s8, $0xb8;
	[tilespmem:$0x1E000] =	vst v63  }
0x122: {  	_ =	swait.ge [sflag:s15], $0x4000  }
0x123: {  	[sflag:s15] =	ssyncset.done $0x0  }
0x124: {  	[sflag:s15] =	ssyncadd.s32 $0xFFFFC000  }
0x125: {  	[tilespmem:s11], [sflag:$0x2] =	stream.indirect.gather [hbm4b:s4+s8], $0x80, s31, s8, $0xb8;
	[tilespmem:$0x1E000] =	vst v63  }
0x126: {  	_ =	swait.ge [sflag:s0], $0x4000  }
0x127: {  	[sflag:s0] =	ssyncset.done $0x0  }
0x128: {  	[sflag:s0] =	ssyncadd.s32 $0xFFFFC000  }
0x129: {  	[spmem:s2] =	stream.indirect.scatter.add.f32 [tilespmem:s10], [sflag:$0x3], $0x80, s9, s8, $0xb8;
	[tilespmem:$0x1E000] =	vst v63  }
0x12a: {  	_ =	swait.ge [sflag:s14], $0x4000  }
0x12b: {  	[sflag:s14] =	ssyncset.done $0x0  }
0x12c: {  	[sflag:s14] =	ssyncadd.s32 $0xFFFFC000  }
0x12d: {  	[spmem:s2] =	stream.indirect.scatter.add.f32 [tilespmem:s11], [sflag:$0x4], $0x80, s13, s8, $0xb8;
	[tilespmem:$0x1E000] =	vst v63  }
0x12e: {  	_ =	swait.ge [sflag:s12], $0x4000  }
0x12f: {  	[sflag:s12] =	ssyncset.done $0x0  }
0x130: {  	[sflag:s12] =	ssyncadd.s32 $0xFFFFC000  }
0x131: {  	s5 =	simm.s32 $0x200;
	_ =	swait.ge [sflag:s15], $0x4000  }
0x132: {  	s24 =	simm.s32 $0x100;
	s22 =	rddreg [dreg:$0x5];
	[sflag:s15] =	ssyncset.done $0x0  }
.LBB2_4:
0x133: {  	[sflag:s15] =	ssyncadd.s32 $0xFFFFC000;
	s22 =	sadd.s32 s24, s22  }
0x134: {  	[tilespmem:s3], [sflag:$0x5] =	stream.linear.gather [hbm4b:s22+s3], $0x800, $0x38;
	[tilespmem:$0x1E000] =	vst v63  }
0x135: {  	_ =	swait.ge [sflag:s6], $0x800  }
0x136: {  	s22 =	rddreg [dreg:$0x4];
	[sflag:s6] =	ssyncset.done $0x0  }
0x137: {  	[sflag:s6] =	ssyncadd.s32 $0xFFFFF800;
	s22 =	sadd.s32 s24, s22  }
0x138: {  	[tilespmem:s7], [sflag:$0x5] =	stream.linear.gather [hbm4b:s22+s3], $0x800, $0x38;
	[tilespmem:$0x1E000] =	vst v63  }
0x139: {  	_ =	swait.ge [sflag:s6], $0x800  }
0x13a: {  	[sflag:s6] =	ssyncset.done $0x0  }
0x13b: {  	[sflag:s6] =	ssyncadd.s32 $0xFFFFF800  }
0x13c: {  	[tilespmem:s10], [sflag:$0x1] =	stream.indirect.gather [hbm4b:s4+s8], $0x80, s3, s8, $0xb8;
	[tilespmem:$0x1E000] =	vst v63  }
0x13d: {  	_ = 	snop  }
0x13e: {  	[tilespmem:s11], [sflag:$0x2] =	stream.indirect.gather [hbm4b:s4+s8], $0x80, s8, s8, $0xb8;
	[tilespmem:$0x1E000] =	vst v63  }
0x13f: {  	_ =	swait.ge [sflag:s0], $0x4000  }
0x140: {  	[sflag:s0] =	ssyncset.done $0x0  }
0x141: {  	[sflag:s0] =	ssyncadd.s32 $0xFFFFC000  }
0x142: {  	[spmem:s2] =	stream.indirect.scatter.add.f32 [tilespmem:s10], [sflag:$0x3], $0x80, s7, s8, $0xb8;
	[tilespmem:$0x1E000] =	vst v63  }
0x143: {  	_ =	swait.ge [sflag:s12], $0x4000  }
0x144: {  	[sflag:s12] =	ssyncset.done $0x0  }
0x145: {  	s22 =	rddreg [dreg:$0x6];
	[sflag:s12] =	ssyncadd.s32 $0xFFFFC000  }
0x146: {  	[tilespmem:s10], [sflag:$0x1] =	stream.indirect.gather [hbm4b:s4+s8], $0x80, s22, s8, $0xb8;
	[tilespmem:$0x1E000] =	vst v63  }
0x147: {  	_ =	swait.ge [sflag:s14], $0x4000  }
0x148: {  	[sflag:s14] =	ssyncset.done $0x0  }
0x149: {  	s22 =	rddreg [dreg:$0x7];
	[sflag:s14] =	ssyncadd.s32 $0xFFFFC000  }
0x14a: {  	[spmem:s2] =	stream.indirect.scatter.add.f32 [tilespmem:s11], [sflag:$0x4], $0x80, s22, s8, $0xb8;
	[tilespmem:$0x1E000] =	vst v63  }
0x14b: {  	_ =	swait.ge [sflag:s15], $0x4000  }
0x14c: {  	[sflag:s15] =	ssyncset.done $0x0  }
0x14d: {  	s22 =	rddreg [dreg:$0x8];
	[sflag:s15] =	ssyncadd.s32 $0xFFFFC000  }
0x14e: {  	[tilespmem:s11], [sflag:$0x2] =	stream.indirect.gather [hbm4b:s4+s8], $0x80, s22, s8, $0xb8;
	[tilespmem:$0x1E000] =	vst v63  }
0x14f: {  	_ =	swait.ge [sflag:s0], $0x4000  }
0x150: {  	[sflag:s0] =	ssyncset.done $0x0  }
0x151: {  	s22 =	rddreg [dreg:$0x9];
	[sflag:s0] =	ssyncadd.s32 $0xFFFFC000  }
0x152: {  	[spmem:s2] =	stream.indirect.scatter.add.f32 [tilespmem:s10], [sflag:$0x3], $0x80, s22, s8, $0xb8;
	[tilespmem:$0x1E000] =	vst v63  }
0x153: {  	_ =	swait.ge [sflag:s12], $0x4000  }
0x154: {  	[sflag:s12] =	ssyncset.done $0x0  }
0x155: {  	s22 =	rddreg [dreg:$0xa];
	[sflag:s12] =	ssyncadd.s32 $0xFFFFC000  }
0x156: {  	[tilespmem:s10], [sflag:$0x1] =	stream.indirect.gather [hbm4b:s4+s8], $0x80, s22, s8, $0xb8;
	[tilespmem:$0x1E000] =	vst v63  }
0x157: {  	_ =	swait.ge [sflag:s14], $0x4000  }
0x158: {  	[sflag:s14] =	ssyncset.done $0x0  }
0x159: {  	s22 =	rddreg [dreg:$0xb];
	[sflag:s14] =	ssyncadd.s32 $0xFFFFC000  }
0x15a: {  	[spmem:s2] =	stream.indirect.scatter.add.f32 [tilespmem:s11], [sflag:$0x4], $0x80, s22, s8, $0xb8;
	[tilespmem:$0x1E000] =	vst v63  }
0x15b: {  	_ =	swait.ge [sflag:s15], $0x4000  }
0x15c: {  	[sflag:s15] =	ssyncset.done $0x0  }
0x15d: {  	s22 =	rddreg [dreg:$0xc];
	[sflag:s15] =	ssyncadd.s32 $0xFFFFC000  }
0x15e: {  	[tilespmem:s11], [sflag:$0x2] =	stream.indirect.gather [hbm4b:s4+s8], $0x80, s22, s8, $0xb8;
	[tilespmem:$0x1E000] =	vst v63  }
0x15f: {  	_ =	swait.ge [sflag:s0], $0x4000  }
0x160: {  	[sflag:s0] =	ssyncset.done $0x0  }
0x161: {  	s22 =	rddreg [dreg:$0xd];
	[sflag:s0] =	ssyncadd.s32 $0xFFFFC000  }
0x162: {  	[spmem:s2] =	stream.indirect.scatter.add.f32 [tilespmem:s10], [sflag:$0x3], $0x80, s22, s8, $0xb8;
	[tilespmem:$0x1E000] =	vst v63  }
0x163: {  	_ =	swait.ge [sflag:s12], $0x4000  }
0x164: {  	[sflag:s12] =	ssyncset.done $0x0  }
0x165: {  	s22 =	rddreg [dreg:$0xe];
	[sflag:s12] =	ssyncadd.s32 $0xFFFFC000  }
0x166: {  	[tilespmem:s10], [sflag:$0x1] =	stream.indirect.gather [hbm4b:s4+s8], $0x80, s22, s8, $0xb8;
	[tilespmem:$0x1E000] =	vst v63  }
0x167: {  	_ =	swait.ge [sflag:s14], $0x4000  }
0x168: {  	[sflag:s14] =	ssyncset.done $0x0  }
0x169: {  	s22 =	rddreg [dreg:$0xf];
	[sflag:s14] =	ssyncadd.s32 $0xFFFFC000  }
0x16a: {  	[spmem:s2] =	stream.indirect.scatter.add.f32 [tilespmem:s11], [sflag:$0x4], $0x80, s22, s8, $0xb8;
	[tilespmem:$0x1E000] =	vst v63  }
0x16b: {  	_ =	swait.ge [sflag:s15], $0x4000  }
0x16c: {  	[sflag:s15] =	ssyncset.done $0x0  }
0x16d: {  	s22 =	rddreg [dreg:$0x10];
	[sflag:s15] =	ssyncadd.s32 $0xFFFFC000  }
0x16e: {  	[tilespmem:s11], [sflag:$0x2] =	stream.indirect.gather [hbm4b:s4+s8], $0x80, s22, s8, $0xb8;
	[tilespmem:$0x1E000] =	vst v63  }
0x16f: {  	_ =	swait.ge [sflag:s0], $0x4000  }
0x170: {  	[sflag:s0] =	ssyncset.done $0x0  }
0x171: {  	s22 =	rddreg [dreg:$0x11];
	[sflag:s0] =	ssyncadd.s32 $0xFFFFC000  }
0x172: {  	[spmem:s2] =	stream.indirect.scatter.add.f32 [tilespmem:s10], [sflag:$0x3], $0x80, s22, s8, $0xb8;
	[tilespmem:$0x1E000] =	vst v63  }
0x173: {  	_ =	swait.ge [sflag:s12], $0x4000  }
0x174: {  	[sflag:s12] =	ssyncset.done $0x0  }
0x175: {  	s22 =	rddreg [dreg:$0x12];
	[sflag:s12] =	ssyncadd.s32 $0xFFFFC000  }
0x176: {  	[tilespmem:s10], [sflag:$0x1] =	stream.indirect.gather [hbm4b:s4+s8], $0x80, s22, s8, $0xb8;
	[tilespmem:$0x1E000] =	vst v63  }
0x177: {  	_ =	swait.ge [sflag:s14], $0x4000  }
0x178: {  	[sflag:s14] =	ssyncset.done $0x0  }
0x179: {  	s22 =	rddreg [dreg:$0x13];
	[sflag:s14] =	ssyncadd.s32 $0xFFFFC000  }
0x17a: {  	[spmem:s2] =	stream.indirect.scatter.add.f32 [tilespmem:s11], [sflag:$0x4], $0x80, s22, s8, $0xb8;
	[tilespmem:$0x1E000] =	vst v63  }
0x17b: {  	_ =	swait.ge [sflag:s15], $0x4000  }
0x17c: {  	[sflag:s15] =	ssyncset.done $0x0  }
0x17d: {  	[sflag:s15] =	ssyncadd.s32 $0xFFFFC000  }
0x17e: {  	[tilespmem:s11], [sflag:$0x2] =	stream.indirect.gather [hbm4b:s4+s8], $0x80, s16, s8, $0xb8;
	[tilespmem:$0x1E000] =	vst v63  }
0x17f: {  	_ =	swait.ge [sflag:s0], $0x4000  }
0x180: {  	[sflag:s0] =	ssyncset.done $0x0  }
0x181: {  	[sflag:s0] =	ssyncadd.s32 $0xFFFFC000  }
0x182: {  	[spmem:s2] =	stream.indirect.scatter.add.f32 [tilespmem:s10], [sflag:$0x3], $0x80, s17, s8, $0xb8;
	[tilespmem:$0x1E000] =	vst v63  }
0x183: {  	_ =	swait.ge [sflag:s12], $0x4000  }
0x184: {  	[sflag:s12] =	ssyncset.done $0x0  }
0x185: {  	[sflag:s12] =	ssyncadd.s32 $0xFFFFC000  }
0x186: {  	[tilespmem:s10], [sflag:$0x1] =	stream.indirect.gather [hbm4b:s4+s8], $0x80, s18, s8, $0xb8;
	[tilespmem:$0x1E000] =	vst v63  }
0x187: {  	_ =	swait.ge [sflag:s14], $0x4000  }
0x188: {  	[sflag:s14] =	ssyncset.done $0x0  }
0x189: {  	[sflag:s14] =	ssyncadd.s32 $0xFFFFC000  }
0x18a: {  	[spmem:s2] =	stream.indirect.scatter.add.f32 [tilespmem:s11], [sflag:$0x4], $0x80, s19, s8, $0xb8;
	[tilespmem:$0x1E000] =	vst v63  }
0x18b: {  	_ =	swait.ge [sflag:s15], $0x4000  }
0x18c: {  	[sflag:s15] =	ssyncset.done $0x0  }
0x18d: {  	[sflag:s15] =	ssyncadd.s32 $0xFFFFC000  }
0x18e: {  	[tilespmem:s11], [sflag:$0x2] =	stream.indirect.gather [hbm4b:s4+s8], $0x80, s20, s8, $0xb8;
	[tilespmem:$0x1E000] =	vst v63  }
0x18f: {  	_ =	swait.ge [sflag:s0], $0x4000  }
0x190: {  	[sflag:s0] =	ssyncset.done $0x0  }
0x191: {  	[sflag:s0] =	ssyncadd.s32 $0xFFFFC000  }
0x192: {  	[spmem:s2] =	stream.indirect.scatter.add.f32 [tilespmem:s10], [sflag:$0x3], $0x80, s21, s8, $0xb8;
	[tilespmem:$0x1E000] =	vst v63  }
0x193: {  	_ =	swait.ge [sflag:s12], $0x4000  }
0x194: {  	[sflag:s12] =	ssyncset.done $0x0  }
0x195: {  	[sflag:s12] =	ssyncadd.s32 $0xFFFFC000  }
0x196: {  	[tilespmem:s10], [sflag:$0x1] =	stream.indirect.gather [hbm4b:s4+s8], $0x80, s23, s8, $0xb8;
	[tilespmem:$0x1E000] =	vst v63  }
0x197: {  	_ =	swait.ge [sflag:s14], $0x4000  }
0x198: {  	[sflag:s14] =	ssyncset.done $0x0  }
0x199: {  	[sflag:s14] =	ssyncadd.s32 $0xFFFFC000  }
0x19a: {  	[spmem:s2] =	stream.indirect.scatter.add.f32 [tilespmem:s11], [sflag:$0x4], $0x80, s25, s8, $0xb8;
	[tilespmem:$0x1E000] =	vst v63  }
0x19b: {  	_ =	swait.ge [sflag:s15], $0x4000  }
0x19c: {  	[sflag:s15] =	ssyncset.done $0x0  }
0x19d: {  	[sflag:s15] =	ssyncadd.s32 $0xFFFFC000  }
0x19e: {  	[tilespmem:s11], [sflag:$0x2] =	stream.indirect.gather [hbm4b:s4+s8], $0x80, s26, s8, $0xb8;
	[tilespmem:$0x1E000] =	vst v63  }
0x19f: {  	_ =	swait.ge [sflag:s0], $0x4000  }
0x1a0: {  	[sflag:s0] =	ssyncset.done $0x0  }
0x1a1: {  	[sflag:s0] =	ssyncadd.s32 $0xFFFFC000  }
0x1a2: {  	[spmem:s2] =	stream.indirect.scatter.add.f32 [tilespmem:s10], [sflag:$0x3], $0x80, s28, s8, $0xb8;
	[tilespmem:$0x1E000] =	vst v63  }
0x1a3: {  	_ =	swait.ge [sflag:s12], $0x4000  }
0x1a4: {  	[sflag:s12] =	ssyncset.done $0x0  }
0x1a5: {  	[sflag:s12] =	ssyncadd.s32 $0xFFFFC000  }
0x1a6: {  	[tilespmem:s10], [sflag:$0x1] =	stream.indirect.gather [hbm4b:s4+s8], $0x80, s29, s8, $0xb8;
	[tilespmem:$0x1E000] =	vst v63  }
0x1a7: {  	_ =	swait.ge [sflag:s14], $0x4000  }
0x1a8: {  	[sflag:s14] =	ssyncset.done $0x0  }
0x1a9: {  	[sflag:s14] =	ssyncadd.s32 $0xFFFFC000  }
0x1aa: {  	[spmem:s2] =	stream.indirect.scatter.add.f32 [tilespmem:s11], [sflag:$0x4], $0x80, s30, s8, $0xb8;
	[tilespmem:$0x1E000] =	vst v63  }
0x1ab: {  	_ =	swait.ge [sflag:s15], $0x4000  }
0x1ac: {  	[sflag:s15] =	ssyncset.done $0x0  }
0x1ad: {  	[sflag:s15] =	ssyncadd.s32 $0xFFFFC000  }
0x1ae: {  	[tilespmem:s11], [sflag:$0x2] =	stream.indirect.gather [hbm4b:s4+s8], $0x80, s31, s8, $0xb8;
	[tilespmem:$0x1E000] =	vst v63  }
0x1af: {  	_ =	swait.ge [sflag:s0], $0x4000  }
0x1b0: {  	[sflag:s0] =	ssyncset.done $0x0  }
0x1b1: {  	[sflag:s0] =	ssyncadd.s32 $0xFFFFC000  }
0x1b2: {  	[spmem:s2] =	stream.indirect.scatter.add.f32 [tilespmem:s10], [sflag:$0x3], $0x80, s9, s8, $0xb8;
	[tilespmem:$0x1E000] =	vst v63  }
0x1b3: {  	_ =	swait.ge [sflag:s14], $0x4000  }
0x1b4: {  	[sflag:s14] =	ssyncset.done $0x0  }
0x1b5: {  	p0 =	sne.s32 s5, $0x400;
	[sflag:s14] =	ssyncadd.s32 $0xFFFFC000  }
0x1b6: {  	[spmem:s2] =	stream.indirect.scatter.add.f32 [tilespmem:s11], [sflag:$0x4], $0x80, s13, s8, $0xb8;
	[tilespmem:$0x1E000] =	vst v63  }
.Ltmp1:
0x1b7: {  	_ =	swait.ge [sflag:s12], $0x4000;
	(pc) =	sbr.rel @p0 .LBB2_4-.Ltmp1, $4  }
0x1b8: {  	[sflag:s12] =	ssyncset.done $0x0  }
0x1b9: {  	[sflag:s12] =	ssyncadd.s32 $0xFFFFC000  }
0x1ba: {  	s1 =	smov.u32 s5;
	s5 =	sadd.s32 $0x100, s5;
	_ =	swait.ge [sflag:s15], $0x4000  }
0x1bb: {  	s24 =	smov.u32 s1;
	s22 =	rddreg [dreg:$0x5];
	[sflag:s15] =	ssyncset.done $0x0  }
0x1bc: {  	[sflag:s15] =	ssyncadd.s32 $0xFFFFC000;
	s1 =	sadd.s32 s24, s22  }
0x1bd: {  	[tilespmem:s3], [sflag:$0x5] =	stream.linear.gather [hbm4b:s1+s3], $0x800, $0x38;
	[tilespmem:$0x1E000] =	vst v63  }
0x1be: {  	_ =	swait.ge [sflag:s6], $0x800  }
0x1bf: {  	s5 =	rddreg [dreg:$0x4];
	[sflag:s6] =	ssyncset.done $0x0  }
0x1c0: {  	s1 =	sadd.s32 s24, s5;
	[sflag:s6] =	ssyncadd.s32 $0xFFFFF800  }
0x1c1: {  	[tilespmem:s7], [sflag:$0x5] =	stream.linear.gather [hbm4b:s1+s3], $0x800, $0x38;
	[tilespmem:$0x1E000] =	vst v63  }
0x1c2: {  	_ =	swait.ge [sflag:s6], $0x800  }
0x1c3: {  	[sflag:s6] =	ssyncset.done $0x0  }
0x1c4: {  	[sflag:s6] =	ssyncadd.s32 $0xFFFFF800  }
0x1c5: {  	[tilespmem:s10], [sflag:$0x1] =	stream.indirect.gather [hbm4b:s4+s8], $0x80, s3, s8, $0xb8;
	[tilespmem:$0x1E000] =	vst v63  }
0x1c6: {  	_ = 	snop  }
0x1c7: {  	[tilespmem:s11], [sflag:$0x2] =	stream.indirect.gather [hbm4b:s4+s8], $0x80, s8, s8, $0xb8;
	[tilespmem:$0x1E000] =	vst v63  }
0x1c8: {  	_ =	swait.ge [sflag:s0], $0x4000  }
0x1c9: {  	[sflag:s0] =	ssyncset.done $0x0  }
0x1ca: {  	[sflag:s0] =	ssyncadd.s32 $0xFFFFC000  }
0x1cb: {  	[spmem:s2] =	stream.indirect.scatter.add.f32 [tilespmem:s10], [sflag:$0x3], $0x80, s7, s8, $0xb8;
	[tilespmem:$0x1E000] =	vst v63  }
0x1cc: {  	_ =	swait.ge [sflag:s12], $0x4000  }
0x1cd: {  	[sflag:s12] =	ssyncset.done $0x0  }
0x1ce: {  	s22 =	rddreg [dreg:$0x6];
	[sflag:s12] =	ssyncadd.s32 $0xFFFFC000  }
0x1cf: {  	[tilespmem:s10], [sflag:$0x1] =	stream.indirect.gather [hbm4b:s4+s8], $0x80, s22, s8, $0xb8;
	[tilespmem:$0x1E000] =	vst v63  }
0x1d0: {  	_ =	swait.ge [sflag:s14], $0x4000  }
0x1d1: {  	[sflag:s14] =	ssyncset.done $0x0  }
0x1d2: {  	s24 =	rddreg [dreg:$0x7];
	[sflag:s14] =	ssyncadd.s32 $0xFFFFC000  }
0x1d3: {  	[spmem:s2] =	stream.indirect.scatter.add.f32 [tilespmem:s11], [sflag:$0x4], $0x80, s24, s8, $0xb8;
	[tilespmem:$0x1E000] =	vst v63  }
0x1d4: {  	_ =	swait.ge [sflag:s15], $0x4000  }
0x1d5: {  	[sflag:s15] =	ssyncset.done $0x0  }
0x1d6: {  	s5 =	rddreg [dreg:$0x8];
	[sflag:s15] =	ssyncadd.s32 $0xFFFFC000  }
0x1d7: {  	[tilespmem:s11], [sflag:$0x2] =	stream.indirect.gather [hbm4b:s4+s8], $0x80, s5, s8, $0xb8;
	[tilespmem:$0x1E000] =	vst v63  }
0x1d8: {  	_ =	swait.ge [sflag:s0], $0x4000  }
0x1d9: {  	[sflag:s0] =	ssyncset.done $0x0  }
0x1da: {  	s22 =	rddreg [dreg:$0x9];
	[sflag:s0] =	ssyncadd.s32 $0xFFFFC000  }
0x1db: {  	[spmem:s2] =	stream.indirect.scatter.add.f32 [tilespmem:s10], [sflag:$0x3], $0x80, s22, s8, $0xb8;
	[tilespmem:$0x1E000] =	vst v63  }
0x1dc: {  	_ =	swait.ge [sflag:s12], $0x4000  }
0x1dd: {  	[sflag:s12] =	ssyncset.done $0x0  }
0x1de: {  	s24 =	rddreg [dreg:$0xa];
	[sflag:s12] =	ssyncadd.s32 $0xFFFFC000  }
0x1df: {  	[tilespmem:s10], [sflag:$0x1] =	stream.indirect.gather [hbm4b:s4+s8], $0x80, s24, s8, $0xb8;
	[tilespmem:$0x1E000] =	vst v63  }
0x1e0: {  	_ =	swait.ge [sflag:s14], $0x4000  }
0x1e1: {  	[sflag:s14] =	ssyncset.done $0x0  }
0x1e2: {  	s5 =	rddreg [dreg:$0xb];
	[sflag:s14] =	ssyncadd.s32 $0xFFFFC000  }
0x1e3: {  	[spmem:s2] =	stream.indirect.scatter.add.f32 [tilespmem:s11], [sflag:$0x4], $0x80, s5, s8, $0xb8;
	[tilespmem:$0x1E000] =	vst v63  }
0x1e4: {  	_ =	swait.ge [sflag:s15], $0x4000  }
0x1e5: {  	[sflag:s15] =	ssyncset.done $0x0  }
0x1e6: {  	s22 =	rddreg [dreg:$0xc];
	[sflag:s15] =	ssyncadd.s32 $0xFFFFC000  }
0x1e7: {  	[tilespmem:s11], [sflag:$0x2] =	stream.indirect.gather [hbm4b:s4+s8], $0x80, s22, s8, $0xb8;
	[tilespmem:$0x1E000] =	vst v63  }
0x1e8: {  	_ =	swait.ge [sflag:s0], $0x4000  }
0x1e9: {  	[sflag:s0] =	ssyncset.done $0x0  }
0x1ea: {  	s24 =	rddreg [dreg:$0xd];
	[sflag:s0] =	ssyncadd.s32 $0xFFFFC000  }
0x1eb: {  	[spmem:s2] =	stream.indirect.scatter.add.f32 [tilespmem:s10], [sflag:$0x3], $0x80, s24, s8, $0xb8;
	[tilespmem:$0x1E000] =	vst v63  }
0x1ec: {  	_ =	swait.ge [sflag:s12], $0x4000  }
0x1ed: {  	[sflag:s12] =	ssyncset.done $0x0  }
0x1ee: {  	s5 =	rddreg [dreg:$0xe];
	[sflag:s12] =	ssyncadd.s32 $0xFFFFC000  }
0x1ef: {  	[tilespmem:s10], [sflag:$0x1] =	stream.indirect.gather [hbm4b:s4+s8], $0x80, s5, s8, $0xb8;
	[tilespmem:$0x1E000] =	vst v63  }
0x1f0: {  	_ =	swait.ge [sflag:s14], $0x4000  }
0x1f1: {  	[sflag:s14] =	ssyncset.done $0x0  }
0x1f2: {  	s22 =	rddreg [dreg:$0xf];
	[sflag:s14] =	ssyncadd.s32 $0xFFFFC000  }
0x1f3: {  	[spmem:s2] =	stream.indirect.scatter.add.f32 [tilespmem:s11], [sflag:$0x4], $0x80, s22, s8, $0xb8;
	[tilespmem:$0x1E000] =	vst v63  }
0x1f4: {  	_ =	swait.ge [sflag:s15], $0x4000  }
0x1f5: {  	[sflag:s15] =	ssyncset.done $0x0  }
0x1f6: {  	s24 =	rddreg [dreg:$0x10];
	[sflag:s15] =	ssyncadd.s32 $0xFFFFC000  }
0x1f7: {  	[tilespmem:s11], [sflag:$0x2] =	stream.indirect.gather [hbm4b:s4+s8], $0x80, s24, s8, $0xb8;
	[tilespmem:$0x1E000] =	vst v63  }
0x1f8: {  	_ =	swait.ge [sflag:s0], $0x4000  }
0x1f9: {  	[sflag:s0] =	ssyncset.done $0x0  }
0x1fa: {  	s5 =	rddreg [dreg:$0x11];
	[sflag:s0] =	ssyncadd.s32 $0xFFFFC000  }
0x1fb: {  	[spmem:s2] =	stream.indirect.scatter.add.f32 [tilespmem:s10], [sflag:$0x3], $0x80, s5, s8, $0xb8;
	[tilespmem:$0x1E000] =	vst v63  }
0x1fc: {  	_ =	swait.ge [sflag:s12], $0x4000  }
0x1fd: {  	[sflag:s12] =	ssyncset.done $0x0  }
0x1fe: {  	s22 =	rddreg [dreg:$0x12];
	[sflag:s12] =	ssyncadd.s32 $0xFFFFC000  }
0x1ff: {  	[tilespmem:s10], [sflag:$0x1] =	stream.indirect.gather [hbm4b:s4+s8], $0x80, s22, s8, $0xb8;
	[tilespmem:$0x1E000] =	vst v63  }
0x200: {  	_ =	swait.ge [sflag:s14], $0x4000  }
0x201: {  	[sflag:s14] =	ssyncset.done $0x0  }
0x202: {  	s24 =	rddreg [dreg:$0x13];
	[sflag:s14] =	ssyncadd.s32 $0xFFFFC000  }
0x203: {  	[spmem:s2] =	stream.indirect.scatter.add.f32 [tilespmem:s11], [sflag:$0x4], $0x80, s24, s8, $0xb8;
	[tilespmem:$0x1E000] =	vst v63  }
0x204: {  	_ =	swait.ge [sflag:s15], $0x4000  }
0x205: {  	[sflag:s15] =	ssyncset.done $0x0  }
0x206: {  	[sflag:s15] =	ssyncadd.s32 $0xFFFFC000  }
0x207: {  	[tilespmem:s11], [sflag:$0x2] =	stream.indirect.gather [hbm4b:s4+s8], $0x80, s16, s8, $0xb8;
	[tilespmem:$0x1E000] =	vst v63  }
0x208: {  	_ =	swait.ge [sflag:s0], $0x4000  }
0x209: {  	[sflag:s0] =	ssyncset.done $0x0  }
0x20a: {  	[sflag:s0] =	ssyncadd.s32 $0xFFFFC000  }
0x20b: {  	[spmem:s2] =	stream.indirect.scatter.add.f32 [tilespmem:s10], [sflag:$0x3], $0x80, s17, s8, $0xb8;
	[tilespmem:$0x1E000] =	vst v63  }
0x20c: {  	_ =	swait.ge [sflag:s12], $0x4000  }
0x20d: {  	[sflag:s12] =	ssyncset.done $0x0  }
0x20e: {  	[sflag:s12] =	ssyncadd.s32 $0xFFFFC000  }
0x20f: {  	[tilespmem:s10], [sflag:$0x1] =	stream.indirect.gather [hbm4b:s4+s8], $0x80, s18, s8, $0xb8;
	[tilespmem:$0x1E000] =	vst v63  }
0x210: {  	_ =	swait.ge [sflag:s14], $0x4000  }
0x211: {  	[sflag:s14] =	ssyncset.done $0x0  }
0x212: {  	[sflag:s14] =	ssyncadd.s32 $0xFFFFC000  }
0x213: {  	[spmem:s2] =	stream.indirect.scatter.add.f32 [tilespmem:s11], [sflag:$0x4], $0x80, s19, s8, $0xb8;
	[tilespmem:$0x1E000] =	vst v63  }
0x214: {  	_ =	swait.ge [sflag:s15], $0x4000  }
0x215: {  	[sflag:s15] =	ssyncset.done $0x0  }
0x216: {  	[sflag:s15] =	ssyncadd.s32 $0xFFFFC000  }
0x217: {  	[tilespmem:s11], [sflag:$0x2] =	stream.indirect.gather [hbm4b:s4+s8], $0x80, s20, s8, $0xb8;
	[tilespmem:$0x1E000] =	vst v63  }
0x218: {  	_ =	swait.ge [sflag:s0], $0x4000  }
0x219: {  	[sflag:s0] =	ssyncset.done $0x0  }
0x21a: {  	[sflag:s0] =	ssyncadd.s32 $0xFFFFC000  }
0x21b: {  	[spmem:s2] =	stream.indirect.scatter.add.f32 [tilespmem:s10], [sflag:$0x3], $0x80, s21, s8, $0xb8;
	[tilespmem:$0x1E000] =	vst v63  }
0x21c: {  	_ =	swait.ge [sflag:s12], $0x4000  }
0x21d: {  	[sflag:s12] =	ssyncset.done $0x0  }
0x21e: {  	[sflag:s12] =	ssyncadd.s32 $0xFFFFC000  }
0x21f: {  	[tilespmem:s10], [sflag:$0x1] =	stream.indirect.gather [hbm4b:s4+s8], $0x80, s23, s8, $0xb8;
	[tilespmem:$0x1E000] =	vst v63  }
0x220: {  	_ =	swait.ge [sflag:s14], $0x4000  }
0x221: {  	[sflag:s14] =	ssyncset.done $0x0  }
0x222: {  	[sflag:s14] =	ssyncadd.s32 $0xFFFFC000  }
0x223: {  	[spmem:s2] =	stream.indirect.scatter.add.f32 [tilespmem:s11], [sflag:$0x4], $0x80, s25, s8, $0xb8;
	[tilespmem:$0x1E000] =	vst v63  }
0x224: {  	_ =	swait.ge [sflag:s15], $0x4000  }
0x225: {  	[sflag:s15] =	ssyncset.done $0x0  }
0x226: {  	[sflag:s15] =	ssyncadd.s32 $0xFFFFC000  }
0x227: {  	[tilespmem:s11], [sflag:$0x2] =	stream.indirect.gather [hbm4b:s4+s8], $0x80, s26, s8, $0xb8;
	[tilespmem:$0x1E000] =	vst v63  }
0x228: {  	_ =	swait.ge [sflag:s0], $0x4000  }
0x229: {  	[sflag:s0] =	ssyncset.done $0x0  }
0x22a: {  	[sflag:s0] =	ssyncadd.s32 $0xFFFFC000  }
0x22b: {  	[spmem:s2] =	stream.indirect.scatter.add.f32 [tilespmem:s10], [sflag:$0x3], $0x80, s28, s8, $0xb8;
	[tilespmem:$0x1E000] =	vst v63  }
0x22c: {  	_ =	swait.ge [sflag:s12], $0x4000  }
0x22d: {  	[sflag:s12] =	ssyncset.done $0x0  }
0x22e: {  	[sflag:s12] =	ssyncadd.s32 $0xFFFFC000  }
0x22f: {  	[tilespmem:s10], [sflag:$0x1] =	stream.indirect.gather [hbm4b:s4+s8], $0x80, s29, s8, $0xb8;
	[tilespmem:$0x1E000] =	vst v63  }
0x230: {  	_ =	swait.ge [sflag:s14], $0x4000  }
0x231: {  	[sflag:s14] =	ssyncset.done $0x0  }
0x232: {  	[sflag:s14] =	ssyncadd.s32 $0xFFFFC000  }
0x233: {  	[spmem:s2] =	stream.indirect.scatter.add.f32 [tilespmem:s11], [sflag:$0x4], $0x80, s30, s8, $0xb8;
	[tilespmem:$0x1E000] =	vst v63  }
0x234: {  	_ =	swait.ge [sflag:s15], $0x4000  }
0x235: {  	[sflag:s15] =	ssyncset.done $0x0  }
0x236: {  	[sflag:s15] =	ssyncadd.s32 $0xFFFFC000  }
0x237: {  	[tilespmem:s11], [sflag:$0x2] =	stream.indirect.gather [hbm4b:s4+s8], $0x80, s31, s8, $0xb8;
	[tilespmem:$0x1E000] =	vst v63  }
0x238: {  	_ =	swait.ge [sflag:s0], $0x4000  }
0x239: {  	[sflag:s0] =	ssyncset.done $0x0  }
0x23a: {  	[sflag:s0] =	ssyncadd.s32 $0xFFFFC000  }
0x23b: {  	[spmem:s2] =	stream.indirect.scatter.add.f32 [tilespmem:s10], [sflag:$0x3], $0x80, s9, s8, $0xb8;
	[tilespmem:$0x1E000] =	vst v63  }
0x23c: {  	_ =	swait.ge [sflag:s14], $0x4000  }
0x23d: {  	[sflag:s14] =	ssyncset.done $0x0  }
0x23e: {  	[sflag:s14] =	ssyncadd.s32 $0xFFFFC000  }
0x23f: {  	[spmem:s2] =	stream.indirect.scatter.add.f32 [tilespmem:s11], [sflag:$0x4], $0x80, s13, s8, $0xb8;
	[tilespmem:$0x1E000] =	vst v63  }
0x240: {  	_ =	swait.ge [sflag:s12], $0x4000  }
0x241: {  	[sflag:s12] =	ssyncset.done $0x0  }
0x242: {  	[sflag:s12] =	ssyncadd.s32 $0xFFFFC000  }
0x243: {  	_ =	swait.ge [sflag:s15], $0x4000  }
0x244: {  	[sflag:s15] =	ssyncset.done $0x0  }
0x245: {  	[sflag:s15] =	ssyncadd.s32 $0xFFFFC000  }
0x246: {  	[bflag:$0x0] =	sbarrier.arrive $0xFFFF  }
0x247: {  	s22 =	rddreg [dreg:$0x14]  }
0x248: {  	[tilespmem:s10], [sflag:$0x5] =	stream.linear.gather [spmem:s22], $0x4000, $0x38;
	[tilespmem:$0x1E000] =	vst v63  }
0x249: {  	_ =	swait.ge [sflag:s6], $0x4000  }
0x24a: {  	[sflag:s6] =	ssyncset.done $0x0  }
0x24b: {  	s5 =	rddreg [dreg:$0x1f];
	[sflag:s6] =	ssyncadd.s32 $0xFFFFC000  }
0x24c: {  	[hbm4b:s5+s3] =	stream.linear.scatter [tilespmem:s10], [sflag:$0x1], $0x4000, $0x38;
	[tilespmem:$0x1E000] =	vst v63  }
0x24d: {  	s24 =	rddreg [dreg:$0x18]  }
0x24e: {  	[tilespmem:s11], [sflag:$0x5] =	stream.linear.gather [spmem:s24], $0x4000, $0x38;
	[tilespmem:$0x1E000] =	vst v63  }
0x24f: {  	_ =	swait.ge [sflag:s6], $0x4000  }
0x250: {  	s5 =	sld [smem:$0x7F0]  }
0x251: {  	[sflag:s6] =	ssyncset.done $0x0  }
0x252: {  	[sflag:s6] =	ssyncadd.s32 $0xFFFFC000  }
0x253: {  	[hbm4b:s5+s3] =	stream.linear.scatter [tilespmem:s11], [sflag:$0x2], $0x4000, $0x38;
	[tilespmem:$0x1E000] =	vst v63  }
0x254: {  	s24 =	rddreg [dreg:$0x1c]  }
0x255: {  	[tilespmem:s10], [sflag:$0x5] =	stream.linear.gather [spmem:s24], $0x4000, $0x38;
	[tilespmem:$0x1E000] =	vst v63  }
0x256: {  	_ =	swait.ge [sflag:s6], $0x4000  }
0x257: {  	[sflag:s6] =	ssyncset.done $0x0  }
0x258: {  	[sflag:s6] =	ssyncadd.s32 $0xFFFFC000  }
0x259: {  	_ =	swait.ge [sflag:s0], $0x4000  }
0x25a: {  	s5 =	sld [smem:$0x7F1]  }
0x25b: {  	[sflag:s0] =	ssyncset.done $0x0  }
0x25c: {  	s24 =	sld [smem:$0x7F5];
	[sflag:s0] =	ssyncadd.s32 $0xFFFFC000  }
0x25d: {  	[hbm4b:s5+s3] =	stream.linear.scatter [tilespmem:s10], [sflag:$0x1], $0x4000, $0x38;
	[tilespmem:$0x1E000] =	vst v63  }
0x25e: {  	_ = 	snop  }
0x25f: {  	[tilespmem:s11], [sflag:$0x5] =	stream.linear.gather [spmem:s24], $0x4000, $0x38;
	[tilespmem:$0x1E000] =	vst v63  }
0x260: {  	_ =	swait.ge [sflag:s6], $0x4000  }
0x261: {  	[sflag:s6] =	ssyncset.done $0x0  }
0x262: {  	[sflag:s6] =	ssyncadd.s32 $0xFFFFC000  }
0x263: {  	_ =	swait.ge [sflag:s14], $0x4000  }
0x264: {  	s5 =	sld [smem:$0x7F2]  }
0x265: {  	[sflag:s14] =	ssyncset.done $0x0  }
0x266: {  	s24 =	sld [smem:$0x7F7];
	[sflag:s14] =	ssyncadd.s32 $0xFFFFC000  }
0x267: {  	[hbm4b:s5+s3] =	stream.linear.scatter [tilespmem:s11], [sflag:$0x2], $0x4000, $0x38;
	[tilespmem:$0x1E000] =	vst v63  }
0x268: {  	_ = 	snop  }
0x269: {  	[tilespmem:s10], [sflag:$0x5] =	stream.linear.gather [spmem:s24], $0x4000, $0x38;
	[tilespmem:$0x1E000] =	vst v63  }
0x26a: {  	_ =	swait.ge [sflag:s6], $0x4000  }
0x26b: {  	[sflag:s6] =	ssyncset.done $0x0  }
0x26c: {  	[sflag:s6] =	ssyncadd.s32 $0xFFFFC000  }
0x26d: {  	_ =	swait.ge [sflag:s0], $0x4000  }
0x26e: {  	s5 =	sld [smem:$0x7F3]  }
0x26f: {  	[sflag:s0] =	ssyncset.done $0x0  }
0x270: {  	[sflag:s0] =	ssyncadd.s32 $0xFFFFC000  }
0x271: {  	[hbm4b:s5+s3] =	stream.linear.scatter [tilespmem:s10], [sflag:$0x1], $0x4000, $0x38;
	[tilespmem:$0x1E000] =	vst v63  }
0x272: {  	_ =	swait.ge [sflag:s0], $0x4000  }
0x273: {  	[sflag:s0] =	ssyncset.done $0x0  }
0x274: {  	[sflag:s0] =	ssyncadd.s32 $0xFFFFC000  }
0x275: {  	_ =	swait.ge [sflag:s14], $0x4000  }
0x276: {  	s5 =	sld [smem:$0x7EF]  }
0x277: {  	s24 =	sld [smem:$0x7F8];
	_ =	sdelay $0x1  }
0x278: {  	s5 =	sadd.s32 $0x1, s5  }
0x279: {  	p0 =	sne.s32 s5, s24  }
.Ltmp2:
0x27a: {  	_ = 	snop;
	(pc) =	sbr.rel @p0 .LBB2_1-.Ltmp2, $3  }
0x27b: {  	_ =	sdelay $0x1  }
0x27c: {  	[sflag:s14] =	ssyncset.done $0x0  }
0x27d: {  	[sflag:s14] =	ssyncadd.s32 $0xFFFFC000  }
0x27e: {  	_ =	sfence.sel $0x180000  }
0x27f: {  	[bflag:$0x0] =	sbarrier.arrive $0xFFFF  }
0x280: {  	_ =	strace $0x9000004A  }
0x281: {  	s0 =	stileid.u32;
	[bflag:$0x2] =	sbarrier.arrive $0xFFFF  }
0x282: {  	p0 =	sne.s32 s0, $0x0;
	s0 =	rddreg [dreg:$0x3]  }
0x283: {  	s0 =	sadd.s32 @!p0 $0x100000, s0  }
0x284: {  	[sflag:s0] =	ssyncadd.tile.s32 @!p0 $0x1;
	_ =	shalt  }
.Lfunc_end2:
_tile_overlayer_lowered:
.L_overlay_start_2:
0x285: {  	(tag) =	ssettag $0x2  }
0x286: {  	s0 =	rddreg [dreg:$0x0];
	s2 =	stileid.u32  }
0x287: {  	s1 =	rddreg [dreg:$0x1];
	p0 =	sne.s32 s2, $0x0  }
0x288: {  	s3 =	rddreg [dreg:$0x2];
	[bflag:$0x3] =	sbarrier.arrive $0xFFFF;
	s2 =	simm.s32 @!p0 $0x1C05  }
0x289: {  	[timem:s3], [sflag:s2] =	dma.local @!p0 [hbm:s0], s1  }
0x28a: {  	s0 =	simm.s32 @!p0 $0x5  }
0x28b: {  	_ =	swait.ge @!p0 [sflag:s0], s1  }
0x28c: {  	s1 =	ssub.s32 @!p0 $0x0, s1;
	[sflag:s0] =	ssyncset.done @!p0 $0x0  }
0x28d: {  	[sflag:s0] =	ssyncadd.s32 @!p0 s1  }
0x28e: {  	[bflag:$0x3] =	sbarrier.arrive $0xFFFF  }
0x28f: {  	_ =	shalt  }

</sc_bundles>
